<compile_context>
chip_gen: v7x
topology: tpu7x:2x2x1
jax: 0.10.2.dev20260603
libtpu: 0.0.44.dev20260713+nightly
codegen_flags: <defaults>
</compile_context>

<pallas_src>
import functools

import jax
import jax.numpy as jnp
from jax import lax
from jax.experimental import pallas as pl
from jax.experimental.pallas import tpu as pltpu
from jax.experimental.pallas import tpu_sc as plsc

N = 10000
D = 128
OUT = 40
NP = 10240
RPT = NP // 16
E = 320000
CH = 128
KCH = 80
EPT = CH * KCH
EP = EPT * 32
NCHUNK = EP // CH
DW = 128
K0 = 128
K1 = 2 * KCH - K0

_MESH = dict(core_axis_name="c", subcore_axis_name="s")

NIB = 8
NRB = 2
PF = 4
NSS = 4



def _mp_body(z_hbm, edges_hbm, zrow_hbm, out_hbm, *scr):
    ib = scr[0:NIB]
    rb = scr[NIB:NIB + NRB]
    acc_sh = scr[NIB + NRB]
    isem = scr[NIB + NRB + 1:NIB + NRB + 1 + NIB]
    gsem = scr[NIB + NRB + 1 + NIB:NIB + NRB + 1 + NIB + NRB]
    ssem = scr[NIB + NRB + 1 + NIB + NRB:]
    c = lax.axis_index("c")
    s = lax.axis_index("s")
    r0 = s * RPT
    pltpu.sync_copy(zrow_hbm, acc_sh.at[pl.ds(r0, RPT)])
    plsc.subcore_barrier()
    tb = lax.select(c == 0, s * K0, 16 * K0 + s * K1)
    kch = lax.select(c == 0, K0, K1)
    ng = lax.select(c == 0, K0 // NIB, K1 // NIB)

    def idx_load(k, j):
        pltpu.async_copy(edges_hbm.at[tb + k], ib[j], isem[j])

    for j in range(PF):
        idx_load(j, j)

    def group(g, carry):
        for j in range(NIB):
            k = g * NIB + j
            rj = j % NRB
            pj = (j - 1) % NRB
            ij = (j - 1) % NIB

            @pl.when(k >= NRB)
            def _():
                pltpu.make_async_copy(
                    rb[rj], acc_sh.at[ib[(j - NRB) % NIB].at[1]],
                    ssem[rj]).wait()

            pltpu.make_async_copy(edges_hbm.at[tb + k], ib[j], isem[j]).wait()
            pltpu.async_copy(z_hbm.at[ib[j].at[0]], rb[rj], gsem[rj])

            @pl.when(k >= 1)
            def _():
                pltpu.make_async_copy(z_hbm.at[ib[ij].at[0]], rb[pj],
                                      gsem[pj]).wait()
                pltpu.async_copy(rb[pj], acc_sh.at[ib[ij].at[1]], ssem[pj],
                                 add=True)

            @pl.when(k + PF < kch)
            def _():
                idx_load(k + PF, (j + PF) % NIB)
        return carry

    lax.fori_loop(0, ng, group, 0)

    lastj = NIB - 1
    lastr = lastj % NRB
    pltpu.make_async_copy(z_hbm.at[ib[lastj].at[0]], rb[lastr],
                          gsem[lastr]).wait()
    pltpu.async_copy(rb[lastr], acc_sh.at[ib[lastj].at[1]], ssem[lastr],
                     add=True)
    for r in range(NRB):
        pltpu.make_async_copy(rb[r], acc_sh.at[ib[r].at[1]], ssem[r]).wait()
    plsc.subcore_barrier()
    pltpu.sync_copy(acc_sh.at[pl.ds(r0, RPT)], out_hbm.at[c, pl.ds(r0, RPT)])


_mp_kernel = functools.partial(
    pl.kernel,
    out_type=jax.ShapeDtypeStruct((2, NP, D), jnp.float32),
    mesh=plsc.VectorSubcoreMesh(**_MESH),
    scratch_types=(
        [pltpu.VMEM((2, CH), jnp.int32) for _ in range(NIB)]
        + [pltpu.VMEM((CH, D), jnp.float32) for _ in range(NRB)]
        + [pltpu.VMEM_SHARED((NP, D), jnp.float32)]
        + [pltpu.SemaphoreType.DMA for _ in range(NIB + 2 * NRB)]
    ),
)(_mp_body)


def _deg_body(edges_hbm, e1_hbm, zdeg_hbm, out_hbm, *scr):
    ib = scr[0:NIB]
    e1_v = scr[NIB]
    acc_sh = scr[NIB + 1]
    isem = scr[NIB + 2:NIB + 2 + NIB]
    ssem = scr[NIB + 2 + NIB:]
    c = lax.axis_index("c")
    s = lax.axis_index("s")
    r0 = s * RPT
    pltpu.sync_copy(zdeg_hbm, acc_sh.at[pl.ds(r0, RPT)])
    pltpu.sync_copy(e1_hbm, e1_v)
    plsc.subcore_barrier()
    tb = (c * 16 + s) * KCH

    def idx_load(k, j):
        pltpu.async_copy(edges_hbm.at[tb + k], ib[j], isem[j])

    for j in range(PF):
        idx_load(j, j)

    def group(g, carry):
        for j in range(NIB):
            k = g * NIB + j
            rj = j % NSS

            @pl.when(k >= NSS)
            def _():
                pltpu.make_async_copy(
                    e1_v, acc_sh.at[ib[(j - NSS) % NIB].at[1]],
                    ssem[rj]).wait()

            pltpu.make_async_copy(edges_hbm.at[tb + k], ib[j], isem[j]).wait()
            pltpu.async_copy(e1_v, acc_sh.at[ib[j].at[1]], ssem[rj], add=True)

            @pl.when(k + PF < KCH)
            def _():
                idx_load(k + PF, (j + PF) % NIB)
        return carry

    lax.fori_loop(0, KCH // NIB, group, 0)
    for r in range(NSS):
        pltpu.make_async_copy(e1_v, acc_sh.at[ib[r].at[1]], ssem[r]).wait()
    plsc.subcore_barrier()
    pltpu.sync_copy(acc_sh.at[pl.ds(r0, RPT)], out_hbm.at[c, pl.ds(r0, RPT)])


_deg_kernel = functools.partial(
    pl.kernel,
    out_type=jax.ShapeDtypeStruct((2, NP, DW), jnp.float32),
    mesh=plsc.VectorSubcoreMesh(**_MESH),
    scratch_types=(
        [pltpu.VMEM((2, CH), jnp.int32) for _ in range(NIB)]
        + [pltpu.VMEM((CH, DW), jnp.float32)]
        + [pltpu.VMEM_SHARED((NP, DW), jnp.float32)]
        + [pltpu.SemaphoreType.DMA for _ in range(NIB + NSS)]
    ),
)(_deg_body)



_R = 1024


def _dinv_of(degp):
    return lax.rsqrt(jnp.sum(degp, axis=(0, 2)) + 1.0)[:, None]


def _zscale_body(x_ref, w_ref, degp_ref, z_ref):
    dinv = _dinv_of(degp_ref[...])
    z_ref[...] = jnp.dot(x_ref[...], w_ref[...],
                         preferred_element_type=jnp.float32) * dinv


_zscale = pl.pallas_call(
    _zscale_body,
    grid=(NP // _R,),
    in_specs=[
        pl.BlockSpec((_R, D), lambda i: (i, 0)),
        pl.BlockSpec((D, D), lambda i: (0, 0)),
        pl.BlockSpec((2, _R, DW), lambda i: (0, i, 0)),
    ],
    out_specs=pl.BlockSpec((_R, D), lambda i: (i, 0)),
    out_shape=jax.ShapeDtypeStruct((NP, D), jnp.float32),
)


def _layer2_body(s_ref, z1_ref, degp_ref, b1_ref, w2_ref, z2_ref):
    dinv = _dinv_of(degp_ref[...])
    s = s_ref[...]
    t = (s[0] + s[1] + z1_ref[...]) * dinv + b1_ref[...]
    h = jnp.maximum(t, 0.0)
    z2_ref[...] = jnp.dot(h, w2_ref[...],
                          preferred_element_type=jnp.float32) * dinv


_layer2 = pl.pallas_call(
    _layer2_body,
    grid=(NP // _R,),
    in_specs=[
        pl.BlockSpec((2, _R, D), lambda i: (0, i, 0)),
        pl.BlockSpec((_R, D), lambda i: (i, 0)),
        pl.BlockSpec((2, _R, DW), lambda i: (0, i, 0)),
        pl.BlockSpec((1, D), lambda i: (0, 0)),
        pl.BlockSpec((D, D), lambda i: (0, 0)),
    ],
    out_specs=pl.BlockSpec((_R, D), lambda i: (i, 0)),
    out_shape=jax.ShapeDtypeStruct((NP, D), jnp.float32),
)


def _head_body(s_ref, z2_ref, degp_ref, b2_ref, wl_ref, bl_ref,
               emb_ref, out_ref):
    dinv = _dinv_of(degp_ref[...])
    s = s_ref[...]
    emb = (s[0] + s[1] + z2_ref[...]) * dinv + b2_ref[...]
    emb_ref[...] = emb
    logits = jnp.dot(emb, wl_ref[...],
                     preferred_element_type=jnp.float32) + bl_ref[...]
    mask = lax.broadcasted_iota(jnp.int32, logits.shape, 1) < OUT
    lm = jnp.where(mask, logits, jnp.float32(-1e30))
    m = jnp.max(lm, axis=1, keepdims=True)
    ex = jnp.where(mask, jnp.exp(logits - m), 0.0)
    lse = jnp.log(jnp.sum(ex, axis=1, keepdims=True))
    out_ref[...] = logits - m - lse


_head = pl.pallas_call(
    _head_body,
    grid=(NP // _R,),
    in_specs=[
        pl.BlockSpec((2, _R, D), lambda i: (0, i, 0)),
        pl.BlockSpec((_R, D), lambda i: (i, 0)),
        pl.BlockSpec((2, _R, DW), lambda i: (0, i, 0)),
        pl.BlockSpec((1, D), lambda i: (0, 0)),
        pl.BlockSpec((D, D), lambda i: (0, 0)),
        pl.BlockSpec((1, D), lambda i: (0, 0)),
    ],
    out_specs=[
        pl.BlockSpec((_R, D), lambda i: (i, 0)),
        pl.BlockSpec((_R, D), lambda i: (i, 0)),
    ],
    out_shape=[
        jax.ShapeDtypeStruct((NP, D), jnp.float32),
        jax.ShapeDtypeStruct((NP, D), jnp.float32),
    ],
)



@jax.jit
def kernel(x, edge_index, W1, b1, W2, b2, Wl, bl):
    pad = EP - E
    srcp = jnp.concatenate([edge_index[0], jnp.zeros((pad,), jnp.int32)])
    dstp = jnp.concatenate([edge_index[1], jnp.full((pad,), N, jnp.int32)])
    edges = jnp.stack(
        [srcp.reshape(NCHUNK, CH), dstp.reshape(NCHUNK, CH)], axis=1)
    x_p = jnp.pad(x, ((0, NP - N), (0, 0)))

    e1 = jnp.zeros((CH, DW), jnp.float32).at[:, 0].set(1.0)
    zdeg = jnp.zeros((RPT, DW), jnp.float32)
    zrow = jnp.zeros((RPT, D), jnp.float32)

    degp = _deg_kernel(edges, e1, zdeg)
    z1 = _zscale(x_p, W1, degp)
    s1 = _mp_kernel(z1, edges, zrow)
    z2 = _layer2(s1, z1, degp, b1.reshape(1, D), W2)
    s2 = _mp_kernel(z2, edges, zrow)
    wl_p = jnp.pad(Wl, ((0, 0), (0, D - OUT)))
    bl_p = jnp.pad(bl, (0, D - OUT)).reshape(1, D)
    emb, outp = _head(s2, z2, degp, b2.reshape(1, D), wl_p, bl_p)
    return (outp[:N, :OUT], emb[:N])

# --- scband reference (transcript-rebuilt; emitter-appended) ---
"""Pipeline reference for scband-gcnnet1-5781025980782 (READ-ONLY COPY).

The authoritative reference and input builder live on the scoring server;
editing this copy changes nothing except your own understanding.
"""

import jax, jax.numpy as jnp
import numpy as np

N = 10000
E = 320000
D = 128
H = 128
EMB = 128
OUT = 40


def setup_inputs(seed: int = 0) -> dict:
    key = jax.random.key(seed)
    ks = jax.random.split(key, 9)
    x = jax.random.normal(ks[0], (N, D), dtype=jnp.float32)
    edge_index = jax.random.randint(ks[1], (2, E), 0, N, dtype=jnp.int32)
    W1 = jax.random.normal(ks[2], (D, H), dtype=jnp.float32) * (1.0 / np.sqrt(D))
    b1 = jnp.zeros((H,), dtype=jnp.float32)
    W2 = jax.random.normal(ks[3], (H, EMB), dtype=jnp.float32) * (1.0 / np.sqrt(H))
    b2 = jnp.zeros((EMB,), dtype=jnp.float32)
    Wl = jax.random.normal(ks[4], (EMB, OUT), dtype=jnp.float32) * (1.0 / np.sqrt(EMB))
    bl = jnp.zeros((OUT,), dtype=jnp.float32)
    return {"x": x, "edge_index": edge_index, "W1": W1, "b1": b1, "W2": W2, "b2": b2, "Wl": Wl, "bl": bl}


def _gcn_conv(x, src, dst, deg_inv_sqrt, W, b):
    # GCNConv: D^{-1/2} (A + I) D^{-1/2} X W + b  (self-loops already appended to src/dst)
    n = x.shape[0]
    h = x @ W
    norm = deg_inv_sqrt[src] * deg_inv_sqrt[dst]
    msg = h[src] * norm[:, None]
    out = jnp.zeros((n, h.shape[1]), dtype=h.dtype).at[dst].add(msg)
    return out + b


def reference(x, edge_index, W1, b1, W2, b2, Wl, bl):
    n = x.shape[0]
    loop = jnp.arange(n, dtype=edge_index.dtype)
    src = jnp.concatenate([edge_index[0], loop])
    dst = jnp.concatenate([edge_index[1], loop])
    deg = jnp.zeros((n,), dtype=jnp.float32).at[dst].add(1.0)
    deg_inv_sqrt = jnp.where(deg > 0, jax.lax.rsqrt(deg), 0.0)

    h = _gcn_conv(x, src, dst, deg_inv_sqrt, W1, b1)
    h = jax.nn.relu(h)
    # F.dropout(training=False) -> identity (module assumed in eval mode)
    h = _gcn_conv(h, src, dst, deg_inv_sqrt, W2, b2)
    embedding = h
    logits = h @ Wl + bl
    out = jax.nn.log_softmax(logits, axis=1)
    return (out, embedding)

if __name__ == "__main__":
    import jax
    _d = setup_inputs()
    print(jax.jit(kernel)(*tuple(_d.values())))

</pallas_src>

<mosaic_0001>
#map = affine_map<(d0, d1) -> (0, 0)>
#map1 = affine_map<(d0, d1) -> (0, 0, 0)>
module attributes {stable_mosaic.version = 14 : i64} {
  func.func @_mp_body(%arg0: i32, %arg1: i32, %arg2: memref<10240x128xf32, #tpu.memory_space<hbm>>, %arg3: memref<2560x2x128xi32, #tpu.memory_space<hbm>>, %arg4: memref<640x128xf32, #tpu.memory_space<hbm>>, %arg5: memref<2x10240x128xf32, #tpu.memory_space<hbm>>, %arg6: memref<2x128xi32, #tpu.memory_space<vmem>>, %arg7: memref<2x128xi32, #tpu.memory_space<vmem>>, %arg8: memref<2x128xi32, #tpu.memory_space<vmem>>, %arg9: memref<2x128xi32, #tpu.memory_space<vmem>>, %arg10: memref<2x128xi32, #tpu.memory_space<vmem>>, %arg11: memref<2x128xi32, #tpu.memory_space<vmem>>, %arg12: memref<2x128xi32, #tpu.memory_space<vmem>>, %arg13: memref<2x128xi32, #tpu.memory_space<vmem>>, %arg14: memref<128x128xf32, #tpu.memory_space<vmem>>, %arg15: memref<128x128xf32, #tpu.memory_space<vmem>>, %arg16: memref<10240x128xf32, #tpu.memory_space<vmem_shared>>, %arg17: memref<!tpu.dma_semaphore, #tpu.memory_space<semaphore_mem>>, %arg18: memref<!tpu.dma_semaphore, #tpu.memory_space<semaphore_mem>>, %arg19: memref<!tpu.dma_semaphore, #tpu.memory_space<semaphore_mem>>, %arg20: memref<!tpu.dma_semaphore, #tpu.memory_space<semaphore_mem>>, %arg21: memref<!tpu.dma_semaphore, #tpu.memory_space<semaphore_mem>>, %arg22: memref<!tpu.dma_semaphore, #tpu.memory_space<semaphore_mem>>, %arg23: memref<!tpu.dma_semaphore, #tpu.memory_space<semaphore_mem>>, %arg24: memref<!tpu.dma_semaphore, #tpu.memory_space<semaphore_mem>>, %arg25: memref<!tpu.dma_semaphore, #tpu.memory_space<semaphore_mem>>, %arg26: memref<!tpu.dma_semaphore, #tpu.memory_space<semaphore_mem>>, %arg27: memref<!tpu.dma_semaphore, #tpu.memory_space<semaphore_mem>>, %arg28: memref<!tpu.dma_semaphore, #tpu.memory_space<semaphore_mem>>) attributes {dimension_semantics = [#tpu.dimension_semantics<core_parallel>, #tpu.dimension_semantics<subcore_parallel>], iteration_bounds = array<i64: 2, 16>, scalar_prefetch = 0 : i64, scratch_operands = 23 : i64, tpu.core_type = #tpu.core_type<sc_vector_subcore>, window_params = [{transform_indices = #map}, {transform_indices = #map1}, {transform_indices = #map}, {transform_indices = #map1}]} {
    %mul3A = arith.constant 640 : i32
    %mul3A_0 = arith.muli %arg1, %mul3A : i32
    "tpu.region"() ({
      %run_scoped3A = tpu.sem_alloc : memref<!tpu.dma_semaphore, #tpu.memory_space<semaphore_mem>>
      %dma_start3A_93 = arith.constant 0 : i32
      %dma_start3A_94 = tpu.memref_slice %arg16[%mul3A_0, %dma_start3A_93] : memref<10240x128xf32, #tpu.memory_space<vmem_shared>> -> memref<640x128xf32, #tpu.memory_space<vmem_shared>>
      tpu.enqueue_dma source(%arg4 : memref<640x128xf32, #tpu.memory_space<hbm>>) target(%dma_start3A_94 : memref<640x128xf32, #tpu.memory_space<vmem_shared>>) target_semaphore(%run_scoped3A : memref<!tpu.dma_semaphore, #tpu.memory_space<semaphore_mem>>)
      %dma_wait3A_95 = arith.constant 0 : i32
      %dma_wait3A_96 = tpu.memref_slice %arg16[%mul3A_0, %dma_wait3A_95] : memref<10240x128xf32, #tpu.memory_space<vmem_shared>> -> memref<640x128xf32, #tpu.memory_space<vmem_shared>>
      tpu.wait_dma2 semaphore(%run_scoped3A : memref<!tpu.dma_semaphore, #tpu.memory_space<semaphore_mem>>) src(%arg4 : memref<640x128xf32, #tpu.memory_space<hbm>>) dst(%dma_wait3A_96 : memref<640x128xf32, #tpu.memory_space<vmem_shared>>)
      tpu.yield
    }) : () -> ()
    %barrier3A = arith.constant 0 : index
    tpu.barrier barrier_id(%barrier3A)
    %eq3A = arith.constant 0 : i32
    %eq3A_1 = arith.cmpi eq, %arg0, %eq3A : i32
    %mul3A_2 = arith.constant 128 : i32
    %mul3A_3 = arith.muli %arg1, %mul3A_2 : i32
    %mul3A_4 = arith.constant 32 : i32
    %mul3A_5 = arith.muli %arg1, %mul3A_4 : i32
    %add3A = arith.constant 2048 : i32
    %add3A_6 = arith.addi %add3A, %mul3A_5 : i32
    %select_n3A = arith.select %eq3A_1, %mul3A_3, %add3A_6 : i32
    %eq3A_7 = arith.constant 0 : i32
    %eq3A_8 = arith.cmpi eq, %arg0, %eq3A_7 : i32
    %select_n3A_9 = arith.constant 32 : i32
    %select_n3A_10 = arith.constant 128 : i32
    %select_n3A_11 = arith.select %eq3A_8, %select_n3A_10, %select_n3A_9 : i32
    %eq3A_12 = arith.constant 0 : i32
    %eq3A_13 = arith.cmpi eq, %arg0, %eq3A_12 : i32
    %select_n3A_14 = arith.constant 4 : i32
    %select_n3A_15 = arith.constant 16 : i32
    %select_n3A_16 = arith.select %eq3A_13, %select_n3A_15, %select_n3A_14 : i32
    %add3A_17 = arith.constant 0 : i32
    %add3A_18 = arith.addi %select_n3A, %add3A_17 : i32
    %dma_start3A = arith.constant 0 : i32
    %dma_start3A_19 = arith.constant 0 : i32
    %dma_start3A_20 = tpu.memref_slice %arg3[%add3A_18, %dma_start3A, %dma_start3A_19] : memref<2560x2x128xi32, #tpu.memory_space<hbm>> -> memref<1x2x128xi32, #tpu.memory_space<hbm>>
    %dma_start3A_21 = tpu.memref_squeeze %dma_start3A_20 : memref<1x2x128xi32, #tpu.memory_space<hbm>> -> memref<2x128xi32, #tpu.memory_space<hbm>>
    %dma_start3A_22 = arith.constant 0 : i32
    %dma_start3A_23 = arith.constant 0 : i32
    %dma_start3A_24 = tpu.memref_slice %arg3[%add3A_18, %dma_start3A_22, %dma_start3A_23] : memref<2560x2x128xi32, #tpu.memory_space<hbm>> -> memref<1x2x128xi32, #tpu.memory_space<hbm>>
    %dma_start3A_25 = tpu.memref_squeeze %dma_start3A_24 : memref<1x2x128xi32, #tpu.memory_space<hbm>> -> memref<2x128xi32, #tpu.memory_space<hbm>>
    tpu.enqueue_dma source(%dma_start3A_25 : memref<2x128xi32, #tpu.memory_space<hbm>>) target(%arg6 : memref<2x128xi32, #tpu.memory_space<vmem>>) target_semaphore(%arg17 : memref<!tpu.dma_semaphore, #tpu.memory_space<semaphore_mem>>)
    %add3A_26 = arith.constant 1 : i32
    %add3A_27 = arith.addi %select_n3A, %add3A_26 : i32
    %dma_start3A_28 = arith.constant 0 : i32
    %dma_start3A_29 = arith.constant 0 : i32
    %dma_start3A_30 = tpu.memref_slice %arg3[%add3A_27, %dma_start3A_28, %dma_start3A_29] : memref<2560x2x128xi32, #tpu.memory_space<hbm>> -> memref<1x2x128xi32, #tpu.memory_space<hbm>>
    %dma_start3A_31 = tpu.memref_squeeze %dma_start3A_30 : memref<1x2x128xi32, #tpu.memory_space<hbm>> -> memref<2x128xi32, #tpu.memory_space<hbm>>
    %dma_start3A_32 = arith.constant 0 : i32
    %dma_start3A_33 = arith.constant 0 : i32
    %dma_start3A_34 = tpu.memref_slice %arg3[%add3A_27, %dma_start3A_32, %dma_start3A_33] : memref<2560x2x128xi32, #tpu.memory_space<hbm>> -> memref<1x2x128xi32, #tpu.memory_space<hbm>>
    %dma_start3A_35 = tpu.memref_squeeze %dma_start3A_34 : memref<1x2x128xi32, #tpu.memory_space<hbm>> -> memref<2x128xi32, #tpu.memory_space<hbm>>
    tpu.enqueue_dma source(%dma_start3A_35 : memref<2x128xi32, #tpu.memory_space<hbm>>) target(%arg7 : memref<2x128xi32, #tpu.memory_space<vmem>>) target_semaphore(%arg18 : memref<!tpu.dma_semaphore, #tpu.memory_space<semaphore_mem>>)
    %add3A_36 = arith.constant 2 : i32
    %add3A_37 = arith.addi %select_n3A, %add3A_36 : i32
    %dma_start3A_38 = arith.constant 0 : i32
    %dma_start3A_39 = arith.constant 0 : i32
    %dma_start3A_40 = tpu.memref_slice %arg3[%add3A_37, %dma_start3A_38, %dma_start3A_39] : memref<2560x2x128xi32, #tpu.memory_space<hbm>> -> memref<1x2x128xi32, #tpu.memory_space<hbm>>
    %dma_start3A_41 = tpu.memref_squeeze %dma_start3A_40 : memref<1x2x128xi32, #tpu.memory_space<hbm>> -> memref<2x128xi32, #tpu.memory_space<hbm>>
    %dma_start3A_42 = arith.constant 0 : i32
    %dma_start3A_43 = arith.constant 0 : i32
    %dma_start3A_44 = tpu.memref_slice %arg3[%add3A_37, %dma_start3A_42, %dma_start3A_43] : memref<2560x2x128xi32, #tpu.memory_space<hbm>> -> memref<1x2x128xi32, #tpu.memory_space<hbm>>
    %dma_start3A_45 = tpu.memref_squeeze %dma_start3A_44 : memref<1x2x128xi32, #tpu.memory_space<hbm>> -> memref<2x128xi32, #tpu.memory_space<hbm>>
    tpu.enqueue_dma source(%dma_start3A_45 : memref<2x128xi32, #tpu.memory_space<hbm>>) target(%arg8 : memref<2x128xi32, #tpu.memory_space<vmem>>) target_semaphore(%arg19 : memref<!tpu.dma_semaphore, #tpu.memory_space<semaphore_mem>>)
    %add3A_46 = arith.constant 3 : i32
    %add3A_47 = arith.addi %select_n3A, %add3A_46 : i32
    %dma_start3A_48 = arith.constant 0 : i32
    %dma_start3A_49 = arith.constant 0 : i32
    %dma_start3A_50 = tpu.memref_slice %arg3[%add3A_47, %dma_start3A_48, %dma_start3A_49] : memref<2560x2x128xi32, #tpu.memory_space<hbm>> -> memref<1x2x128xi32, #tpu.memory_space<hbm>>
    %dma_start3A_51 = tpu.memref_squeeze %dma_start3A_50 : memref<1x2x128xi32, #tpu.memory_space<hbm>> -> memref<2x128xi32, #tpu.memory_space<hbm>>
    %dma_start3A_52 = arith.constant 0 : i32
    %dma_start3A_53 = arith.constant 0 : i32
    %dma_start3A_54 = tpu.memref_slice %arg3[%add3A_47, %dma_start3A_52, %dma_start3A_53] : memref<2560x2x128xi32, #tpu.memory_space<hbm>> -> memref<1x2x128xi32, #tpu.memory_space<hbm>>
    %dma_start3A_55 = tpu.memref_squeeze %dma_start3A_54 : memref<1x2x128xi32, #tpu.memory_space<hbm>> -> memref<2x128xi32, #tpu.memory_space<hbm>>
    tpu.enqueue_dma source(%dma_start3A_55 : memref<2x128xi32, #tpu.memory_space<hbm>>) target(%arg9 : memref<2x128xi32, #tpu.memory_space<vmem>>) target_semaphore(%arg20 : memref<!tpu.dma_semaphore, #tpu.memory_space<semaphore_mem>>)
    %while3A = arith.constant 0 : i32
    %while3A_56 = arith.constant 0 : i32
    %while3A_57 = arith.subi %select_n3A_16, %while3A_56 : i32
    %while3A_58 = arith.addi %while3A_56, %while3A_57 : i32
    %while3A_59 = arith.constant 1 : i32
    %while3A_60 = arith.divsi %while3A_57, %while3A_59 : i32
    %while3A_61 = arith.muli %while3A_60, %while3A_59 : i32
    %while3A_62 = arith.addi %while3A_56, %while3A_61 : i32
    %while3A_63 = arith.constant 1 : i32
    scf.for %while3A_93 = %while3A_56 to %while3A_62 step %while3A_63  : i32 {
      %mul3A_94 = arith.constant 8 : i32
      %mul3A_95 = arith.muli %while3A_93, %mul3A_94 : i32
      %add3A_96 = arith.constant 0 : i32
      %add3A_97 = arith.addi %mul3A_95, %add3A_96 : i32
      %ge3A = arith.constant 2 : i32
      %ge3A_98 = arith.cmpi sge, %add3A_97, %ge3A : i32
      %convert_element_type3A = arith.extui %ge3A_98 : i1 to i32
      %cond3A = arith.constant 0 : i32
      %cond3A_99 = arith.cmpi ne, %convert_element_type3A, %cond3A : i32
      scf.if %cond3A_99 {
        %dma_wait3A_378 = arith.constant 1 : i32
        %dma_wait3A_379 = arith.constant 0 : i32
        %dma_wait3A_380 = tpu.memref_slice %arg12[%dma_wait3A_378, %dma_wait3A_379] : memref<2x128xi32, #tpu.memory_space<vmem>> -> memref<1x128xi32, #tpu.memory_space<vmem>>
        %dma_wait3A_381 = tpu.memref_squeeze %dma_wait3A_380 : memref<1x128xi32, #tpu.memory_space<vmem>> -> memref<128xi32, #tpu.memory_space<vmem>>
        %dma_wait3A_382 = arith.constant 0 : i32
        %dma_wait3A_383 = arith.constant 0 : i32
        %dma_wait3A_384 = tpu.memref_slice %arg16[%dma_wait3A_382, %dma_wait3A_383] : memref<10240x128xf32, #tpu.memory_space<vmem_shared>> -> memref<10240x128xf32, #tpu.memory_space<vmem_shared>>
        tpu.wait_indirect_dma semaphore(%arg27 : memref<!tpu.dma_semaphore, #tpu.memory_space<semaphore_mem>>) src(%arg14 : memref<128x128xf32, #tpu.memory_space<vmem>>) dst(%dma_wait3A_384 : memref<10240x128xf32, #tpu.memory_space<vmem_shared>>)
      } else {
      }
      %add3A_100 = arith.addi %select_n3A, %add3A_97 : i32
      %dma_wait3A_101 = arith.constant 0 : i32
      %dma_wait3A_102 = arith.constant 0 : i32
      %dma_wait3A_103 = tpu.memref_slice %arg3[%add3A_100, %dma_wait3A_101, %dma_wait3A_102] : memref<2560x2x128xi32, #tpu.memory_space<hbm>> -> memref<1x2x128xi32, #tpu.memory_space<hbm>>
      %dma_wait3A_104 = tpu.memref_squeeze %dma_wait3A_103 : memref<1x2x128xi32, #tpu.memory_space<hbm>> -> memref<2x128xi32, #tpu.memory_space<hbm>>
      %dma_wait3A_105 = arith.constant 0 : i32
      %dma_wait3A_106 = arith.constant 0 : i32
      %dma_wait3A_107 = tpu.memref_slice %arg3[%add3A_100, %dma_wait3A_105, %dma_wait3A_106] : memref<2560x2x128xi32, #tpu.memory_space<hbm>> -> memref<1x2x128xi32, #tpu.memory_space<hbm>>
      %dma_wait3A_108 = tpu.memref_squeeze %dma_wait3A_107 : memref<1x2x128xi32, #tpu.memory_space<hbm>> -> memref<2x128xi32, #tpu.memory_space<hbm>>
      tpu.wait_dma2 semaphore(%arg17 : memref<!tpu.dma_semaphore, #tpu.memory_space<semaphore_mem>>) src(%dma_wait3A_108 : memref<2x128xi32, #tpu.memory_space<hbm>>) dst(%arg6 : memref<2x128xi32, #tpu.memory_space<vmem>>)
      %dma_start3A_109 = arith.constant 0 : i32
      %dma_start3A_110 = arith.constant 0 : i32
      %dma_start3A_111 = tpu.memref_slice %arg6[%dma_start3A_109, %dma_start3A_110] : memref<2x128xi32, #tpu.memory_space<vmem>> -> memref<1x128xi32, #tpu.memory_space<vmem>>
      %dma_start3A_112 = tpu.memref_squeeze %dma_start3A_111 : memref<1x128xi32, #tpu.memory_space<vmem>> -> memref<128xi32, #tpu.memory_space<vmem>>
      %dma_start3A_113 = arith.constant 0 : i32
      %dma_start3A_114 = arith.constant 0 : i32
      %dma_start3A_115 = tpu.memref_slice %arg2[%dma_start3A_113, %dma_start3A_114] : memref<10240x128xf32, #tpu.memory_space<hbm>> -> memref<10240x128xf32, #tpu.memory_space<hbm>>
      tpu.enqueue_indirect_dma source(%dma_start3A_115 : memref<10240x128xf32, #tpu.memory_space<hbm>>) target(%arg14 : memref<128x128xf32, #tpu.memory_space<vmem>>) offsets(%dma_start3A_112 : memref<128xi32, #tpu.memory_space<vmem>>) semaphore(%arg25 : memref<!tpu.dma_semaphore, #tpu.memory_space<semaphore_mem>>)
      %ge3A_116 = arith.constant 1 : i32
      %ge3A_117 = arith.cmpi sge, %add3A_97, %ge3A_116 : i32
      %convert_element_type3A_118 = arith.extui %ge3A_117 : i1 to i32
      %cond3A_119 = arith.constant 0 : i32
      %cond3A_120 = arith.cmpi ne, %convert_element_type3A_118, %cond3A_119 : i32
      scf.if %cond3A_120 {
        %dma_wait3A_378 = arith.constant 0 : i32
        %dma_wait3A_379 = arith.constant 0 : i32
        %dma_wait3A_380 = tpu.memref_slice %arg13[%dma_wait3A_378, %dma_wait3A_379] : memref<2x128xi32, #tpu.memory_space<vmem>> -> memref<1x128xi32, #tpu.memory_space<vmem>>
        %dma_wait3A_381 = tpu.memref_squeeze %dma_wait3A_380 : memref<1x128xi32, #tpu.memory_space<vmem>> -> memref<128xi32, #tpu.memory_space<vmem>>
        %dma_wait3A_382 = arith.constant 0 : i32
        %dma_wait3A_383 = arith.constant 0 : i32
        %dma_wait3A_384 = tpu.memref_slice %arg2[%dma_wait3A_382, %dma_wait3A_383] : memref<10240x128xf32, #tpu.memory_space<hbm>> -> memref<10240x128xf32, #tpu.memory_space<hbm>>
        tpu.wait_indirect_dma semaphore(%arg26 : memref<!tpu.dma_semaphore, #tpu.memory_space<semaphore_mem>>) src(%dma_wait3A_384 : memref<10240x128xf32, #tpu.memory_space<hbm>>) dst(%arg15 : memref<128x128xf32, #tpu.memory_space<vmem>>)
        %dma_start3A_385 = arith.constant 1 : i32
        %dma_start3A_386 = arith.constant 0 : i32
        %dma_start3A_387 = tpu.memref_slice %arg13[%dma_start3A_385, %dma_start3A_386] : memref<2x128xi32, #tpu.memory_space<vmem>> -> memref<1x128xi32, #tpu.memory_space<vmem>>
        %dma_start3A_388 = tpu.memref_squeeze %dma_start3A_387 : memref<1x128xi32, #tpu.memory_space<vmem>> -> memref<128xi32, #tpu.memory_space<vmem>>
        %dma_start3A_389 = arith.constant 0 : i32
        %dma_start3A_390 = arith.constant 0 : i32
        %dma_start3A_391 = tpu.memref_slice %arg16[%dma_start3A_389, %dma_start3A_390] : memref<10240x128xf32, #tpu.memory_space<vmem_shared>> -> memref<10240x128xf32, #tpu.memory_space<vmem_shared>>
        tpu.enqueue_indirect_dma source(%arg15 : memref<128x128xf32, #tpu.memory_space<vmem>>) target(%dma_start3A_391 : memref<10240x128xf32, #tpu.memory_space<vmem_shared>>) offsets(%dma_start3A_388 : memref<128xi32, #tpu.memory_space<vmem>>) semaphore(%arg28 : memref<!tpu.dma_semaphore, #tpu.memory_space<semaphore_mem>>) {add = true}
      } else {
      }
      %add3A_121 = arith.constant 4 : i32
      %add3A_122 = arith.addi %add3A_97, %add3A_121 : i32
      %lt3A = arith.cmpi slt, %add3A_122, %select_n3A_11 : i32
      %convert_element_type3A_123 = arith.extui %lt3A : i1 to i32
      %cond3A_124 = arith.constant 0 : i32
      %cond3A_125 = arith.cmpi ne, %convert_element_type3A_123, %cond3A_124 : i32
      scf.if %cond3A_125 {
        %add3A_378 = arith.constant 4 : i32
        %add3A_379 = arith.addi %add3A_97, %add3A_378 : i32
        %add3A_380 = arith.addi %select_n3A, %add3A_379 : i32
        %dma_start3A_381 = arith.constant 0 : i32
        %dma_start3A_382 = arith.constant 0 : i32
        %dma_start3A_383 = tpu.memref_slice %arg3[%add3A_380, %dma_start3A_381, %dma_start3A_382] : memref<2560x2x128xi32, #tpu.memory_space<hbm>> -> memref<1x2x128xi32, #tpu.memory_space<hbm>>
        %dma_start3A_384 = tpu.memref_squeeze %dma_start3A_383 : memref<1x2x128xi32, #tpu.memory_space<hbm>> -> memref<2x128xi32, #tpu.memory_space<hbm>>
        %dma_start3A_385 = arith.constant 0 : i32
        %dma_start3A_386 = arith.constant 0 : i32
        %dma_start3A_387 = tpu.memref_slice %arg3[%add3A_380, %dma_start3A_385, %dma_start3A_386] : memref<2560x2x128xi32, #tpu.memory_space<hbm>> -> memref<1x2x128xi32, #tpu.memory_space<hbm>>
        %dma_start3A_388 = tpu.memref_squeeze %dma_start3A_387 : memref<1x2x128xi32, #tpu.memory_space<hbm>> -> memref<2x128xi32, #tpu.memory_space<hbm>>
        tpu.enqueue_dma source(%dma_start3A_388 : memref<2x128xi32, #tpu.memory_space<hbm>>) target(%arg10 : memref<2x128xi32, #tpu.memory_space<vmem>>) target_semaphore(%arg21 : memref<!tpu.dma_semaphore, #tpu.memory_space<semaphore_mem>>)
      } else {
      }
      %mul3A_126 = arith.constant 8 : i32
      %mul3A_127 = arith.muli %while3A_93, %mul3A_126 : i32
      %add3A_128 = arith.constant 1 : i32
      %add3A_129 = arith.addi %mul3A_127, %add3A_128 : i32
      %ge3A_130 = arith.constant 2 : i32
      %ge3A_131 = arith.cmpi sge, %add3A_129, %ge3A_130 : i32
      %convert_element_type3A_132 = arith.extui %ge3A_131 : i1 to i32
      %cond3A_133 = arith.constant 0 : i32
      %cond3A_134 = arith.cmpi ne, %convert_element_type3A_132, %cond3A_133 : i32
      scf.if %cond3A_134 {
        %dma_wait3A_378 = arith.constant 1 : i32
        %dma_wait3A_379 = arith.constant 0 : i32
        %dma_wait3A_380 = tpu.memref_slice %arg13[%dma_wait3A_378, %dma_wait3A_379] : memref<2x128xi32, #tpu.memory_space<vmem>> -> memref<1x128xi32, #tpu.memory_space<vmem>>
        %dma_wait3A_381 = tpu.memref_squeeze %dma_wait3A_380 : memref<1x128xi32, #tpu.memory_space<vmem>> -> memref<128xi32, #tpu.memory_space<vmem>>
        %dma_wait3A_382 = arith.constant 0 : i32
        %dma_wait3A_383 = arith.constant 0 : i32
        %dma_wait3A_384 = tpu.memref_slice %arg16[%dma_wait3A_382, %dma_wait3A_383] : memref<10240x128xf32, #tpu.memory_space<vmem_shared>> -> memref<10240x128xf32, #tpu.memory_space<vmem_shared>>
        tpu.wait_indirect_dma semaphore(%arg28 : memref<!tpu.dma_semaphore, #tpu.memory_space<semaphore_mem>>) src(%arg15 : memref<128x128xf32, #tpu.memory_space<vmem>>) dst(%dma_wait3A_384 : memref<10240x128xf32, #tpu.memory_space<vmem_shared>>)
      } else {
      }
      %add3A_135 = arith.addi %select_n3A, %add3A_129 : i32
      %dma_wait3A_136 = arith.constant 0 : i32
      %dma_wait3A_137 = arith.constant 0 : i32
      %dma_wait3A_138 = tpu.memref_slice %arg3[%add3A_135, %dma_wait3A_136, %dma_wait3A_137] : memref<2560x2x128xi32, #tpu.memory_space<hbm>> -> memref<1x2x128xi32, #tpu.memory_space<hbm>>
      %dma_wait3A_139 = tpu.memref_squeeze %dma_wait3A_138 : memref<1x2x128xi32, #tpu.memory_space<hbm>> -> memref<2x128xi32, #tpu.memory_space<hbm>>
      %dma_wait3A_140 = arith.constant 0 : i32
      %dma_wait3A_141 = arith.constant 0 : i32
      %dma_wait3A_142 = tpu.memref_slice %arg3[%add3A_135, %dma_wait3A_140, %dma_wait3A_141] : memref<2560x2x128xi32, #tpu.memory_space<hbm>> -> memref<1x2x128xi32, #tpu.memory_space<hbm>>
      %dma_wait3A_143 = tpu.memref_squeeze %dma_wait3A_142 : memref<1x2x128xi32, #tpu.memory_space<hbm>> -> memref<2x128xi32, #tpu.memory_space<hbm>>
      tpu.wait_dma2 semaphore(%arg18 : memref<!tpu.dma_semaphore, #tpu.memory_space<semaphore_mem>>) src(%dma_wait3A_143 : memref<2x128xi32, #tpu.memory_space<hbm>>) dst(%arg7 : memref<2x128xi32, #tpu.memory_space<vmem>>)
      %dma_start3A_144 = arith.constant 0 : i32
      %dma_start3A_145 = arith.constant 0 : i32
      %dma_start3A_146 = tpu.memref_slice %arg7[%dma_start3A_144, %dma_start3A_145] : memref<2x128xi32, #tpu.memory_space<vmem>> -> memref<1x128xi32, #tpu.memory_space<vmem>>
      %dma_start3A_147 = tpu.memref_squeeze %dma_start3A_146 : memref<1x128xi32, #tpu.memory_space<vmem>> -> memref<128xi32, #tpu.memory_space<vmem>>
      %dma_start3A_148 = arith.constant 0 : i32
      %dma_start3A_149 = arith.constant 0 : i32
      %dma_start3A_150 = tpu.memref_slice %arg2[%dma_start3A_148, %dma_start3A_149] : memref<10240x128xf32, #tpu.memory_space<hbm>> -> memref<10240x128xf32, #tpu.memory_space<hbm>>
      tpu.enqueue_indirect_dma source(%dma_start3A_150 : memref<10240x128xf32, #tpu.memory_space<hbm>>) target(%arg15 : memref<128x128xf32, #tpu.memory_space<vmem>>) offsets(%dma_start3A_147 : memref<128xi32, #tpu.memory_space<vmem>>) semaphore(%arg26 : memref<!tpu.dma_semaphore, #tpu.memory_space<semaphore_mem>>)
      %ge3A_151 = arith.constant 1 : i32
      %ge3A_152 = arith.cmpi sge, %add3A_129, %ge3A_151 : i32
      %convert_element_type3A_153 = arith.extui %ge3A_152 : i1 to i32
      %cond3A_154 = arith.constant 0 : i32
      %cond3A_155 = arith.cmpi ne, %convert_element_type3A_153, %cond3A_154 : i32
      scf.if %cond3A_155 {
        %dma_wait3A_378 = arith.constant 0 : i32
        %dma_wait3A_379 = arith.constant 0 : i32
        %dma_wait3A_380 = tpu.memref_slice %arg6[%dma_wait3A_378, %dma_wait3A_379] : memref<2x128xi32, #tpu.memory_space<vmem>> -> memref<1x128xi32, #tpu.memory_space<vmem>>
        %dma_wait3A_381 = tpu.memref_squeeze %dma_wait3A_380 : memref<1x128xi32, #tpu.memory_space<vmem>> -> memref<128xi32, #tpu.memory_space<vmem>>
        %dma_wait3A_382 = arith.constant 0 : i32
        %dma_wait3A_383 = arith.constant 0 : i32
        %dma_wait3A_384 = tpu.memref_slice %arg2[%dma_wait3A_382, %dma_wait3A_383] : memref<10240x128xf32, #tpu.memory_space<hbm>> -> memref<10240x128xf32, #tpu.memory_space<hbm>>
        tpu.wait_indirect_dma semaphore(%arg25 : memref<!tpu.dma_semaphore, #tpu.memory_space<semaphore_mem>>) src(%dma_wait3A_384 : memref<10240x128xf32, #tpu.memory_space<hbm>>) dst(%arg14 : memref<128x128xf32, #tpu.memory_space<vmem>>)
        %dma_start3A_385 = arith.constant 1 : i32
        %dma_start3A_386 = arith.constant 0 : i32
        %dma_start3A_387 = tpu.memref_slice %arg6[%dma_start3A_385, %dma_start3A_386] : memref<2x128xi32, #tpu.memory_space<vmem>> -> memref<1x128xi32, #tpu.memory_space<vmem>>
        %dma_start3A_388 = tpu.memref_squeeze %dma_start3A_387 : memref<1x128xi32, #tpu.memory_space<vmem>> -> memref<128xi32, #tpu.memory_space<vmem>>
        %dma_start3A_389 = arith.constant 0 : i32
        %dma_start3A_390 = arith.constant 0 : i32
        %dma_start3A_391 = tpu.memref_slice %arg16[%dma_start3A_389, %dma_start3A_390] : memref<10240x128xf32, #tpu.memory_space<vmem_shared>> -> memref<10240x128xf32, #tpu.memory_space<vmem_shared>>
        tpu.enqueue_indirect_dma source(%arg14 : memref<128x128xf32, #tpu.memory_space<vmem>>) target(%dma_start3A_391 : memref<10240x128xf32, #tpu.memory_space<vmem_shared>>) offsets(%dma_start3A_388 : memref<128xi32, #tpu.memory_space<vmem>>) semaphore(%arg27 : memref<!tpu.dma_semaphore, #tpu.memory_space<semaphore_mem>>) {add = true}
      } else {
      }
      %add3A_156 = arith.constant 4 : i32
      %add3A_157 = arith.addi %add3A_129, %add3A_156 : i32
      %lt3A_158 = arith.cmpi slt, %add3A_157, %select_n3A_11 : i32
      %convert_element_type3A_159 = arith.extui %lt3A_158 : i1 to i32
      %cond3A_160 = arith.constant 0 : i32
      %cond3A_161 = arith.cmpi ne, %convert_element_type3A_159, %cond3A_160 : i32
      scf.if %cond3A_161 {
        %add3A_378 = arith.constant 4 : i32
        %add3A_379 = arith.addi %add3A_129, %add3A_378 : i32
        %add3A_380 = arith.addi %select_n3A, %add3A_379 : i32
        %dma_start3A_381 = arith.constant 0 : i32
        %dma_start3A_382 = arith.constant 0 : i32
        %dma_start3A_383 = tpu.memref_slice %arg3[%add3A_380, %dma_start3A_381, %dma_start3A_382] : memref<2560x2x128xi32, #tpu.memory_space<hbm>> -> memref<1x2x128xi32, #tpu.memory_space<hbm>>
        %dma_start3A_384 = tpu.memref_squeeze %dma_start3A_383 : memref<1x2x128xi32, #tpu.memory_space<hbm>> -> memref<2x128xi32, #tpu.memory_space<hbm>>
        %dma_start3A_385 = arith.constant 0 : i32
        %dma_start3A_386 = arith.constant 0 : i32
        %dma_start3A_387 = tpu.memref_slice %arg3[%add3A_380, %dma_start3A_385, %dma_start3A_386] : memref<2560x2x128xi32, #tpu.memory_space<hbm>> -> memref<1x2x128xi32, #tpu.memory_space<hbm>>
        %dma_start3A_388 = tpu.memref_squeeze %dma_start3A_387 : memref<1x2x128xi32, #tpu.memory_space<hbm>> -> memref<2x128xi32, #tpu.memory_space<hbm>>
        tpu.enqueue_dma source(%dma_start3A_388 : memref<2x128xi32, #tpu.memory_space<hbm>>) target(%arg11 : memref<2x128xi32, #tpu.memory_space<vmem>>) target_semaphore(%arg22 : memref<!tpu.dma_semaphore, #tpu.memory_space<semaphore_mem>>)
      } else {
      }
      %mul3A_162 = arith.constant 8 : i32
      %mul3A_163 = arith.muli %while3A_93, %mul3A_162 : i32
      %add3A_164 = arith.constant 2 : i32
      %add3A_165 = arith.addi %mul3A_163, %add3A_164 : i32
      %ge3A_166 = arith.constant 2 : i32
      %ge3A_167 = arith.cmpi sge, %add3A_165, %ge3A_166 : i32
      %convert_element_type3A_168 = arith.extui %ge3A_167 : i1 to i32
      %cond3A_169 = arith.constant 0 : i32
      %cond3A_170 = arith.cmpi ne, %convert_element_type3A_168, %cond3A_169 : i32
      scf.if %cond3A_170 {
        %dma_wait3A_378 = arith.constant 1 : i32
        %dma_wait3A_379 = arith.constant 0 : i32
        %dma_wait3A_380 = tpu.memref_slice %arg6[%dma_wait3A_378, %dma_wait3A_379] : memref<2x128xi32, #tpu.memory_space<vmem>> -> memref<1x128xi32, #tpu.memory_space<vmem>>
        %dma_wait3A_381 = tpu.memref_squeeze %dma_wait3A_380 : memref<1x128xi32, #tpu.memory_space<vmem>> -> memref<128xi32, #tpu.memory_space<vmem>>
        %dma_wait3A_382 = arith.constant 0 : i32
        %dma_wait3A_383 = arith.constant 0 : i32
        %dma_wait3A_384 = tpu.memref_slice %arg16[%dma_wait3A_382, %dma_wait3A_383] : memref<10240x128xf32, #tpu.memory_space<vmem_shared>> -> memref<10240x128xf32, #tpu.memory_space<vmem_shared>>
        tpu.wait_indirect_dma semaphore(%arg27 : memref<!tpu.dma_semaphore, #tpu.memory_space<semaphore_mem>>) src(%arg14 : memref<128x128xf32, #tpu.memory_space<vmem>>) dst(%dma_wait3A_384 : memref<10240x128xf32, #tpu.memory_space<vmem_shared>>)
      } else {
      }
      %add3A_171 = arith.addi %select_n3A, %add3A_165 : i32
      %dma_wait3A_172 = arith.constant 0 : i32
      %dma_wait3A_173 = arith.constant 0 : i32
      %dma_wait3A_174 = tpu.memref_slice %arg3[%add3A_171, %dma_wait3A_172, %dma_wait3A_173] : memref<2560x2x128xi32, #tpu.memory_space<hbm>> -> memref<1x2x128xi32, #tpu.memory_space<hbm>>
      %dma_wait3A_175 = tpu.memref_squeeze %dma_wait3A_174 : memref<1x2x128xi32, #tpu.memory_space<hbm>> -> memref<2x128xi32, #tpu.memory_space<hbm>>
      %dma_wait3A_176 = arith.constant 0 : i32
      %dma_wait3A_177 = arith.constant 0 : i32
      %dma_wait3A_178 = tpu.memref_slice %arg3[%add3A_171, %dma_wait3A_176, %dma_wait3A_177] : memref<2560x2x128xi32, #tpu.memory_space<hbm>> -> memref<1x2x128xi32, #tpu.memory_space<hbm>>
      %dma_wait3A_179 = tpu.memref_squeeze %dma_wait3A_178 : memref<1x2x128xi32, #tpu.memory_space<hbm>> -> memref<2x128xi32, #tpu.memory_space<hbm>>
      tpu.wait_dma2 semaphore(%arg19 : memref<!tpu.dma_semaphore, #tpu.memory_space<semaphore_mem>>) src(%dma_wait3A_179 : memref<2x128xi32, #tpu.memory_space<hbm>>) dst(%arg8 : memref<2x128xi32, #tpu.memory_space<vmem>>)
      %dma_start3A_180 = arith.constant 0 : i32
      %dma_start3A_181 = arith.constant 0 : i32
      %dma_start3A_182 = tpu.memref_slice %arg8[%dma_start3A_180, %dma_start3A_181] : memref<2x128xi32, #tpu.memory_space<vmem>> -> memref<1x128xi32, #tpu.memory_space<vmem>>
      %dma_start3A_183 = tpu.memref_squeeze %dma_start3A_182 : memref<1x128xi32, #tpu.memory_space<vmem>> -> memref<128xi32, #tpu.memory_space<vmem>>
      %dma_start3A_184 = arith.constant 0 : i32
      %dma_start3A_185 = arith.constant 0 : i32
      %dma_start3A_186 = tpu.memref_slice %arg2[%dma_start3A_184, %dma_start3A_185] : memref<10240x128xf32, #tpu.memory_space<hbm>> -> memref<10240x128xf32, #tpu.memory_space<hbm>>
      tpu.enqueue_indirect_dma source(%dma_start3A_186 : memref<10240x128xf32, #tpu.memory_space<hbm>>) target(%arg14 : memref<128x128xf32, #tpu.memory_space<vmem>>) offsets(%dma_start3A_183 : memref<128xi32, #tpu.memory_space<vmem>>) semaphore(%arg25 : memref<!tpu.dma_semaphore, #tpu.memory_space<semaphore_mem>>)
      %ge3A_187 = arith.constant 1 : i32
      %ge3A_188 = arith.cmpi sge, %add3A_165, %ge3A_187 : i32
      %convert_element_type3A_189 = arith.extui %ge3A_188 : i1 to i32
      %cond3A_190 = arith.constant 0 : i32
      %cond3A_191 = arith.cmpi ne, %convert_element_type3A_189, %cond3A_190 : i32
      scf.if %cond3A_191 {
        %dma_wait3A_378 = arith.constant 0 : i32
        %dma_wait3A_379 = arith.constant 0 : i32
        %dma_wait3A_380 = tpu.memref_slice %arg7[%dma_wait3A_378, %dma_wait3A_379] : memref<2x128xi32, #tpu.memory_space<vmem>> -> memref<1x128xi32, #tpu.memory_space<vmem>>
        %dma_wait3A_381 = tpu.memref_squeeze %dma_wait3A_380 : memref<1x128xi32, #tpu.memory_space<vmem>> -> memref<128xi32, #tpu.memory_space<vmem>>
        %dma_wait3A_382 = arith.constant 0 : i32
        %dma_wait3A_383 = arith.constant 0 : i32
        %dma_wait3A_384 = tpu.memref_slice %arg2[%dma_wait3A_382, %dma_wait3A_383] : memref<10240x128xf32, #tpu.memory_space<hbm>> -> memref<10240x128xf32, #tpu.memory_space<hbm>>
        tpu.wait_indirect_dma semaphore(%arg26 : memref<!tpu.dma_semaphore, #tpu.memory_space<semaphore_mem>>) src(%dma_wait3A_384 : memref<10240x128xf32, #tpu.memory_space<hbm>>) dst(%arg15 : memref<128x128xf32, #tpu.memory_space<vmem>>)
        %dma_start3A_385 = arith.constant 1 : i32
        %dma_start3A_386 = arith.constant 0 : i32
        %dma_start3A_387 = tpu.memref_slice %arg7[%dma_start3A_385, %dma_start3A_386] : memref<2x128xi32, #tpu.memory_space<vmem>> -> memref<1x128xi32, #tpu.memory_space<vmem>>
        %dma_start3A_388 = tpu.memref_squeeze %dma_start3A_387 : memref<1x128xi32, #tpu.memory_space<vmem>> -> memref<128xi32, #tpu.memory_space<vmem>>
        %dma_start3A_389 = arith.constant 0 : i32
        %dma_start3A_390 = arith.constant 0 : i32
        %dma_start3A_391 = tpu.memref_slice %arg16[%dma_start3A_389, %dma_start3A_390] : memref<10240x128xf32, #tpu.memory_space<vmem_shared>> -> memref<10240x128xf32, #tpu.memory_space<vmem_shared>>
        tpu.enqueue_indirect_dma source(%arg15 : memref<128x128xf32, #tpu.memory_space<vmem>>) target(%dma_start3A_391 : memref<10240x128xf32, #tpu.memory_space<vmem_shared>>) offsets(%dma_start3A_388 : memref<128xi32, #tpu.memory_space<vmem>>) semaphore(%arg28 : memref<!tpu.dma_semaphore, #tpu.memory_space<semaphore_mem>>) {add = true}
      } else {
      }
      %add3A_192 = arith.constant 4 : i32
      %add3A_193 = arith.addi %add3A_165, %add3A_192 : i32
      %lt3A_194 = arith.cmpi slt, %add3A_193, %select_n3A_11 : i32
      %convert_element_type3A_195 = arith.extui %lt3A_194 : i1 to i32
      %cond3A_196 = arith.constant 0 : i32
      %cond3A_197 = arith.cmpi ne, %convert_element_type3A_195, %cond3A_196 : i32
      scf.if %cond3A_197 {
        %add3A_378 = arith.constant 4 : i32
        %add3A_379 = arith.addi %add3A_165, %add3A_378 : i32
        %add3A_380 = arith.addi %select_n3A, %add3A_379 : i32
        %dma_start3A_381 = arith.constant 0 : i32
        %dma_start3A_382 = arith.constant 0 : i32
        %dma_start3A_383 = tpu.memref_slice %arg3[%add3A_380, %dma_start3A_381, %dma_start3A_382] : memref<2560x2x128xi32, #tpu.memory_space<hbm>> -> memref<1x2x128xi32, #tpu.memory_space<hbm>>
        %dma_start3A_384 = tpu.memref_squeeze %dma_start3A_383 : memref<1x2x128xi32, #tpu.memory_space<hbm>> -> memref<2x128xi32, #tpu.memory_space<hbm>>
        %dma_start3A_385 = arith.constant 0 : i32
        %dma_start3A_386 = arith.constant 0 : i32
        %dma_start3A_387 = tpu.memref_slice %arg3[%add3A_380, %dma_start3A_385, %dma_start3A_386] : memref<2560x2x128xi32, #tpu.memory_space<hbm>> -> memref<1x2x128xi32, #tpu.memory_space<hbm>>
        %dma_start3A_388 = tpu.memref_squeeze %dma_start3A_387 : memref<1x2x128xi32, #tpu.memory_space<hbm>> -> memref<2x128xi32, #tpu.memory_space<hbm>>
        tpu.enqueue_dma source(%dma_start3A_388 : memref<2x128xi32, #tpu.memory_space<hbm>>) target(%arg12 : memref<2x128xi32, #tpu.memory_space<vmem>>) target_semaphore(%arg23 : memref<!tpu.dma_semaphore, #tpu.memory_space<semaphore_mem>>)
      } else {
      }
      %mul3A_198 = arith.constant 8 : i32
      %mul3A_199 = arith.muli %while3A_93, %mul3A_198 : i32
      %add3A_200 = arith.constant 3 : i32
      %add3A_201 = arith.addi %mul3A_199, %add3A_200 : i32
      %ge3A_202 = arith.constant 2 : i32
      %ge3A_203 = arith.cmpi sge, %add3A_201, %ge3A_202 : i32
      %convert_element_type3A_204 = arith.extui %ge3A_203 : i1 to i32
      %cond3A_205 = arith.constant 0 : i32
      %cond3A_206 = arith.cmpi ne, %convert_element_type3A_204, %cond3A_205 : i32
      scf.if %cond3A_206 {
        %dma_wait3A_378 = arith.constant 1 : i32
        %dma_wait3A_379 = arith.constant 0 : i32
        %dma_wait3A_380 = tpu.memref_slice %arg7[%dma_wait3A_378, %dma_wait3A_379] : memref<2x128xi32, #tpu.memory_space<vmem>> -> memref<1x128xi32, #tpu.memory_space<vmem>>
        %dma_wait3A_381 = tpu.memref_squeeze %dma_wait3A_380 : memref<1x128xi32, #tpu.memory_space<vmem>> -> memref<128xi32, #tpu.memory_space<vmem>>
        %dma_wait3A_382 = arith.constant 0 : i32
        %dma_wait3A_383 = arith.constant 0 : i32
        %dma_wait3A_384 = tpu.memref_slice %arg16[%dma_wait3A_382, %dma_wait3A_383] : memref<10240x128xf32, #tpu.memory_space<vmem_shared>> -> memref<10240x128xf32, #tpu.memory_space<vmem_shared>>
        tpu.wait_indirect_dma semaphore(%arg28 : memref<!tpu.dma_semaphore, #tpu.memory_space<semaphore_mem>>) src(%arg15 : memref<128x128xf32, #tpu.memory_space<vmem>>) dst(%dma_wait3A_384 : memref<10240x128xf32, #tpu.memory_space<vmem_shared>>)
      } else {
      }
      %add3A_207 = arith.addi %select_n3A, %add3A_201 : i32
      %dma_wait3A_208 = arith.constant 0 : i32
      %dma_wait3A_209 = arith.constant 0 : i32
      %dma_wait3A_210 = tpu.memref_slice %arg3[%add3A_207, %dma_wait3A_208, %dma_wait3A_209] : memref<2560x2x128xi32, #tpu.memory_space<hbm>> -> memref<1x2x128xi32, #tpu.memory_space<hbm>>
      %dma_wait3A_211 = tpu.memref_squeeze %dma_wait3A_210 : memref<1x2x128xi32, #tpu.memory_space<hbm>> -> memref<2x128xi32, #tpu.memory_space<hbm>>
      %dma_wait3A_212 = arith.constant 0 : i32
      %dma_wait3A_213 = arith.constant 0 : i32
      %dma_wait3A_214 = tpu.memref_slice %arg3[%add3A_207, %dma_wait3A_212, %dma_wait3A_213] : memref<2560x2x128xi32, #tpu.memory_space<hbm>> -> memref<1x2x128xi32, #tpu.memory_space<hbm>>
      %dma_wait3A_215 = tpu.memref_squeeze %dma_wait3A_214 : memref<1x2x128xi32, #tpu.memory_space<hbm>> -> memref<2x128xi32, #tpu.memory_space<hbm>>
      tpu.wait_dma2 semaphore(%arg20 : memref<!tpu.dma_semaphore, #tpu.memory_space<semaphore_mem>>) src(%dma_wait3A_215 : memref<2x128xi32, #tpu.memory_space<hbm>>) dst(%arg9 : memref<2x128xi32, #tpu.memory_space<vmem>>)
      %dma_start3A_216 = arith.constant 0 : i32
      %dma_start3A_217 = arith.constant 0 : i32
      %dma_start3A_218 = tpu.memref_slice %arg9[%dma_start3A_216, %dma_start3A_217] : memref<2x128xi32, #tpu.memory_space<vmem>> -> memref<1x128xi32, #tpu.memory_space<vmem>>
      %dma_start3A_219 = tpu.memref_squeeze %dma_start3A_218 : memref<1x128xi32, #tpu.memory_space<vmem>> -> memref<128xi32, #tpu.memory_space<vmem>>
      %dma_start3A_220 = arith.constant 0 : i32
      %dma_start3A_221 = arith.constant 0 : i32
      %dma_start3A_222 = tpu.memref_slice %arg2[%dma_start3A_220, %dma_start3A_221] : memref<10240x128xf32, #tpu.memory_space<hbm>> -> memref<10240x128xf32, #tpu.memory_space<hbm>>
      tpu.enqueue_indirect_dma source(%dma_start3A_222 : memref<10240x128xf32, #tpu.memory_space<hbm>>) target(%arg15 : memref<128x128xf32, #tpu.memory_space<vmem>>) offsets(%dma_start3A_219 : memref<128xi32, #tpu.memory_space<vmem>>) semaphore(%arg26 : memref<!tpu.dma_semaphore, #tpu.memory_space<semaphore_mem>>)
      %ge3A_223 = arith.constant 1 : i32
      %ge3A_224 = arith.cmpi sge, %add3A_201, %ge3A_223 : i32
      %convert_element_type3A_225 = arith.extui %ge3A_224 : i1 to i32
      %cond3A_226 = arith.constant 0 : i32
      %cond3A_227 = arith.cmpi ne, %convert_element_type3A_225, %cond3A_226 : i32
      scf.if %cond3A_227 {
        %dma_wait3A_378 = arith.constant 0 : i32
        %dma_wait3A_379 = arith.constant 0 : i32
        %dma_wait3A_380 = tpu.memref_slice %arg8[%dma_wait3A_378, %dma_wait3A_379] : memref<2x128xi32, #tpu.memory_space<vmem>> -> memref<1x128xi32, #tpu.memory_space<vmem>>
        %dma_wait3A_381 = tpu.memref_squeeze %dma_wait3A_380 : memref<1x128xi32, #tpu.memory_space<vmem>> -> memref<128xi32, #tpu.memory_space<vmem>>
        %dma_wait3A_382 = arith.constant 0 : i32
        %dma_wait3A_383 = arith.constant 0 : i32
        %dma_wait3A_384 = tpu.memref_slice %arg2[%dma_wait3A_382, %dma_wait3A_383] : memref<10240x128xf32, #tpu.memory_space<hbm>> -> memref<10240x128xf32, #tpu.memory_space<hbm>>
        tpu.wait_indirect_dma semaphore(%arg25 : memref<!tpu.dma_semaphore, #tpu.memory_space<semaphore_mem>>) src(%dma_wait3A_384 : memref<10240x128xf32, #tpu.memory_space<hbm>>) dst(%arg14 : memref<128x128xf32, #tpu.memory_space<vmem>>)
        %dma_start3A_385 = arith.constant 1 : i32
        %dma_start3A_386 = arith.constant 0 : i32
        %dma_start3A_387 = tpu.memref_slice %arg8[%dma_start3A_385, %dma_start3A_386] : memref<2x128xi32, #tpu.memory_space<vmem>> -> memref<1x128xi32, #tpu.memory_space<vmem>>
        %dma_start3A_388 = tpu.memref_squeeze %dma_start3A_387 : memref<1x128xi32, #tpu.memory_space<vmem>> -> memref<128xi32, #tpu.memory_space<vmem>>
        %dma_start3A_389 = arith.constant 0 : i32
        %dma_start3A_390 = arith.constant 0 : i32
        %dma_start3A_391 = tpu.memref_slice %arg16[%dma_start3A_389, %dma_start3A_390] : memref<10240x128xf32, #tpu.memory_space<vmem_shared>> -> memref<10240x128xf32, #tpu.memory_space<vmem_shared>>
        tpu.enqueue_indirect_dma source(%arg14 : memref<128x128xf32, #tpu.memory_space<vmem>>) target(%dma_start3A_391 : memref<10240x128xf32, #tpu.memory_space<vmem_shared>>) offsets(%dma_start3A_388 : memref<128xi32, #tpu.memory_space<vmem>>) semaphore(%arg27 : memref<!tpu.dma_semaphore, #tpu.memory_space<semaphore_mem>>) {add = true}
      } else {
      }
      %add3A_228 = arith.constant 4 : i32
      %add3A_229 = arith.addi %add3A_201, %add3A_228 : i32
      %lt3A_230 = arith.cmpi slt, %add3A_229, %select_n3A_11 : i32
      %convert_element_type3A_231 = arith.extui %lt3A_230 : i1 to i32
      %cond3A_232 = arith.constant 0 : i32
      %cond3A_233 = arith.cmpi ne, %convert_element_type3A_231, %cond3A_232 : i32
      scf.if %cond3A_233 {
        %add3A_378 = arith.constant 4 : i32
        %add3A_379 = arith.addi %add3A_201, %add3A_378 : i32
        %add3A_380 = arith.addi %select_n3A, %add3A_379 : i32
        %dma_start3A_381 = arith.constant 0 : i32
        %dma_start3A_382 = arith.constant 0 : i32
        %dma_start3A_383 = tpu.memref_slice %arg3[%add3A_380, %dma_start3A_381, %dma_start3A_382] : memref<2560x2x128xi32, #tpu.memory_space<hbm>> -> memref<1x2x128xi32, #tpu.memory_space<hbm>>
        %dma_start3A_384 = tpu.memref_squeeze %dma_start3A_383 : memref<1x2x128xi32, #tpu.memory_space<hbm>> -> memref<2x128xi32, #tpu.memory_space<hbm>>
        %dma_start3A_385 = arith.constant 0 : i32
        %dma_start3A_386 = arith.constant 0 : i32
        %dma_start3A_387 = tpu.memref_slice %arg3[%add3A_380, %dma_start3A_385, %dma_start3A_386] : memref<2560x2x128xi32, #tpu.memory_space<hbm>> -> memref<1x2x128xi32, #tpu.memory_space<hbm>>
        %dma_start3A_388 = tpu.memref_squeeze %dma_start3A_387 : memref<1x2x128xi32, #tpu.memory_space<hbm>> -> memref<2x128xi32, #tpu.memory_space<hbm>>
        tpu.enqueue_dma source(%dma_start3A_388 : memref<2x128xi32, #tpu.memory_space<hbm>>) target(%arg13 : memref<2x128xi32, #tpu.memory_space<vmem>>) target_semaphore(%arg24 : memref<!tpu.dma_semaphore, #tpu.memory_space<semaphore_mem>>)
      } else {
      }
      %mul3A_234 = arith.constant 8 : i32
      %mul3A_235 = arith.muli %while3A_93, %mul3A_234 : i32
      %add3A_236 = arith.constant 4 : i32
      %add3A_237 = arith.addi %mul3A_235, %add3A_236 : i32
      %ge3A_238 = arith.constant 2 : i32
      %ge3A_239 = arith.cmpi sge, %add3A_237, %ge3A_238 : i32
      %convert_element_type3A_240 = arith.extui %ge3A_239 : i1 to i32
      %cond3A_241 = arith.constant 0 : i32
      %cond3A_242 = arith.cmpi ne, %convert_element_type3A_240, %cond3A_241 : i32
      scf.if %cond3A_242 {
        %dma_wait3A_378 = arith.constant 1 : i32
        %dma_wait3A_379 = arith.constant 0 : i32
        %dma_wait3A_380 = tpu.memref_slice %arg8[%dma_wait3A_378, %dma_wait3A_379] : memref<2x128xi32, #tpu.memory_space<vmem>> -> memref<1x128xi32, #tpu.memory_space<vmem>>
        %dma_wait3A_381 = tpu.memref_squeeze %dma_wait3A_380 : memref<1x128xi32, #tpu.memory_space<vmem>> -> memref<128xi32, #tpu.memory_space<vmem>>
        %dma_wait3A_382 = arith.constant 0 : i32
        %dma_wait3A_383 = arith.constant 0 : i32
        %dma_wait3A_384 = tpu.memref_slice %arg16[%dma_wait3A_382, %dma_wait3A_383] : memref<10240x128xf32, #tpu.memory_space<vmem_shared>> -> memref<10240x128xf32, #tpu.memory_space<vmem_shared>>
        tpu.wait_indirect_dma semaphore(%arg27 : memref<!tpu.dma_semaphore, #tpu.memory_space<semaphore_mem>>) src(%arg14 : memref<128x128xf32, #tpu.memory_space<vmem>>) dst(%dma_wait3A_384 : memref<10240x128xf32, #tpu.memory_space<vmem_shared>>)
      } else {
      }
      %add3A_243 = arith.addi %select_n3A, %add3A_237 : i32
      %dma_wait3A_244 = arith.constant 0 : i32
      %dma_wait3A_245 = arith.constant 0 : i32
      %dma_wait3A_246 = tpu.memref_slice %arg3[%add3A_243, %dma_wait3A_244, %dma_wait3A_245] : memref<2560x2x128xi32, #tpu.memory_space<hbm>> -> memref<1x2x128xi32, #tpu.memory_space<hbm>>
      %dma_wait3A_247 = tpu.memref_squeeze %dma_wait3A_246 : memref<1x2x128xi32, #tpu.memory_space<hbm>> -> memref<2x128xi32, #tpu.memory_space<hbm>>
      %dma_wait3A_248 = arith.constant 0 : i32
      %dma_wait3A_249 = arith.constant 0 : i32
      %dma_wait3A_250 = tpu.memref_slice %arg3[%add3A_243, %dma_wait3A_248, %dma_wait3A_249] : memref<2560x2x128xi32, #tpu.memory_space<hbm>> -> memref<1x2x128xi32, #tpu.memory_space<hbm>>
      %dma_wait3A_251 = tpu.memref_squeeze %dma_wait3A_250 : memref<1x2x128xi32, #tpu.memory_space<hbm>> -> memref<2x128xi32, #tpu.memory_space<hbm>>
      tpu.wait_dma2 semaphore(%arg21 : memref<!tpu.dma_semaphore, #tpu.memory_space<semaphore_mem>>) src(%dma_wait3A_251 : memref<2x128xi32, #tpu.memory_space<hbm>>) dst(%arg10 : memref<2x128xi32, #tpu.memory_space<vmem>>)
      %dma_start3A_252 = arith.constant 0 : i32
      %dma_start3A_253 = arith.constant 0 : i32
      %dma_start3A_254 = tpu.memref_slice %arg10[%dma_start3A_252, %dma_start3A_253] : memref<2x128xi32, #tpu.memory_space<vmem>> -> memref<1x128xi32, #tpu.memory_space<vmem>>
      %dma_start3A_255 = tpu.memref_squeeze %dma_start3A_254 : memref<1x128xi32, #tpu.memory_space<vmem>> -> memref<128xi32, #tpu.memory_space<vmem>>
      %dma_start3A_256 = arith.constant 0 : i32
      %dma_start3A_257 = arith.constant 0 : i32
      %dma_start3A_258 = tpu.memref_slice %arg2[%dma_start3A_256, %dma_start3A_257] : memref<10240x128xf32, #tpu.memory_space<hbm>> -> memref<10240x128xf32, #tpu.memory_space<hbm>>
      tpu.enqueue_indirect_dma source(%dma_start3A_258 : memref<10240x128xf32, #tpu.memory_space<hbm>>) target(%arg14 : memref<128x128xf32, #tpu.memory_space<vmem>>) offsets(%dma_start3A_255 : memref<128xi32, #tpu.memory_space<vmem>>) semaphore(%arg25 : memref<!tpu.dma_semaphore, #tpu.memory_space<semaphore_mem>>)
      %ge3A_259 = arith.constant 1 : i32
      %ge3A_260 = arith.cmpi sge, %add3A_237, %ge3A_259 : i32
      %convert_element_type3A_261 = arith.extui %ge3A_260 : i1 to i32
      %cond3A_262 = arith.constant 0 : i32
      %cond3A_263 = arith.cmpi ne, %convert_element_type3A_261, %cond3A_262 : i32
      scf.if %cond3A_263 {
        %dma_wait3A_378 = arith.constant 0 : i32
        %dma_wait3A_379 = arith.constant 0 : i32
        %dma_wait3A_380 = tpu.memref_slice %arg9[%dma_wait3A_378, %dma_wait3A_379] : memref<2x128xi32, #tpu.memory_space<vmem>> -> memref<1x128xi32, #tpu.memory_space<vmem>>
        %dma_wait3A_381 = tpu.memref_squeeze %dma_wait3A_380 : memref<1x128xi32, #tpu.memory_space<vmem>> -> memref<128xi32, #tpu.memory_space<vmem>>
        %dma_wait3A_382 = arith.constant 0 : i32
        %dma_wait3A_383 = arith.constant 0 : i32
        %dma_wait3A_384 = tpu.memref_slice %arg2[%dma_wait3A_382, %dma_wait3A_383] : memref<10240x128xf32, #tpu.memory_space<hbm>> -> memref<10240x128xf32, #tpu.memory_space<hbm>>
        tpu.wait_indirect_dma semaphore(%arg26 : memref<!tpu.dma_semaphore, #tpu.memory_space<semaphore_mem>>) src(%dma_wait3A_384 : memref<10240x128xf32, #tpu.memory_space<hbm>>) dst(%arg15 : memref<128x128xf32, #tpu.memory_space<vmem>>)
        %dma_start3A_385 = arith.constant 1 : i32
        %dma_start3A_386 = arith.constant 0 : i32
        %dma_start3A_387 = tpu.memref_slice %arg9[%dma_start3A_385, %dma_start3A_386] : memref<2x128xi32, #tpu.memory_space<vmem>> -> memref<1x128xi32, #tpu.memory_space<vmem>>
        %dma_start3A_388 = tpu.memref_squeeze %dma_start3A_387 : memref<1x128xi32, #tpu.memory_space<vmem>> -> memref<128xi32, #tpu.memory_space<vmem>>
        %dma_start3A_389 = arith.constant 0 : i32
        %dma_start3A_390 = arith.constant 0 : i32
        %dma_start3A_391 = tpu.memref_slice %arg16[%dma_start3A_389, %dma_start3A_390] : memref<10240x128xf32, #tpu.memory_space<vmem_shared>> -> memref<10240x128xf32, #tpu.memory_space<vmem_shared>>
        tpu.enqueue_indirect_dma source(%arg15 : memref<128x128xf32, #tpu.memory_space<vmem>>) target(%dma_start3A_391 : memref<10240x128xf32, #tpu.memory_space<vmem_shared>>) offsets(%dma_start3A_388 : memref<128xi32, #tpu.memory_space<vmem>>) semaphore(%arg28 : memref<!tpu.dma_semaphore, #tpu.memory_space<semaphore_mem>>) {add = true}
      } else {
      }
      %add3A_264 = arith.constant 4 : i32
      %add3A_265 = arith.addi %add3A_237, %add3A_264 : i32
      %lt3A_266 = arith.cmpi slt, %add3A_265, %select_n3A_11 : i32
      %convert_element_type3A_267 = arith.extui %lt3A_266 : i1 to i32
      %cond3A_268 = arith.constant 0 : i32
      %cond3A_269 = arith.cmpi ne, %convert_element_type3A_267, %cond3A_268 : i32
      scf.if %cond3A_269 {
        %add3A_378 = arith.constant 4 : i32
        %add3A_379 = arith.addi %add3A_237, %add3A_378 : i32
        %add3A_380 = arith.addi %select_n3A, %add3A_379 : i32
        %dma_start3A_381 = arith.constant 0 : i32
        %dma_start3A_382 = arith.constant 0 : i32
        %dma_start3A_383 = tpu.memref_slice %arg3[%add3A_380, %dma_start3A_381, %dma_start3A_382] : memref<2560x2x128xi32, #tpu.memory_space<hbm>> -> memref<1x2x128xi32, #tpu.memory_space<hbm>>
        %dma_start3A_384 = tpu.memref_squeeze %dma_start3A_383 : memref<1x2x128xi32, #tpu.memory_space<hbm>> -> memref<2x128xi32, #tpu.memory_space<hbm>>
        %dma_start3A_385 = arith.constant 0 : i32
        %dma_start3A_386 = arith.constant 0 : i32
        %dma_start3A_387 = tpu.memref_slice %arg3[%add3A_380, %dma_start3A_385, %dma_start3A_386] : memref<2560x2x128xi32, #tpu.memory_space<hbm>> -> memref<1x2x128xi32, #tpu.memory_space<hbm>>
        %dma_start3A_388 = tpu.memref_squeeze %dma_start3A_387 : memref<1x2x128xi32, #tpu.memory_space<hbm>> -> memref<2x128xi32, #tpu.memory_space<hbm>>
        tpu.enqueue_dma source(%dma_start3A_388 : memref<2x128xi32, #tpu.memory_space<hbm>>) target(%arg6 : memref<2x128xi32, #tpu.memory_space<vmem>>) target_semaphore(%arg17 : memref<!tpu.dma_semaphore, #tpu.memory_space<semaphore_mem>>)
      } else {
      }
      %mul3A_270 = arith.constant 8 : i32
      %mul3A_271 = arith.muli %while3A_93, %mul3A_270 : i32
      %add3A_272 = arith.constant 5 : i32
      %add3A_273 = arith.addi %mul3A_271, %add3A_272 : i32
      %ge3A_274 = arith.constant 2 : i32
      %ge3A_275 = arith.cmpi sge, %add3A_273, %ge3A_274 : i32
      %convert_element_type3A_276 = arith.extui %ge3A_275 : i1 to i32
      %cond3A_277 = arith.constant 0 : i32
      %cond3A_278 = arith.cmpi ne, %convert_element_type3A_276, %cond3A_277 : i32
      scf.if %cond3A_278 {
        %dma_wait3A_378 = arith.constant 1 : i32
        %dma_wait3A_379 = arith.constant 0 : i32
        %dma_wait3A_380 = tpu.memref_slice %arg9[%dma_wait3A_378, %dma_wait3A_379] : memref<2x128xi32, #tpu.memory_space<vmem>> -> memref<1x128xi32, #tpu.memory_space<vmem>>
        %dma_wait3A_381 = tpu.memref_squeeze %dma_wait3A_380 : memref<1x128xi32, #tpu.memory_space<vmem>> -> memref<128xi32, #tpu.memory_space<vmem>>
        %dma_wait3A_382 = arith.constant 0 : i32
        %dma_wait3A_383 = arith.constant 0 : i32
        %dma_wait3A_384 = tpu.memref_slice %arg16[%dma_wait3A_382, %dma_wait3A_383] : memref<10240x128xf32, #tpu.memory_space<vmem_shared>> -> memref<10240x128xf32, #tpu.memory_space<vmem_shared>>
        tpu.wait_indirect_dma semaphore(%arg28 : memref<!tpu.dma_semaphore, #tpu.memory_space<semaphore_mem>>) src(%arg15 : memref<128x128xf32, #tpu.memory_space<vmem>>) dst(%dma_wait3A_384 : memref<10240x128xf32, #tpu.memory_space<vmem_shared>>)
      } else {
      }
      %add3A_279 = arith.addi %select_n3A, %add3A_273 : i32
      %dma_wait3A_280 = arith.constant 0 : i32
      %dma_wait3A_281 = arith.constant 0 : i32
      %dma_wait3A_282 = tpu.memref_slice %arg3[%add3A_279, %dma_wait3A_280, %dma_wait3A_281] : memref<2560x2x128xi32, #tpu.memory_space<hbm>> -> memref<1x2x128xi32, #tpu.memory_space<hbm>>
      %dma_wait3A_283 = tpu.memref_squeeze %dma_wait3A_282 : memref<1x2x128xi32, #tpu.memory_space<hbm>> -> memref<2x128xi32, #tpu.memory_space<hbm>>
      %dma_wait3A_284 = arith.constant 0 : i32
      %dma_wait3A_285 = arith.constant 0 : i32
      %dma_wait3A_286 = tpu.memref_slice %arg3[%add3A_279, %dma_wait3A_284, %dma_wait3A_285] : memref<2560x2x128xi32, #tpu.memory_space<hbm>> -> memref<1x2x128xi32, #tpu.memory_space<hbm>>
      %dma_wait3A_287 = tpu.memref_squeeze %dma_wait3A_286 : memref<1x2x128xi32, #tpu.memory_space<hbm>> -> memref<2x128xi32, #tpu.memory_space<hbm>>
      tpu.wait_dma2 semaphore(%arg22 : memref<!tpu.dma_semaphore, #tpu.memory_space<semaphore_mem>>) src(%dma_wait3A_287 : memref<2x128xi32, #tpu.memory_space<hbm>>) dst(%arg11 : memref<2x128xi32, #tpu.memory_space<vmem>>)
      %dma_start3A_288 = arith.constant 0 : i32
      %dma_start3A_289 = arith.constant 0 : i32
      %dma_start3A_290 = tpu.memref_slice %arg11[%dma_start3A_288, %dma_start3A_289] : memref<2x128xi32, #tpu.memory_space<vmem>> -> memref<1x128xi32, #tpu.memory_space<vmem>>
      %dma_start3A_291 = tpu.memref_squeeze %dma_start3A_290 : memref<1x128xi32, #tpu.memory_space<vmem>> -> memref<128xi32, #tpu.memory_space<vmem>>
      %dma_start3A_292 = arith.constant 0 : i32
      %dma_start3A_293 = arith.constant 0 : i32
      %dma_start3A_294 = tpu.memref_slice %arg2[%dma_start3A_292, %dma_start3A_293] : memref<10240x128xf32, #tpu.memory_space<hbm>> -> memref<10240x128xf32, #tpu.memory_space<hbm>>
      tpu.enqueue_indirect_dma source(%dma_start3A_294 : memref<10240x128xf32, #tpu.memory_space<hbm>>) target(%arg15 : memref<128x128xf32, #tpu.memory_space<vmem>>) offsets(%dma_start3A_291 : memref<128xi32, #tpu.memory_space<vmem>>) semaphore(%arg26 : memref<!tpu.dma_semaphore, #tpu.memory_space<semaphore_mem>>)
      %ge3A_295 = arith.constant 1 : i32
      %ge3A_296 = arith.cmpi sge, %add3A_273, %ge3A_295 : i32
      %convert_element_type3A_297 = arith.extui %ge3A_296 : i1 to i32
      %cond3A_298 = arith.constant 0 : i32
      %cond3A_299 = arith.cmpi ne, %convert_element_type3A_297, %cond3A_298 : i32
      scf.if %cond3A_299 {
        %dma_wait3A_378 = arith.constant 0 : i32
        %dma_wait3A_379 = arith.constant 0 : i32
        %dma_wait3A_380 = tpu.memref_slice %arg10[%dma_wait3A_378, %dma_wait3A_379] : memref<2x128xi32, #tpu.memory_space<vmem>> -> memref<1x128xi32, #tpu.memory_space<vmem>>
        %dma_wait3A_381 = tpu.memref_squeeze %dma_wait3A_380 : memref<1x128xi32, #tpu.memory_space<vmem>> -> memref<128xi32, #tpu.memory_space<vmem>>
        %dma_wait3A_382 = arith.constant 0 : i32
        %dma_wait3A_383 = arith.constant 0 : i32
        %dma_wait3A_384 = tpu.memref_slice %arg2[%dma_wait3A_382, %dma_wait3A_383] : memref<10240x128xf32, #tpu.memory_space<hbm>> -> memref<10240x128xf32, #tpu.memory_space<hbm>>
        tpu.wait_indirect_dma semaphore(%arg25 : memref<!tpu.dma_semaphore, #tpu.memory_space<semaphore_mem>>) src(%dma_wait3A_384 : memref<10240x128xf32, #tpu.memory_space<hbm>>) dst(%arg14 : memref<128x128xf32, #tpu.memory_space<vmem>>)
        %dma_start3A_385 = arith.constant 1 : i32
        %dma_start3A_386 = arith.constant 0 : i32
        %dma_start3A_387 = tpu.memref_slice %arg10[%dma_start3A_385, %dma_start3A_386] : memref<2x128xi32, #tpu.memory_space<vmem>> -> memref<1x128xi32, #tpu.memory_space<vmem>>
        %dma_start3A_388 = tpu.memref_squeeze %dma_start3A_387 : memref<1x128xi32, #tpu.memory_space<vmem>> -> memref<128xi32, #tpu.memory_space<vmem>>
        %dma_start3A_389 = arith.constant 0 : i32
        %dma_start3A_390 = arith.constant 0 : i32
        %dma_start3A_391 = tpu.memref_slice %arg16[%dma_start3A_389, %dma_start3A_390] : memref<10240x128xf32, #tpu.memory_space<vmem_shared>> -> memref<10240x128xf32, #tpu.memory_space<vmem_shared>>
        tpu.enqueue_indirect_dma source(%arg14 : memref<128x128xf32, #tpu.memory_space<vmem>>) target(%dma_start3A_391 : memref<10240x128xf32, #tpu.memory_space<vmem_shared>>) offsets(%dma_start3A_388 : memref<128xi32, #tpu.memory_space<vmem>>) semaphore(%arg27 : memref<!tpu.dma_semaphore, #tpu.memory_space<semaphore_mem>>) {add = true}
      } else {
      }
      %add3A_300 = arith.constant 4 : i32
      %add3A_301 = arith.addi %add3A_273, %add3A_300 : i32
      %lt3A_302 = arith.cmpi slt, %add3A_301, %select_n3A_11 : i32
      %convert_element_type3A_303 = arith.extui %lt3A_302 : i1 to i32
      %cond3A_304 = arith.constant 0 : i32
      %cond3A_305 = arith.cmpi ne, %convert_element_type3A_303, %cond3A_304 : i32
      scf.if %cond3A_305 {
        %add3A_378 = arith.constant 4 : i32
        %add3A_379 = arith.addi %add3A_273, %add3A_378 : i32
        %add3A_380 = arith.addi %select_n3A, %add3A_379 : i32
        %dma_start3A_381 = arith.constant 0 : i32
        %dma_start3A_382 = arith.constant 0 : i32
        %dma_start3A_383 = tpu.memref_slice %arg3[%add3A_380, %dma_start3A_381, %dma_start3A_382] : memref<2560x2x128xi32, #tpu.memory_space<hbm>> -> memref<1x2x128xi32, #tpu.memory_space<hbm>>
        %dma_start3A_384 = tpu.memref_squeeze %dma_start3A_383 : memref<1x2x128xi32, #tpu.memory_space<hbm>> -> memref<2x128xi32, #tpu.memory_space<hbm>>
        %dma_start3A_385 = arith.constant 0 : i32
        %dma_start3A_386 = arith.constant 0 : i32
        %dma_start3A_387 = tpu.memref_slice %arg3[%add3A_380, %dma_start3A_385, %dma_start3A_386] : memref<2560x2x128xi32, #tpu.memory_space<hbm>> -> memref<1x2x128xi32, #tpu.memory_space<hbm>>
        %dma_start3A_388 = tpu.memref_squeeze %dma_start3A_387 : memref<1x2x128xi32, #tpu.memory_space<hbm>> -> memref<2x128xi32, #tpu.memory_space<hbm>>
        tpu.enqueue_dma source(%dma_start3A_388 : memref<2x128xi32, #tpu.memory_space<hbm>>) target(%arg7 : memref<2x128xi32, #tpu.memory_space<vmem>>) target_semaphore(%arg18 : memref<!tpu.dma_semaphore, #tpu.memory_space<semaphore_mem>>)
      } else {
      }
      %mul3A_306 = arith.constant 8 : i32
      %mul3A_307 = arith.muli %while3A_93, %mul3A_306 : i32
      %add3A_308 = arith.constant 6 : i32
      %add3A_309 = arith.addi %mul3A_307, %add3A_308 : i32
      %ge3A_310 = arith.constant 2 : i32
      %ge3A_311 = arith.cmpi sge, %add3A_309, %ge3A_310 : i32
      %convert_element_type3A_312 = arith.extui %ge3A_311 : i1 to i32
      %cond3A_313 = arith.constant 0 : i32
      %cond3A_314 = arith.cmpi ne, %convert_element_type3A_312, %cond3A_313 : i32
      scf.if %cond3A_314 {
        %dma_wait3A_378 = arith.constant 1 : i32
        %dma_wait3A_379 = arith.constant 0 : i32
        %dma_wait3A_380 = tpu.memref_slice %arg10[%dma_wait3A_378, %dma_wait3A_379] : memref<2x128xi32, #tpu.memory_space<vmem>> -> memref<1x128xi32, #tpu.memory_space<vmem>>
        %dma_wait3A_381 = tpu.memref_squeeze %dma_wait3A_380 : memref<1x128xi32, #tpu.memory_space<vmem>> -> memref<128xi32, #tpu.memory_space<vmem>>
        %dma_wait3A_382 = arith.constant 0 : i32
        %dma_wait3A_383 = arith.constant 0 : i32
        %dma_wait3A_384 = tpu.memref_slice %arg16[%dma_wait3A_382, %dma_wait3A_383] : memref<10240x128xf32, #tpu.memory_space<vmem_shared>> -> memref<10240x128xf32, #tpu.memory_space<vmem_shared>>
        tpu.wait_indirect_dma semaphore(%arg27 : memref<!tpu.dma_semaphore, #tpu.memory_space<semaphore_mem>>) src(%arg14 : memref<128x128xf32, #tpu.memory_space<vmem>>) dst(%dma_wait3A_384 : memref<10240x128xf32, #tpu.memory_space<vmem_shared>>)
      } else {
      }
      %add3A_315 = arith.addi %select_n3A, %add3A_309 : i32
      %dma_wait3A_316 = arith.constant 0 : i32
      %dma_wait3A_317 = arith.constant 0 : i32
      %dma_wait3A_318 = tpu.memref_slice %arg3[%add3A_315, %dma_wait3A_316, %dma_wait3A_317] : memref<2560x2x128xi32, #tpu.memory_space<hbm>> -> memref<1x2x128xi32, #tpu.memory_space<hbm>>
      %dma_wait3A_319 = tpu.memref_squeeze %dma_wait3A_318 : memref<1x2x128xi32, #tpu.memory_space<hbm>> -> memref<2x128xi32, #tpu.memory_space<hbm>>
      %dma_wait3A_320 = arith.constant 0 : i32
      %dma_wait3A_321 = arith.constant 0 : i32
      %dma_wait3A_322 = tpu.memref_slice %arg3[%add3A_315, %dma_wait3A_320, %dma_wait3A_321] : memref<2560x2x128xi32, #tpu.memory_space<hbm>> -> memref<1x2x128xi32, #tpu.memory_space<hbm>>
      %dma_wait3A_323 = tpu.memref_squeeze %dma_wait3A_322 : memref<1x2x128xi32, #tpu.memory_space<hbm>> -> memref<2x128xi32, #tpu.memory_space<hbm>>
      tpu.wait_dma2 semaphore(%arg23 : memref<!tpu.dma_semaphore, #tpu.memory_space<semaphore_mem>>) src(%dma_wait3A_323 : memref<2x128xi32, #tpu.memory_space<hbm>>) dst(%arg12 : memref<2x128xi32, #tpu.memory_space<vmem>>)
      %dma_start3A_324 = arith.constant 0 : i32
      %dma_start3A_325 = arith.constant 0 : i32
      %dma_start3A_326 = tpu.memref_slice %arg12[%dma_start3A_324, %dma_start3A_325] : memref<2x128xi32, #tpu.memory_space<vmem>> -> memref<1x128xi32, #tpu.memory_space<vmem>>
      %dma_start3A_327 = tpu.memref_squeeze %dma_start3A_326 : memref<1x128xi32, #tpu.memory_space<vmem>> -> memref<128xi32, #tpu.memory_space<vmem>>
      %dma_start3A_328 = arith.constant 0 : i32
      %dma_start3A_329 = arith.constant 0 : i32
      %dma_start3A_330 = tpu.memref_slice %arg2[%dma_start3A_328, %dma_start3A_329] : memref<10240x128xf32, #tpu.memory_space<hbm>> -> memref<10240x128xf32, #tpu.memory_space<hbm>>
      tpu.enqueue_indirect_dma source(%dma_start3A_330 : memref<10240x128xf32, #tpu.memory_space<hbm>>) target(%arg14 : memref<128x128xf32, #tpu.memory_space<vmem>>) offsets(%dma_start3A_327 : memref<128xi32, #tpu.memory_space<vmem>>) semaphore(%arg25 : memref<!tpu.dma_semaphore, #tpu.memory_space<semaphore_mem>>)
      %ge3A_331 = arith.constant 1 : i32
      %ge3A_332 = arith.cmpi sge, %add3A_309, %ge3A_331 : i32
      %convert_element_type3A_333 = arith.extui %ge3A_332 : i1 to i32
      %cond3A_334 = arith.constant 0 : i32
      %cond3A_335 = arith.cmpi ne, %convert_element_type3A_333, %cond3A_334 : i32
      scf.if %cond3A_335 {
        %dma_wait3A_378 = arith.constant 0 : i32
        %dma_wait3A_379 = arith.constant 0 : i32
        %dma_wait3A_380 = tpu.memref_slice %arg11[%dma_wait3A_378, %dma_wait3A_379] : memref<2x128xi32, #tpu.memory_space<vmem>> -> memref<1x128xi32, #tpu.memory_space<vmem>>
        %dma_wait3A_381 = tpu.memref_squeeze %dma_wait3A_380 : memref<1x128xi32, #tpu.memory_space<vmem>> -> memref<128xi32, #tpu.memory_space<vmem>>
        %dma_wait3A_382 = arith.constant 0 : i32
        %dma_wait3A_383 = arith.constant 0 : i32
        %dma_wait3A_384 = tpu.memref_slice %arg2[%dma_wait3A_382, %dma_wait3A_383] : memref<10240x128xf32, #tpu.memory_space<hbm>> -> memref<10240x128xf32, #tpu.memory_space<hbm>>
        tpu.wait_indirect_dma semaphore(%arg26 : memref<!tpu.dma_semaphore, #tpu.memory_space<semaphore_mem>>) src(%dma_wait3A_384 : memref<10240x128xf32, #tpu.memory_space<hbm>>) dst(%arg15 : memref<128x128xf32, #tpu.memory_space<vmem>>)
        %dma_start3A_385 = arith.constant 1 : i32
        %dma_start3A_386 = arith.constant 0 : i32
        %dma_start3A_387 = tpu.memref_slice %arg11[%dma_start3A_385, %dma_start3A_386] : memref<2x128xi32, #tpu.memory_space<vmem>> -> memref<1x128xi32, #tpu.memory_space<vmem>>
        %dma_start3A_388 = tpu.memref_squeeze %dma_start3A_387 : memref<1x128xi32, #tpu.memory_space<vmem>> -> memref<128xi32, #tpu.memory_space<vmem>>
        %dma_start3A_389 = arith.constant 0 : i32
        %dma_start3A_390 = arith.constant 0 : i32
        %dma_start3A_391 = tpu.memref_slice %arg16[%dma_start3A_389, %dma_start3A_390] : memref<10240x128xf32, #tpu.memory_space<vmem_shared>> -> memref<10240x128xf32, #tpu.memory_space<vmem_shared>>
        tpu.enqueue_indirect_dma source(%arg15 : memref<128x128xf32, #tpu.memory_space<vmem>>) target(%dma_start3A_391 : memref<10240x128xf32, #tpu.memory_space<vmem_shared>>) offsets(%dma_start3A_388 : memref<128xi32, #tpu.memory_space<vmem>>) semaphore(%arg28 : memref<!tpu.dma_semaphore, #tpu.memory_space<semaphore_mem>>) {add = true}
      } else {
      }
      %add3A_336 = arith.constant 4 : i32
      %add3A_337 = arith.addi %add3A_309, %add3A_336 : i32
      %lt3A_338 = arith.cmpi slt, %add3A_337, %select_n3A_11 : i32
      %convert_element_type3A_339 = arith.extui %lt3A_338 : i1 to i32
      %cond3A_340 = arith.constant 0 : i32
      %cond3A_341 = arith.cmpi ne, %convert_element_type3A_339, %cond3A_340 : i32
      scf.if %cond3A_341 {
        %add3A_378 = arith.constant 4 : i32
        %add3A_379 = arith.addi %add3A_309, %add3A_378 : i32
        %add3A_380 = arith.addi %select_n3A, %add3A_379 : i32
        %dma_start3A_381 = arith.constant 0 : i32
        %dma_start3A_382 = arith.constant 0 : i32
        %dma_start3A_383 = tpu.memref_slice %arg3[%add3A_380, %dma_start3A_381, %dma_start3A_382] : memref<2560x2x128xi32, #tpu.memory_space<hbm>> -> memref<1x2x128xi32, #tpu.memory_space<hbm>>
        %dma_start3A_384 = tpu.memref_squeeze %dma_start3A_383 : memref<1x2x128xi32, #tpu.memory_space<hbm>> -> memref<2x128xi32, #tpu.memory_space<hbm>>
        %dma_start3A_385 = arith.constant 0 : i32
        %dma_start3A_386 = arith.constant 0 : i32
        %dma_start3A_387 = tpu.memref_slice %arg3[%add3A_380, %dma_start3A_385, %dma_start3A_386] : memref<2560x2x128xi32, #tpu.memory_space<hbm>> -> memref<1x2x128xi32, #tpu.memory_space<hbm>>
        %dma_start3A_388 = tpu.memref_squeeze %dma_start3A_387 : memref<1x2x128xi32, #tpu.memory_space<hbm>> -> memref<2x128xi32, #tpu.memory_space<hbm>>
        tpu.enqueue_dma source(%dma_start3A_388 : memref<2x128xi32, #tpu.memory_space<hbm>>) target(%arg8 : memref<2x128xi32, #tpu.memory_space<vmem>>) target_semaphore(%arg19 : memref<!tpu.dma_semaphore, #tpu.memory_space<semaphore_mem>>)
      } else {
      }
      %mul3A_342 = arith.constant 8 : i32
      %mul3A_343 = arith.muli %while3A_93, %mul3A_342 : i32
      %add3A_344 = arith.constant 7 : i32
      %add3A_345 = arith.addi %mul3A_343, %add3A_344 : i32
      %ge3A_346 = arith.constant 2 : i32
      %ge3A_347 = arith.cmpi sge, %add3A_345, %ge3A_346 : i32
      %convert_element_type3A_348 = arith.extui %ge3A_347 : i1 to i32
      %cond3A_349 = arith.constant 0 : i32
      %cond3A_350 = arith.cmpi ne, %convert_element_type3A_348, %cond3A_349 : i32
      scf.if %cond3A_350 {
        %dma_wait3A_378 = arith.constant 1 : i32
        %dma_wait3A_379 = arith.constant 0 : i32
        %dma_wait3A_380 = tpu.memref_slice %arg11[%dma_wait3A_378, %dma_wait3A_379] : memref<2x128xi32, #tpu.memory_space<vmem>> -> memref<1x128xi32, #tpu.memory_space<vmem>>
        %dma_wait3A_381 = tpu.memref_squeeze %dma_wait3A_380 : memref<1x128xi32, #tpu.memory_space<vmem>> -> memref<128xi32, #tpu.memory_space<vmem>>
        %dma_wait3A_382 = arith.constant 0 : i32
        %dma_wait3A_383 = arith.constant 0 : i32
        %dma_wait3A_384 = tpu.memref_slice %arg16[%dma_wait3A_382, %dma_wait3A_383] : memref<10240x128xf32, #tpu.memory_space<vmem_shared>> -> memref<10240x128xf32, #tpu.memory_space<vmem_shared>>
        tpu.wait_indirect_dma semaphore(%arg28 : memref<!tpu.dma_semaphore, #tpu.memory_space<semaphore_mem>>) src(%arg15 : memref<128x128xf32, #tpu.memory_space<vmem>>) dst(%dma_wait3A_384 : memref<10240x128xf32, #tpu.memory_space<vmem_shared>>)
      } else {
      }
      %add3A_351 = arith.addi %select_n3A, %add3A_345 : i32
      %dma_wait3A_352 = arith.constant 0 : i32
      %dma_wait3A_353 = arith.constant 0 : i32
      %dma_wait3A_354 = tpu.memref_slice %arg3[%add3A_351, %dma_wait3A_352, %dma_wait3A_353] : memref<2560x2x128xi32, #tpu.memory_space<hbm>> -> memref<1x2x128xi32, #tpu.memory_space<hbm>>
      %dma_wait3A_355 = tpu.memref_squeeze %dma_wait3A_354 : memref<1x2x128xi32, #tpu.memory_space<hbm>> -> memref<2x128xi32, #tpu.memory_space<hbm>>
      %dma_wait3A_356 = arith.constant 0 : i32
      %dma_wait3A_357 = arith.constant 0 : i32
      %dma_wait3A_358 = tpu.memref_slice %arg3[%add3A_351, %dma_wait3A_356, %dma_wait3A_357] : memref<2560x2x128xi32, #tpu.memory_space<hbm>> -> memref<1x2x128xi32, #tpu.memory_space<hbm>>
      %dma_wait3A_359 = tpu.memref_squeeze %dma_wait3A_358 : memref<1x2x128xi32, #tpu.memory_space<hbm>> -> memref<2x128xi32, #tpu.memory_space<hbm>>
      tpu.wait_dma2 semaphore(%arg24 : memref<!tpu.dma_semaphore, #tpu.memory_space<semaphore_mem>>) src(%dma_wait3A_359 : memref<2x128xi32, #tpu.memory_space<hbm>>) dst(%arg13 : memref<2x128xi32, #tpu.memory_space<vmem>>)
      %dma_start3A_360 = arith.constant 0 : i32
      %dma_start3A_361 = arith.constant 0 : i32
      %dma_start3A_362 = tpu.memref_slice %arg13[%dma_start3A_360, %dma_start3A_361] : memref<2x128xi32, #tpu.memory_space<vmem>> -> memref<1x128xi32, #tpu.memory_space<vmem>>
      %dma_start3A_363 = tpu.memref_squeeze %dma_start3A_362 : memref<1x128xi32, #tpu.memory_space<vmem>> -> memref<128xi32, #tpu.memory_space<vmem>>
      %dma_start3A_364 = arith.constant 0 : i32
      %dma_start3A_365 = arith.constant 0 : i32
      %dma_start3A_366 = tpu.memref_slice %arg2[%dma_start3A_364, %dma_start3A_365] : memref<10240x128xf32, #tpu.memory_space<hbm>> -> memref<10240x128xf32, #tpu.memory_space<hbm>>
      tpu.enqueue_indirect_dma source(%dma_start3A_366 : memref<10240x128xf32, #tpu.memory_space<hbm>>) target(%arg15 : memref<128x128xf32, #tpu.memory_space<vmem>>) offsets(%dma_start3A_363 : memref<128xi32, #tpu.memory_space<vmem>>) semaphore(%arg26 : memref<!tpu.dma_semaphore, #tpu.memory_space<semaphore_mem>>)
      %ge3A_367 = arith.constant 1 : i32
      %ge3A_368 = arith.cmpi sge, %add3A_345, %ge3A_367 : i32
      %convert_element_type3A_369 = arith.extui %ge3A_368 : i1 to i32
      %cond3A_370 = arith.constant 0 : i32
      %cond3A_371 = arith.cmpi ne, %convert_element_type3A_369, %cond3A_370 : i32
      scf.if %cond3A_371 {
        %dma_wait3A_378 = arith.constant 0 : i32
        %dma_wait3A_379 = arith.constant 0 : i32
        %dma_wait3A_380 = tpu.memref_slice %arg12[%dma_wait3A_378, %dma_wait3A_379] : memref<2x128xi32, #tpu.memory_space<vmem>> -> memref<1x128xi32, #tpu.memory_space<vmem>>
        %dma_wait3A_381 = tpu.memref_squeeze %dma_wait3A_380 : memref<1x128xi32, #tpu.memory_space<vmem>> -> memref<128xi32, #tpu.memory_space<vmem>>
        %dma_wait3A_382 = arith.constant 0 : i32
        %dma_wait3A_383 = arith.constant 0 : i32
        %dma_wait3A_384 = tpu.memref_slice %arg2[%dma_wait3A_382, %dma_wait3A_383] : memref<10240x128xf32, #tpu.memory_space<hbm>> -> memref<10240x128xf32, #tpu.memory_space<hbm>>
        tpu.wait_indirect_dma semaphore(%arg25 : memref<!tpu.dma_semaphore, #tpu.memory_space<semaphore_mem>>) src(%dma_wait3A_384 : memref<10240x128xf32, #tpu.memory_space<hbm>>) dst(%arg14 : memref<128x128xf32, #tpu.memory_space<vmem>>)
        %dma_start3A_385 = arith.constant 1 : i32
        %dma_start3A_386 = arith.constant 0 : i32
        %dma_start3A_387 = tpu.memref_slice %arg12[%dma_start3A_385, %dma_start3A_386] : memref<2x128xi32, #tpu.memory_space<vmem>> -> memref<1x128xi32, #tpu.memory_space<vmem>>
        %dma_start3A_388 = tpu.memref_squeeze %dma_start3A_387 : memref<1x128xi32, #tpu.memory_space<vmem>> -> memref<128xi32, #tpu.memory_space<vmem>>
        %dma_start3A_389 = arith.constant 0 : i32
        %dma_start3A_390 = arith.constant 0 : i32
        %dma_start3A_391 = tpu.memref_slice %arg16[%dma_start3A_389, %dma_start3A_390] : memref<10240x128xf32, #tpu.memory_space<vmem_shared>> -> memref<10240x128xf32, #tpu.memory_space<vmem_shared>>
        tpu.enqueue_indirect_dma source(%arg14 : memref<128x128xf32, #tpu.memory_space<vmem>>) target(%dma_start3A_391 : memref<10240x128xf32, #tpu.memory_space<vmem_shared>>) offsets(%dma_start3A_388 : memref<128xi32, #tpu.memory_space<vmem>>) semaphore(%arg27 : memref<!tpu.dma_semaphore, #tpu.memory_space<semaphore_mem>>) {add = true}
      } else {
      }
      %add3A_372 = arith.constant 4 : i32
      %add3A_373 = arith.addi %add3A_345, %add3A_372 : i32
      %lt3A_374 = arith.cmpi slt, %add3A_373, %select_n3A_11 : i32
      %convert_element_type3A_375 = arith.extui %lt3A_374 : i1 to i32
      %cond3A_376 = arith.constant 0 : i32
      %cond3A_377 = arith.cmpi ne, %convert_element_type3A_375, %cond3A_376 : i32
      scf.if %cond3A_377 {
        %add3A_378 = arith.constant 4 : i32
        %add3A_379 = arith.addi %add3A_345, %add3A_378 : i32
        %add3A_380 = arith.addi %select_n3A, %add3A_379 : i32
        %dma_start3A_381 = arith.constant 0 : i32
        %dma_start3A_382 = arith.constant 0 : i32
        %dma_start3A_383 = tpu.memref_slice %arg3[%add3A_380, %dma_start3A_381, %dma_start3A_382] : memref<2560x2x128xi32, #tpu.memory_space<hbm>> -> memref<1x2x128xi32, #tpu.memory_space<hbm>>
        %dma_start3A_384 = tpu.memref_squeeze %dma_start3A_383 : memref<1x2x128xi32, #tpu.memory_space<hbm>> -> memref<2x128xi32, #tpu.memory_space<hbm>>
        %dma_start3A_385 = arith.constant 0 : i32
        %dma_start3A_386 = arith.constant 0 : i32
        %dma_start3A_387 = tpu.memref_slice %arg3[%add3A_380, %dma_start3A_385, %dma_start3A_386] : memref<2560x2x128xi32, #tpu.memory_space<hbm>> -> memref<1x2x128xi32, #tpu.memory_space<hbm>>
        %dma_start3A_388 = tpu.memref_squeeze %dma_start3A_387 : memref<1x2x128xi32, #tpu.memory_space<hbm>> -> memref<2x128xi32, #tpu.memory_space<hbm>>
        tpu.enqueue_dma source(%dma_start3A_388 : memref<2x128xi32, #tpu.memory_space<hbm>>) target(%arg9 : memref<2x128xi32, #tpu.memory_space<vmem>>) target_semaphore(%arg20 : memref<!tpu.dma_semaphore, #tpu.memory_space<semaphore_mem>>)
      } else {
      }
    }
    %while3A_64 = arith.constant 1 : i32
    scf.for %while3A_93 = %while3A_62 to %while3A_58 step %while3A_64  : i32 {
      %mul3A_94 = arith.constant 8 : i32
      %mul3A_95 = arith.muli %while3A_93, %mul3A_94 : i32
      %add3A_96 = arith.constant 0 : i32
      %add3A_97 = arith.addi %mul3A_95, %add3A_96 : i32
      %ge3A = arith.constant 2 : i32
      %ge3A_98 = arith.cmpi sge, %add3A_97, %ge3A : i32
      %convert_element_type3A = arith.extui %ge3A_98 : i1 to i32
      %cond3A = arith.constant 0 : i32
      %cond3A_99 = arith.cmpi ne, %convert_element_type3A, %cond3A : i32
      scf.if %cond3A_99 {
        %dma_wait3A_378 = arith.constant 1 : i32
        %dma_wait3A_379 = arith.constant 0 : i32
        %dma_wait3A_380 = tpu.memref_slice %arg12[%dma_wait3A_378, %dma_wait3A_379] : memref<2x128xi32, #tpu.memory_space<vmem>> -> memref<1x128xi32, #tpu.memory_space<vmem>>
        %dma_wait3A_381 = tpu.memref_squeeze %dma_wait3A_380 : memref<1x128xi32, #tpu.memory_space<vmem>> -> memref<128xi32, #tpu.memory_space<vmem>>
        %dma_wait3A_382 = arith.constant 0 : i32
        %dma_wait3A_383 = arith.constant 0 : i32
        %dma_wait3A_384 = tpu.memref_slice %arg16[%dma_wait3A_382, %dma_wait3A_383] : memref<10240x128xf32, #tpu.memory_space<vmem_shared>> -> memref<10240x128xf32, #tpu.memory_space<vmem_shared>>
        tpu.wait_indirect_dma semaphore(%arg27 : memref<!tpu.dma_semaphore, #tpu.memory_space<semaphore_mem>>) src(%arg14 : memref<128x128xf32, #tpu.memory_space<vmem>>) dst(%dma_wait3A_384 : memref<10240x128xf32, #tpu.memory_space<vmem_shared>>)
      } else {
      }
      %add3A_100 = arith.addi %select_n3A, %add3A_97 : i32
      %dma_wait3A_101 = arith.constant 0 : i32
      %dma_wait3A_102 = arith.constant 0 : i32
      %dma_wait3A_103 = tpu.memref_slice %arg3[%add3A_100, %dma_wait3A_101, %dma_wait3A_102] : memref<2560x2x128xi32, #tpu.memory_space<hbm>> -> memref<1x2x128xi32, #tpu.memory_space<hbm>>
      %dma_wait3A_104 = tpu.memref_squeeze %dma_wait3A_103 : memref<1x2x128xi32, #tpu.memory_space<hbm>> -> memref<2x128xi32, #tpu.memory_space<hbm>>
      %dma_wait3A_105 = arith.constant 0 : i32
      %dma_wait3A_106 = arith.constant 0 : i32
      %dma_wait3A_107 = tpu.memref_slice %arg3[%add3A_100, %dma_wait3A_105, %dma_wait3A_106] : memref<2560x2x128xi32, #tpu.memory_space<hbm>> -> memref<1x2x128xi32, #tpu.memory_space<hbm>>
      %dma_wait3A_108 = tpu.memref_squeeze %dma_wait3A_107 : memref<1x2x128xi32, #tpu.memory_space<hbm>> -> memref<2x128xi32, #tpu.memory_space<hbm>>
      tpu.wait_dma2 semaphore(%arg17 : memref<!tpu.dma_semaphore, #tpu.memory_space<semaphore_mem>>) src(%dma_wait3A_108 : memref<2x128xi32, #tpu.memory_space<hbm>>) dst(%arg6 : memref<2x128xi32, #tpu.memory_space<vmem>>)
      %dma_start3A_109 = arith.constant 0 : i32
      %dma_start3A_110 = arith.constant 0 : i32
      %dma_start3A_111 = tpu.memref_slice %arg6[%dma_start3A_109, %dma_start3A_110] : memref<2x128xi32, #tpu.memory_space<vmem>> -> memref<1x128xi32, #tpu.memory_space<vmem>>
      %dma_start3A_112 = tpu.memref_squeeze %dma_start3A_111 : memref<1x128xi32, #tpu.memory_space<vmem>> -> memref<128xi32, #tpu.memory_space<vmem>>
      %dma_start3A_113 = arith.constant 0 : i32
      %dma_start3A_114 = arith.constant 0 : i32
      %dma_start3A_115 = tpu.memref_slice %arg2[%dma_start3A_113, %dma_start3A_114] : memref<10240x128xf32, #tpu.memory_space<hbm>> -> memref<10240x128xf32, #tpu.memory_space<hbm>>
      tpu.enqueue_indirect_dma source(%dma_start3A_115 : memref<10240x128xf32, #tpu.memory_space<hbm>>) target(%arg14 : memref<128x128xf32, #tpu.memory_space<vmem>>) offsets(%dma_start3A_112 : memref<128xi32, #tpu.memory_space<vmem>>) semaphore(%arg25 : memref<!tpu.dma_semaphore, #tpu.memory_space<semaphore_mem>>)
      %ge3A_116 = arith.constant 1 : i32
      %ge3A_117 = arith.cmpi sge, %add3A_97, %ge3A_116 : i32
      %convert_element_type3A_118 = arith.extui %ge3A_117 : i1 to i32
      %cond3A_119 = arith.constant 0 : i32
      %cond3A_120 = arith.cmpi ne, %convert_element_type3A_118, %cond3A_119 : i32
      scf.if %cond3A_120 {
        %dma_wait3A_378 = arith.constant 0 : i32
        %dma_wait3A_379 = arith.constant 0 : i32
        %dma_wait3A_380 = tpu.memref_slice %arg13[%dma_wait3A_378, %dma_wait3A_379] : memref<2x128xi32, #tpu.memory_space<vmem>> -> memref<1x128xi32, #tpu.memory_space<vmem>>
        %dma_wait3A_381 = tpu.memref_squeeze %dma_wait3A_380 : memref<1x128xi32, #tpu.memory_space<vmem>> -> memref<128xi32, #tpu.memory_space<vmem>>
        %dma_wait3A_382 = arith.constant 0 : i32
        %dma_wait3A_383 = arith.constant 0 : i32
        %dma_wait3A_384 = tpu.memref_slice %arg2[%dma_wait3A_382, %dma_wait3A_383] : memref<10240x128xf32, #tpu.memory_space<hbm>> -> memref<10240x128xf32, #tpu.memory_space<hbm>>
        tpu.wait_indirect_dma semaphore(%arg26 : memref<!tpu.dma_semaphore, #tpu.memory_space<semaphore_mem>>) src(%dma_wait3A_384 : memref<10240x128xf32, #tpu.memory_space<hbm>>) dst(%arg15 : memref<128x128xf32, #tpu.memory_space<vmem>>)
        %dma_start3A_385 = arith.constant 1 : i32
        %dma_start3A_386 = arith.constant 0 : i32
        %dma_start3A_387 = tpu.memref_slice %arg13[%dma_start3A_385, %dma_start3A_386] : memref<2x128xi32, #tpu.memory_space<vmem>> -> memref<1x128xi32, #tpu.memory_space<vmem>>
        %dma_start3A_388 = tpu.memref_squeeze %dma_start3A_387 : memref<1x128xi32, #tpu.memory_space<vmem>> -> memref<128xi32, #tpu.memory_space<vmem>>
        %dma_start3A_389 = arith.constant 0 : i32
        %dma_start3A_390 = arith.constant 0 : i32
        %dma_start3A_391 = tpu.memref_slice %arg16[%dma_start3A_389, %dma_start3A_390] : memref<10240x128xf32, #tpu.memory_space<vmem_shared>> -> memref<10240x128xf32, #tpu.memory_space<vmem_shared>>
        tpu.enqueue_indirect_dma source(%arg15 : memref<128x128xf32, #tpu.memory_space<vmem>>) target(%dma_start3A_391 : memref<10240x128xf32, #tpu.memory_space<vmem_shared>>) offsets(%dma_start3A_388 : memref<128xi32, #tpu.memory_space<vmem>>) semaphore(%arg28 : memref<!tpu.dma_semaphore, #tpu.memory_space<semaphore_mem>>) {add = true}
      } else {
      }
      %add3A_121 = arith.constant 4 : i32
      %add3A_122 = arith.addi %add3A_97, %add3A_121 : i32
      %lt3A = arith.cmpi slt, %add3A_122, %select_n3A_11 : i32
      %convert_element_type3A_123 = arith.extui %lt3A : i1 to i32
      %cond3A_124 = arith.constant 0 : i32
      %cond3A_125 = arith.cmpi ne, %convert_element_type3A_123, %cond3A_124 : i32
      scf.if %cond3A_125 {
        %add3A_378 = arith.constant 4 : i32
        %add3A_379 = arith.addi %add3A_97, %add3A_378 : i32
        %add3A_380 = arith.addi %select_n3A, %add3A_379 : i32
        %dma_start3A_381 = arith.constant 0 : i32
        %dma_start3A_382 = arith.constant 0 : i32
        %dma_start3A_383 = tpu.memref_slice %arg3[%add3A_380, %dma_start3A_381, %dma_start3A_382] : memref<2560x2x128xi32, #tpu.memory_space<hbm>> -> memref<1x2x128xi32, #tpu.memory_space<hbm>>
        %dma_start3A_384 = tpu.memref_squeeze %dma_start3A_383 : memref<1x2x128xi32, #tpu.memory_space<hbm>> -> memref<2x128xi32, #tpu.memory_space<hbm>>
        %dma_start3A_385 = arith.constant 0 : i32
        %dma_start3A_386 = arith.constant 0 : i32
        %dma_start3A_387 = tpu.memref_slice %arg3[%add3A_380, %dma_start3A_385, %dma_start3A_386] : memref<2560x2x128xi32, #tpu.memory_space<hbm>> -> memref<1x2x128xi32, #tpu.memory_space<hbm>>
        %dma_start3A_388 = tpu.memref_squeeze %dma_start3A_387 : memref<1x2x128xi32, #tpu.memory_space<hbm>> -> memref<2x128xi32, #tpu.memory_space<hbm>>
        tpu.enqueue_dma source(%dma_start3A_388 : memref<2x128xi32, #tpu.memory_space<hbm>>) target(%arg10 : memref<2x128xi32, #tpu.memory_space<vmem>>) target_semaphore(%arg21 : memref<!tpu.dma_semaphore, #tpu.memory_space<semaphore_mem>>)
      } else {
      }
      %mul3A_126 = arith.constant 8 : i32
      %mul3A_127 = arith.muli %while3A_93, %mul3A_126 : i32
      %add3A_128 = arith.constant 1 : i32
      %add3A_129 = arith.addi %mul3A_127, %add3A_128 : i32
      %ge3A_130 = arith.constant 2 : i32
      %ge3A_131 = arith.cmpi sge, %add3A_129, %ge3A_130 : i32
      %convert_element_type3A_132 = arith.extui %ge3A_131 : i1 to i32
      %cond3A_133 = arith.constant 0 : i32
      %cond3A_134 = arith.cmpi ne, %convert_element_type3A_132, %cond3A_133 : i32
      scf.if %cond3A_134 {
        %dma_wait3A_378 = arith.constant 1 : i32
        %dma_wait3A_379 = arith.constant 0 : i32
        %dma_wait3A_380 = tpu.memref_slice %arg13[%dma_wait3A_378, %dma_wait3A_379] : memref<2x128xi32, #tpu.memory_space<vmem>> -> memref<1x128xi32, #tpu.memory_space<vmem>>
        %dma_wait3A_381 = tpu.memref_squeeze %dma_wait3A_380 : memref<1x128xi32, #tpu.memory_space<vmem>> -> memref<128xi32, #tpu.memory_space<vmem>>
        %dma_wait3A_382 = arith.constant 0 : i32
        %dma_wait3A_383 = arith.constant 0 : i32
        %dma_wait3A_384 = tpu.memref_slice %arg16[%dma_wait3A_382, %dma_wait3A_383] : memref<10240x128xf32, #tpu.memory_space<vmem_shared>> -> memref<10240x128xf32, #tpu.memory_space<vmem_shared>>
        tpu.wait_indirect_dma semaphore(%arg28 : memref<!tpu.dma_semaphore, #tpu.memory_space<semaphore_mem>>) src(%arg15 : memref<128x128xf32, #tpu.memory_space<vmem>>) dst(%dma_wait3A_384 : memref<10240x128xf32, #tpu.memory_space<vmem_shared>>)
      } else {
      }
      %add3A_135 = arith.addi %select_n3A, %add3A_129 : i32
      %dma_wait3A_136 = arith.constant 0 : i32
      %dma_wait3A_137 = arith.constant 0 : i32
      %dma_wait3A_138 = tpu.memref_slice %arg3[%add3A_135, %dma_wait3A_136, %dma_wait3A_137] : memref<2560x2x128xi32, #tpu.memory_space<hbm>> -> memref<1x2x128xi32, #tpu.memory_space<hbm>>
      %dma_wait3A_139 = tpu.memref_squeeze %dma_wait3A_138 : memref<1x2x128xi32, #tpu.memory_space<hbm>> -> memref<2x128xi32, #tpu.memory_space<hbm>>
      %dma_wait3A_140 = arith.constant 0 : i32
      %dma_wait3A_141 = arith.constant 0 : i32
      %dma_wait3A_142 = tpu.memref_slice %arg3[%add3A_135, %dma_wait3A_140, %dma_wait3A_141] : memref<2560x2x128xi32, #tpu.memory_space<hbm>> -> memref<1x2x128xi32, #tpu.memory_space<hbm>>
      %dma_wait3A_143 = tpu.memref_squeeze %dma_wait3A_142 : memref<1x2x128xi32, #tpu.memory_space<hbm>> -> memref<2x128xi32, #tpu.memory_space<hbm>>
      tpu.wait_dma2 semaphore(%arg18 : memref<!tpu.dma_semaphore, #tpu.memory_space<semaphore_mem>>) src(%dma_wait3A_143 : memref<2x128xi32, #tpu.memory_space<hbm>>) dst(%arg7 : memref<2x128xi32, #tpu.memory_space<vmem>>)
      %dma_start3A_144 = arith.constant 0 : i32
      %dma_start3A_145 = arith.constant 0 : i32
      %dma_start3A_146 = tpu.memref_slice %arg7[%dma_start3A_144, %dma_start3A_145] : memref<2x128xi32, #tpu.memory_space<vmem>> -> memref<1x128xi32, #tpu.memory_space<vmem>>
      %dma_start3A_147 = tpu.memref_squeeze %dma_start3A_146 : memref<1x128xi32, #tpu.memory_space<vmem>> -> memref<128xi32, #tpu.memory_space<vmem>>
      %dma_start3A_148 = arith.constant 0 : i32
      %dma_start3A_149 = arith.constant 0 : i32
      %dma_start3A_150 = tpu.memref_slice %arg2[%dma_start3A_148, %dma_start3A_149] : memref<10240x128xf32, #tpu.memory_space<hbm>> -> memref<10240x128xf32, #tpu.memory_space<hbm>>
      tpu.enqueue_indirect_dma source(%dma_start3A_150 : memref<10240x128xf32, #tpu.memory_space<hbm>>) target(%arg15 : memref<128x128xf32, #tpu.memory_space<vmem>>) offsets(%dma_start3A_147 : memref<128xi32, #tpu.memory_space<vmem>>) semaphore(%arg26 : memref<!tpu.dma_semaphore, #tpu.memory_space<semaphore_mem>>)
      %ge3A_151 = arith.constant 1 : i32
      %ge3A_152 = arith.cmpi sge, %add3A_129, %ge3A_151 : i32
      %convert_element_type3A_153 = arith.extui %ge3A_152 : i1 to i32
      %cond3A_154 = arith.constant 0 : i32
      %cond3A_155 = arith.cmpi ne, %convert_element_type3A_153, %cond3A_154 : i32
      scf.if %cond3A_155 {
        %dma_wait3A_378 = arith.constant 0 : i32
        %dma_wait3A_379 = arith.constant 0 : i32
        %dma_wait3A_380 = tpu.memref_slice %arg6[%dma_wait3A_378, %dma_wait3A_379] : memref<2x128xi32, #tpu.memory_space<vmem>> -> memref<1x128xi32, #tpu.memory_space<vmem>>
        %dma_wait3A_381 = tpu.memref_squeeze %dma_wait3A_380 : memref<1x128xi32, #tpu.memory_space<vmem>> -> memref<128xi32, #tpu.memory_space<vmem>>
        %dma_wait3A_382 = arith.constant 0 : i32
        %dma_wait3A_383 = arith.constant 0 : i32
        %dma_wait3A_384 = tpu.memref_slice %arg2[%dma_wait3A_382, %dma_wait3A_383] : memref<10240x128xf32, #tpu.memory_space<hbm>> -> memref<10240x128xf32, #tpu.memory_space<hbm>>
        tpu.wait_indirect_dma semaphore(%arg25 : memref<!tpu.dma_semaphore, #tpu.memory_space<semaphore_mem>>) src(%dma_wait3A_384 : memref<10240x128xf32, #tpu.memory_space<hbm>>) dst(%arg14 : memref<128x128xf32, #tpu.memory_space<vmem>>)
        %dma_start3A_385 = arith.constant 1 : i32
        %dma_start3A_386 = arith.constant 0 : i32
        %dma_start3A_387 = tpu.memref_slice %arg6[%dma_start3A_385, %dma_start3A_386] : memref<2x128xi32, #tpu.memory_space<vmem>> -> memref<1x128xi32, #tpu.memory_space<vmem>>
        %dma_start3A_388 = tpu.memref_squeeze %dma_start3A_387 : memref<1x128xi32, #tpu.memory_space<vmem>> -> memref<128xi32, #tpu.memory_space<vmem>>
        %dma_start3A_389 = arith.constant 0 : i32
        %dma_start3A_390 = arith.constant 0 : i32
        %dma_start3A_391 = tpu.memref_slice %arg16[%dma_start3A_389, %dma_start3A_390] : memref<10240x128xf32, #tpu.memory_space<vmem_shared>> -> memref<10240x128xf32, #tpu.memory_space<vmem_shared>>
        tpu.enqueue_indirect_dma source(%arg14 : memref<128x128xf32, #tpu.memory_space<vmem>>) target(%dma_start3A_391 : memref<10240x128xf32, #tpu.memory_space<vmem_shared>>) offsets(%dma_start3A_388 : memref<128xi32, #tpu.memory_space<vmem>>) semaphore(%arg27 : memref<!tpu.dma_semaphore, #tpu.memory_space<semaphore_mem>>) {add = true}
      } else {
      }
      %add3A_156 = arith.constant 4 : i32
      %add3A_157 = arith.addi %add3A_129, %add3A_156 : i32
      %lt3A_158 = arith.cmpi slt, %add3A_157, %select_n3A_11 : i32
      %convert_element_type3A_159 = arith.extui %lt3A_158 : i1 to i32
      %cond3A_160 = arith.constant 0 : i32
      %cond3A_161 = arith.cmpi ne, %convert_element_type3A_159, %cond3A_160 : i32
      scf.if %cond3A_161 {
        %add3A_378 = arith.constant 4 : i32
        %add3A_379 = arith.addi %add3A_129, %add3A_378 : i32
        %add3A_380 = arith.addi %select_n3A, %add3A_379 : i32
        %dma_start3A_381 = arith.constant 0 : i32
        %dma_start3A_382 = arith.constant 0 : i32
        %dma_start3A_383 = tpu.memref_slice %arg3[%add3A_380, %dma_start3A_381, %dma_start3A_382] : memref<2560x2x128xi32, #tpu.memory_space<hbm>> -> memref<1x2x128xi32, #tpu.memory_space<hbm>>
        %dma_start3A_384 = tpu.memref_squeeze %dma_start3A_383 : memref<1x2x128xi32, #tpu.memory_space<hbm>> -> memref<2x128xi32, #tpu.memory_space<hbm>>
        %dma_start3A_385 = arith.constant 0 : i32
        %dma_start3A_386 = arith.constant 0 : i32
        %dma_start3A_387 = tpu.memref_slice %arg3[%add3A_380, %dma_start3A_385, %dma_start3A_386] : memref<2560x2x128xi32, #tpu.memory_space<hbm>> -> memref<1x2x128xi32, #tpu.memory_space<hbm>>
        %dma_start3A_388 = tpu.memref_squeeze %dma_start3A_387 : memref<1x2x128xi32, #tpu.memory_space<hbm>> -> memref<2x128xi32, #tpu.memory_space<hbm>>
        tpu.enqueue_dma source(%dma_start3A_388 : memref<2x128xi32, #tpu.memory_space<hbm>>) target(%arg11 : memref<2x128xi32, #tpu.memory_space<vmem>>) target_semaphore(%arg22 : memref<!tpu.dma_semaphore, #tpu.memory_space<semaphore_mem>>)
      } else {
      }
      %mul3A_162 = arith.constant 8 : i32
      %mul3A_163 = arith.muli %while3A_93, %mul3A_162 : i32
      %add3A_164 = arith.constant 2 : i32
      %add3A_165 = arith.addi %mul3A_163, %add3A_164 : i32
      %ge3A_166 = arith.constant 2 : i32
      %ge3A_167 = arith.cmpi sge, %add3A_165, %ge3A_166 : i32
      %convert_element_type3A_168 = arith.extui %ge3A_167 : i1 to i32
      %cond3A_169 = arith.constant 0 : i32
      %cond3A_170 = arith.cmpi ne, %convert_element_type3A_168, %cond3A_169 : i32
      scf.if %cond3A_170 {
        %dma_wait3A_378 = arith.constant 1 : i32
        %dma_wait3A_379 = arith.constant 0 : i32
        %dma_wait3A_380 = tpu.memref_slice %arg6[%dma_wait3A_378, %dma_wait3A_379] : memref<2x128xi32, #tpu.memory_space<vmem>> -> memref<1x128xi32, #tpu.memory_space<vmem>>
        %dma_wait3A_381 = tpu.memref_squeeze %dma_wait3A_380 : memref<1x128xi32, #tpu.memory_space<vmem>> -> memref<128xi32, #tpu.memory_space<vmem>>
        %dma_wait3A_382 = arith.constant 0 : i32
        %dma_wait3A_383 = arith.constant 0 : i32
        %dma_wait3A_384 = tpu.memref_slice %arg16[%dma_wait3A_382, %dma_wait3A_383] : memref<10240x128xf32, #tpu.memory_space<vmem_shared>> -> memref<10240x128xf32, #tpu.memory_space<vmem_shared>>
        tpu.wait_indirect_dma semaphore(%arg27 : memref<!tpu.dma_semaphore, #tpu.memory_space<semaphore_mem>>) src(%arg14 : memref<128x128xf32, #tpu.memory_space<vmem>>) dst(%dma_wait3A_384 : memref<10240x128xf32, #tpu.memory_space<vmem_shared>>)
      } else {
      }
      %add3A_171 = arith.addi %select_n3A, %add3A_165 : i32
      %dma_wait3A_172 = arith.constant 0 : i32
      %dma_wait3A_173 = arith.constant 0 : i32
      %dma_wait3A_174 = tpu.memref_slice %arg3[%add3A_171, %dma_wait3A_172, %dma_wait3A_173] : memref<2560x2x128xi32, #tpu.memory_space<hbm>> -> memref<1x2x128xi32, #tpu.memory_space<hbm>>
      %dma_wait3A_175 = tpu.memref_squeeze %dma_wait3A_174 : memref<1x2x128xi32, #tpu.memory_space<hbm>> -> memref<2x128xi32, #tpu.memory_space<hbm>>
      %dma_wait3A_176 = arith.constant 0 : i32
      %dma_wait3A_177 = arith.constant 0 : i32
      %dma_wait3A_178 = tpu.memref_slice %arg3[%add3A_171, %dma_wait3A_176, %dma_wait3A_177] : memref<2560x2x128xi32, #tpu.memory_space<hbm>> -> memref<1x2x128xi32, #tpu.memory_space<hbm>>
      %dma_wait3A_179 = tpu.memref_squeeze %dma_wait3A_178 : memref<1x2x128xi32, #tpu.memory_space<hbm>> -> memref<2x128xi32, #tpu.memory_space<hbm>>
      tpu.wait_dma2 semaphore(%arg19 : memref<!tpu.dma_semaphore, #tpu.memory_space<semaphore_mem>>) src(%dma_wait3A_179 : memref<2x128xi32, #tpu.memory_space<hbm>>) dst(%arg8 : memref<2x128xi32, #tpu.memory_space<vmem>>)
      %dma_start3A_180 = arith.constant 0 : i32
      %dma_start3A_181 = arith.constant 0 : i32
      %dma_start3A_182 = tpu.memref_slice %arg8[%dma_start3A_180, %dma_start3A_181] : memref<2x128xi32, #tpu.memory_space<vmem>> -> memref<1x128xi32, #tpu.memory_space<vmem>>
      %dma_start3A_183 = tpu.memref_squeeze %dma_start3A_182 : memref<1x128xi32, #tpu.memory_space<vmem>> -> memref<128xi32, #tpu.memory_space<vmem>>
      %dma_start3A_184 = arith.constant 0 : i32
      %dma_start3A_185 = arith.constant 0 : i32
      %dma_start3A_186 = tpu.memref_slice %arg2[%dma_start3A_184, %dma_start3A_185] : memref<10240x128xf32, #tpu.memory_space<hbm>> -> memref<10240x128xf32, #tpu.memory_space<hbm>>
      tpu.enqueue_indirect_dma source(%dma_start3A_186 : memref<10240x128xf32, #tpu.memory_space<hbm>>) target(%arg14 : memref<128x128xf32, #tpu.memory_space<vmem>>) offsets(%dma_start3A_183 : memref<128xi32, #tpu.memory_space<vmem>>) semaphore(%arg25 : memref<!tpu.dma_semaphore, #tpu.memory_space<semaphore_mem>>)
      %ge3A_187 = arith.constant 1 : i32
      %ge3A_188 = arith.cmpi sge, %add3A_165, %ge3A_187 : i32
      %convert_element_type3A_189 = arith.extui %ge3A_188 : i1 to i32
      %cond3A_190 = arith.constant 0 : i32
      %cond3A_191 = arith.cmpi ne, %convert_element_type3A_189, %cond3A_190 : i32
      scf.if %cond3A_191 {
        %dma_wait3A_378 = arith.constant 0 : i32
        %dma_wait3A_379 = arith.constant 0 : i32
        %dma_wait3A_380 = tpu.memref_slice %arg7[%dma_wait3A_378, %dma_wait3A_379] : memref<2x128xi32, #tpu.memory_space<vmem>> -> memref<1x128xi32, #tpu.memory_space<vmem>>
        %dma_wait3A_381 = tpu.memref_squeeze %dma_wait3A_380 : memref<1x128xi32, #tpu.memory_space<vmem>> -> memref<128xi32, #tpu.memory_space<vmem>>
        %dma_wait3A_382 = arith.constant 0 : i32
        %dma_wait3A_383 = arith.constant 0 : i32
        %dma_wait3A_384 = tpu.memref_slice %arg2[%dma_wait3A_382, %dma_wait3A_383] : memref<10240x128xf32, #tpu.memory_space<hbm>> -> memref<10240x128xf32, #tpu.memory_space<hbm>>
        tpu.wait_indirect_dma semaphore(%arg26 : memref<!tpu.dma_semaphore, #tpu.memory_space<semaphore_mem>>) src(%dma_wait3A_384 : memref<10240x128xf32, #tpu.memory_space<hbm>>) dst(%arg15 : memref<128x128xf32, #tpu.memory_space<vmem>>)
        %dma_start3A_385 = arith.constant 1 : i32
        %dma_start3A_386 = arith.constant 0 : i32
        %dma_start3A_387 = tpu.memref_slice %arg7[%dma_start3A_385, %dma_start3A_386] : memref<2x128xi32, #tpu.memory_space<vmem>> -> memref<1x128xi32, #tpu.memory_space<vmem>>
        %dma_start3A_388 = tpu.memref_squeeze %dma_start3A_387 : memref<1x128xi32, #tpu.memory_space<vmem>> -> memref<128xi32, #tpu.memory_space<vmem>>
        %dma_start3A_389 = arith.constant 0 : i32
        %dma_start3A_390 = arith.constant 0 : i32
        %dma_start3A_391 = tpu.memref_slice %arg16[%dma_start3A_389, %dma_start3A_390] : memref<10240x128xf32, #tpu.memory_space<vmem_shared>> -> memref<10240x128xf32, #tpu.memory_space<vmem_shared>>
        tpu.enqueue_indirect_dma source(%arg15 : memref<128x128xf32, #tpu.memory_space<vmem>>) target(%dma_start3A_391 : memref<10240x128xf32, #tpu.memory_space<vmem_shared>>) offsets(%dma_start3A_388 : memref<128xi32, #tpu.memory_space<vmem>>) semaphore(%arg28 : memref<!tpu.dma_semaphore, #tpu.memory_space<semaphore_mem>>) {add = true}
      } else {
      }
      %add3A_192 = arith.constant 4 : i32
      %add3A_193 = arith.addi %add3A_165, %add3A_192 : i32
      %lt3A_194 = arith.cmpi slt, %add3A_193, %select_n3A_11 : i32
      %convert_element_type3A_195 = arith.extui %lt3A_194 : i1 to i32
      %cond3A_196 = arith.constant 0 : i32
      %cond3A_197 = arith.cmpi ne, %convert_element_type3A_195, %cond3A_196 : i32
      scf.if %cond3A_197 {
        %add3A_378 = arith.constant 4 : i32
        %add3A_379 = arith.addi %add3A_165, %add3A_378 : i32
        %add3A_380 = arith.addi %select_n3A, %add3A_379 : i32
        %dma_start3A_381 = arith.constant 0 : i32
        %dma_start3A_382 = arith.constant 0 : i32
        %dma_start3A_383 = tpu.memref_slice %arg3[%add3A_380, %dma_start3A_381, %dma_start3A_382] : memref<2560x2x128xi32, #tpu.memory_space<hbm>> -> memref<1x2x128xi32, #tpu.memory_space<hbm>>
        %dma_start3A_384 = tpu.memref_squeeze %dma_start3A_383 : memref<1x2x128xi32, #tpu.memory_space<hbm>> -> memref<2x128xi32, #tpu.memory_space<hbm>>
        %dma_start3A_385 = arith.constant 0 : i32
        %dma_start3A_386 = arith.constant 0 : i32
        %dma_start3A_387 = tpu.memref_slice %arg3[%add3A_380, %dma_start3A_385, %dma_start3A_386] : memref<2560x2x128xi32, #tpu.memory_space<hbm>> -> memref<1x2x128xi32, #tpu.memory_space<hbm>>
        %dma_start3A_388 = tpu.memref_squeeze %dma_start3A_387 : memref<1x2x128xi32, #tpu.memory_space<hbm>> -> memref<2x128xi32, #tpu.memory_space<hbm>>
        tpu.enqueue_dma source(%dma_start3A_388 : memref<2x128xi32, #tpu.memory_space<hbm>>) target(%arg12 : memref<2x128xi32, #tpu.memory_space<vmem>>) target_semaphore(%arg23 : memref<!tpu.dma_semaphore, #tpu.memory_space<semaphore_mem>>)
      } else {
      }
      %mul3A_198 = arith.constant 8 : i32
      %mul3A_199 = arith.muli %while3A_93, %mul3A_198 : i32
      %add3A_200 = arith.constant 3 : i32
      %add3A_201 = arith.addi %mul3A_199, %add3A_200 : i32
      %ge3A_202 = arith.constant 2 : i32
      %ge3A_203 = arith.cmpi sge, %add3A_201, %ge3A_202 : i32
      %convert_element_type3A_204 = arith.extui %ge3A_203 : i1 to i32
      %cond3A_205 = arith.constant 0 : i32
      %cond3A_206 = arith.cmpi ne, %convert_element_type3A_204, %cond3A_205 : i32
      scf.if %cond3A_206 {
        %dma_wait3A_378 = arith.constant 1 : i32
        %dma_wait3A_379 = arith.constant 0 : i32
        %dma_wait3A_380 = tpu.memref_slice %arg7[%dma_wait3A_378, %dma_wait3A_379] : memref<2x128xi32, #tpu.memory_space<vmem>> -> memref<1x128xi32, #tpu.memory_space<vmem>>
        %dma_wait3A_381 = tpu.memref_squeeze %dma_wait3A_380 : memref<1x128xi32, #tpu.memory_space<vmem>> -> memref<128xi32, #tpu.memory_space<vmem>>
        %dma_wait3A_382 = arith.constant 0 : i32
        %dma_wait3A_383 = arith.constant 0 : i32
        %dma_wait3A_384 = tpu.memref_slice %arg16[%dma_wait3A_382, %dma_wait3A_383] : memref<10240x128xf32, #tpu.memory_space<vmem_shared>> -> memref<10240x128xf32, #tpu.memory_space<vmem_shared>>
        tpu.wait_indirect_dma semaphore(%arg28 : memref<!tpu.dma_semaphore, #tpu.memory_space<semaphore_mem>>) src(%arg15 : memref<128x128xf32, #tpu.memory_space<vmem>>) dst(%dma_wait3A_384 : memref<10240x128xf32, #tpu.memory_space<vmem_shared>>)
      } else {
      }
      %add3A_207 = arith.addi %select_n3A, %add3A_201 : i32
      %dma_wait3A_208 = arith.constant 0 : i32
      %dma_wait3A_209 = arith.constant 0 : i32
      %dma_wait3A_210 = tpu.memref_slice %arg3[%add3A_207, %dma_wait3A_208, %dma_wait3A_209] : memref<2560x2x128xi32, #tpu.memory_space<hbm>> -> memref<1x2x128xi32, #tpu.memory_space<hbm>>
      %dma_wait3A_211 = tpu.memref_squeeze %dma_wait3A_210 : memref<1x2x128xi32, #tpu.memory_space<hbm>> -> memref<2x128xi32, #tpu.memory_space<hbm>>
      %dma_wait3A_212 = arith.constant 0 : i32
      %dma_wait3A_213 = arith.constant 0 : i32
      %dma_wait3A_214 = tpu.memref_slice %arg3[%add3A_207, %dma_wait3A_212, %dma_wait3A_213] : memref<2560x2x128xi32, #tpu.memory_space<hbm>> -> memref<1x2x128xi32, #tpu.memory_space<hbm>>
      %dma_wait3A_215 = tpu.memref_squeeze %dma_wait3A_214 : memref<1x2x128xi32, #tpu.memory_space<hbm>> -> memref<2x128xi32, #tpu.memory_space<hbm>>
      tpu.wait_dma2 semaphore(%arg20 : memref<!tpu.dma_semaphore, #tpu.memory_space<semaphore_mem>>) src(%dma_wait3A_215 : memref<2x128xi32, #tpu.memory_space<hbm>>) dst(%arg9 : memref<2x128xi32, #tpu.memory_space<vmem>>)
      %dma_start3A_216 = arith.constant 0 : i32
      %dma_start3A_217 = arith.constant 0 : i32
      %dma_start3A_218 = tpu.memref_slice %arg9[%dma_start3A_216, %dma_start3A_217] : memref<2x128xi32, #tpu.memory_space<vmem>> -> memref<1x128xi32, #tpu.memory_space<vmem>>
      %dma_start3A_219 = tpu.memref_squeeze %dma_start3A_218 : memref<1x128xi32, #tpu.memory_space<vmem>> -> memref<128xi32, #tpu.memory_space<vmem>>
      %dma_start3A_220 = arith.constant 0 : i32
      %dma_start3A_221 = arith.constant 0 : i32
      %dma_start3A_222 = tpu.memref_slice %arg2[%dma_start3A_220, %dma_start3A_221] : memref<10240x128xf32, #tpu.memory_space<hbm>> -> memref<10240x128xf32, #tpu.memory_space<hbm>>
      tpu.enqueue_indirect_dma source(%dma_start3A_222 : memref<10240x128xf32, #tpu.memory_space<hbm>>) target(%arg15 : memref<128x128xf32, #tpu.memory_space<vmem>>) offsets(%dma_start3A_219 : memref<128xi32, #tpu.memory_space<vmem>>) semaphore(%arg26 : memref<!tpu.dma_semaphore, #tpu.memory_space<semaphore_mem>>)
      %ge3A_223 = arith.constant 1 : i32
      %ge3A_224 = arith.cmpi sge, %add3A_201, %ge3A_223 : i32
      %convert_element_type3A_225 = arith.extui %ge3A_224 : i1 to i32
      %cond3A_226 = arith.constant 0 : i32
      %cond3A_227 = arith.cmpi ne, %convert_element_type3A_225, %cond3A_226 : i32
      scf.if %cond3A_227 {
        %dma_wait3A_378 = arith.constant 0 : i32
        %dma_wait3A_379 = arith.constant 0 : i32
        %dma_wait3A_380 = tpu.memref_slice %arg8[%dma_wait3A_378, %dma_wait3A_379] : memref<2x128xi32, #tpu.memory_space<vmem>> -> memref<1x128xi32, #tpu.memory_space<vmem>>
        %dma_wait3A_381 = tpu.memref_squeeze %dma_wait3A_380 : memref<1x128xi32, #tpu.memory_space<vmem>> -> memref<128xi32, #tpu.memory_space<vmem>>
        %dma_wait3A_382 = arith.constant 0 : i32
        %dma_wait3A_383 = arith.constant 0 : i32
        %dma_wait3A_384 = tpu.memref_slice %arg2[%dma_wait3A_382, %dma_wait3A_383] : memref<10240x128xf32, #tpu.memory_space<hbm>> -> memref<10240x128xf32, #tpu.memory_space<hbm>>
        tpu.wait_indirect_dma semaphore(%arg25 : memref<!tpu.dma_semaphore, #tpu.memory_space<semaphore_mem>>) src(%dma_wait3A_384 : memref<10240x128xf32, #tpu.memory_space<hbm>>) dst(%arg14 : memref<128x128xf32, #tpu.memory_space<vmem>>)
        %dma_start3A_385 = arith.constant 1 : i32
        %dma_start3A_386 = arith.constant 0 : i32
        %dma_start3A_387 = tpu.memref_slice %arg8[%dma_start3A_385, %dma_start3A_386] : memref<2x128xi32, #tpu.memory_space<vmem>> -> memref<1x128xi32, #tpu.memory_space<vmem>>
        %dma_start3A_388 = tpu.memref_squeeze %dma_start3A_387 : memref<1x128xi32, #tpu.memory_space<vmem>> -> memref<128xi32, #tpu.memory_space<vmem>>
        %dma_start3A_389 = arith.constant 0 : i32
        %dma_start3A_390 = arith.constant 0 : i32
        %dma_start3A_391 = tpu.memref_slice %arg16[%dma_start3A_389, %dma_start3A_390] : memref<10240x128xf32, #tpu.memory_space<vmem_shared>> -> memref<10240x128xf32, #tpu.memory_space<vmem_shared>>
        tpu.enqueue_indirect_dma source(%arg14 : memref<128x128xf32, #tpu.memory_space<vmem>>) target(%dma_start3A_391 : memref<10240x128xf32, #tpu.memory_space<vmem_shared>>) offsets(%dma_start3A_388 : memref<128xi32, #tpu.memory_space<vmem>>) semaphore(%arg27 : memref<!tpu.dma_semaphore, #tpu.memory_space<semaphore_mem>>) {add = true}
      } else {
      }
      %add3A_228 = arith.constant 4 : i32
      %add3A_229 = arith.addi %add3A_201, %add3A_228 : i32
      %lt3A_230 = arith.cmpi slt, %add3A_229, %select_n3A_11 : i32
      %convert_element_type3A_231 = arith.extui %lt3A_230 : i1 to i32
      %cond3A_232 = arith.constant 0 : i32
      %cond3A_233 = arith.cmpi ne, %convert_element_type3A_231, %cond3A_232 : i32
      scf.if %cond3A_233 {
        %add3A_378 = arith.constant 4 : i32
        %add3A_379 = arith.addi %add3A_201, %add3A_378 : i32
        %add3A_380 = arith.addi %select_n3A, %add3A_379 : i32
        %dma_start3A_381 = arith.constant 0 : i32
        %dma_start3A_382 = arith.constant 0 : i32
        %dma_start3A_383 = tpu.memref_slice %arg3[%add3A_380, %dma_start3A_381, %dma_start3A_382] : memref<2560x2x128xi32, #tpu.memory_space<hbm>> -> memref<1x2x128xi32, #tpu.memory_space<hbm>>
        %dma_start3A_384 = tpu.memref_squeeze %dma_start3A_383 : memref<1x2x128xi32, #tpu.memory_space<hbm>> -> memref<2x128xi32, #tpu.memory_space<hbm>>
        %dma_start3A_385 = arith.constant 0 : i32
        %dma_start3A_386 = arith.constant 0 : i32
        %dma_start3A_387 = tpu.memref_slice %arg3[%add3A_380, %dma_start3A_385, %dma_start3A_386] : memref<2560x2x128xi32, #tpu.memory_space<hbm>> -> memref<1x2x128xi32, #tpu.memory_space<hbm>>
        %dma_start3A_388 = tpu.memref_squeeze %dma_start3A_387 : memref<1x2x128xi32, #tpu.memory_space<hbm>> -> memref<2x128xi32, #tpu.memory_space<hbm>>
        tpu.enqueue_dma source(%dma_start3A_388 : memref<2x128xi32, #tpu.memory_space<hbm>>) target(%arg13 : memref<2x128xi32, #tpu.memory_space<vmem>>) target_semaphore(%arg24 : memref<!tpu.dma_semaphore, #tpu.memory_space<semaphore_mem>>)
      } else {
      }
      %mul3A_234 = arith.constant 8 : i32
      %mul3A_235 = arith.muli %while3A_93, %mul3A_234 : i32
      %add3A_236 = arith.constant 4 : i32
      %add3A_237 = arith.addi %mul3A_235, %add3A_236 : i32
      %ge3A_238 = arith.constant 2 : i32
      %ge3A_239 = arith.cmpi sge, %add3A_237, %ge3A_238 : i32
      %convert_element_type3A_240 = arith.extui %ge3A_239 : i1 to i32
      %cond3A_241 = arith.constant 0 : i32
      %cond3A_242 = arith.cmpi ne, %convert_element_type3A_240, %cond3A_241 : i32
      scf.if %cond3A_242 {
        %dma_wait3A_378 = arith.constant 1 : i32
        %dma_wait3A_379 = arith.constant 0 : i32
        %dma_wait3A_380 = tpu.memref_slice %arg8[%dma_wait3A_378, %dma_wait3A_379] : memref<2x128xi32, #tpu.memory_space<vmem>> -> memref<1x128xi32, #tpu.memory_space<vmem>>
        %dma_wait3A_381 = tpu.memref_squeeze %dma_wait3A_380 : memref<1x128xi32, #tpu.memory_space<vmem>> -> memref<128xi32, #tpu.memory_space<vmem>>
        %dma_wait3A_382 = arith.constant 0 : i32
        %dma_wait3A_383 = arith.constant 0 : i32
        %dma_wait3A_384 = tpu.memref_slice %arg16[%dma_wait3A_382, %dma_wait3A_383] : memref<10240x128xf32, #tpu.memory_space<vmem_shared>> -> memref<10240x128xf32, #tpu.memory_space<vmem_shared>>
        tpu.wait_indirect_dma semaphore(%arg27 : memref<!tpu.dma_semaphore, #tpu.memory_space<semaphore_mem>>) src(%arg14 : memref<128x128xf32, #tpu.memory_space<vmem>>) dst(%dma_wait3A_384 : memref<10240x128xf32, #tpu.memory_space<vmem_shared>>)
      } else {
      }
      %add3A_243 = arith.addi %select_n3A, %add3A_237 : i32
      %dma_wait3A_244 = arith.constant 0 : i32
      %dma_wait3A_245 = arith.constant 0 : i32
      %dma_wait3A_246 = tpu.memref_slice %arg3[%add3A_243, %dma_wait3A_244, %dma_wait3A_245] : memref<2560x2x128xi32, #tpu.memory_space<hbm>> -> memref<1x2x128xi32, #tpu.memory_space<hbm>>
      %dma_wait3A_247 = tpu.memref_squeeze %dma_wait3A_246 : memref<1x2x128xi32, #tpu.memory_space<hbm>> -> memref<2x128xi32, #tpu.memory_space<hbm>>
      %dma_wait3A_248 = arith.constant 0 : i32
      %dma_wait3A_249 = arith.constant 0 : i32
      %dma_wait3A_250 = tpu.memref_slice %arg3[%add3A_243, %dma_wait3A_248, %dma_wait3A_249] : memref<2560x2x128xi32, #tpu.memory_space<hbm>> -> memref<1x2x128xi32, #tpu.memory_space<hbm>>
      %dma_wait3A_251 = tpu.memref_squeeze %dma_wait3A_250 : memref<1x2x128xi32, #tpu.memory_space<hbm>> -> memref<2x128xi32, #tpu.memory_space<hbm>>
      tpu.wait_dma2 semaphore(%arg21 : memref<!tpu.dma_semaphore, #tpu.memory_space<semaphore_mem>>) src(%dma_wait3A_251 : memref<2x128xi32, #tpu.memory_space<hbm>>) dst(%arg10 : memref<2x128xi32, #tpu.memory_space<vmem>>)
      %dma_start3A_252 = arith.constant 0 : i32
      %dma_start3A_253 = arith.constant 0 : i32
      %dma_start3A_254 = tpu.memref_slice %arg10[%dma_start3A_252, %dma_start3A_253] : memref<2x128xi32, #tpu.memory_space<vmem>> -> memref<1x128xi32, #tpu.memory_space<vmem>>
      %dma_start3A_255 = tpu.memref_squeeze %dma_start3A_254 : memref<1x128xi32, #tpu.memory_space<vmem>> -> memref<128xi32, #tpu.memory_space<vmem>>
      %dma_start3A_256 = arith.constant 0 : i32
      %dma_start3A_257 = arith.constant 0 : i32
      %dma_start3A_258 = tpu.memref_slice %arg2[%dma_start3A_256, %dma_start3A_257] : memref<10240x128xf32, #tpu.memory_space<hbm>> -> memref<10240x128xf32, #tpu.memory_space<hbm>>
      tpu.enqueue_indirect_dma source(%dma_start3A_258 : memref<10240x128xf32, #tpu.memory_space<hbm>>) target(%arg14 : memref<128x128xf32, #tpu.memory_space<vmem>>) offsets(%dma_start3A_255 : memref<128xi32, #tpu.memory_space<vmem>>) semaphore(%arg25 : memref<!tpu.dma_semaphore, #tpu.memory_space<semaphore_mem>>)
      %ge3A_259 = arith.constant 1 : i32
      %ge3A_260 = arith.cmpi sge, %add3A_237, %ge3A_259 : i32
      %convert_element_type3A_261 = arith.extui %ge3A_260 : i1 to i32
      %cond3A_262 = arith.constant 0 : i32
      %cond3A_263 = arith.cmpi ne, %convert_element_type3A_261, %cond3A_262 : i32
      scf.if %cond3A_263 {
        %dma_wait3A_378 = arith.constant 0 : i32
        %dma_wait3A_379 = arith.constant 0 : i32
        %dma_wait3A_380 = tpu.memref_slice %arg9[%dma_wait3A_378, %dma_wait3A_379] : memref<2x128xi32, #tpu.memory_space<vmem>> -> memref<1x128xi32, #tpu.memory_space<vmem>>
        %dma_wait3A_381 = tpu.memref_squeeze %dma_wait3A_380 : memref<1x128xi32, #tpu.memory_space<vmem>> -> memref<128xi32, #tpu.memory_space<vmem>>
        %dma_wait3A_382 = arith.constant 0 : i32
        %dma_wait3A_383 = arith.constant 0 : i32
        %dma_wait3A_384 = tpu.memref_slice %arg2[%dma_wait3A_382, %dma_wait3A_383] : memref<10240x128xf32, #tpu.memory_space<hbm>> -> memref<10240x128xf32, #tpu.memory_space<hbm>>
        tpu.wait_indirect_dma semaphore(%arg26 : memref<!tpu.dma_semaphore, #tpu.memory_space<semaphore_mem>>) src(%dma_wait3A_384 : memref<10240x128xf32, #tpu.memory_space<hbm>>) dst(%arg15 : memref<128x128xf32, #tpu.memory_space<vmem>>)
        %dma_start3A_385 = arith.constant 1 : i32
        %dma_start3A_386 = arith.constant 0 : i32
        %dma_start3A_387 = tpu.memref_slice %arg9[%dma_start3A_385, %dma_start3A_386] : memref<2x128xi32, #tpu.memory_space<vmem>> -> memref<1x128xi32, #tpu.memory_space<vmem>>
        %dma_start3A_388 = tpu.memref_squeeze %dma_start3A_387 : memref<1x128xi32, #tpu.memory_space<vmem>> -> memref<128xi32, #tpu.memory_space<vmem>>
        %dma_start3A_389 = arith.constant 0 : i32
        %dma_start3A_390 = arith.constant 0 : i32
        %dma_start3A_391 = tpu.memref_slice %arg16[%dma_start3A_389, %dma_start3A_390] : memref<10240x128xf32, #tpu.memory_space<vmem_shared>> -> memref<10240x128xf32, #tpu.memory_space<vmem_shared>>
        tpu.enqueue_indirect_dma source(%arg15 : memref<128x128xf32, #tpu.memory_space<vmem>>) target(%dma_start3A_391 : memref<10240x128xf32, #tpu.memory_space<vmem_shared>>) offsets(%dma_start3A_388 : memref<128xi32, #tpu.memory_space<vmem>>) semaphore(%arg28 : memref<!tpu.dma_semaphore, #tpu.memory_space<semaphore_mem>>) {add = true}
      } else {
      }
      %add3A_264 = arith.constant 4 : i32
      %add3A_265 = arith.addi %add3A_237, %add3A_264 : i32
      %lt3A_266 = arith.cmpi slt, %add3A_265, %select_n3A_11 : i32
      %convert_element_type3A_267 = arith.extui %lt3A_266 : i1 to i32
      %cond3A_268 = arith.constant 0 : i32
      %cond3A_269 = arith.cmpi ne, %convert_element_type3A_267, %cond3A_268 : i32
      scf.if %cond3A_269 {
        %add3A_378 = arith.constant 4 : i32
        %add3A_379 = arith.addi %add3A_237, %add3A_378 : i32
        %add3A_380 = arith.addi %select_n3A, %add3A_379 : i32
        %dma_start3A_381 = arith.constant 0 : i32
        %dma_start3A_382 = arith.constant 0 : i32
        %dma_start3A_383 = tpu.memref_slice %arg3[%add3A_380, %dma_start3A_381, %dma_start3A_382] : memref<2560x2x128xi32, #tpu.memory_space<hbm>> -> memref<1x2x128xi32, #tpu.memory_space<hbm>>
        %dma_start3A_384 = tpu.memref_squeeze %dma_start3A_383 : memref<1x2x128xi32, #tpu.memory_space<hbm>> -> memref<2x128xi32, #tpu.memory_space<hbm>>
        %dma_start3A_385 = arith.constant 0 : i32
        %dma_start3A_386 = arith.constant 0 : i32
        %dma_start3A_387 = tpu.memref_slice %arg3[%add3A_380, %dma_start3A_385, %dma_start3A_386] : memref<2560x2x128xi32, #tpu.memory_space<hbm>> -> memref<1x2x128xi32, #tpu.memory_space<hbm>>
        %dma_start3A_388 = tpu.memref_squeeze %dma_start3A_387 : memref<1x2x128xi32, #tpu.memory_space<hbm>> -> memref<2x128xi32, #tpu.memory_space<hbm>>
        tpu.enqueue_dma source(%dma_start3A_388 : memref<2x128xi32, #tpu.memory_space<hbm>>) target(%arg6 : memref<2x128xi32, #tpu.memory_space<vmem>>) target_semaphore(%arg17 : memref<!tpu.dma_semaphore, #tpu.memory_space<semaphore_mem>>)
      } else {
      }
      %mul3A_270 = arith.constant 8 : i32
      %mul3A_271 = arith.muli %while3A_93, %mul3A_270 : i32
      %add3A_272 = arith.constant 5 : i32
      %add3A_273 = arith.addi %mul3A_271, %add3A_272 : i32
      %ge3A_274 = arith.constant 2 : i32
      %ge3A_275 = arith.cmpi sge, %add3A_273, %ge3A_274 : i32
      %convert_element_type3A_276 = arith.extui %ge3A_275 : i1 to i32
      %cond3A_277 = arith.constant 0 : i32
      %cond3A_278 = arith.cmpi ne, %convert_element_type3A_276, %cond3A_277 : i32
      scf.if %cond3A_278 {
        %dma_wait3A_378 = arith.constant 1 : i32
        %dma_wait3A_379 = arith.constant 0 : i32
        %dma_wait3A_380 = tpu.memref_slice %arg9[%dma_wait3A_378, %dma_wait3A_379] : memref<2x128xi32, #tpu.memory_space<vmem>> -> memref<1x128xi32, #tpu.memory_space<vmem>>
        %dma_wait3A_381 = tpu.memref_squeeze %dma_wait3A_380 : memref<1x128xi32, #tpu.memory_space<vmem>> -> memref<128xi32, #tpu.memory_space<vmem>>
        %dma_wait3A_382 = arith.constant 0 : i32
        %dma_wait3A_383 = arith.constant 0 : i32
        %dma_wait3A_384 = tpu.memref_slice %arg16[%dma_wait3A_382, %dma_wait3A_383] : memref<10240x128xf32, #tpu.memory_space<vmem_shared>> -> memref<10240x128xf32, #tpu.memory_space<vmem_shared>>
        tpu.wait_indirect_dma semaphore(%arg28 : memref<!tpu.dma_semaphore, #tpu.memory_space<semaphore_mem>>) src(%arg15 : memref<128x128xf32, #tpu.memory_space<vmem>>) dst(%dma_wait3A_384 : memref<10240x128xf32, #tpu.memory_space<vmem_shared>>)
      } else {
      }
      %add3A_279 = arith.addi %select_n3A, %add3A_273 : i32
      %dma_wait3A_280 = arith.constant 0 : i32
      %dma_wait3A_281 = arith.constant 0 : i32
      %dma_wait3A_282 = tpu.memref_slice %arg3[%add3A_279, %dma_wait3A_280, %dma_wait3A_281] : memref<2560x2x128xi32, #tpu.memory_space<hbm>> -> memref<1x2x128xi32, #tpu.memory_space<hbm>>
      %dma_wait3A_283 = tpu.memref_squeeze %dma_wait3A_282 : memref<1x2x128xi32, #tpu.memory_space<hbm>> -> memref<2x128xi32, #tpu.memory_space<hbm>>
      %dma_wait3A_284 = arith.constant 0 : i32
      %dma_wait3A_285 = arith.constant 0 : i32
      %dma_wait3A_286 = tpu.memref_slice %arg3[%add3A_279, %dma_wait3A_284, %dma_wait3A_285] : memref<2560x2x128xi32, #tpu.memory_space<hbm>> -> memref<1x2x128xi32, #tpu.memory_space<hbm>>
      %dma_wait3A_287 = tpu.memref_squeeze %dma_wait3A_286 : memref<1x2x128xi32, #tpu.memory_space<hbm>> -> memref<2x128xi32, #tpu.memory_space<hbm>>
      tpu.wait_dma2 semaphore(%arg22 : memref<!tpu.dma_semaphore, #tpu.memory_space<semaphore_mem>>) src(%dma_wait3A_287 : memref<2x128xi32, #tpu.memory_space<hbm>>) dst(%arg11 : memref<2x128xi32, #tpu.memory_space<vmem>>)
      %dma_start3A_288 = arith.constant 0 : i32
      %dma_start3A_289 = arith.constant 0 : i32
      %dma_start3A_290 = tpu.memref_slice %arg11[%dma_start3A_288, %dma_start3A_289] : memref<2x128xi32, #tpu.memory_space<vmem>> -> memref<1x128xi32, #tpu.memory_space<vmem>>
      %dma_start3A_291 = tpu.memref_squeeze %dma_start3A_290 : memref<1x128xi32, #tpu.memory_space<vmem>> -> memref<128xi32, #tpu.memory_space<vmem>>
      %dma_start3A_292 = arith.constant 0 : i32
      %dma_start3A_293 = arith.constant 0 : i32
      %dma_start3A_294 = tpu.memref_slice %arg2[%dma_start3A_292, %dma_start3A_293] : memref<10240x128xf32, #tpu.memory_space<hbm>> -> memref<10240x128xf32, #tpu.memory_space<hbm>>
      tpu.enqueue_indirect_dma source(%dma_start3A_294 : memref<10240x128xf32, #tpu.memory_space<hbm>>) target(%arg15 : memref<128x128xf32, #tpu.memory_space<vmem>>) offsets(%dma_start3A_291 : memref<128xi32, #tpu.memory_space<vmem>>) semaphore(%arg26 : memref<!tpu.dma_semaphore, #tpu.memory_space<semaphore_mem>>)
      %ge3A_295 = arith.constant 1 : i32
      %ge3A_296 = arith.cmpi sge, %add3A_273, %ge3A_295 : i32
      %convert_element_type3A_297 = arith.extui %ge3A_296 : i1 to i32
      %cond3A_298 = arith.constant 0 : i32
      %cond3A_299 = arith.cmpi ne, %convert_element_type3A_297, %cond3A_298 : i32
      scf.if %cond3A_299 {
        %dma_wait3A_378 = arith.constant 0 : i32
        %dma_wait3A_379 = arith.constant 0 : i32
        %dma_wait3A_380 = tpu.memref_slice %arg10[%dma_wait3A_378, %dma_wait3A_379] : memref<2x128xi32, #tpu.memory_space<vmem>> -> memref<1x128xi32, #tpu.memory_space<vmem>>
        %dma_wait3A_381 = tpu.memref_squeeze %dma_wait3A_380 : memref<1x128xi32, #tpu.memory_space<vmem>> -> memref<128xi32, #tpu.memory_space<vmem>>
        %dma_wait3A_382 = arith.constant 0 : i32
        %dma_wait3A_383 = arith.constant 0 : i32
        %dma_wait3A_384 = tpu.memref_slice %arg2[%dma_wait3A_382, %dma_wait3A_383] : memref<10240x128xf32, #tpu.memory_space<hbm>> -> memref<10240x128xf32, #tpu.memory_space<hbm>>
        tpu.wait_indirect_dma semaphore(%arg25 : memref<!tpu.dma_semaphore, #tpu.memory_space<semaphore_mem>>) src(%dma_wait3A_384 : memref<10240x128xf32, #tpu.memory_space<hbm>>) dst(%arg14 : memref<128x128xf32, #tpu.memory_space<vmem>>)
        %dma_start3A_385 = arith.constant 1 : i32
        %dma_start3A_386 = arith.constant 0 : i32
        %dma_start3A_387 = tpu.memref_slice %arg10[%dma_start3A_385, %dma_start3A_386] : memref<2x128xi32, #tpu.memory_space<vmem>> -> memref<1x128xi32, #tpu.memory_space<vmem>>
        %dma_start3A_388 = tpu.memref_squeeze %dma_start3A_387 : memref<1x128xi32, #tpu.memory_space<vmem>> -> memref<128xi32, #tpu.memory_space<vmem>>
        %dma_start3A_389 = arith.constant 0 : i32
        %dma_start3A_390 = arith.constant 0 : i32
        %dma_start3A_391 = tpu.memref_slice %arg16[%dma_start3A_389, %dma_start3A_390] : memref<10240x128xf32, #tpu.memory_space<vmem_shared>> -> memref<10240x128xf32, #tpu.memory_space<vmem_shared>>
        tpu.enqueue_indirect_dma source(%arg14 : memref<128x128xf32, #tpu.memory_space<vmem>>) target(%dma_start3A_391 : memref<10240x128xf32, #tpu.memory_space<vmem_shared>>) offsets(%dma_start3A_388 : memref<128xi32, #tpu.memory_space<vmem>>) semaphore(%arg27 : memref<!tpu.dma_semaphore, #tpu.memory_space<semaphore_mem>>) {add = true}
      } else {
      }
      %add3A_300 = arith.constant 4 : i32
      %add3A_301 = arith.addi %add3A_273, %add3A_300 : i32
      %lt3A_302 = arith.cmpi slt, %add3A_301, %select_n3A_11 : i32
      %convert_element_type3A_303 = arith.extui %lt3A_302 : i1 to i32
      %cond3A_304 = arith.constant 0 : i32
      %cond3A_305 = arith.cmpi ne, %convert_element_type3A_303, %cond3A_304 : i32
      scf.if %cond3A_305 {
        %add3A_378 = arith.constant 4 : i32
        %add3A_379 = arith.addi %add3A_273, %add3A_378 : i32
        %add3A_380 = arith.addi %select_n3A, %add3A_379 : i32
        %dma_start3A_381 = arith.constant 0 : i32
        %dma_start3A_382 = arith.constant 0 : i32
        %dma_start3A_383 = tpu.memref_slice %arg3[%add3A_380, %dma_start3A_381, %dma_start3A_382] : memref<2560x2x128xi32, #tpu.memory_space<hbm>> -> memref<1x2x128xi32, #tpu.memory_space<hbm>>
        %dma_start3A_384 = tpu.memref_squeeze %dma_start3A_383 : memref<1x2x128xi32, #tpu.memory_space<hbm>> -> memref<2x128xi32, #tpu.memory_space<hbm>>
        %dma_start3A_385 = arith.constant 0 : i32
        %dma_start3A_386 = arith.constant 0 : i32
        %dma_start3A_387 = tpu.memref_slice %arg3[%add3A_380, %dma_start3A_385, %dma_start3A_386] : memref<2560x2x128xi32, #tpu.memory_space<hbm>> -> memref<1x2x128xi32, #tpu.memory_space<hbm>>
        %dma_start3A_388 = tpu.memref_squeeze %dma_start3A_387 : memref<1x2x128xi32, #tpu.memory_space<hbm>> -> memref<2x128xi32, #tpu.memory_space<hbm>>
        tpu.enqueue_dma source(%dma_start3A_388 : memref<2x128xi32, #tpu.memory_space<hbm>>) target(%arg7 : memref<2x128xi32, #tpu.memory_space<vmem>>) target_semaphore(%arg18 : memref<!tpu.dma_semaphore, #tpu.memory_space<semaphore_mem>>)
      } else {
      }
      %mul3A_306 = arith.constant 8 : i32
      %mul3A_307 = arith.muli %while3A_93, %mul3A_306 : i32
      %add3A_308 = arith.constant 6 : i32
      %add3A_309 = arith.addi %mul3A_307, %add3A_308 : i32
      %ge3A_310 = arith.constant 2 : i32
      %ge3A_311 = arith.cmpi sge, %add3A_309, %ge3A_310 : i32
      %convert_element_type3A_312 = arith.extui %ge3A_311 : i1 to i32
      %cond3A_313 = arith.constant 0 : i32
      %cond3A_314 = arith.cmpi ne, %convert_element_type3A_312, %cond3A_313 : i32
      scf.if %cond3A_314 {
        %dma_wait3A_378 = arith.constant 1 : i32
        %dma_wait3A_379 = arith.constant 0 : i32
        %dma_wait3A_380 = tpu.memref_slice %arg10[%dma_wait3A_378, %dma_wait3A_379] : memref<2x128xi32, #tpu.memory_space<vmem>> -> memref<1x128xi32, #tpu.memory_space<vmem>>
        %dma_wait3A_381 = tpu.memref_squeeze %dma_wait3A_380 : memref<1x128xi32, #tpu.memory_space<vmem>> -> memref<128xi32, #tpu.memory_space<vmem>>
        %dma_wait3A_382 = arith.constant 0 : i32
        %dma_wait3A_383 = arith.constant 0 : i32
        %dma_wait3A_384 = tpu.memref_slice %arg16[%dma_wait3A_382, %dma_wait3A_383] : memref<10240x128xf32, #tpu.memory_space<vmem_shared>> -> memref<10240x128xf32, #tpu.memory_space<vmem_shared>>
        tpu.wait_indirect_dma semaphore(%arg27 : memref<!tpu.dma_semaphore, #tpu.memory_space<semaphore_mem>>) src(%arg14 : memref<128x128xf32, #tpu.memory_space<vmem>>) dst(%dma_wait3A_384 : memref<10240x128xf32, #tpu.memory_space<vmem_shared>>)
      } else {
      }
      %add3A_315 = arith.addi %select_n3A, %add3A_309 : i32
      %dma_wait3A_316 = arith.constant 0 : i32
      %dma_wait3A_317 = arith.constant 0 : i32
      %dma_wait3A_318 = tpu.memref_slice %arg3[%add3A_315, %dma_wait3A_316, %dma_wait3A_317] : memref<2560x2x128xi32, #tpu.memory_space<hbm>> -> memref<1x2x128xi32, #tpu.memory_space<hbm>>
      %dma_wait3A_319 = tpu.memref_squeeze %dma_wait3A_318 : memref<1x2x128xi32, #tpu.memory_space<hbm>> -> memref<2x128xi32, #tpu.memory_space<hbm>>
      %dma_wait3A_320 = arith.constant 0 : i32
      %dma_wait3A_321 = arith.constant 0 : i32
      %dma_wait3A_322 = tpu.memref_slice %arg3[%add3A_315, %dma_wait3A_320, %dma_wait3A_321] : memref<2560x2x128xi32, #tpu.memory_space<hbm>> -> memref<1x2x128xi32, #tpu.memory_space<hbm>>
      %dma_wait3A_323 = tpu.memref_squeeze %dma_wait3A_322 : memref<1x2x128xi32, #tpu.memory_space<hbm>> -> memref<2x128xi32, #tpu.memory_space<hbm>>
      tpu.wait_dma2 semaphore(%arg23 : memref<!tpu.dma_semaphore, #tpu.memory_space<semaphore_mem>>) src(%dma_wait3A_323 : memref<2x128xi32, #tpu.memory_space<hbm>>) dst(%arg12 : memref<2x128xi32, #tpu.memory_space<vmem>>)
      %dma_start3A_324 = arith.constant 0 : i32
      %dma_start3A_325 = arith.constant 0 : i32
      %dma_start3A_326 = tpu.memref_slice %arg12[%dma_start3A_324, %dma_start3A_325] : memref<2x128xi32, #tpu.memory_space<vmem>> -> memref<1x128xi32, #tpu.memory_space<vmem>>
      %dma_start3A_327 = tpu.memref_squeeze %dma_start3A_326 : memref<1x128xi32, #tpu.memory_space<vmem>> -> memref<128xi32, #tpu.memory_space<vmem>>
      %dma_start3A_328 = arith.constant 0 : i32
      %dma_start3A_329 = arith.constant 0 : i32
      %dma_start3A_330 = tpu.memref_slice %arg2[%dma_start3A_328, %dma_start3A_329] : memref<10240x128xf32, #tpu.memory_space<hbm>> -> memref<10240x128xf32, #tpu.memory_space<hbm>>
      tpu.enqueue_indirect_dma source(%dma_start3A_330 : memref<10240x128xf32, #tpu.memory_space<hbm>>) target(%arg14 : memref<128x128xf32, #tpu.memory_space<vmem>>) offsets(%dma_start3A_327 : memref<128xi32, #tpu.memory_space<vmem>>) semaphore(%arg25 : memref<!tpu.dma_semaphore, #tpu.memory_space<semaphore_mem>>)
      %ge3A_331 = arith.constant 1 : i32
      %ge3A_332 = arith.cmpi sge, %add3A_309, %ge3A_331 : i32
      %convert_element_type3A_333 = arith.extui %ge3A_332 : i1 to i32
      %cond3A_334 = arith.constant 0 : i32
      %cond3A_335 = arith.cmpi ne, %convert_element_type3A_333, %cond3A_334 : i32
      scf.if %cond3A_335 {
        %dma_wait3A_378 = arith.constant 0 : i32
        %dma_wait3A_379 = arith.constant 0 : i32
        %dma_wait3A_380 = tpu.memref_slice %arg11[%dma_wait3A_378, %dma_wait3A_379] : memref<2x128xi32, #tpu.memory_space<vmem>> -> memref<1x128xi32, #tpu.memory_space<vmem>>
        %dma_wait3A_381 = tpu.memref_squeeze %dma_wait3A_380 : memref<1x128xi32, #tpu.memory_space<vmem>> -> memref<128xi32, #tpu.memory_space<vmem>>
        %dma_wait3A_382 = arith.constant 0 : i32
        %dma_wait3A_383 = arith.constant 0 : i32
        %dma_wait3A_384 = tpu.memref_slice %arg2[%dma_wait3A_382, %dma_wait3A_383] : memref<10240x128xf32, #tpu.memory_space<hbm>> -> memref<10240x128xf32, #tpu.memory_space<hbm>>
        tpu.wait_indirect_dma semaphore(%arg26 : memref<!tpu.dma_semaphore, #tpu.memory_space<semaphore_mem>>) src(%dma_wait3A_384 : memref<10240x128xf32, #tpu.memory_space<hbm>>) dst(%arg15 : memref<128x128xf32, #tpu.memory_space<vmem>>)
        %dma_start3A_385 = arith.constant 1 : i32
        %dma_start3A_386 = arith.constant 0 : i32
        %dma_start3A_387 = tpu.memref_slice %arg11[%dma_start3A_385, %dma_start3A_386] : memref<2x128xi32, #tpu.memory_space<vmem>> -> memref<1x128xi32, #tpu.memory_space<vmem>>
        %dma_start3A_388 = tpu.memref_squeeze %dma_start3A_387 : memref<1x128xi32, #tpu.memory_space<vmem>> -> memref<128xi32, #tpu.memory_space<vmem>>
        %dma_start3A_389 = arith.constant 0 : i32
        %dma_start3A_390 = arith.constant 0 : i32
        %dma_start3A_391 = tpu.memref_slice %arg16[%dma_start3A_389, %dma_start3A_390] : memref<10240x128xf32, #tpu.memory_space<vmem_shared>> -> memref<10240x128xf32, #tpu.memory_space<vmem_shared>>
        tpu.enqueue_indirect_dma source(%arg15 : memref<128x128xf32, #tpu.memory_space<vmem>>) target(%dma_start3A_391 : memref<10240x128xf32, #tpu.memory_space<vmem_shared>>) offsets(%dma_start3A_388 : memref<128xi32, #tpu.memory_space<vmem>>) semaphore(%arg28 : memref<!tpu.dma_semaphore, #tpu.memory_space<semaphore_mem>>) {add = true}
      } else {
      }
      %add3A_336 = arith.constant 4 : i32
      %add3A_337 = arith.addi %add3A_309, %add3A_336 : i32
      %lt3A_338 = arith.cmpi slt, %add3A_337, %select_n3A_11 : i32
      %convert_element_type3A_339 = arith.extui %lt3A_338 : i1 to i32
      %cond3A_340 = arith.constant 0 : i32
      %cond3A_341 = arith.cmpi ne, %convert_element_type3A_339, %cond3A_340 : i32
      scf.if %cond3A_341 {
        %add3A_378 = arith.constant 4 : i32
        %add3A_379 = arith.addi %add3A_309, %add3A_378 : i32
        %add3A_380 = arith.addi %select_n3A, %add3A_379 : i32
        %dma_start3A_381 = arith.constant 0 : i32
        %dma_start3A_382 = arith.constant 0 : i32
        %dma_start3A_383 = tpu.memref_slice %arg3[%add3A_380, %dma_start3A_381, %dma_start3A_382] : memref<2560x2x128xi32, #tpu.memory_space<hbm>> -> memref<1x2x128xi32, #tpu.memory_space<hbm>>
        %dma_start3A_384 = tpu.memref_squeeze %dma_start3A_383 : memref<1x2x128xi32, #tpu.memory_space<hbm>> -> memref<2x128xi32, #tpu.memory_space<hbm>>
        %dma_start3A_385 = arith.constant 0 : i32
        %dma_start3A_386 = arith.constant 0 : i32
        %dma_start3A_387 = tpu.memref_slice %arg3[%add3A_380, %dma_start3A_385, %dma_start3A_386] : memref<2560x2x128xi32, #tpu.memory_space<hbm>> -> memref<1x2x128xi32, #tpu.memory_space<hbm>>
        %dma_start3A_388 = tpu.memref_squeeze %dma_start3A_387 : memref<1x2x128xi32, #tpu.memory_space<hbm>> -> memref<2x128xi32, #tpu.memory_space<hbm>>
        tpu.enqueue_dma source(%dma_start3A_388 : memref<2x128xi32, #tpu.memory_space<hbm>>) target(%arg8 : memref<2x128xi32, #tpu.memory_space<vmem>>) target_semaphore(%arg19 : memref<!tpu.dma_semaphore, #tpu.memory_space<semaphore_mem>>)
      } else {
      }
      %mul3A_342 = arith.constant 8 : i32
      %mul3A_343 = arith.muli %while3A_93, %mul3A_342 : i32
      %add3A_344 = arith.constant 7 : i32
      %add3A_345 = arith.addi %mul3A_343, %add3A_344 : i32
      %ge3A_346 = arith.constant 2 : i32
      %ge3A_347 = arith.cmpi sge, %add3A_345, %ge3A_346 : i32
      %convert_element_type3A_348 = arith.extui %ge3A_347 : i1 to i32
      %cond3A_349 = arith.constant 0 : i32
      %cond3A_350 = arith.cmpi ne, %convert_element_type3A_348, %cond3A_349 : i32
      scf.if %cond3A_350 {
        %dma_wait3A_378 = arith.constant 1 : i32
        %dma_wait3A_379 = arith.constant 0 : i32
        %dma_wait3A_380 = tpu.memref_slice %arg11[%dma_wait3A_378, %dma_wait3A_379] : memref<2x128xi32, #tpu.memory_space<vmem>> -> memref<1x128xi32, #tpu.memory_space<vmem>>
        %dma_wait3A_381 = tpu.memref_squeeze %dma_wait3A_380 : memref<1x128xi32, #tpu.memory_space<vmem>> -> memref<128xi32, #tpu.memory_space<vmem>>
        %dma_wait3A_382 = arith.constant 0 : i32
        %dma_wait3A_383 = arith.constant 0 : i32
        %dma_wait3A_384 = tpu.memref_slice %arg16[%dma_wait3A_382, %dma_wait3A_383] : memref<10240x128xf32, #tpu.memory_space<vmem_shared>> -> memref<10240x128xf32, #tpu.memory_space<vmem_shared>>
        tpu.wait_indirect_dma semaphore(%arg28 : memref<!tpu.dma_semaphore, #tpu.memory_space<semaphore_mem>>) src(%arg15 : memref<128x128xf32, #tpu.memory_space<vmem>>) dst(%dma_wait3A_384 : memref<10240x128xf32, #tpu.memory_space<vmem_shared>>)
      } else {
      }
      %add3A_351 = arith.addi %select_n3A, %add3A_345 : i32
      %dma_wait3A_352 = arith.constant 0 : i32
      %dma_wait3A_353 = arith.constant 0 : i32
      %dma_wait3A_354 = tpu.memref_slice %arg3[%add3A_351, %dma_wait3A_352, %dma_wait3A_353] : memref<2560x2x128xi32, #tpu.memory_space<hbm>> -> memref<1x2x128xi32, #tpu.memory_space<hbm>>
      %dma_wait3A_355 = tpu.memref_squeeze %dma_wait3A_354 : memref<1x2x128xi32, #tpu.memory_space<hbm>> -> memref<2x128xi32, #tpu.memory_space<hbm>>
      %dma_wait3A_356 = arith.constant 0 : i32
      %dma_wait3A_357 = arith.constant 0 : i32
      %dma_wait3A_358 = tpu.memref_slice %arg3[%add3A_351, %dma_wait3A_356, %dma_wait3A_357] : memref<2560x2x128xi32, #tpu.memory_space<hbm>> -> memref<1x2x128xi32, #tpu.memory_space<hbm>>
      %dma_wait3A_359 = tpu.memref_squeeze %dma_wait3A_358 : memref<1x2x128xi32, #tpu.memory_space<hbm>> -> memref<2x128xi32, #tpu.memory_space<hbm>>
      tpu.wait_dma2 semaphore(%arg24 : memref<!tpu.dma_semaphore, #tpu.memory_space<semaphore_mem>>) src(%dma_wait3A_359 : memref<2x128xi32, #tpu.memory_space<hbm>>) dst(%arg13 : memref<2x128xi32, #tpu.memory_space<vmem>>)
      %dma_start3A_360 = arith.constant 0 : i32
      %dma_start3A_361 = arith.constant 0 : i32
      %dma_start3A_362 = tpu.memref_slice %arg13[%dma_start3A_360, %dma_start3A_361] : memref<2x128xi32, #tpu.memory_space<vmem>> -> memref<1x128xi32, #tpu.memory_space<vmem>>
      %dma_start3A_363 = tpu.memref_squeeze %dma_start3A_362 : memref<1x128xi32, #tpu.memory_space<vmem>> -> memref<128xi32, #tpu.memory_space<vmem>>
      %dma_start3A_364 = arith.constant 0 : i32
      %dma_start3A_365 = arith.constant 0 : i32
      %dma_start3A_366 = tpu.memref_slice %arg2[%dma_start3A_364, %dma_start3A_365] : memref<10240x128xf32, #tpu.memory_space<hbm>> -> memref<10240x128xf32, #tpu.memory_space<hbm>>
      tpu.enqueue_indirect_dma source(%dma_start3A_366 : memref<10240x128xf32, #tpu.memory_space<hbm>>) target(%arg15 : memref<128x128xf32, #tpu.memory_space<vmem>>) offsets(%dma_start3A_363 : memref<128xi32, #tpu.memory_space<vmem>>) semaphore(%arg26 : memref<!tpu.dma_semaphore, #tpu.memory_space<semaphore_mem>>)
      %ge3A_367 = arith.constant 1 : i32
      %ge3A_368 = arith.cmpi sge, %add3A_345, %ge3A_367 : i32
      %convert_element_type3A_369 = arith.extui %ge3A_368 : i1 to i32
      %cond3A_370 = arith.constant 0 : i32
      %cond3A_371 = arith.cmpi ne, %convert_element_type3A_369, %cond3A_370 : i32
      scf.if %cond3A_371 {
        %dma_wait3A_378 = arith.constant 0 : i32
        %dma_wait3A_379 = arith.constant 0 : i32
        %dma_wait3A_380 = tpu.memref_slice %arg12[%dma_wait3A_378, %dma_wait3A_379] : memref<2x128xi32, #tpu.memory_space<vmem>> -> memref<1x128xi32, #tpu.memory_space<vmem>>
        %dma_wait3A_381 = tpu.memref_squeeze %dma_wait3A_380 : memref<1x128xi32, #tpu.memory_space<vmem>> -> memref<128xi32, #tpu.memory_space<vmem>>
        %dma_wait3A_382 = arith.constant 0 : i32
        %dma_wait3A_383 = arith.constant 0 : i32
        %dma_wait3A_384 = tpu.memref_slice %arg2[%dma_wait3A_382, %dma_wait3A_383] : memref<10240x128xf32, #tpu.memory_space<hbm>> -> memref<10240x128xf32, #tpu.memory_space<hbm>>
        tpu.wait_indirect_dma semaphore(%arg25 : memref<!tpu.dma_semaphore, #tpu.memory_space<semaphore_mem>>) src(%dma_wait3A_384 : memref<10240x128xf32, #tpu.memory_space<hbm>>) dst(%arg14 : memref<128x128xf32, #tpu.memory_space<vmem>>)
        %dma_start3A_385 = arith.constant 1 : i32
        %dma_start3A_386 = arith.constant 0 : i32
        %dma_start3A_387 = tpu.memref_slice %arg12[%dma_start3A_385, %dma_start3A_386] : memref<2x128xi32, #tpu.memory_space<vmem>> -> memref<1x128xi32, #tpu.memory_space<vmem>>
        %dma_start3A_388 = tpu.memref_squeeze %dma_start3A_387 : memref<1x128xi32, #tpu.memory_space<vmem>> -> memref<128xi32, #tpu.memory_space<vmem>>
        %dma_start3A_389 = arith.constant 0 : i32
        %dma_start3A_390 = arith.constant 0 : i32
        %dma_start3A_391 = tpu.memref_slice %arg16[%dma_start3A_389, %dma_start3A_390] : memref<10240x128xf32, #tpu.memory_space<vmem_shared>> -> memref<10240x128xf32, #tpu.memory_space<vmem_shared>>
        tpu.enqueue_indirect_dma source(%arg14 : memref<128x128xf32, #tpu.memory_space<vmem>>) target(%dma_start3A_391 : memref<10240x128xf32, #tpu.memory_space<vmem_shared>>) offsets(%dma_start3A_388 : memref<128xi32, #tpu.memory_space<vmem>>) semaphore(%arg27 : memref<!tpu.dma_semaphore, #tpu.memory_space<semaphore_mem>>) {add = true}
      } else {
      }
      %add3A_372 = arith.constant 4 : i32
      %add3A_373 = arith.addi %add3A_345, %add3A_372 : i32
      %lt3A_374 = arith.cmpi slt, %add3A_373, %select_n3A_11 : i32
      %convert_element_type3A_375 = arith.extui %lt3A_374 : i1 to i32
      %cond3A_376 = arith.constant 0 : i32
      %cond3A_377 = arith.cmpi ne, %convert_element_type3A_375, %cond3A_376 : i32
      scf.if %cond3A_377 {
        %add3A_378 = arith.constant 4 : i32
        %add3A_379 = arith.addi %add3A_345, %add3A_378 : i32
        %add3A_380 = arith.addi %select_n3A, %add3A_379 : i32
        %dma_start3A_381 = arith.constant 0 : i32
        %dma_start3A_382 = arith.constant 0 : i32
        %dma_start3A_383 = tpu.memref_slice %arg3[%add3A_380, %dma_start3A_381, %dma_start3A_382] : memref<2560x2x128xi32, #tpu.memory_space<hbm>> -> memref<1x2x128xi32, #tpu.memory_space<hbm>>
        %dma_start3A_384 = tpu.memref_squeeze %dma_start3A_383 : memref<1x2x128xi32, #tpu.memory_space<hbm>> -> memref<2x128xi32, #tpu.memory_space<hbm>>
        %dma_start3A_385 = arith.constant 0 : i32
        %dma_start3A_386 = arith.constant 0 : i32
        %dma_start3A_387 = tpu.memref_slice %arg3[%add3A_380, %dma_start3A_385, %dma_start3A_386] : memref<2560x2x128xi32, #tpu.memory_space<hbm>> -> memref<1x2x128xi32, #tpu.memory_space<hbm>>
        %dma_start3A_388 = tpu.memref_squeeze %dma_start3A_387 : memref<1x2x128xi32, #tpu.memory_space<hbm>> -> memref<2x128xi32, #tpu.memory_space<hbm>>
        tpu.enqueue_dma source(%dma_start3A_388 : memref<2x128xi32, #tpu.memory_space<hbm>>) target(%arg9 : memref<2x128xi32, #tpu.memory_space<vmem>>) target_semaphore(%arg20 : memref<!tpu.dma_semaphore, #tpu.memory_space<semaphore_mem>>)
      } else {
      }
    }
    %dma_wait3A = arith.constant 0 : i32
    %dma_wait3A_65 = arith.constant 0 : i32
    %dma_wait3A_66 = tpu.memref_slice %arg13[%dma_wait3A, %dma_wait3A_65] : memref<2x128xi32, #tpu.memory_space<vmem>> -> memref<1x128xi32, #tpu.memory_space<vmem>>
    %dma_wait3A_67 = tpu.memref_squeeze %dma_wait3A_66 : memref<1x128xi32, #tpu.memory_space<vmem>> -> memref<128xi32, #tpu.memory_space<vmem>>
    %dma_wait3A_68 = arith.constant 0 : i32
    %dma_wait3A_69 = arith.constant 0 : i32
    %dma_wait3A_70 = tpu.memref_slice %arg2[%dma_wait3A_68, %dma_wait3A_69] : memref<10240x128xf32, #tpu.memory_space<hbm>> -> memref<10240x128xf32, #tpu.memory_space<hbm>>
    tpu.wait_indirect_dma semaphore(%arg26 : memref<!tpu.dma_semaphore, #tpu.memory_space<semaphore_mem>>) src(%dma_wait3A_70 : memref<10240x128xf32, #tpu.memory_space<hbm>>) dst(%arg15 : memref<128x128xf32, #tpu.memory_space<vmem>>)
    %dma_start3A_71 = arith.constant 1 : i32
    %dma_start3A_72 = arith.constant 0 : i32
    %dma_start3A_73 = tpu.memref_slice %arg13[%dma_start3A_71, %dma_start3A_72] : memref<2x128xi32, #tpu.memory_space<vmem>> -> memref<1x128xi32, #tpu.memory_space<vmem>>
    %dma_start3A_74 = tpu.memref_squeeze %dma_start3A_73 : memref<1x128xi32, #tpu.memory_space<vmem>> -> memref<128xi32, #tpu.memory_space<vmem>>
    %dma_start3A_75 = arith.constant 0 : i32
    %dma_start3A_76 = arith.constant 0 : i32
    %dma_start3A_77 = tpu.memref_slice %arg16[%dma_start3A_75, %dma_start3A_76] : memref<10240x128xf32, #tpu.memory_space<vmem_shared>> -> memref<10240x128xf32, #tpu.memory_space<vmem_shared>>
    tpu.enqueue_indirect_dma source(%arg15 : memref<128x128xf32, #tpu.memory_space<vmem>>) target(%dma_start3A_77 : memref<10240x128xf32, #tpu.memory_space<vmem_shared>>) offsets(%dma_start3A_74 : memref<128xi32, #tpu.memory_space<vmem>>) semaphore(%arg28 : memref<!tpu.dma_semaphore, #tpu.memory_space<semaphore_mem>>) {add = true}
    %dma_wait3A_78 = arith.constant 1 : i32
    %dma_wait3A_79 = arith.constant 0 : i32
    %dma_wait3A_80 = tpu.memref_slice %arg6[%dma_wait3A_78, %dma_wait3A_79] : memref<2x128xi32, #tpu.memory_space<vmem>> -> memref<1x128xi32, #tpu.memory_space<vmem>>
    %dma_wait3A_81 = tpu.memref_squeeze %dma_wait3A_80 : memref<1x128xi32, #tpu.memory_space<vmem>> -> memref<128xi32, #tpu.memory_space<vmem>>
    %dma_wait3A_82 = arith.constant 0 : i32
    %dma_wait3A_83 = arith.constant 0 : i32
    %dma_wait3A_84 = tpu.memref_slice %arg16[%dma_wait3A_82, %dma_wait3A_83] : memref<10240x128xf32, #tpu.memory_space<vmem_shared>> -> memref<10240x128xf32, #tpu.memory_space<vmem_shared>>
    tpu.wait_indirect_dma semaphore(%arg27 : memref<!tpu.dma_semaphore, #tpu.memory_space<semaphore_mem>>) src(%arg14 : memref<128x128xf32, #tpu.memory_space<vmem>>) dst(%dma_wait3A_84 : memref<10240x128xf32, #tpu.memory_space<vmem_shared>>)
    %dma_wait3A_85 = arith.constant 1 : i32
    %dma_wait3A_86 = arith.constant 0 : i32
    %dma_wait3A_87 = tpu.memref_slice %arg7[%dma_wait3A_85, %dma_wait3A_86] : memref<2x128xi32, #tpu.memory_space<vmem>> -> memref<1x128xi32, #tpu.memory_space<vmem>>
    %dma_wait3A_88 = tpu.memref_squeeze %dma_wait3A_87 : memref<1x128xi32, #tpu.memory_space<vmem>> -> memref<128xi32, #tpu.memory_space<vmem>>
    %dma_wait3A_89 = arith.constant 0 : i32
    %dma_wait3A_90 = arith.constant 0 : i32
    %dma_wait3A_91 = tpu.memref_slice %arg16[%dma_wait3A_89, %dma_wait3A_90] : memref<10240x128xf32, #tpu.memory_space<vmem_shared>> -> memref<10240x128xf32, #tpu.memory_space<vmem_shared>>
    tpu.wait_indirect_dma semaphore(%arg28 : memref<!tpu.dma_semaphore, #tpu.memory_space<semaphore_mem>>) src(%arg15 : memref<128x128xf32, #tpu.memory_space<vmem>>) dst(%dma_wait3A_91 : memref<10240x128xf32, #tpu.memory_space<vmem_shared>>)
    %barrier3A_92 = arith.constant 0 : index
    tpu.barrier barrier_id(%barrier3A_92)
    "tpu.region"() ({
      %run_scoped3A = tpu.sem_alloc : memref<!tpu.dma_semaphore, #tpu.memory_space<semaphore_mem>>
      %dma_start3A_93 = arith.constant 0 : i32
      %dma_start3A_94 = tpu.memref_slice %arg5[%arg0, %mul3A_0, %dma_start3A_93] : memref<2x10240x128xf32, #tpu.memory_space<hbm>> -> memref<1x640x128xf32, #tpu.memory_space<hbm>>
      %dma_start3A_95 = tpu.memref_squeeze %dma_start3A_94 : memref<1x640x128xf32, #tpu.memory_space<hbm>> -> memref<640x128xf32, #tpu.memory_space<hbm>>
      %dma_start3A_96 = arith.constant 0 : i32
      %dma_start3A_97 = tpu.memref_slice %arg16[%mul3A_0, %dma_start3A_96] : memref<10240x128xf32, #tpu.memory_space<vmem_shared>> -> memref<640x128xf32, #tpu.memory_space<vmem_shared>>
      tpu.enqueue_dma source(%dma_start3A_97 : memref<640x128xf32, #tpu.memory_space<vmem_shared>>) target(%dma_start3A_95 : memref<640x128xf32, #tpu.memory_space<hbm>>) target_semaphore(%run_scoped3A : memref<!tpu.dma_semaphore, #tpu.memory_space<semaphore_mem>>)
      %dma_wait3A_98 = arith.constant 0 : i32
      %dma_wait3A_99 = tpu.memref_slice %arg5[%arg0, %mul3A_0, %dma_wait3A_98] : memref<2x10240x128xf32, #tpu.memory_space<hbm>> -> memref<1x640x128xf32, #tpu.memory_space<hbm>>
      %dma_wait3A_100 = tpu.memref_squeeze %dma_wait3A_99 : memref<1x640x128xf32, #tpu.memory_space<hbm>> -> memref<640x128xf32, #tpu.memory_space<hbm>>
      %dma_wait3A_101 = arith.constant 0 : i32
      %dma_wait3A_102 = tpu.memref_slice %arg16[%mul3A_0, %dma_wait3A_101] : memref<10240x128xf32, #tpu.memory_space<vmem_shared>> -> memref<640x128xf32, #tpu.memory_space<vmem_shared>>
      tpu.wait_dma2 semaphore(%run_scoped3A : memref<!tpu.dma_semaphore, #tpu.memory_space<semaphore_mem>>) src(%dma_wait3A_102 : memref<640x128xf32, #tpu.memory_space<vmem_shared>>) dst(%dma_wait3A_100 : memref<640x128xf32, #tpu.memory_space<hbm>>)
      tpu.yield
    }) : () -> ()
    return
  }
}

#map = affine_map<(d0, d1) -> (0, 0)>
#map1 = affine_map<(d0, d1) -> (0, 0, 0)>
module attributes {stable_mosaic.version = 14 : i64} {
  func.func @_mp_body(%arg0: i32, %arg1: i32, %arg2: memref<10240x128xf32, #tpu.memory_space<hbm>>, %arg3: memref<2560x2x128xi32, #tpu.memory_space<hbm>>, %arg4: memref<640x128xf32, #tpu.memory_space<hbm>>, %arg5: memref<2x10240x128xf32, #tpu.memory_space<hbm>>, %arg6: memref<2x128xi32, #tpu.memory_space<vmem>>, %arg7: memref<2x128xi32, #tpu.memory_space<vmem>>, %arg8: memref<2x128xi32, #tpu.memory_space<vmem>>, %arg9: memref<2x128xi32, #tpu.memory_space<vmem>>, %arg10: memref<2x128xi32, #tpu.memory_space<vmem>>, %arg11: memref<2x128xi32, #tpu.memory_space<vmem>>, %arg12: memref<2x128xi32, #tpu.memory_space<vmem>>, %arg13: memref<2x128xi32, #tpu.memory_space<vmem>>, %arg14: memref<128x128xf32, #tpu.memory_space<vmem>>, %arg15: memref<128x128xf32, #tpu.memory_space<vmem>>, %arg16: memref<10240x128xf32, #tpu.memory_space<vmem_shared>>, %arg17: memref<!tpu.dma_semaphore, #tpu.memory_space<semaphore_mem>>, %arg18: memref<!tpu.dma_semaphore, #tpu.memory_space<semaphore_mem>>, %arg19: memref<!tpu.dma_semaphore, #tpu.memory_space<semaphore_mem>>, %arg20: memref<!tpu.dma_semaphore, #tpu.memory_space<semaphore_mem>>, %arg21: memref<!tpu.dma_semaphore, #tpu.memory_space<semaphore_mem>>, %arg22: memref<!tpu.dma_semaphore, #tpu.memory_space<semaphore_mem>>, %arg23: memref<!tpu.dma_semaphore, #tpu.memory_space<semaphore_mem>>, %arg24: memref<!tpu.dma_semaphore, #tpu.memory_space<semaphore_mem>>, %arg25: memref<!tpu.dma_semaphore, #tpu.memory_space<semaphore_mem>>, %arg26: memref<!tpu.dma_semaphore, #tpu.memory_space<semaphore_mem>>, %arg27: memref<!tpu.dma_semaphore, #tpu.memory_space<semaphore_mem>>, %arg28: memref<!tpu.dma_semaphore, #tpu.memory_space<semaphore_mem>>) attributes {dimension_semantics = [#tpu.dimension_semantics<core_parallel>, #tpu.dimension_semantics<subcore_parallel>], iteration_bounds = array<i64: 2, 16>, scalar_prefetch = 0 : i64, scratch_operands = 23 : i64, tpu.core_type = #tpu.core_type<sc_vector_subcore>, window_params = [{transform_indices = #map}, {transform_indices = #map1}, {transform_indices = #map}, {transform_indices = #map1}]} {
    %mul3A = arith.constant 640 : i32
    %mul3A_0 = arith.muli %arg1, %mul3A : i32
    "tpu.region"() ({
      %run_scoped3A = tpu.sem_alloc : memref<!tpu.dma_semaphore, #tpu.memory_space<semaphore_mem>>
      %dma_start3A_93 = arith.constant 0 : i32
      %dma_start3A_94 = tpu.memref_slice %arg16[%mul3A_0, %dma_start3A_93] : memref<10240x128xf32, #tpu.memory_space<vmem_shared>> -> memref<640x128xf32, #tpu.memory_space<vmem_shared>>
      tpu.enqueue_dma source(%arg4 : memref<640x128xf32, #tpu.memory_space<hbm>>) target(%dma_start3A_94 : memref<640x128xf32, #tpu.memory_space<vmem_shared>>) target_semaphore(%run_scoped3A : memref<!tpu.dma_semaphore, #tpu.memory_space<semaphore_mem>>)
      %dma_wait3A_95 = arith.constant 0 : i32
      %dma_wait3A_96 = tpu.memref_slice %arg16[%mul3A_0, %dma_wait3A_95] : memref<10240x128xf32, #tpu.memory_space<vmem_shared>> -> memref<640x128xf32, #tpu.memory_space<vmem_shared>>
      tpu.wait_dma2 semaphore(%run_scoped3A : memref<!tpu.dma_semaphore, #tpu.memory_space<semaphore_mem>>) src(%arg4 : memref<640x128xf32, #tpu.memory_space<hbm>>) dst(%dma_wait3A_96 : memref<640x128xf32, #tpu.memory_space<vmem_shared>>)
      tpu.yield
    }) : () -> ()
    %barrier3A = arith.constant 0 : index
    tpu.barrier barrier_id(%barrier3A)
    %eq3A = arith.constant 0 : i32
    %eq3A_1 = arith.cmpi eq, %arg0, %eq3A : i32
    %mul3A_2 = arith.constant 128 : i32
    %mul3A_3 = arith.muli %arg1, %mul3A_2 : i32
    %mul3A_4 = arith.constant 32 : i32
    %mul3A_5 = arith.muli %arg1, %mul3A_4 : i32
    %add3A = arith.constant 2048 : i32
    %add3A_6 = arith.addi %add3A, %mul3A_5 : i32
    %select_n3A = arith.select %eq3A_1, %mul3A_3, %add3A_6 : i32
    %eq3A_7 = arith.constant 0 : i32
    %eq3A_8 = arith.cmpi eq, %arg0, %eq3A_7 : i32
    %select_n3A_9 = arith.constant 32 : i32
    %select_n3A_10 = arith.constant 128 : i32
    %select_n3A_11 = arith.select %eq3A_8, %select_n3A_10, %select_n3A_9 : i32
    %eq3A_12 = arith.constant 0 : i32
    %eq3A_13 = arith.cmpi eq, %arg0, %eq3A_12 : i32
    %select_n3A_14 = arith.constant 4 : i32
    %select_n3A_15 = arith.constant 16 : i32
    %select_n3A_16 = arith.select %eq3A_13, %select_n3A_15, %select_n3A_14 : i32
    %add3A_17 = arith.constant 0 : i32
    %add3A_18 = arith.addi %select_n3A, %add3A_17 : i32
    %dma_start3A = arith.constant 0 : i32
    %dma_start3A_19 = arith.constant 0 : i32
    %dma_start3A_20 = tpu.memref_slice %arg3[%add3A_18, %dma_start3A, %dma_start3A_19] : memref<2560x2x128xi32, #tpu.memory_space<hbm>> -> memref<1x2x128xi32, #tpu.memory_space<hbm>>
    %dma_start3A_21 = tpu.memref_squeeze %dma_start3A_20 : memref<1x2x128xi32, #tpu.memory_space<hbm>> -> memref<2x128xi32, #tpu.memory_space<hbm>>
    %dma_start3A_22 = arith.constant 0 : i32
    %dma_start3A_23 = arith.constant 0 : i32
    %dma_start3A_24 = tpu.memref_slice %arg3[%add3A_18, %dma_start3A_22, %dma_start3A_23] : memref<2560x2x128xi32, #tpu.memory_space<hbm>> -> memref<1x2x128xi32, #tpu.memory_space<hbm>>
    %dma_start3A_25 = tpu.memref_squeeze %dma_start3A_24 : memref<1x2x128xi32, #tpu.memory_space<hbm>> -> memref<2x128xi32, #tpu.memory_space<hbm>>
    tpu.enqueue_dma source(%dma_start3A_25 : memref<2x128xi32, #tpu.memory_space<hbm>>) target(%arg6 : memref<2x128xi32, #tpu.memory_space<vmem>>) target_semaphore(%arg17 : memref<!tpu.dma_semaphore, #tpu.memory_space<semaphore_mem>>)
    %add3A_26 = arith.constant 1 : i32
    %add3A_27 = arith.addi %select_n3A, %add3A_26 : i32
    %dma_start3A_28 = arith.constant 0 : i32
    %dma_start3A_29 = arith.constant 0 : i32
    %dma_start3A_30 = tpu.memref_slice %arg3[%add3A_27, %dma_start3A_28, %dma_start3A_29] : memref<2560x2x128xi32, #tpu.memory_space<hbm>> -> memref<1x2x128xi32, #tpu.memory_space<hbm>>
    %dma_start3A_31 = tpu.memref_squeeze %dma_start3A_30 : memref<1x2x128xi32, #tpu.memory_space<hbm>> -> memref<2x128xi32, #tpu.memory_space<hbm>>
    %dma_start3A_32 = arith.constant 0 : i32
    %dma_start3A_33 = arith.constant 0 : i32
    %dma_start3A_34 = tpu.memref_slice %arg3[%add3A_27, %dma_start3A_32, %dma_start3A_33] : memref<2560x2x128xi32, #tpu.memory_space<hbm>> -> memref<1x2x128xi32, #tpu.memory_space<hbm>>
    %dma_start3A_35 = tpu.memref_squeeze %dma_start3A_34 : memref<1x2x128xi32, #tpu.memory_space<hbm>> -> memref<2x128xi32, #tpu.memory_space<hbm>>
    tpu.enqueue_dma source(%dma_start3A_35 : memref<2x128xi32, #tpu.memory_space<hbm>>) target(%arg7 : memref<2x128xi32, #tpu.memory_space<vmem>>) target_semaphore(%arg18 : memref<!tpu.dma_semaphore, #tpu.memory_space<semaphore_mem>>)
    %add3A_36 = arith.constant 2 : i32
    %add3A_37 = arith.addi %select_n3A, %add3A_36 : i32
    %dma_start3A_38 = arith.constant 0 : i32
    %dma_start3A_39 = arith.constant 0 : i32
    %dma_start3A_40 = tpu.memref_slice %arg3[%add3A_37, %dma_start3A_38, %dma_start3A_39] : memref<2560x2x128xi32, #tpu.memory_space<hbm>> -> memref<1x2x128xi32, #tpu.memory_space<hbm>>
    %dma_start3A_41 = tpu.memref_squeeze %dma_start3A_40 : memref<1x2x128xi32, #tpu.memory_space<hbm>> -> memref<2x128xi32, #tpu.memory_space<hbm>>
    %dma_start3A_42 = arith.constant 0 : i32
    %dma_start3A_43 = arith.constant 0 : i32
    %dma_start3A_44 = tpu.memref_slice %arg3[%add3A_37, %dma_start3A_42, %dma_start3A_43] : memref<2560x2x128xi32, #tpu.memory_space<hbm>> -> memref<1x2x128xi32, #tpu.memory_space<hbm>>
    %dma_start3A_45 = tpu.memref_squeeze %dma_start3A_44 : memref<1x2x128xi32, #tpu.memory_space<hbm>> -> memref<2x128xi32, #tpu.memory_space<hbm>>
    tpu.enqueue_dma source(%dma_start3A_45 : memref<2x128xi32, #tpu.memory_space<hbm>>) target(%arg8 : memref<2x128xi32, #tpu.memory_space<vmem>>) target_semaphore(%arg19 : memref<!tpu.dma_semaphore, #tpu.memory_space<semaphore_mem>>)
    %add3A_46 = arith.constant 3 : i32
    %add3A_47 = arith.addi %select_n3A, %add3A_46 : i32
    %dma_start3A_48 = arith.constant 0 : i32
    %dma_start3A_49 = arith.constant 0 : i32
    %dma_start3A_50 = tpu.memref_slice %arg3[%add3A_47, %dma_start3A_48, %dma_start3A_49] : memref<2560x2x128xi32, #tpu.memory_space<hbm>> -> memref<1x2x128xi32, #tpu.memory_space<hbm>>
    %dma_start3A_51 = tpu.memref_squeeze %dma_start3A_50 : memref<1x2x128xi32, #tpu.memory_space<hbm>> -> memref<2x128xi32, #tpu.memory_space<hbm>>
    %dma_start3A_52 = arith.constant 0 : i32
    %dma_start3A_53 = arith.constant 0 : i32
    %dma_start3A_54 = tpu.memref_slice %arg3[%add3A_47, %dma_start3A_52, %dma_start3A_53] : memref<2560x2x128xi32, #tpu.memory_space<hbm>> -> memref<1x2x128xi32, #tpu.memory_space<hbm>>
    %dma_start3A_55 = tpu.memref_squeeze %dma_start3A_54 : memref<1x2x128xi32, #tpu.memory_space<hbm>> -> memref<2x128xi32, #tpu.memory_space<hbm>>
    tpu.enqueue_dma source(%dma_start3A_55 : memref<2x128xi32, #tpu.memory_space<hbm>>) target(%arg9 : memref<2x128xi32, #tpu.memory_space<vmem>>) target_semaphore(%arg20 : memref<!tpu.dma_semaphore, #tpu.memory_space<semaphore_mem>>)
    %while3A = arith.constant 0 : i32
    %while3A_56 = arith.constant 0 : i32
    %while3A_57 = arith.subi %select_n3A_16, %while3A_56 : i32
    %while3A_58 = arith.addi %while3A_56, %while3A_57 : i32
    %while3A_59 = arith.constant 1 : i32
    %while3A_60 = arith.divsi %while3A_57, %while3A_59 : i32
    %while3A_61 = arith.muli %while3A_60, %while3A_59 : i32
    %while3A_62 = arith.addi %while3A_56, %while3A_61 : i32
    %while3A_63 = arith.constant 1 : i32
    scf.for %while3A_93 = %while3A_56 to %while3A_62 step %while3A_63  : i32 {
      %mul3A_94 = arith.constant 8 : i32
      %mul3A_95 = arith.muli %while3A_93, %mul3A_94 : i32
      %add3A_96 = arith.constant 0 : i32
      %add3A_97 = arith.addi %mul3A_95, %add3A_96 : i32
      %ge3A = arith.constant 2 : i32
      %ge3A_98 = arith.cmpi sge, %add3A_97, %ge3A : i32
      %convert_element_type3A = arith.extui %ge3A_98 : i1 to i32
      %cond3A = arith.constant 0 : i32
      %cond3A_99 = arith.cmpi ne, %convert_element_type3A, %cond3A : i32
      scf.if %cond3A_99 {
        %dma_wait3A_378 = arith.constant 1 : i32
        %dma_wait3A_379 = arith.constant 0 : i32
        %dma_wait3A_380 = tpu.memref_slice %arg12[%dma_wait3A_378, %dma_wait3A_379] : memref<2x128xi32, #tpu.memory_space<vmem>> -> memref<1x128xi32, #tpu.memory_space<vmem>>
        %dma_wait3A_381 = tpu.memref_squeeze %dma_wait3A_380 : memref<1x128xi32, #tpu.memory_space<vmem>> -> memref<128xi32, #tpu.memory_space<vmem>>
        %dma_wait3A_382 = arith.constant 0 : i32
        %dma_wait3A_383 = arith.constant 0 : i32
        %dma_wait3A_384 = tpu.memref_slice %arg16[%dma_wait3A_382, %dma_wait3A_383] : memref<10240x128xf32, #tpu.memory_space<vmem_shared>> -> memref<10240x128xf32, #tpu.memory_space<vmem_shared>>
        tpu.wait_indirect_dma semaphore(%arg27 : memref<!tpu.dma_semaphore, #tpu.memory_space<semaphore_mem>>) src(%arg14 : memref<128x128xf32, #tpu.memory_space<vmem>>) dst(%dma_wait3A_384 : memref<10240x128xf32, #tpu.memory_space<vmem_shared>>)
      } else {
      }
      %add3A_100 = arith.addi %select_n3A, %add3A_97 : i32
      %dma_wait3A_101 = arith.constant 0 : i32
      %dma_wait3A_102 = arith.constant 0 : i32
      %dma_wait3A_103 = tpu.memref_slice %arg3[%add3A_100, %dma_wait3A_101, %dma_wait3A_102] : memref<2560x2x128xi32, #tpu.memory_space<hbm>> -> memref<1x2x128xi32, #tpu.memory_space<hbm>>
      %dma_wait3A_104 = tpu.memref_squeeze %dma_wait3A_103 : memref<1x2x128xi32, #tpu.memory_space<hbm>> -> memref<2x128xi32, #tpu.memory_space<hbm>>
      %dma_wait3A_105 = arith.constant 0 : i32
      %dma_wait3A_106 = arith.constant 0 : i32
      %dma_wait3A_107 = tpu.memref_slice %arg3[%add3A_100, %dma_wait3A_105, %dma_wait3A_106] : memref<2560x2x128xi32, #tpu.memory_space<hbm>> -> memref<1x2x128xi32, #tpu.memory_space<hbm>>
      %dma_wait3A_108 = tpu.memref_squeeze %dma_wait3A_107 : memref<1x2x128xi32, #tpu.memory_space<hbm>> -> memref<2x128xi32, #tpu.memory_space<hbm>>
      tpu.wait_dma2 semaphore(%arg17 : memref<!tpu.dma_semaphore, #tpu.memory_space<semaphore_mem>>) src(%dma_wait3A_108 : memref<2x128xi32, #tpu.memory_space<hbm>>) dst(%arg6 : memref<2x128xi32, #tpu.memory_space<vmem>>)
      %dma_start3A_109 = arith.constant 0 : i32
      %dma_start3A_110 = arith.constant 0 : i32
      %dma_start3A_111 = tpu.memref_slice %arg6[%dma_start3A_109, %dma_start3A_110] : memref<2x128xi32, #tpu.memory_space<vmem>> -> memref<1x128xi32, #tpu.memory_space<vmem>>
      %dma_start3A_112 = tpu.memref_squeeze %dma_start3A_111 : memref<1x128xi32, #tpu.memory_space<vmem>> -> memref<128xi32, #tpu.memory_space<vmem>>
      %dma_start3A_113 = arith.constant 0 : i32
      %dma_start3A_114 = arith.constant 0 : i32
      %dma_start3A_115 = tpu.memref_slice %arg2[%dma_start3A_113, %dma_start3A_114] : memref<10240x128xf32, #tpu.memory_space<hbm>> -> memref<10240x128xf32, #tpu.memory_space<hbm>>
      tpu.enqueue_indirect_dma source(%dma_start3A_115 : memref<10240x128xf32, #tpu.memory_space<hbm>>) target(%arg14 : memref<128x128xf32, #tpu.memory_space<vmem>>) offsets(%dma_start3A_112 : memref<128xi32, #tpu.memory_space<vmem>>) semaphore(%arg25 : memref<!tpu.dma_semaphore, #tpu.memory_space<semaphore_mem>>)
      %ge3A_116 = arith.constant 1 : i32
      %ge3A_117 = arith.cmpi sge, %add3A_97, %ge3A_116 : i32
      %convert_element_type3A_118 = arith.extui %ge3A_117 : i1 to i32
      %cond3A_119 = arith.constant 0 : i32
      %cond3A_120 = arith.cmpi ne, %convert_element_type3A_118, %cond3A_119 : i32
      scf.if %cond3A_120 {
        %dma_wait3A_378 = arith.constant 0 : i32
        %dma_wait3A_379 = arith.constant 0 : i32
        %dma_wait3A_380 = tpu.memref_slice %arg13[%dma_wait3A_378, %dma_wait3A_379] : memref<2x128xi32, #tpu.memory_space<vmem>> -> memref<1x128xi32, #tpu.memory_space<vmem>>
        %dma_wait3A_381 = tpu.memref_squeeze %dma_wait3A_380 : memref<1x128xi32, #tpu.memory_space<vmem>> -> memref<128xi32, #tpu.memory_space<vmem>>
        %dma_wait3A_382 = arith.constant 0 : i32
        %dma_wait3A_383 = arith.constant 0 : i32
        %dma_wait3A_384 = tpu.memref_slice %arg2[%dma_wait3A_382, %dma_wait3A_383] : memref<10240x128xf32, #tpu.memory_space<hbm>> -> memref<10240x128xf32, #tpu.memory_space<hbm>>
        tpu.wait_indirect_dma semaphore(%arg26 : memref<!tpu.dma_semaphore, #tpu.memory_space<semaphore_mem>>) src(%dma_wait3A_384 : memref<10240x128xf32, #tpu.memory_space<hbm>>) dst(%arg15 : memref<128x128xf32, #tpu.memory_space<vmem>>)
        %dma_start3A_385 = arith.constant 1 : i32
        %dma_start3A_386 = arith.constant 0 : i32
        %dma_start3A_387 = tpu.memref_slice %arg13[%dma_start3A_385, %dma_start3A_386] : memref<2x128xi32, #tpu.memory_space<vmem>> -> memref<1x128xi32, #tpu.memory_space<vmem>>
        %dma_start3A_388 = tpu.memref_squeeze %dma_start3A_387 : memref<1x128xi32, #tpu.memory_space<vmem>> -> memref<128xi32, #tpu.memory_space<vmem>>
        %dma_start3A_389 = arith.constant 0 : i32
        %dma_start3A_390 = arith.constant 0 : i32
        %dma_start3A_391 = tpu.memref_slice %arg16[%dma_start3A_389, %dma_start3A_390] : memref<10240x128xf32, #tpu.memory_space<vmem_shared>> -> memref<10240x128xf32, #tpu.memory_space<vmem_shared>>
        tpu.enqueue_indirect_dma source(%arg15 : memref<128x128xf32, #tpu.memory_space<vmem>>) target(%dma_start3A_391 : memref<10240x128xf32, #tpu.memory_space<vmem_shared>>) offsets(%dma_start3A_388 : memref<128xi32, #tpu.memory_space<vmem>>) semaphore(%arg28 : memref<!tpu.dma_semaphore, #tpu.memory_space<semaphore_mem>>) {add = true}
      } else {
      }
      %add3A_121 = arith.constant 4 : i32
      %add3A_122 = arith.addi %add3A_97, %add3A_121 : i32
      %lt3A = arith.cmpi slt, %add3A_122, %select_n3A_11 : i32
      %convert_element_type3A_123 = arith.extui %lt3A : i1 to i32
      %cond3A_124 = arith.constant 0 : i32
      %cond3A_125 = arith.cmpi ne, %convert_element_type3A_123, %cond3A_124 : i32
      scf.if %cond3A_125 {
        %add3A_378 = arith.constant 4 : i32
        %add3A_379 = arith.addi %add3A_97, %add3A_378 : i32
        %add3A_380 = arith.addi %select_n3A, %add3A_379 : i32
        %dma_start3A_381 = arith.constant 0 : i32
        %dma_start3A_382 = arith.constant 0 : i32
        %dma_start3A_383 = tpu.memref_slice %arg3[%add3A_380, %dma_start3A_381, %dma_start3A_382] : memref<2560x2x128xi32, #tpu.memory_space<hbm>> -> memref<1x2x128xi32, #tpu.memory_space<hbm>>
        %dma_start3A_384 = tpu.memref_squeeze %dma_start3A_383 : memref<1x2x128xi32, #tpu.memory_space<hbm>> -> memref<2x128xi32, #tpu.memory_space<hbm>>
        %dma_start3A_385 = arith.constant 0 : i32
        %dma_start3A_386 = arith.constant 0 : i32
        %dma_start3A_387 = tpu.memref_slice %arg3[%add3A_380, %dma_start3A_385, %dma_start3A_386] : memref<2560x2x128xi32, #tpu.memory_space<hbm>> -> memref<1x2x128xi32, #tpu.memory_space<hbm>>
        %dma_start3A_388 = tpu.memref_squeeze %dma_start3A_387 : memref<1x2x128xi32, #tpu.memory_space<hbm>> -> memref<2x128xi32, #tpu.memory_space<hbm>>
        tpu.enqueue_dma source(%dma_start3A_388 : memref<2x128xi32, #tpu.memory_space<hbm>>) target(%arg10 : memref<2x128xi32, #tpu.memory_space<vmem>>) target_semaphore(%arg21 : memref<!tpu.dma_semaphore, #tpu.memory_space<semaphore_mem>>)
      } else {
      }
      %mul3A_126 = arith.constant 8 : i32
      %mul3A_127 = arith.muli %while3A_93, %mul3A_126 : i32
      %add3A_128 = arith.constant 1 : i32
      %add3A_129 = arith.addi %mul3A_127, %add3A_128 : i32
      %ge3A_130 = arith.constant 2 : i32
      %ge3A_131 = arith.cmpi sge, %add3A_129, %ge3A_130 : i32
      %convert_element_type3A_132 = arith.extui %ge3A_131 : i1 to i32
      %cond3A_133 = arith.constant 0 : i32
      %cond3A_134 = arith.cmpi ne, %convert_element_type3A_132, %cond3A_133 : i32
      scf.if %cond3A_134 {
        %dma_wait3A_378 = arith.constant 1 : i32
        %dma_wait3A_379 = arith.constant 0 : i32
        %dma_wait3A_380 = tpu.memref_slice %arg13[%dma_wait3A_378, %dma_wait3A_379] : memref<2x128xi32, #tpu.memory_space<vmem>> -> memref<1x128xi32, #tpu.memory_space<vmem>>
        %dma_wait3A_381 = tpu.memref_squeeze %dma_wait3A_380 : memref<1x128xi32, #tpu.memory_space<vmem>> -> memref<128xi32, #tpu.memory_space<vmem>>
        %dma_wait3A_382 = arith.constant 0 : i32
        %dma_wait3A_383 = arith.constant 0 : i32
        %dma_wait3A_384 = tpu.memref_slice %arg16[%dma_wait3A_382, %dma_wait3A_383] : memref<10240x128xf32, #tpu.memory_space<vmem_shared>> -> memref<10240x128xf32, #tpu.memory_space<vmem_shared>>
        tpu.wait_indirect_dma semaphore(%arg28 : memref<!tpu.dma_semaphore, #tpu.memory_space<semaphore_mem>>) src(%arg15 : memref<128x128xf32, #tpu.memory_space<vmem>>) dst(%dma_wait3A_384 : memref<10240x128xf32, #tpu.memory_space<vmem_shared>>)
      } else {
      }
      %add3A_135 = arith.addi %select_n3A, %add3A_129 : i32
      %dma_wait3A_136 = arith.constant 0 : i32
      %dma_wait3A_137 = arith.constant 0 : i32
      %dma_wait3A_138 = tpu.memref_slice %arg3[%add3A_135, %dma_wait3A_136, %dma_wait3A_137] : memref<2560x2x128xi32, #tpu.memory_space<hbm>> -> memref<1x2x128xi32, #tpu.memory_space<hbm>>
      %dma_wait3A_139 = tpu.memref_squeeze %dma_wait3A_138 : memref<1x2x128xi32, #tpu.memory_space<hbm>> -> memref<2x128xi32, #tpu.memory_space<hbm>>
      %dma_wait3A_140 = arith.constant 0 : i32
      %dma_wait3A_141 = arith.constant 0 : i32
      %dma_wait3A_142 = tpu.memref_slice %arg3[%add3A_135, %dma_wait3A_140, %dma_wait3A_141] : memref<2560x2x128xi32, #tpu.memory_space<hbm>> -> memref<1x2x128xi32, #tpu.memory_space<hbm>>
      %dma_wait3A_143 = tpu.memref_squeeze %dma_wait3A_142 : memref<1x2x128xi32, #tpu.memory_space<hbm>> -> memref<2x128xi32, #tpu.memory_space<hbm>>
      tpu.wait_dma2 semaphore(%arg18 : memref<!tpu.dma_semaphore, #tpu.memory_space<semaphore_mem>>) src(%dma_wait3A_143 : memref<2x128xi32, #tpu.memory_space<hbm>>) dst(%arg7 : memref<2x128xi32, #tpu.memory_space<vmem>>)
      %dma_start3A_144 = arith.constant 0 : i32
      %dma_start3A_145 = arith.constant 0 : i32
      %dma_start3A_146 = tpu.memref_slice %arg7[%dma_start3A_144, %dma_start3A_145] : memref<2x128xi32, #tpu.memory_space<vmem>> -> memref<1x128xi32, #tpu.memory_space<vmem>>
      %dma_start3A_147 = tpu.memref_squeeze %dma_start3A_146 : memref<1x128xi32, #tpu.memory_space<vmem>> -> memref<128xi32, #tpu.memory_space<vmem>>
      %dma_start3A_148 = arith.constant 0 : i32
      %dma_start3A_149 = arith.constant 0 : i32
      %dma_start3A_150 = tpu.memref_slice %arg2[%dma_start3A_148, %dma_start3A_149] : memref<10240x128xf32, #tpu.memory_space<hbm>> -> memref<10240x128xf32, #tpu.memory_space<hbm>>
      tpu.enqueue_indirect_dma source(%dma_start3A_150 : memref<10240x128xf32, #tpu.memory_space<hbm>>) target(%arg15 : memref<128x128xf32, #tpu.memory_space<vmem>>) offsets(%dma_start3A_147 : memref<128xi32, #tpu.memory_space<vmem>>) semaphore(%arg26 : memref<!tpu.dma_semaphore, #tpu.memory_space<semaphore_mem>>)
      %ge3A_151 = arith.constant 1 : i32
      %ge3A_152 = arith.cmpi sge, %add3A_129, %ge3A_151 : i32
      %convert_element_type3A_153 = arith.extui %ge3A_152 : i1 to i32
      %cond3A_154 = arith.constant 0 : i32
      %cond3A_155 = arith.cmpi ne, %convert_element_type3A_153, %cond3A_154 : i32
      scf.if %cond3A_155 {
        %dma_wait3A_378 = arith.constant 0 : i32
        %dma_wait3A_379 = arith.constant 0 : i32
        %dma_wait3A_380 = tpu.memref_slice %arg6[%dma_wait3A_378, %dma_wait3A_379] : memref<2x128xi32, #tpu.memory_space<vmem>> -> memref<1x128xi32, #tpu.memory_space<vmem>>
        %dma_wait3A_381 = tpu.memref_squeeze %dma_wait3A_380 : memref<1x128xi32, #tpu.memory_space<vmem>> -> memref<128xi32, #tpu.memory_space<vmem>>
        %dma_wait3A_382 = arith.constant 0 : i32
        %dma_wait3A_383 = arith.constant 0 : i32
        %dma_wait3A_384 = tpu.memref_slice %arg2[%dma_wait3A_382, %dma_wait3A_383] : memref<10240x128xf32, #tpu.memory_space<hbm>> -> memref<10240x128xf32, #tpu.memory_space<hbm>>
        tpu.wait_indirect_dma semaphore(%arg25 : memref<!tpu.dma_semaphore, #tpu.memory_space<semaphore_mem>>) src(%dma_wait3A_384 : memref<10240x128xf32, #tpu.memory_space<hbm>>) dst(%arg14 : memref<128x128xf32, #tpu.memory_space<vmem>>)
        %dma_start3A_385 = arith.constant 1 : i32
        %dma_start3A_386 = arith.constant 0 : i32
        %dma_start3A_387 = tpu.memref_slice %arg6[%dma_start3A_385, %dma_start3A_386] : memref<2x128xi32, #tpu.memory_space<vmem>> -> memref<1x128xi32, #tpu.memory_space<vmem>>
        %dma_start3A_388 = tpu.memref_squeeze %dma_start3A_387 : memref<1x128xi32, #tpu.memory_space<vmem>> -> memref<128xi32, #tpu.memory_space<vmem>>
        %dma_start3A_389 = arith.constant 0 : i32
        %dma_start3A_390 = arith.constant 0 : i32
        %dma_start3A_391 = tpu.memref_slice %arg16[%dma_start3A_389, %dma_start3A_390] : memref<10240x128xf32, #tpu.memory_space<vmem_shared>> -> memref<10240x128xf32, #tpu.memory_space<vmem_shared>>
        tpu.enqueue_indirect_dma source(%arg14 : memref<128x128xf32, #tpu.memory_space<vmem>>) target(%dma_start3A_391 : memref<10240x128xf32, #tpu.memory_space<vmem_shared>>) offsets(%dma_start3A_388 : memref<128xi32, #tpu.memory_space<vmem>>) semaphore(%arg27 : memref<!tpu.dma_semaphore, #tpu.memory_space<semaphore_mem>>) {add = true}
      } else {
      }
      %add3A_156 = arith.constant 4 : i32
      %add3A_157 = arith.addi %add3A_129, %add3A_156 : i32
      %lt3A_158 = arith.cmpi slt, %add3A_157, %select_n3A_11 : i32
      %convert_element_type3A_159 = arith.extui %lt3A_158 : i1 to i32
      %cond3A_160 = arith.constant 0 : i32
      %cond3A_161 = arith.cmpi ne, %convert_element_type3A_159, %cond3A_160 : i32
      scf.if %cond3A_161 {
        %add3A_378 = arith.constant 4 : i32
        %add3A_379 = arith.addi %add3A_129, %add3A_378 : i32
        %add3A_380 = arith.addi %select_n3A, %add3A_379 : i32
        %dma_start3A_381 = arith.constant 0 : i32
        %dma_start3A_382 = arith.constant 0 : i32
        %dma_start3A_383 = tpu.memref_slice %arg3[%add3A_380, %dma_start3A_381, %dma_start3A_382] : memref<2560x2x128xi32, #tpu.memory_space<hbm>> -> memref<1x2x128xi32, #tpu.memory_space<hbm>>
        %dma_start3A_384 = tpu.memref_squeeze %dma_start3A_383 : memref<1x2x128xi32, #tpu.memory_space<hbm>> -> memref<2x128xi32, #tpu.memory_space<hbm>>
        %dma_start3A_385 = arith.constant 0 : i32
        %dma_start3A_386 = arith.constant 0 : i32
        %dma_start3A_387 = tpu.memref_slice %arg3[%add3A_380, %dma_start3A_385, %dma_start3A_386] : memref<2560x2x128xi32, #tpu.memory_space<hbm>> -> memref<1x2x128xi32, #tpu.memory_space<hbm>>
        %dma_start3A_388 = tpu.memref_squeeze %dma_start3A_387 : memref<1x2x128xi32, #tpu.memory_space<hbm>> -> memref<2x128xi32, #tpu.memory_space<hbm>>
        tpu.enqueue_dma source(%dma_start3A_388 : memref<2x128xi32, #tpu.memory_space<hbm>>) target(%arg11 : memref<2x128xi32, #tpu.memory_space<vmem>>) target_semaphore(%arg22 : memref<!tpu.dma_semaphore, #tpu.memory_space<semaphore_mem>>)
      } else {
      }
      %mul3A_162 = arith.constant 8 : i32
      %mul3A_163 = arith.muli %while3A_93, %mul3A_162 : i32
      %add3A_164 = arith.constant 2 : i32
      %add3A_165 = arith.addi %mul3A_163, %add3A_164 : i32
      %ge3A_166 = arith.constant 2 : i32
      %ge3A_167 = arith.cmpi sge, %add3A_165, %ge3A_166 : i32
      %convert_element_type3A_168 = arith.extui %ge3A_167 : i1 to i32
      %cond3A_169 = arith.constant 0 : i32
      %cond3A_170 = arith.cmpi ne, %convert_element_type3A_168, %cond3A_169 : i32
      scf.if %cond3A_170 {
        %dma_wait3A_378 = arith.constant 1 : i32
        %dma_wait3A_379 = arith.constant 0 : i32
        %dma_wait3A_380 = tpu.memref_slice %arg6[%dma_wait3A_378, %dma_wait3A_379] : memref<2x128xi32, #tpu.memory_space<vmem>> -> memref<1x128xi32, #tpu.memory_space<vmem>>
        %dma_wait3A_381 = tpu.memref_squeeze %dma_wait3A_380 : memref<1x128xi32, #tpu.memory_space<vmem>> -> memref<128xi32, #tpu.memory_space<vmem>>
        %dma_wait3A_382 = arith.constant 0 : i32
        %dma_wait3A_383 = arith.constant 0 : i32
        %dma_wait3A_384 = tpu.memref_slice %arg16[%dma_wait3A_382, %dma_wait3A_383] : memref<10240x128xf32, #tpu.memory_space<vmem_shared>> -> memref<10240x128xf32, #tpu.memory_space<vmem_shared>>
        tpu.wait_indirect_dma semaphore(%arg27 : memref<!tpu.dma_semaphore, #tpu.memory_space<semaphore_mem>>) src(%arg14 : memref<128x128xf32, #tpu.memory_space<vmem>>) dst(%dma_wait3A_384 : memref<10240x128xf32, #tpu.memory_space<vmem_shared>>)
      } else {
      }
      %add3A_171 = arith.addi %select_n3A, %add3A_165 : i32
      %dma_wait3A_172 = arith.constant 0 : i32
      %dma_wait3A_173 = arith.constant 0 : i32
      %dma_wait3A_174 = tpu.memref_slice %arg3[%add3A_171, %dma_wait3A_172, %dma_wait3A_173] : memref<2560x2x128xi32, #tpu.memory_space<hbm>> -> memref<1x2x128xi32, #tpu.memory_space<hbm>>
      %dma_wait3A_175 = tpu.memref_squeeze %dma_wait3A_174 : memref<1x2x128xi32, #tpu.memory_space<hbm>> -> memref<2x128xi32, #tpu.memory_space<hbm>>
      %dma_wait3A_176 = arith.constant 0 : i32
      %dma_wait3A_177 = arith.constant 0 : i32
      %dma_wait3A_178 = tpu.memref_slice %arg3[%add3A_171, %dma_wait3A_176, %dma_wait3A_177] : memref<2560x2x128xi32, #tpu.memory_space<hbm>> -> memref<1x2x128xi32, #tpu.memory_space<hbm>>
      %dma_wait3A_179 = tpu.memref_squeeze %dma_wait3A_178 : memref<1x2x128xi32, #tpu.memory_space<hbm>> -> memref<2x128xi32, #tpu.memory_space<hbm>>
      tpu.wait_dma2 semaphore(%arg19 : memref<!tpu.dma_semaphore, #tpu.memory_space<semaphore_mem>>) src(%dma_wait3A_179 : memref<2x128xi32, #tpu.memory_space<hbm>>) dst(%arg8 : memref<2x128xi32, #tpu.memory_space<vmem>>)
      %dma_start3A_180 = arith.constant 0 : i32
      %dma_start3A_181 = arith.constant 0 : i32
      %dma_start3A_182 = tpu.memref_slice %arg8[%dma_start3A_180, %dma_start3A_181] : memref<2x128xi32, #tpu.memory_space<vmem>> -> memref<1x128xi32, #tpu.memory_space<vmem>>
      %dma_start3A_183 = tpu.memref_squeeze %dma_start3A_182 : memref<1x128xi32, #tpu.memory_space<vmem>> -> memref<128xi32, #tpu.memory_space<vmem>>
      %dma_start3A_184 = arith.constant 0 : i32
      %dma_start3A_185 = arith.constant 0 : i32
      %dma_start3A_186 = tpu.memref_slice %arg2[%dma_start3A_184, %dma_start3A_185] : memref<10240x128xf32, #tpu.memory_space<hbm>> -> memref<10240x128xf32, #tpu.memory_space<hbm>>
      tpu.enqueue_indirect_dma source(%dma_start3A_186 : memref<10240x128xf32, #tpu.memory_space<hbm>>) target(%arg14 : memref<128x128xf32, #tpu.memory_space<vmem>>) offsets(%dma_start3A_183 : memref<128xi32, #tpu.memory_space<vmem>>) semaphore(%arg25 : memref<!tpu.dma_semaphore, #tpu.memory_space<semaphore_mem>>)
      %ge3A_187 = arith.constant 1 : i32
      %ge3A_188 = arith.cmpi sge, %add3A_165, %ge3A_187 : i32
      %convert_element_type3A_189 = arith.extui %ge3A_188 : i1 to i32
      %cond3A_190 = arith.constant 0 : i32
      %cond3A_191 = arith.cmpi ne, %convert_element_type3A_189, %cond3A_190 : i32
      scf.if %cond3A_191 {
        %dma_wait3A_378 = arith.constant 0 : i32
        %dma_wait3A_379 = arith.constant 0 : i32
        %dma_wait3A_380 = tpu.memref_slice %arg7[%dma_wait3A_378, %dma_wait3A_379] : memref<2x128xi32, #tpu.memory_space<vmem>> -> memref<1x128xi32, #tpu.memory_space<vmem>>
        %dma_wait3A_381 = tpu.memref_squeeze %dma_wait3A_380 : memref<1x128xi32, #tpu.memory_space<vmem>> -> memref<128xi32, #tpu.memory_space<vmem>>
        %dma_wait3A_382 = arith.constant 0 : i32
        %dma_wait3A_383 = arith.constant 0 : i32
        %dma_wait3A_384 = tpu.memref_slice %arg2[%dma_wait3A_382, %dma_wait3A_383] : memref<10240x128xf32, #tpu.memory_space<hbm>> -> memref<10240x128xf32, #tpu.memory_space<hbm>>
        tpu.wait_indirect_dma semaphore(%arg26 : memref<!tpu.dma_semaphore, #tpu.memory_space<semaphore_mem>>) src(%dma_wait3A_384 : memref<10240x128xf32, #tpu.memory_space<hbm>>) dst(%arg15 : memref<128x128xf32, #tpu.memory_space<vmem>>)
        %dma_start3A_385 = arith.constant 1 : i32
        %dma_start3A_386 = arith.constant 0 : i32
        %dma_start3A_387 = tpu.memref_slice %arg7[%dma_start3A_385, %dma_start3A_386] : memref<2x128xi32, #tpu.memory_space<vmem>> -> memref<1x128xi32, #tpu.memory_space<vmem>>
        %dma_start3A_388 = tpu.memref_squeeze %dma_start3A_387 : memref<1x128xi32, #tpu.memory_space<vmem>> -> memref<128xi32, #tpu.memory_space<vmem>>
        %dma_start3A_389 = arith.constant 0 : i32
        %dma_start3A_390 = arith.constant 0 : i32
        %dma_start3A_391 = tpu.memref_slice %arg16[%dma_start3A_389, %dma_start3A_390] : memref<10240x128xf32, #tpu.memory_space<vmem_shared>> -> memref<10240x128xf32, #tpu.memory_space<vmem_shared>>
        tpu.enqueue_indirect_dma source(%arg15 : memref<128x128xf32, #tpu.memory_space<vmem>>) target(%dma_start3A_391 : memref<10240x128xf32, #tpu.memory_space<vmem_shared>>) offsets(%dma_start3A_388 : memref<128xi32, #tpu.memory_space<vmem>>) semaphore(%arg28 : memref<!tpu.dma_semaphore, #tpu.memory_space<semaphore_mem>>) {add = true}
      } else {
      }
      %add3A_192 = arith.constant 4 : i32
      %add3A_193 = arith.addi %add3A_165, %add3A_192 : i32
      %lt3A_194 = arith.cmpi slt, %add3A_193, %select_n3A_11 : i32
      %convert_element_type3A_195 = arith.extui %lt3A_194 : i1 to i32
      %cond3A_196 = arith.constant 0 : i32
      %cond3A_197 = arith.cmpi ne, %convert_element_type3A_195, %cond3A_196 : i32
      scf.if %cond3A_197 {
        %add3A_378 = arith.constant 4 : i32
        %add3A_379 = arith.addi %add3A_165, %add3A_378 : i32
        %add3A_380 = arith.addi %select_n3A, %add3A_379 : i32
        %dma_start3A_381 = arith.constant 0 : i32
        %dma_start3A_382 = arith.constant 0 : i32
        %dma_start3A_383 = tpu.memref_slice %arg3[%add3A_380, %dma_start3A_381, %dma_start3A_382] : memref<2560x2x128xi32, #tpu.memory_space<hbm>> -> memref<1x2x128xi32, #tpu.memory_space<hbm>>
        %dma_start3A_384 = tpu.memref_squeeze %dma_start3A_383 : memref<1x2x128xi32, #tpu.memory_space<hbm>> -> memref<2x128xi32, #tpu.memory_space<hbm>>
        %dma_start3A_385 = arith.constant 0 : i32
        %dma_start3A_386 = arith.constant 0 : i32
        %dma_start3A_387 = tpu.memref_slice %arg3[%add3A_380, %dma_start3A_385, %dma_start3A_386] : memref<2560x2x128xi32, #tpu.memory_space<hbm>> -> memref<1x2x128xi32, #tpu.memory_space<hbm>>
        %dma_start3A_388 = tpu.memref_squeeze %dma_start3A_387 : memref<1x2x128xi32, #tpu.memory_space<hbm>> -> memref<2x128xi32, #tpu.memory_space<hbm>>
        tpu.enqueue_dma source(%dma_start3A_388 : memref<2x128xi32, #tpu.memory_space<hbm>>) target(%arg12 : memref<2x128xi32, #tpu.memory_space<vmem>>) target_semaphore(%arg23 : memref<!tpu.dma_semaphore, #tpu.memory_space<semaphore_mem>>)
      } else {
      }
      %mul3A_198 = arith.constant 8 : i32
      %mul3A_199 = arith.muli %while3A_93, %mul3A_198 : i32
      %add3A_200 = arith.constant 3 : i32
      %add3A_201 = arith.addi %mul3A_199, %add3A_200 : i32
      %ge3A_202 = arith.constant 2 : i32
      %ge3A_203 = arith.cmpi sge, %add3A_201, %ge3A_202 : i32
      %convert_element_type3A_204 = arith.extui %ge3A_203 : i1 to i32
      %cond3A_205 = arith.constant 0 : i32
      %cond3A_206 = arith.cmpi ne, %convert_element_type3A_204, %cond3A_205 : i32
      scf.if %cond3A_206 {
        %dma_wait3A_378 = arith.constant 1 : i32
        %dma_wait3A_379 = arith.constant 0 : i32
        %dma_wait3A_380 = tpu.memref_slice %arg7[%dma_wait3A_378, %dma_wait3A_379] : memref<2x128xi32, #tpu.memory_space<vmem>> -> memref<1x128xi32, #tpu.memory_space<vmem>>
        %dma_wait3A_381 = tpu.memref_squeeze %dma_wait3A_380 : memref<1x128xi32, #tpu.memory_space<vmem>> -> memref<128xi32, #tpu.memory_space<vmem>>
        %dma_wait3A_382 = arith.constant 0 : i32
        %dma_wait3A_383 = arith.constant 0 : i32
        %dma_wait3A_384 = tpu.memref_slice %arg16[%dma_wait3A_382, %dma_wait3A_383] : memref<10240x128xf32, #tpu.memory_space<vmem_shared>> -> memref<10240x128xf32, #tpu.memory_space<vmem_shared>>
        tpu.wait_indirect_dma semaphore(%arg28 : memref<!tpu.dma_semaphore, #tpu.memory_space<semaphore_mem>>) src(%arg15 : memref<128x128xf32, #tpu.memory_space<vmem>>) dst(%dma_wait3A_384 : memref<10240x128xf32, #tpu.memory_space<vmem_shared>>)
      } else {
      }
      %add3A_207 = arith.addi %select_n3A, %add3A_201 : i32
      %dma_wait3A_208 = arith.constant 0 : i32
      %dma_wait3A_209 = arith.constant 0 : i32
      %dma_wait3A_210 = tpu.memref_slice %arg3[%add3A_207, %dma_wait3A_208, %dma_wait3A_209] : memref<2560x2x128xi32, #tpu.memory_space<hbm>> -> memref<1x2x128xi32, #tpu.memory_space<hbm>>
      %dma_wait3A_211 = tpu.memref_squeeze %dma_wait3A_210 : memref<1x2x128xi32, #tpu.memory_space<hbm>> -> memref<2x128xi32, #tpu.memory_space<hbm>>
      %dma_wait3A_212 = arith.constant 0 : i32
      %dma_wait3A_213 = arith.constant 0 : i32
      %dma_wait3A_214 = tpu.memref_slice %arg3[%add3A_207, %dma_wait3A_212, %dma_wait3A_213] : memref<2560x2x128xi32, #tpu.memory_space<hbm>> -> memref<1x2x128xi32, #tpu.memory_space<hbm>>
      %dma_wait3A_215 = tpu.memref_squeeze %dma_wait3A_214 : memref<1x2x128xi32, #tpu.memory_space<hbm>> -> memref<2x128xi32, #tpu.memory_space<hbm>>
      tpu.wait_dma2 semaphore(%arg20 : memref<!tpu.dma_semaphore, #tpu.memory_space<semaphore_mem>>) src(%dma_wait3A_215 : memref<2x128xi32, #tpu.memory_space<hbm>>) dst(%arg9 : memref<2x128xi32, #tpu.memory_space<vmem>>)
      %dma_start3A_216 = arith.constant 0 : i32
      %dma_start3A_217 = arith.constant 0 : i32
      %dma_start3A_218 = tpu.memref_slice %arg9[%dma_start3A_216, %dma_start3A_217] : memref<2x128xi32, #tpu.memory_space<vmem>> -> memref<1x128xi32, #tpu.memory_space<vmem>>
      %dma_start3A_219 = tpu.memref_squeeze %dma_start3A_218 : memref<1x128xi32, #tpu.memory_space<vmem>> -> memref<128xi32, #tpu.memory_space<vmem>>
      %dma_start3A_220 = arith.constant 0 : i32
      %dma_start3A_221 = arith.constant 0 : i32
      %dma_start3A_222 = tpu.memref_slice %arg2[%dma_start3A_220, %dma_start3A_221] : memref<10240x128xf32, #tpu.memory_space<hbm>> -> memref<10240x128xf32, #tpu.memory_space<hbm>>
      tpu.enqueue_indirect_dma source(%dma_start3A_222 : memref<10240x128xf32, #tpu.memory_space<hbm>>) target(%arg15 : memref<128x128xf32, #tpu.memory_space<vmem>>) offsets(%dma_start3A_219 : memref<128xi32, #tpu.memory_space<vmem>>) semaphore(%arg26 : memref<!tpu.dma_semaphore, #tpu.memory_space<semaphore_mem>>)
      %ge3A_223 = arith.constant 1 : i32
      %ge3A_224 = arith.cmpi sge, %add3A_201, %ge3A_223 : i32
      %convert_element_type3A_225 = arith.extui %ge3A_224 : i1 to i32
      %cond3A_226 = arith.constant 0 : i32
      %cond3A_227 = arith.cmpi ne, %convert_element_type3A_225, %cond3A_226 : i32
      scf.if %cond3A_227 {
        %dma_wait3A_378 = arith.constant 0 : i32
        %dma_wait3A_379 = arith.constant 0 : i32
        %dma_wait3A_380 = tpu.memref_slice %arg8[%dma_wait3A_378, %dma_wait3A_379] : memref<2x128xi32, #tpu.memory_space<vmem>> -> memref<1x128xi32, #tpu.memory_space<vmem>>
        %dma_wait3A_381 = tpu.memref_squeeze %dma_wait3A_380 : memref<1x128xi32, #tpu.memory_space<vmem>> -> memref<128xi32, #tpu.memory_space<vmem>>
        %dma_wait3A_382 = arith.constant 0 : i32
        %dma_wait3A_383 = arith.constant 0 : i32
        %dma_wait3A_384 = tpu.memref_slice %arg2[%dma_wait3A_382, %dma_wait3A_383] : memref<10240x128xf32, #tpu.memory_space<hbm>> -> memref<10240x128xf32, #tpu.memory_space<hbm>>
        tpu.wait_indirect_dma semaphore(%arg25 : memref<!tpu.dma_semaphore, #tpu.memory_space<semaphore_mem>>) src(%dma_wait3A_384 : memref<10240x128xf32, #tpu.memory_space<hbm>>) dst(%arg14 : memref<128x128xf32, #tpu.memory_space<vmem>>)
        %dma_start3A_385 = arith.constant 1 : i32
        %dma_start3A_386 = arith.constant 0 : i32
        %dma_start3A_387 = tpu.memref_slice %arg8[%dma_start3A_385, %dma_start3A_386] : memref<2x128xi32, #tpu.memory_space<vmem>> -> memref<1x128xi32, #tpu.memory_space<vmem>>
        %dma_start3A_388 = tpu.memref_squeeze %dma_start3A_387 : memref<1x128xi32, #tpu.memory_space<vmem>> -> memref<128xi32, #tpu.memory_space<vmem>>
        %dma_start3A_389 = arith.constant 0 : i32
        %dma_start3A_390 = arith.constant 0 : i32
        %dma_start3A_391 = tpu.memref_slice %arg16[%dma_start3A_389, %dma_start3A_390] : memref<10240x128xf32, #tpu.memory_space<vmem_shared>> -> memref<10240x128xf32, #tpu.memory_space<vmem_shared>>
        tpu.enqueue_indirect_dma source(%arg14 : memref<128x128xf32, #tpu.memory_space<vmem>>) target(%dma_start3A_391 : memref<10240x128xf32, #tpu.memory_space<vmem_shared>>) offsets(%dma_start3A_388 : memref<128xi32, #tpu.memory_space<vmem>>) semaphore(%arg27 : memref<!tpu.dma_semaphore, #tpu.memory_space<semaphore_mem>>) {add = true}
      } else {
      }
      %add3A_228 = arith.constant 4 : i32
      %add3A_229 = arith.addi %add3A_201, %add3A_228 : i32
      %lt3A_230 = arith.cmpi slt, %add3A_229, %select_n3A_11 : i32
      %convert_element_type3A_231 = arith.extui %lt3A_230 : i1 to i32
      %cond3A_232 = arith.constant 0 : i32
      %cond3A_233 = arith.cmpi ne, %convert_element_type3A_231, %cond3A_232 : i32
      scf.if %cond3A_233 {
        %add3A_378 = arith.constant 4 : i32
        %add3A_379 = arith.addi %add3A_201, %add3A_378 : i32
        %add3A_380 = arith.addi %select_n3A, %add3A_379 : i32
        %dma_start3A_381 = arith.constant 0 : i32
        %dma_start3A_382 = arith.constant 0 : i32
        %dma_start3A_383 = tpu.memref_slice %arg3[%add3A_380, %dma_start3A_381, %dma_start3A_382] : memref<2560x2x128xi32, #tpu.memory_space<hbm>> -> memref<1x2x128xi32, #tpu.memory_space<hbm>>
        %dma_start3A_384 = tpu.memref_squeeze %dma_start3A_383 : memref<1x2x128xi32, #tpu.memory_space<hbm>> -> memref<2x128xi32, #tpu.memory_space<hbm>>
        %dma_start3A_385 = arith.constant 0 : i32
        %dma_start3A_386 = arith.constant 0 : i32
        %dma_start3A_387 = tpu.memref_slice %arg3[%add3A_380, %dma_start3A_385, %dma_start3A_386] : memref<2560x2x128xi32, #tpu.memory_space<hbm>> -> memref<1x2x128xi32, #tpu.memory_space<hbm>>
        %dma_start3A_388 = tpu.memref_squeeze %dma_start3A_387 : memref<1x2x128xi32, #tpu.memory_space<hbm>> -> memref<2x128xi32, #tpu.memory_space<hbm>>
        tpu.enqueue_dma source(%dma_start3A_388 : memref<2x128xi32, #tpu.memory_space<hbm>>) target(%arg13 : memref<2x128xi32, #tpu.memory_space<vmem>>) target_semaphore(%arg24 : memref<!tpu.dma_semaphore, #tpu.memory_space<semaphore_mem>>)
      } else {
      }
      %mul3A_234 = arith.constant 8 : i32
      %mul3A_235 = arith.muli %while3A_93, %mul3A_234 : i32
      %add3A_236 = arith.constant 4 : i32
      %add3A_237 = arith.addi %mul3A_235, %add3A_236 : i32
      %ge3A_238 = arith.constant 2 : i32
      %ge3A_239 = arith.cmpi sge, %add3A_237, %ge3A_238 : i32
      %convert_element_type3A_240 = arith.extui %ge3A_239 : i1 to i32
      %cond3A_241 = arith.constant 0 : i32
      %cond3A_242 = arith.cmpi ne, %convert_element_type3A_240, %cond3A_241 : i32
      scf.if %cond3A_242 {
        %dma_wait3A_378 = arith.constant 1 : i32
        %dma_wait3A_379 = arith.constant 0 : i32
        %dma_wait3A_380 = tpu.memref_slice %arg8[%dma_wait3A_378, %dma_wait3A_379] : memref<2x128xi32, #tpu.memory_space<vmem>> -> memref<1x128xi32, #tpu.memory_space<vmem>>
        %dma_wait3A_381 = tpu.memref_squeeze %dma_wait3A_380 : memref<1x128xi32, #tpu.memory_space<vmem>> -> memref<128xi32, #tpu.memory_space<vmem>>
        %dma_wait3A_382 = arith.constant 0 : i32
        %dma_wait3A_383 = arith.constant 0 : i32
        %dma_wait3A_384 = tpu.memref_slice %arg16[%dma_wait3A_382, %dma_wait3A_383] : memref<10240x128xf32, #tpu.memory_space<vmem_shared>> -> memref<10240x128xf32, #tpu.memory_space<vmem_shared>>
        tpu.wait_indirect_dma semaphore(%arg27 : memref<!tpu.dma_semaphore, #tpu.memory_space<semaphore_mem>>) src(%arg14 : memref<128x128xf32, #tpu.memory_space<vmem>>) dst(%dma_wait3A_384 : memref<10240x128xf32, #tpu.memory_space<vmem_shared>>)
      } else {
      }
      %add3A_243 = arith.addi %select_n3A, %add3A_237 : i32
      %dma_wait3A_244 = arith.constant 0 : i32
      %dma_wait3A_245 = arith.constant 0 : i32
      %dma_wait3A_246 = tpu.memref_slice %arg3[%add3A_243, %dma_wait3A_244, %dma_wait3A_245] : memref<2560x2x128xi32, #tpu.memory_space<hbm>> -> memref<1x2x128xi32, #tpu.memory_space<hbm>>
      %dma_wait3A_247 = tpu.memref_squeeze %dma_wait3A_246 : memref<1x2x128xi32, #tpu.memory_space<hbm>> -> memref<2x128xi32, #tpu.memory_space<hbm>>
      %dma_wait3A_248 = arith.constant 0 : i32
      %dma_wait3A_249 = arith.constant 0 : i32
      %dma_wait3A_250 = tpu.memref_slice %arg3[%add3A_243, %dma_wait3A_248, %dma_wait3A_249] : memref<2560x2x128xi32, #tpu.memory_space<hbm>> -> memref<1x2x128xi32, #tpu.memory_space<hbm>>
      %dma_wait3A_251 = tpu.memref_squeeze %dma_wait3A_250 : memref<1x2x128xi32, #tpu.memory_space<hbm>> -> memref<2x128xi32, #tpu.memory_space<hbm>>
      tpu.wait_dma2 semaphore(%arg21 : memref<!tpu.dma_semaphore, #tpu.memory_space<semaphore_mem>>) src(%dma_wait3A_251 : memref<2x128xi32, #tpu.memory_space<hbm>>) dst(%arg10 : memref<2x128xi32, #tpu.memory_space<vmem>>)
      %dma_start3A_252 = arith.constant 0 : i32
      %dma_start3A_253 = arith.constant 0 : i32
      %dma_start3A_254 = tpu.memref_slice %arg10[%dma_start3A_252, %dma_start3A_253] : memref<2x128xi32, #tpu.memory_space<vmem>> -> memref<1x128xi32, #tpu.memory_space<vmem>>
      %dma_start3A_255 = tpu.memref_squeeze %dma_start3A_254 : memref<1x128xi32, #tpu.memory_space<vmem>> -> memref<128xi32, #tpu.memory_space<vmem>>
      %dma_start3A_256 = arith.constant 0 : i32
      %dma_start3A_257 = arith.constant 0 : i32
      %dma_start3A_258 = tpu.memref_slice %arg2[%dma_start3A_256, %dma_start3A_257] : memref<10240x128xf32, #tpu.memory_space<hbm>> -> memref<10240x128xf32, #tpu.memory_space<hbm>>
      tpu.enqueue_indirect_dma source(%dma_start3A_258 : memref<10240x128xf32, #tpu.memory_space<hbm>>) target(%arg14 : memref<128x128xf32, #tpu.memory_space<vmem>>) offsets(%dma_start3A_255 : memref<128xi32, #tpu.memory_space<vmem>>) semaphore(%arg25 : memref<!tpu.dma_semaphore, #tpu.memory_space<semaphore_mem>>)
      %ge3A_259 = arith.constant 1 : i32
      %ge3A_260 = arith.cmpi sge, %add3A_237, %ge3A_259 : i32
      %convert_element_type3A_261 = arith.extui %ge3A_260 : i1 to i32
      %cond3A_262 = arith.constant 0 : i32
      %cond3A_263 = arith.cmpi ne, %convert_element_type3A_261, %cond3A_262 : i32
      scf.if %cond3A_263 {
        %dma_wait3A_378 = arith.constant 0 : i32
        %dma_wait3A_379 = arith.constant 0 : i32
        %dma_wait3A_380 = tpu.memref_slice %arg9[%dma_wait3A_378, %dma_wait3A_379] : memref<2x128xi32, #tpu.memory_space<vmem>> -> memref<1x128xi32, #tpu.memory_space<vmem>>
        %dma_wait3A_381 = tpu.memref_squeeze %dma_wait3A_380 : memref<1x128xi32, #tpu.memory_space<vmem>> -> memref<128xi32, #tpu.memory_space<vmem>>
        %dma_wait3A_382 = arith.constant 0 : i32
        %dma_wait3A_383 = arith.constant 0 : i32
        %dma_wait3A_384 = tpu.memref_slice %arg2[%dma_wait3A_382, %dma_wait3A_383] : memref<10240x128xf32, #tpu.memory_space<hbm>> -> memref<10240x128xf32, #tpu.memory_space<hbm>>
        tpu.wait_indirect_dma semaphore(%arg26 : memref<!tpu.dma_semaphore, #tpu.memory_space<semaphore_mem>>) src(%dma_wait3A_384 : memref<10240x128xf32, #tpu.memory_space<hbm>>) dst(%arg15 : memref<128x128xf32, #tpu.memory_space<vmem>>)
        %dma_start3A_385 = arith.constant 1 : i32
        %dma_start3A_386 = arith.constant 0 : i32
        %dma_start3A_387 = tpu.memref_slice %arg9[%dma_start3A_385, %dma_start3A_386] : memref<2x128xi32, #tpu.memory_space<vmem>> -> memref<1x128xi32, #tpu.memory_space<vmem>>
        %dma_start3A_388 = tpu.memref_squeeze %dma_start3A_387 : memref<1x128xi32, #tpu.memory_space<vmem>> -> memref<128xi32, #tpu.memory_space<vmem>>
        %dma_start3A_389 = arith.constant 0 : i32
        %dma_start3A_390 = arith.constant 0 : i32
        %dma_start3A_391 = tpu.memref_slice %arg16[%dma_start3A_389, %dma_start3A_390] : memref<10240x128xf32, #tpu.memory_space<vmem_shared>> -> memref<10240x128xf32, #tpu.memory_space<vmem_shared>>
        tpu.enqueue_indirect_dma source(%arg15 : memref<128x128xf32, #tpu.memory_space<vmem>>) target(%dma_start3A_391 : memref<10240x128xf32, #tpu.memory_space<vmem_shared>>) offsets(%dma_start3A_388 : memref<128xi32, #tpu.memory_space<vmem>>) semaphore(%arg28 : memref<!tpu.dma_semaphore, #tpu.memory_space<semaphore_mem>>) {add = true}
      } else {
      }
      %add3A_264 = arith.constant 4 : i32
      %add3A_265 = arith.addi %add3A_237, %add3A_264 : i32
      %lt3A_266 = arith.cmpi slt, %add3A_265, %select_n3A_11 : i32
      %convert_element_type3A_267 = arith.extui %lt3A_266 : i1 to i32
      %cond3A_268 = arith.constant 0 : i32
      %cond3A_269 = arith.cmpi ne, %convert_element_type3A_267, %cond3A_268 : i32
      scf.if %cond3A_269 {
        %add3A_378 = arith.constant 4 : i32
        %add3A_379 = arith.addi %add3A_237, %add3A_378 : i32
        %add3A_380 = arith.addi %select_n3A, %add3A_379 : i32
        %dma_start3A_381 = arith.constant 0 : i32
        %dma_start3A_382 = arith.constant 0 : i32
        %dma_start3A_383 = tpu.memref_slice %arg3[%add3A_380, %dma_start3A_381, %dma_start3A_382] : memref<2560x2x128xi32, #tpu.memory_space<hbm>> -> memref<1x2x128xi32, #tpu.memory_space<hbm>>
        %dma_start3A_384 = tpu.memref_squeeze %dma_start3A_383 : memref<1x2x128xi32, #tpu.memory_space<hbm>> -> memref<2x128xi32, #tpu.memory_space<hbm>>
        %dma_start3A_385 = arith.constant 0 : i32
        %dma_start3A_386 = arith.constant 0 : i32
        %dma_start3A_387 = tpu.memref_slice %arg3[%add3A_380, %dma_start3A_385, %dma_start3A_386] : memref<2560x2x128xi32, #tpu.memory_space<hbm>> -> memref<1x2x128xi32, #tpu.memory_space<hbm>>
        %dma_start3A_388 = tpu.memref_squeeze %dma_start3A_387 : memref<1x2x128xi32, #tpu.memory_space<hbm>> -> memref<2x128xi32, #tpu.memory_space<hbm>>
        tpu.enqueue_dma source(%dma_start3A_388 : memref<2x128xi32, #tpu.memory_space<hbm>>) target(%arg6 : memref<2x128xi32, #tpu.memory_space<vmem>>) target_semaphore(%arg17 : memref<!tpu.dma_semaphore, #tpu.memory_space<semaphore_mem>>)
      } else {
      }
      %mul3A_270 = arith.constant 8 : i32
      %mul3A_271 = arith.muli %while3A_93, %mul3A_270 : i32
      %add3A_272 = arith.constant 5 : i32
      %add3A_273 = arith.addi %mul3A_271, %add3A_272 : i32
      %ge3A_274 = arith.constant 2 : i32
      %ge3A_275 = arith.cmpi sge, %add3A_273, %ge3A_274 : i32
      %convert_element_type3A_276 = arith.extui %ge3A_275 : i1 to i32
      %cond3A_277 = arith.constant 0 : i32
      %cond3A_278 = arith.cmpi ne, %convert_element_type3A_276, %cond3A_277 : i32
      scf.if %cond3A_278 {
        %dma_wait3A_378 = arith.constant 1 : i32
        %dma_wait3A_379 = arith.constant 0 : i32
        %dma_wait3A_380 = tpu.memref_slice %arg9[%dma_wait3A_378, %dma_wait3A_379] : memref<2x128xi32, #tpu.memory_space<vmem>> -> memref<1x128xi32, #tpu.memory_space<vmem>>
        %dma_wait3A_381 = tpu.memref_squeeze %dma_wait3A_380 : memref<1x128xi32, #tpu.memory_space<vmem>> -> memref<128xi32, #tpu.memory_space<vmem>>
        %dma_wait3A_382 = arith.constant 0 : i32
        %dma_wait3A_383 = arith.constant 0 : i32
        %dma_wait3A_384 = tpu.memref_slice %arg16[%dma_wait3A_382, %dma_wait3A_383] : memref<10240x128xf32, #tpu.memory_space<vmem_shared>> -> memref<10240x128xf32, #tpu.memory_space<vmem_shared>>
        tpu.wait_indirect_dma semaphore(%arg28 : memref<!tpu.dma_semaphore, #tpu.memory_space<semaphore_mem>>) src(%arg15 : memref<128x128xf32, #tpu.memory_space<vmem>>) dst(%dma_wait3A_384 : memref<10240x128xf32, #tpu.memory_space<vmem_shared>>)
      } else {
      }
      %add3A_279 = arith.addi %select_n3A, %add3A_273 : i32
      %dma_wait3A_280 = arith.constant 0 : i32
      %dma_wait3A_281 = arith.constant 0 : i32
      %dma_wait3A_282 = tpu.memref_slice %arg3[%add3A_279, %dma_wait3A_280, %dma_wait3A_281] : memref<2560x2x128xi32, #tpu.memory_space<hbm>> -> memref<1x2x128xi32, #tpu.memory_space<hbm>>
      %dma_wait3A_283 = tpu.memref_squeeze %dma_wait3A_282 : memref<1x2x128xi32, #tpu.memory_space<hbm>> -> memref<2x128xi32, #tpu.memory_space<hbm>>
      %dma_wait3A_284 = arith.constant 0 : i32
      %dma_wait3A_285 = arith.constant 0 : i32
      %dma_wait3A_286 = tpu.memref_slice %arg3[%add3A_279, %dma_wait3A_284, %dma_wait3A_285] : memref<2560x2x128xi32, #tpu.memory_space<hbm>> -> memref<1x2x128xi32, #tpu.memory_space<hbm>>
      %dma_wait3A_287 = tpu.memref_squeeze %dma_wait3A_286 : memref<1x2x128xi32, #tpu.memory_space<hbm>> -> memref<2x128xi32, #tpu.memory_space<hbm>>
      tpu.wait_dma2 semaphore(%arg22 : memref<!tpu.dma_semaphore, #tpu.memory_space<semaphore_mem>>) src(%dma_wait3A_287 : memref<2x128xi32, #tpu.memory_space<hbm>>) dst(%arg11 : memref<2x128xi32, #tpu.memory_space<vmem>>)
      %dma_start3A_288 = arith.constant 0 : i32
      %dma_start3A_289 = arith.constant 0 : i32
      %dma_start3A_290 = tpu.memref_slice %arg11[%dma_start3A_288, %dma_start3A_289] : memref<2x128xi32, #tpu.memory_space<vmem>> -> memref<1x128xi32, #tpu.memory_space<vmem>>
      %dma_start3A_291 = tpu.memref_squeeze %dma_start3A_290 : memref<1x128xi32, #tpu.memory_space<vmem>> -> memref<128xi32, #tpu.memory_space<vmem>>
      %dma_start3A_292 = arith.constant 0 : i32
      %dma_start3A_293 = arith.constant 0 : i32
      %dma_start3A_294 = tpu.memref_slice %arg2[%dma_start3A_292, %dma_start3A_293] : memref<10240x128xf32, #tpu.memory_space<hbm>> -> memref<10240x128xf32, #tpu.memory_space<hbm>>
      tpu.enqueue_indirect_dma source(%dma_start3A_294 : memref<10240x128xf32, #tpu.memory_space<hbm>>) target(%arg15 : memref<128x128xf32, #tpu.memory_space<vmem>>) offsets(%dma_start3A_291 : memref<128xi32, #tpu.memory_space<vmem>>) semaphore(%arg26 : memref<!tpu.dma_semaphore, #tpu.memory_space<semaphore_mem>>)
      %ge3A_295 = arith.constant 1 : i32
      %ge3A_296 = arith.cmpi sge, %add3A_273, %ge3A_295 : i32
      %convert_element_type3A_297 = arith.extui %ge3A_296 : i1 to i32
      %cond3A_298 = arith.constant 0 : i32
      %cond3A_299 = arith.cmpi ne, %convert_element_type3A_297, %cond3A_298 : i32
      scf.if %cond3A_299 {
        %dma_wait3A_378 = arith.constant 0 : i32
        %dma_wait3A_379 = arith.constant 0 : i32
        %dma_wait3A_380 = tpu.memref_slice %arg10[%dma_wait3A_378, %dma_wait3A_379] : memref<2x128xi32, #tpu.memory_space<vmem>> -> memref<1x128xi32, #tpu.memory_space<vmem>>
        %dma_wait3A_381 = tpu.memref_squeeze %dma_wait3A_380 : memref<1x128xi32, #tpu.memory_space<vmem>> -> memref<128xi32, #tpu.memory_space<vmem>>
        %dma_wait3A_382 = arith.constant 0 : i32
        %dma_wait3A_383 = arith.constant 0 : i32
        %dma_wait3A_384 = tpu.memref_slice %arg2[%dma_wait3A_382, %dma_wait3A_383] : memref<10240x128xf32, #tpu.memory_space<hbm>> -> memref<10240x128xf32, #tpu.memory_space<hbm>>
        tpu.wait_indirect_dma semaphore(%arg25 : memref<!tpu.dma_semaphore, #tpu.memory_space<semaphore_mem>>) src(%dma_wait3A_384 : memref<10240x128xf32, #tpu.memory_space<hbm>>) dst(%arg14 : memref<128x128xf32, #tpu.memory_space<vmem>>)
        %dma_start3A_385 = arith.constant 1 : i32
        %dma_start3A_386 = arith.constant 0 : i32
        %dma_start3A_387 = tpu.memref_slice %arg10[%dma_start3A_385, %dma_start3A_386] : memref<2x128xi32, #tpu.memory_space<vmem>> -> memref<1x128xi32, #tpu.memory_space<vmem>>
        %dma_start3A_388 = tpu.memref_squeeze %dma_start3A_387 : memref<1x128xi32, #tpu.memory_space<vmem>> -> memref<128xi32, #tpu.memory_space<vmem>>
        %dma_start3A_389 = arith.constant 0 : i32
        %dma_start3A_390 = arith.constant 0 : i32
        %dma_start3A_391 = tpu.memref_slice %arg16[%dma_start3A_389, %dma_start3A_390] : memref<10240x128xf32, #tpu.memory_space<vmem_shared>> -> memref<10240x128xf32, #tpu.memory_space<vmem_shared>>
        tpu.enqueue_indirect_dma source(%arg14 : memref<128x128xf32, #tpu.memory_space<vmem>>) target(%dma_start3A_391 : memref<10240x128xf32, #tpu.memory_space<vmem_shared>>) offsets(%dma_start3A_388 : memref<128xi32, #tpu.memory_space<vmem>>) semaphore(%arg27 : memref<!tpu.dma_semaphore, #tpu.memory_space<semaphore_mem>>) {add = true}
      } else {
      }
      %add3A_300 = arith.constant 4 : i32
      %add3A_301 = arith.addi %add3A_273, %add3A_300 : i32
      %lt3A_302 = arith.cmpi slt, %add3A_301, %select_n3A_11 : i32
      %convert_element_type3A_303 = arith.extui %lt3A_302 : i1 to i32
      %cond3A_304 = arith.constant 0 : i32
      %cond3A_305 = arith.cmpi ne, %convert_element_type3A_303, %cond3A_304 : i32
      scf.if %cond3A_305 {
        %add3A_378 = arith.constant 4 : i32
        %add3A_379 = arith.addi %add3A_273, %add3A_378 : i32
        %add3A_380 = arith.addi %select_n3A, %add3A_379 : i32
        %dma_start3A_381 = arith.constant 0 : i32
        %dma_start3A_382 = arith.constant 0 : i32
        %dma_start3A_383 = tpu.memref_slice %arg3[%add3A_380, %dma_start3A_381, %dma_start3A_382] : memref<2560x2x128xi32, #tpu.memory_space<hbm>> -> memref<1x2x128xi32, #tpu.memory_space<hbm>>
        %dma_start3A_384 = tpu.memref_squeeze %dma_start3A_383 : memref<1x2x128xi32, #tpu.memory_space<hbm>> -> memref<2x128xi32, #tpu.memory_space<hbm>>
        %dma_start3A_385 = arith.constant 0 : i32
        %dma_start3A_386 = arith.constant 0 : i32
        %dma_start3A_387 = tpu.memref_slice %arg3[%add3A_380, %dma_start3A_385, %dma_start3A_386] : memref<2560x2x128xi32, #tpu.memory_space<hbm>> -> memref<1x2x128xi32, #tpu.memory_space<hbm>>
        %dma_start3A_388 = tpu.memref_squeeze %dma_start3A_387 : memref<1x2x128xi32, #tpu.memory_space<hbm>> -> memref<2x128xi32, #tpu.memory_space<hbm>>
        tpu.enqueue_dma source(%dma_start3A_388 : memref<2x128xi32, #tpu.memory_space<hbm>>) target(%arg7 : memref<2x128xi32, #tpu.memory_space<vmem>>) target_semaphore(%arg18 : memref<!tpu.dma_semaphore, #tpu.memory_space<semaphore_mem>>)
      } else {
      }
      %mul3A_306 = arith.constant 8 : i32
      %mul3A_307 = arith.muli %while3A_93, %mul3A_306 : i32
      %add3A_308 = arith.constant 6 : i32
      %add3A_309 = arith.addi %mul3A_307, %add3A_308 : i32
      %ge3A_310 = arith.constant 2 : i32
      %ge3A_311 = arith.cmpi sge, %add3A_309, %ge3A_310 : i32
      %convert_element_type3A_312 = arith.extui %ge3A_311 : i1 to i32
      %cond3A_313 = arith.constant 0 : i32
      %cond3A_314 = arith.cmpi ne, %convert_element_type3A_312, %cond3A_313 : i32
      scf.if %cond3A_314 {
        %dma_wait3A_378 = arith.constant 1 : i32
        %dma_wait3A_379 = arith.constant 0 : i32
        %dma_wait3A_380 = tpu.memref_slice %arg10[%dma_wait3A_378, %dma_wait3A_379] : memref<2x128xi32, #tpu.memory_space<vmem>> -> memref<1x128xi32, #tpu.memory_space<vmem>>
        %dma_wait3A_381 = tpu.memref_squeeze %dma_wait3A_380 : memref<1x128xi32, #tpu.memory_space<vmem>> -> memref<128xi32, #tpu.memory_space<vmem>>
        %dma_wait3A_382 = arith.constant 0 : i32
        %dma_wait3A_383 = arith.constant 0 : i32
        %dma_wait3A_384 = tpu.memref_slice %arg16[%dma_wait3A_382, %dma_wait3A_383] : memref<10240x128xf32, #tpu.memory_space<vmem_shared>> -> memref<10240x128xf32, #tpu.memory_space<vmem_shared>>
        tpu.wait_indirect_dma semaphore(%arg27 : memref<!tpu.dma_semaphore, #tpu.memory_space<semaphore_mem>>) src(%arg14 : memref<128x128xf32, #tpu.memory_space<vmem>>) dst(%dma_wait3A_384 : memref<10240x128xf32, #tpu.memory_space<vmem_shared>>)
      } else {
      }
      %add3A_315 = arith.addi %select_n3A, %add3A_309 : i32
      %dma_wait3A_316 = arith.constant 0 : i32
      %dma_wait3A_317 = arith.constant 0 : i32
      %dma_wait3A_318 = tpu.memref_slice %arg3[%add3A_315, %dma_wait3A_316, %dma_wait3A_317] : memref<2560x2x128xi32, #tpu.memory_space<hbm>> -> memref<1x2x128xi32, #tpu.memory_space<hbm>>
      %dma_wait3A_319 = tpu.memref_squeeze %dma_wait3A_318 : memref<1x2x128xi32, #tpu.memory_space<hbm>> -> memref<2x128xi32, #tpu.memory_space<hbm>>
      %dma_wait3A_320 = arith.constant 0 : i32
      %dma_wait3A_321 = arith.constant 0 : i32
      %dma_wait3A_322 = tpu.memref_slice %arg3[%add3A_315, %dma_wait3A_320, %dma_wait3A_321] : memref<2560x2x128xi32, #tpu.memory_space<hbm>> -> memref<1x2x128xi32, #tpu.memory_space<hbm>>
      %dma_wait3A_323 = tpu.memref_squeeze %dma_wait3A_322 : memref<1x2x128xi32, #tpu.memory_space<hbm>> -> memref<2x128xi32, #tpu.memory_space<hbm>>
      tpu.wait_dma2 semaphore(%arg23 : memref<!tpu.dma_semaphore, #tpu.memory_space<semaphore_mem>>) src(%dma_wait3A_323 : memref<2x128xi32, #tpu.memory_space<hbm>>) dst(%arg12 : memref<2x128xi32, #tpu.memory_space<vmem>>)
      %dma_start3A_324 = arith.constant 0 : i32
      %dma_start3A_325 = arith.constant 0 : i32
      %dma_start3A_326 = tpu.memref_slice %arg12[%dma_start3A_324, %dma_start3A_325] : memref<2x128xi32, #tpu.memory_space<vmem>> -> memref<1x128xi32, #tpu.memory_space<vmem>>
      %dma_start3A_327 = tpu.memref_squeeze %dma_start3A_326 : memref<1x128xi32, #tpu.memory_space<vmem>> -> memref<128xi32, #tpu.memory_space<vmem>>
      %dma_start3A_328 = arith.constant 0 : i32
      %dma_start3A_329 = arith.constant 0 : i32
      %dma_start3A_330 = tpu.memref_slice %arg2[%dma_start3A_328, %dma_start3A_329] : memref<10240x128xf32, #tpu.memory_space<hbm>> -> memref<10240x128xf32, #tpu.memory_space<hbm>>
      tpu.enqueue_indirect_dma source(%dma_start3A_330 : memref<10240x128xf32, #tpu.memory_space<hbm>>) target(%arg14 : memref<128x128xf32, #tpu.memory_space<vmem>>) offsets(%dma_start3A_327 : memref<128xi32, #tpu.memory_space<vmem>>) semaphore(%arg25 : memref<!tpu.dma_semaphore, #tpu.memory_space<semaphore_mem>>)
      %ge3A_331 = arith.constant 1 : i32
      %ge3A_332 = arith.cmpi sge, %add3A_309, %ge3A_331 : i32
      %convert_element_type3A_333 = arith.extui %ge3A_332 : i1 to i32
      %cond3A_334 = arith.constant 0 : i32
      %cond3A_335 = arith.cmpi ne, %convert_element_type3A_333, %cond3A_334 : i32
      scf.if %cond3A_335 {
        %dma_wait3A_378 = arith.constant 0 : i32
        %dma_wait3A_379 = arith.constant 0 : i32
        %dma_wait3A_380 = tpu.memref_slice %arg11[%dma_wait3A_378, %dma_wait3A_379] : memref<2x128xi32, #tpu.memory_space<vmem>> -> memref<1x128xi32, #tpu.memory_space<vmem>>
        %dma_wait3A_381 = tpu.memref_squeeze %dma_wait3A_380 : memref<1x128xi32, #tpu.memory_space<vmem>> -> memref<128xi32, #tpu.memory_space<vmem>>
        %dma_wait3A_382 = arith.constant 0 : i32
        %dma_wait3A_383 = arith.constant 0 : i32
        %dma_wait3A_384 = tpu.memref_slice %arg2[%dma_wait3A_382, %dma_wait3A_383] : memref<10240x128xf32, #tpu.memory_space<hbm>> -> memref<10240x128xf32, #tpu.memory_space<hbm>>
        tpu.wait_indirect_dma semaphore(%arg26 : memref<!tpu.dma_semaphore, #tpu.memory_space<semaphore_mem>>) src(%dma_wait3A_384 : memref<10240x128xf32, #tpu.memory_space<hbm>>) dst(%arg15 : memref<128x128xf32, #tpu.memory_space<vmem>>)
        %dma_start3A_385 = arith.constant 1 : i32
        %dma_start3A_386 = arith.constant 0 : i32
        %dma_start3A_387 = tpu.memref_slice %arg11[%dma_start3A_385, %dma_start3A_386] : memref<2x128xi32, #tpu.memory_space<vmem>> -> memref<1x128xi32, #tpu.memory_space<vmem>>
        %dma_start3A_388 = tpu.memref_squeeze %dma_start3A_387 : memref<1x128xi32, #tpu.memory_space<vmem>> -> memref<128xi32, #tpu.memory_space<vmem>>
        %dma_start3A_389 = arith.constant 0 : i32
        %dma_start3A_390 = arith.constant 0 : i32
        %dma_start3A_391 = tpu.memref_slice %arg16[%dma_start3A_389, %dma_start3A_390] : memref<10240x128xf32, #tpu.memory_space<vmem_shared>> -> memref<10240x128xf32, #tpu.memory_space<vmem_shared>>
        tpu.enqueue_indirect_dma source(%arg15 : memref<128x128xf32, #tpu.memory_space<vmem>>) target(%dma_start3A_391 : memref<10240x128xf32, #tpu.memory_space<vmem_shared>>) offsets(%dma_start3A_388 : memref<128xi32, #tpu.memory_space<vmem>>) semaphore(%arg28 : memref<!tpu.dma_semaphore, #tpu.memory_space<semaphore_mem>>) {add = true}
      } else {
      }
      %add3A_336 = arith.constant 4 : i32
      %add3A_337 = arith.addi %add3A_309, %add3A_336 : i32
      %lt3A_338 = arith.cmpi slt, %add3A_337, %select_n3A_11 : i32
      %convert_element_type3A_339 = arith.extui %lt3A_338 : i1 to i32
      %cond3A_340 = arith.constant 0 : i32
      %cond3A_341 = arith.cmpi ne, %convert_element_type3A_339, %cond3A_340 : i32
      scf.if %cond3A_341 {
        %add3A_378 = arith.constant 4 : i32
        %add3A_379 = arith.addi %add3A_309, %add3A_378 : i32
        %add3A_380 = arith.addi %select_n3A, %add3A_379 : i32
        %dma_start3A_381 = arith.constant 0 : i32
        %dma_start3A_382 = arith.constant 0 : i32
        %dma_start3A_383 = tpu.memref_slice %arg3[%add3A_380, %dma_start3A_381, %dma_start3A_382] : memref<2560x2x128xi32, #tpu.memory_space<hbm>> -> memref<1x2x128xi32, #tpu.memory_space<hbm>>
        %dma_start3A_384 = tpu.memref_squeeze %dma_start3A_383 : memref<1x2x128xi32, #tpu.memory_space<hbm>> -> memref<2x128xi32, #tpu.memory_space<hbm>>
        %dma_start3A_385 = arith.constant 0 : i32
        %dma_start3A_386 = arith.constant 0 : i32
        %dma_start3A_387 = tpu.memref_slice %arg3[%add3A_380, %dma_start3A_385, %dma_start3A_386] : memref<2560x2x128xi32, #tpu.memory_space<hbm>> -> memref<1x2x128xi32, #tpu.memory_space<hbm>>
        %dma_start3A_388 = tpu.memref_squeeze %dma_start3A_387 : memref<1x2x128xi32, #tpu.memory_space<hbm>> -> memref<2x128xi32, #tpu.memory_space<hbm>>
        tpu.enqueue_dma source(%dma_start3A_388 : memref<2x128xi32, #tpu.memory_space<hbm>>) target(%arg8 : memref<2x128xi32, #tpu.memory_space<vmem>>) target_semaphore(%arg19 : memref<!tpu.dma_semaphore, #tpu.memory_space<semaphore_mem>>)
      } else {
      }
      %mul3A_342 = arith.constant 8 : i32
      %mul3A_343 = arith.muli %while3A_93, %mul3A_342 : i32
      %add3A_344 = arith.constant 7 : i32
      %add3A_345 = arith.addi %mul3A_343, %add3A_344 : i32
      %ge3A_346 = arith.constant 2 : i32
      %ge3A_347 = arith.cmpi sge, %add3A_345, %ge3A_346 : i32
      %convert_element_type3A_348 = arith.extui %ge3A_347 : i1 to i32
      %cond3A_349 = arith.constant 0 : i32
      %cond3A_350 = arith.cmpi ne, %convert_element_type3A_348, %cond3A_349 : i32
      scf.if %cond3A_350 {
        %dma_wait3A_378 = arith.constant 1 : i32
        %dma_wait3A_379 = arith.constant 0 : i32
        %dma_wait3A_380 = tpu.memref_slice %arg11[%dma_wait3A_378, %dma_wait3A_379] : memref<2x128xi32, #tpu.memory_space<vmem>> -> memref<1x128xi32, #tpu.memory_space<vmem>>
        %dma_wait3A_381 = tpu.memref_squeeze %dma_wait3A_380 : memref<1x128xi32, #tpu.memory_space<vmem>> -> memref<128xi32, #tpu.memory_space<vmem>>
        %dma_wait3A_382 = arith.constant 0 : i32
        %dma_wait3A_383 = arith.constant 0 : i32
        %dma_wait3A_384 = tpu.memref_slice %arg16[%dma_wait3A_382, %dma_wait3A_383] : memref<10240x128xf32, #tpu.memory_space<vmem_shared>> -> memref<10240x128xf32, #tpu.memory_space<vmem_shared>>
        tpu.wait_indirect_dma semaphore(%arg28 : memref<!tpu.dma_semaphore, #tpu.memory_space<semaphore_mem>>) src(%arg15 : memref<128x128xf32, #tpu.memory_space<vmem>>) dst(%dma_wait3A_384 : memref<10240x128xf32, #tpu.memory_space<vmem_shared>>)
      } else {
      }
      %add3A_351 = arith.addi %select_n3A, %add3A_345 : i32
      %dma_wait3A_352 = arith.constant 0 : i32
      %dma_wait3A_353 = arith.constant 0 : i32
      %dma_wait3A_354 = tpu.memref_slice %arg3[%add3A_351, %dma_wait3A_352, %dma_wait3A_353] : memref<2560x2x128xi32, #tpu.memory_space<hbm>> -> memref<1x2x128xi32, #tpu.memory_space<hbm>>
      %dma_wait3A_355 = tpu.memref_squeeze %dma_wait3A_354 : memref<1x2x128xi32, #tpu.memory_space<hbm>> -> memref<2x128xi32, #tpu.memory_space<hbm>>
      %dma_wait3A_356 = arith.constant 0 : i32
      %dma_wait3A_357 = arith.constant 0 : i32
      %dma_wait3A_358 = tpu.memref_slice %arg3[%add3A_351, %dma_wait3A_356, %dma_wait3A_357] : memref<2560x2x128xi32, #tpu.memory_space<hbm>> -> memref<1x2x128xi32, #tpu.memory_space<hbm>>
      %dma_wait3A_359 = tpu.memref_squeeze %dma_wait3A_358 : memref<1x2x128xi32, #tpu.memory_space<hbm>> -> memref<2x128xi32, #tpu.memory_space<hbm>>
      tpu.wait_dma2 semaphore(%arg24 : memref<!tpu.dma_semaphore, #tpu.memory_space<semaphore_mem>>) src(%dma_wait3A_359 : memref<2x128xi32, #tpu.memory_space<hbm>>) dst(%arg13 : memref<2x128xi32, #tpu.memory_space<vmem>>)
      %dma_start3A_360 = arith.constant 0 : i32
      %dma_start3A_361 = arith.constant 0 : i32
      %dma_start3A_362 = tpu.memref_slice %arg13[%dma_start3A_360, %dma_start3A_361] : memref<2x128xi32, #tpu.memory_space<vmem>> -> memref<1x128xi32, #tpu.memory_space<vmem>>
      %dma_start3A_363 = tpu.memref_squeeze %dma_start3A_362 : memref<1x128xi32, #tpu.memory_space<vmem>> -> memref<128xi32, #tpu.memory_space<vmem>>
      %dma_start3A_364 = arith.constant 0 : i32
      %dma_start3A_365 = arith.constant 0 : i32
      %dma_start3A_366 = tpu.memref_slice %arg2[%dma_start3A_364, %dma_start3A_365] : memref<10240x128xf32, #tpu.memory_space<hbm>> -> memref<10240x128xf32, #tpu.memory_space<hbm>>
      tpu.enqueue_indirect_dma source(%dma_start3A_366 : memref<10240x128xf32, #tpu.memory_space<hbm>>) target(%arg15 : memref<128x128xf32, #tpu.memory_space<vmem>>) offsets(%dma_start3A_363 : memref<128xi32, #tpu.memory_space<vmem>>) semaphore(%arg26 : memref<!tpu.dma_semaphore, #tpu.memory_space<semaphore_mem>>)
      %ge3A_367 = arith.constant 1 : i32
      %ge3A_368 = arith.cmpi sge, %add3A_345, %ge3A_367 : i32
      %convert_element_type3A_369 = arith.extui %ge3A_368 : i1 to i32
      %cond3A_370 = arith.constant 0 : i32
      %cond3A_371 = arith.cmpi ne, %convert_element_type3A_369, %cond3A_370 : i32
      scf.if %cond3A_371 {
        %dma_wait3A_378 = arith.constant 0 : i32
        %dma_wait3A_379 = arith.constant 0 : i32
        %dma_wait3A_380 = tpu.memref_slice %arg12[%dma_wait3A_378, %dma_wait3A_379] : memref<2x128xi32, #tpu.memory_space<vmem>> -> memref<1x128xi32, #tpu.memory_space<vmem>>
        %dma_wait3A_381 = tpu.memref_squeeze %dma_wait3A_380 : memref<1x128xi32, #tpu.memory_space<vmem>> -> memref<128xi32, #tpu.memory_space<vmem>>
        %dma_wait3A_382 = arith.constant 0 : i32
        %dma_wait3A_383 = arith.constant 0 : i32
        %dma_wait3A_384 = tpu.memref_slice %arg2[%dma_wait3A_382, %dma_wait3A_383] : memref<10240x128xf32, #tpu.memory_space<hbm>> -> memref<10240x128xf32, #tpu.memory_space<hbm>>
        tpu.wait_indirect_dma semaphore(%arg25 : memref<!tpu.dma_semaphore, #tpu.memory_space<semaphore_mem>>) src(%dma_wait3A_384 : memref<10240x128xf32, #tpu.memory_space<hbm>>) dst(%arg14 : memref<128x128xf32, #tpu.memory_space<vmem>>)
        %dma_start3A_385 = arith.constant 1 : i32
        %dma_start3A_386 = arith.constant 0 : i32
        %dma_start3A_387 = tpu.memref_slice %arg12[%dma_start3A_385, %dma_start3A_386] : memref<2x128xi32, #tpu.memory_space<vmem>> -> memref<1x128xi32, #tpu.memory_space<vmem>>
        %dma_start3A_388 = tpu.memref_squeeze %dma_start3A_387 : memref<1x128xi32, #tpu.memory_space<vmem>> -> memref<128xi32, #tpu.memory_space<vmem>>
        %dma_start3A_389 = arith.constant 0 : i32
        %dma_start3A_390 = arith.constant 0 : i32
        %dma_start3A_391 = tpu.memref_slice %arg16[%dma_start3A_389, %dma_start3A_390] : memref<10240x128xf32, #tpu.memory_space<vmem_shared>> -> memref<10240x128xf32, #tpu.memory_space<vmem_shared>>
        tpu.enqueue_indirect_dma source(%arg14 : memref<128x128xf32, #tpu.memory_space<vmem>>) target(%dma_start3A_391 : memref<10240x128xf32, #tpu.memory_space<vmem_shared>>) offsets(%dma_start3A_388 : memref<128xi32, #tpu.memory_space<vmem>>) semaphore(%arg27 : memref<!tpu.dma_semaphore, #tpu.memory_space<semaphore_mem>>) {add = true}
      } else {
      }
      %add3A_372 = arith.constant 4 : i32
      %add3A_373 = arith.addi %add3A_345, %add3A_372 : i32
      %lt3A_374 = arith.cmpi slt, %add3A_373, %select_n3A_11 : i32
      %convert_element_type3A_375 = arith.extui %lt3A_374 : i1 to i32
      %cond3A_376 = arith.constant 0 : i32
      %cond3A_377 = arith.cmpi ne, %convert_element_type3A_375, %cond3A_376 : i32
      scf.if %cond3A_377 {
        %add3A_378 = arith.constant 4 : i32
        %add3A_379 = arith.addi %add3A_345, %add3A_378 : i32
        %add3A_380 = arith.addi %select_n3A, %add3A_379 : i32
        %dma_start3A_381 = arith.constant 0 : i32
        %dma_start3A_382 = arith.constant 0 : i32
        %dma_start3A_383 = tpu.memref_slice %arg3[%add3A_380, %dma_start3A_381, %dma_start3A_382] : memref<2560x2x128xi32, #tpu.memory_space<hbm>> -> memref<1x2x128xi32, #tpu.memory_space<hbm>>
        %dma_start3A_384 = tpu.memref_squeeze %dma_start3A_383 : memref<1x2x128xi32, #tpu.memory_space<hbm>> -> memref<2x128xi32, #tpu.memory_space<hbm>>
        %dma_start3A_385 = arith.constant 0 : i32
        %dma_start3A_386 = arith.constant 0 : i32
        %dma_start3A_387 = tpu.memref_slice %arg3[%add3A_380, %dma_start3A_385, %dma_start3A_386] : memref<2560x2x128xi32, #tpu.memory_space<hbm>> -> memref<1x2x128xi32, #tpu.memory_space<hbm>>
        %dma_start3A_388 = tpu.memref_squeeze %dma_start3A_387 : memref<1x2x128xi32, #tpu.memory_space<hbm>> -> memref<2x128xi32, #tpu.memory_space<hbm>>
        tpu.enqueue_dma source(%dma_start3A_388 : memref<2x128xi32, #tpu.memory_space<hbm>>) target(%arg9 : memref<2x128xi32, #tpu.memory_space<vmem>>) target_semaphore(%arg20 : memref<!tpu.dma_semaphore, #tpu.memory_space<semaphore_mem>>)
      } else {
      }
    }
    %while3A_64 = arith.constant 1 : i32
    scf.for %while3A_93 = %while3A_62 to %while3A_58 step %while3A_64  : i32 {
      %mul3A_94 = arith.constant 8 : i32
      %mul3A_95 = arith.muli %while3A_93, %mul3A_94 : i32
      %add3A_96 = arith.constant 0 : i32
      %add3A_97 = arith.addi %mul3A_95, %add3A_96 : i32
      %ge3A = arith.constant 2 : i32
      %ge3A_98 = arith.cmpi sge, %add3A_97, %ge3A : i32
      %convert_element_type3A = arith.extui %ge3A_98 : i1 to i32
      %cond3A = arith.constant 0 : i32
      %cond3A_99 = arith.cmpi ne, %convert_element_type3A, %cond3A : i32
      scf.if %cond3A_99 {
        %dma_wait3A_378 = arith.constant 1 : i32
        %dma_wait3A_379 = arith.constant 0 : i32
        %dma_wait3A_380 = tpu.memref_slice %arg12[%dma_wait3A_378, %dma_wait3A_379] : memref<2x128xi32, #tpu.memory_space<vmem>> -> memref<1x128xi32, #tpu.memory_space<vmem>>
        %dma_wait3A_381 = tpu.memref_squeeze %dma_wait3A_380 : memref<1x128xi32, #tpu.memory_space<vmem>> -> memref<128xi32, #tpu.memory_space<vmem>>
        %dma_wait3A_382 = arith.constant 0 : i32
        %dma_wait3A_383 = arith.constant 0 : i32
        %dma_wait3A_384 = tpu.memref_slice %arg16[%dma_wait3A_382, %dma_wait3A_383] : memref<10240x128xf32, #tpu.memory_space<vmem_shared>> -> memref<10240x128xf32, #tpu.memory_space<vmem_shared>>
        tpu.wait_indirect_dma semaphore(%arg27 : memref<!tpu.dma_semaphore, #tpu.memory_space<semaphore_mem>>) src(%arg14 : memref<128x128xf32, #tpu.memory_space<vmem>>) dst(%dma_wait3A_384 : memref<10240x128xf32, #tpu.memory_space<vmem_shared>>)
      } else {
      }
      %add3A_100 = arith.addi %select_n3A, %add3A_97 : i32
      %dma_wait3A_101 = arith.constant 0 : i32
      %dma_wait3A_102 = arith.constant 0 : i32
      %dma_wait3A_103 = tpu.memref_slice %arg3[%add3A_100, %dma_wait3A_101, %dma_wait3A_102] : memref<2560x2x128xi32, #tpu.memory_space<hbm>> -> memref<1x2x128xi32, #tpu.memory_space<hbm>>
      %dma_wait3A_104 = tpu.memref_squeeze %dma_wait3A_103 : memref<1x2x128xi32, #tpu.memory_space<hbm>> -> memref<2x128xi32, #tpu.memory_space<hbm>>
      %dma_wait3A_105 = arith.constant 0 : i32
      %dma_wait3A_106 = arith.constant 0 : i32
      %dma_wait3A_107 = tpu.memref_slice %arg3[%add3A_100, %dma_wait3A_105, %dma_wait3A_106] : memref<2560x2x128xi32, #tpu.memory_space<hbm>> -> memref<1x2x128xi32, #tpu.memory_space<hbm>>
      %dma_wait3A_108 = tpu.memref_squeeze %dma_wait3A_107 : memref<1x2x128xi32, #tpu.memory_space<hbm>> -> memref<2x128xi32, #tpu.memory_space<hbm>>
      tpu.wait_dma2 semaphore(%arg17 : memref<!tpu.dma_semaphore, #tpu.memory_space<semaphore_mem>>) src(%dma_wait3A_108 : memref<2x128xi32, #tpu.memory_space<hbm>>) dst(%arg6 : memref<2x128xi32, #tpu.memory_space<vmem>>)
      %dma_start3A_109 = arith.constant 0 : i32
      %dma_start3A_110 = arith.constant 0 : i32
      %dma_start3A_111 = tpu.memref_slice %arg6[%dma_start3A_109, %dma_start3A_110] : memref<2x128xi32, #tpu.memory_space<vmem>> -> memref<1x128xi32, #tpu.memory_space<vmem>>
      %dma_start3A_112 = tpu.memref_squeeze %dma_start3A_111 : memref<1x128xi32, #tpu.memory_space<vmem>> -> memref<128xi32, #tpu.memory_space<vmem>>
      %dma_start3A_113 = arith.constant 0 : i32
      %dma_start3A_114 = arith.constant 0 : i32
      %dma_start3A_115 = tpu.memref_slice %arg2[%dma_start3A_113, %dma_start3A_114] : memref<10240x128xf32, #tpu.memory_space<hbm>> -> memref<10240x128xf32, #tpu.memory_space<hbm>>
      tpu.enqueue_indirect_dma source(%dma_start3A_115 : memref<10240x128xf32, #tpu.memory_space<hbm>>) target(%arg14 : memref<128x128xf32, #tpu.memory_space<vmem>>) offsets(%dma_start3A_112 : memref<128xi32, #tpu.memory_space<vmem>>) semaphore(%arg25 : memref<!tpu.dma_semaphore, #tpu.memory_space<semaphore_mem>>)
      %ge3A_116 = arith.constant 1 : i32
      %ge3A_117 = arith.cmpi sge, %add3A_97, %ge3A_116 : i32
      %convert_element_type3A_118 = arith.extui %ge3A_117 : i1 to i32
      %cond3A_119 = arith.constant 0 : i32
      %cond3A_120 = arith.cmpi ne, %convert_element_type3A_118, %cond3A_119 : i32
      scf.if %cond3A_120 {
        %dma_wait3A_378 = arith.constant 0 : i32
        %dma_wait3A_379 = arith.constant 0 : i32
        %dma_wait3A_380 = tpu.memref_slice %arg13[%dma_wait3A_378, %dma_wait3A_379] : memref<2x128xi32, #tpu.memory_space<vmem>> -> memref<1x128xi32, #tpu.memory_space<vmem>>
        %dma_wait3A_381 = tpu.memref_squeeze %dma_wait3A_380 : memref<1x128xi32, #tpu.memory_space<vmem>> -> memref<128xi32, #tpu.memory_space<vmem>>
        %dma_wait3A_382 = arith.constant 0 : i32
        %dma_wait3A_383 = arith.constant 0 : i32
        %dma_wait3A_384 = tpu.memref_slice %arg2[%dma_wait3A_382, %dma_wait3A_383] : memref<10240x128xf32, #tpu.memory_space<hbm>> -> memref<10240x128xf32, #tpu.memory_space<hbm>>
        tpu.wait_indirect_dma semaphore(%arg26 : memref<!tpu.dma_semaphore, #tpu.memory_space<semaphore_mem>>) src(%dma_wait3A_384 : memref<10240x128xf32, #tpu.memory_space<hbm>>) dst(%arg15 : memref<128x128xf32, #tpu.memory_space<vmem>>)
        %dma_start3A_385 = arith.constant 1 : i32
        %dma_start3A_386 = arith.constant 0 : i32
        %dma_start3A_387 = tpu.memref_slice %arg13[%dma_start3A_385, %dma_start3A_386] : memref<2x128xi32, #tpu.memory_space<vmem>> -> memref<1x128xi32, #tpu.memory_space<vmem>>
        %dma_start3A_388 = tpu.memref_squeeze %dma_start3A_387 : memref<1x128xi32, #tpu.memory_space<vmem>> -> memref<128xi32, #tpu.memory_space<vmem>>
        %dma_start3A_389 = arith.constant 0 : i32
        %dma_start3A_390 = arith.constant 0 : i32
        %dma_start3A_391 = tpu.memref_slice %arg16[%dma_start3A_389, %dma_start3A_390] : memref<10240x128xf32, #tpu.memory_space<vmem_shared>> -> memref<10240x128xf32, #tpu.memory_space<vmem_shared>>
        tpu.enqueue_indirect_dma source(%arg15 : memref<128x128xf32, #tpu.memory_space<vmem>>) target(%dma_start3A_391 : memref<10240x128xf32, #tpu.memory_space<vmem_shared>>) offsets(%dma_start3A_388 : memref<128xi32, #tpu.memory_space<vmem>>) semaphore(%arg28 : memref<!tpu.dma_semaphore, #tpu.memory_space<semaphore_mem>>) {add = true}
      } else {
      }
      %add3A_121 = arith.constant 4 : i32
      %add3A_122 = arith.addi %add3A_97, %add3A_121 : i32
      %lt3A = arith.cmpi slt, %add3A_122, %select_n3A_11 : i32
      %convert_element_type3A_123 = arith.extui %lt3A : i1 to i32
      %cond3A_124 = arith.constant 0 : i32
      %cond3A_125 = arith.cmpi ne, %convert_element_type3A_123, %cond3A_124 : i32
      scf.if %cond3A_125 {
        %add3A_378 = arith.constant 4 : i32
        %add3A_379 = arith.addi %add3A_97, %add3A_378 : i32
        %add3A_380 = arith.addi %select_n3A, %add3A_379 : i32
        %dma_start3A_381 = arith.constant 0 : i32
        %dma_start3A_382 = arith.constant 0 : i32
        %dma_start3A_383 = tpu.memref_slice %arg3[%add3A_380, %dma_start3A_381, %dma_start3A_382] : memref<2560x2x128xi32, #tpu.memory_space<hbm>> -> memref<1x2x128xi32, #tpu.memory_space<hbm>>
        %dma_start3A_384 = tpu.memref_squeeze %dma_start3A_383 : memref<1x2x128xi32, #tpu.memory_space<hbm>> -> memref<2x128xi32, #tpu.memory_space<hbm>>
        %dma_start3A_385 = arith.constant 0 : i32
        %dma_start3A_386 = arith.constant 0 : i32
        %dma_start3A_387 = tpu.memref_slice %arg3[%add3A_380, %dma_start3A_385, %dma_start3A_386] : memref<2560x2x128xi32, #tpu.memory_space<hbm>> -> memref<1x2x128xi32, #tpu.memory_space<hbm>>
        %dma_start3A_388 = tpu.memref_squeeze %dma_start3A_387 : memref<1x2x128xi32, #tpu.memory_space<hbm>> -> memref<2x128xi32, #tpu.memory_space<hbm>>
        tpu.enqueue_dma source(%dma_start3A_388 : memref<2x128xi32, #tpu.memory_space<hbm>>) target(%arg10 : memref<2x128xi32, #tpu.memory_space<vmem>>) target_semaphore(%arg21 : memref<!tpu.dma_semaphore, #tpu.memory_space<semaphore_mem>>)
      } else {
      }
      %mul3A_126 = arith.constant 8 : i32
      %mul3A_127 = arith.muli %while3A_93, %mul3A_126 : i32
      %add3A_128 = arith.constant 1 : i32
      %add3A_129 = arith.addi %mul3A_127, %add3A_128 : i32
      %ge3A_130 = arith.constant 2 : i32
      %ge3A_131 = arith.cmpi sge, %add3A_129, %ge3A_130 : i32
      %convert_element_type3A_132 = arith.extui %ge3A_131 : i1 to i32
      %cond3A_133 = arith.constant 0 : i32
      %cond3A_134 = arith.cmpi ne, %convert_element_type3A_132, %cond3A_133 : i32
      scf.if %cond3A_134 {
        %dma_wait3A_378 = arith.constant 1 : i32
        %dma_wait3A_379 = arith.constant 0 : i32
        %dma_wait3A_380 = tpu.memref_slice %arg13[%dma_wait3A_378, %dma_wait3A_379] : memref<2x128xi32, #tpu.memory_space<vmem>> -> memref<1x128xi32, #tpu.memory_space<vmem>>
        %dma_wait3A_381 = tpu.memref_squeeze %dma_wait3A_380 : memref<1x128xi32, #tpu.memory_space<vmem>> -> memref<128xi32, #tpu.memory_space<vmem>>
        %dma_wait3A_382 = arith.constant 0 : i32
        %dma_wait3A_383 = arith.constant 0 : i32
        %dma_wait3A_384 = tpu.memref_slice %arg16[%dma_wait3A_382, %dma_wait3A_383] : memref<10240x128xf32, #tpu.memory_space<vmem_shared>> -> memref<10240x128xf32, #tpu.memory_space<vmem_shared>>
        tpu.wait_indirect_dma semaphore(%arg28 : memref<!tpu.dma_semaphore, #tpu.memory_space<semaphore_mem>>) src(%arg15 : memref<128x128xf32, #tpu.memory_space<vmem>>) dst(%dma_wait3A_384 : memref<10240x128xf32, #tpu.memory_space<vmem_shared>>)
      } else {
      }
      %add3A_135 = arith.addi %select_n3A, %add3A_129 : i32
      %dma_wait3A_136 = arith.constant 0 : i32
      %dma_wait3A_137 = arith.constant 0 : i32
      %dma_wait3A_138 = tpu.memref_slice %arg3[%add3A_135, %dma_wait3A_136, %dma_wait3A_137] : memref<2560x2x128xi32, #tpu.memory_space<hbm>> -> memref<1x2x128xi32, #tpu.memory_space<hbm>>
      %dma_wait3A_139 = tpu.memref_squeeze %dma_wait3A_138 : memref<1x2x128xi32, #tpu.memory_space<hbm>> -> memref<2x128xi32, #tpu.memory_space<hbm>>
      %dma_wait3A_140 = arith.constant 0 : i32
      %dma_wait3A_141 = arith.constant 0 : i32
      %dma_wait3A_142 = tpu.memref_slice %arg3[%add3A_135, %dma_wait3A_140, %dma_wait3A_141] : memref<2560x2x128xi32, #tpu.memory_space<hbm>> -> memref<1x2x128xi32, #tpu.memory_space<hbm>>
      %dma_wait3A_143 = tpu.memref_squeeze %dma_wait3A_142 : memref<1x2x128xi32, #tpu.memory_space<hbm>> -> memref<2x128xi32, #tpu.memory_space<hbm>>
      tpu.wait_dma2 semaphore(%arg18 : memref<!tpu.dma_semaphore, #tpu.memory_space<semaphore_mem>>) src(%dma_wait3A_143 : memref<2x128xi32, #tpu.memory_space<hbm>>) dst(%arg7 : memref<2x128xi32, #tpu.memory_space<vmem>>)
      %dma_start3A_144 = arith.constant 0 : i32
      %dma_start3A_145 = arith.constant 0 : i32
      %dma_start3A_146 = tpu.memref_slice %arg7[%dma_start3A_144, %dma_start3A_145] : memref<2x128xi32, #tpu.memory_space<vmem>> -> memref<1x128xi32, #tpu.memory_space<vmem>>
      %dma_start3A_147 = tpu.memref_squeeze %dma_start3A_146 : memref<1x128xi32, #tpu.memory_space<vmem>> -> memref<128xi32, #tpu.memory_space<vmem>>
      %dma_start3A_148 = arith.constant 0 : i32
      %dma_start3A_149 = arith.constant 0 : i32
      %dma_start3A_150 = tpu.memref_slice %arg2[%dma_start3A_148, %dma_start3A_149] : memref<10240x128xf32, #tpu.memory_space<hbm>> -> memref<10240x128xf32, #tpu.memory_space<hbm>>
      tpu.enqueue_indirect_dma source(%dma_start3A_150 : memref<10240x128xf32, #tpu.memory_space<hbm>>) target(%arg15 : memref<128x128xf32, #tpu.memory_space<vmem>>) offsets(%dma_start3A_147 : memref<128xi32, #tpu.memory_space<vmem>>) semaphore(%arg26 : memref<!tpu.dma_semaphore, #tpu.memory_space<semaphore_mem>>)
      %ge3A_151 = arith.constant 1 : i32
      %ge3A_152 = arith.cmpi sge, %add3A_129, %ge3A_151 : i32
      %convert_element_type3A_153 = arith.extui %ge3A_152 : i1 to i32
      %cond3A_154 = arith.constant 0 : i32
      %cond3A_155 = arith.cmpi ne, %convert_element_type3A_153, %cond3A_154 : i32
      scf.if %cond3A_155 {
        %dma_wait3A_378 = arith.constant 0 : i32
        %dma_wait3A_379 = arith.constant 0 : i32
        %dma_wait3A_380 = tpu.memref_slice %arg6[%dma_wait3A_378, %dma_wait3A_379] : memref<2x128xi32, #tpu.memory_space<vmem>> -> memref<1x128xi32, #tpu.memory_space<vmem>>
        %dma_wait3A_381 = tpu.memref_squeeze %dma_wait3A_380 : memref<1x128xi32, #tpu.memory_space<vmem>> -> memref<128xi32, #tpu.memory_space<vmem>>
        %dma_wait3A_382 = arith.constant 0 : i32
        %dma_wait3A_383 = arith.constant 0 : i32
        %dma_wait3A_384 = tpu.memref_slice %arg2[%dma_wait3A_382, %dma_wait3A_383] : memref<10240x128xf32, #tpu.memory_space<hbm>> -> memref<10240x128xf32, #tpu.memory_space<hbm>>
        tpu.wait_indirect_dma semaphore(%arg25 : memref<!tpu.dma_semaphore, #tpu.memory_space<semaphore_mem>>) src(%dma_wait3A_384 : memref<10240x128xf32, #tpu.memory_space<hbm>>) dst(%arg14 : memref<128x128xf32, #tpu.memory_space<vmem>>)
        %dma_start3A_385 = arith.constant 1 : i32
        %dma_start3A_386 = arith.constant 0 : i32
        %dma_start3A_387 = tpu.memref_slice %arg6[%dma_start3A_385, %dma_start3A_386] : memref<2x128xi32, #tpu.memory_space<vmem>> -> memref<1x128xi32, #tpu.memory_space<vmem>>
        %dma_start3A_388 = tpu.memref_squeeze %dma_start3A_387 : memref<1x128xi32, #tpu.memory_space<vmem>> -> memref<128xi32, #tpu.memory_space<vmem>>
        %dma_start3A_389 = arith.constant 0 : i32
        %dma_start3A_390 = arith.constant 0 : i32
        %dma_start3A_391 = tpu.memref_slice %arg16[%dma_start3A_389, %dma_start3A_390] : memref<10240x128xf32, #tpu.memory_space<vmem_shared>> -> memref<10240x128xf32, #tpu.memory_space<vmem_shared>>
        tpu.enqueue_indirect_dma source(%arg14 : memref<128x128xf32, #tpu.memory_space<vmem>>) target(%dma_start3A_391 : memref<10240x128xf32, #tpu.memory_space<vmem_shared>>) offsets(%dma_start3A_388 : memref<128xi32, #tpu.memory_space<vmem>>) semaphore(%arg27 : memref<!tpu.dma_semaphore, #tpu.memory_space<semaphore_mem>>) {add = true}
      } else {
      }
      %add3A_156 = arith.constant 4 : i32
      %add3A_157 = arith.addi %add3A_129, %add3A_156 : i32
      %lt3A_158 = arith.cmpi slt, %add3A_157, %select_n3A_11 : i32
      %convert_element_type3A_159 = arith.extui %lt3A_158 : i1 to i32
      %cond3A_160 = arith.constant 0 : i32
      %cond3A_161 = arith.cmpi ne, %convert_element_type3A_159, %cond3A_160 : i32
      scf.if %cond3A_161 {
        %add3A_378 = arith.constant 4 : i32
        %add3A_379 = arith.addi %add3A_129, %add3A_378 : i32
        %add3A_380 = arith.addi %select_n3A, %add3A_379 : i32
        %dma_start3A_381 = arith.constant 0 : i32
        %dma_start3A_382 = arith.constant 0 : i32
        %dma_start3A_383 = tpu.memref_slice %arg3[%add3A_380, %dma_start3A_381, %dma_start3A_382] : memref<2560x2x128xi32, #tpu.memory_space<hbm>> -> memref<1x2x128xi32, #tpu.memory_space<hbm>>
        %dma_start3A_384 = tpu.memref_squeeze %dma_start3A_383 : memref<1x2x128xi32, #tpu.memory_space<hbm>> -> memref<2x128xi32, #tpu.memory_space<hbm>>
        %dma_start3A_385 = arith.constant 0 : i32
        %dma_start3A_386 = arith.constant 0 : i32
        %dma_start3A_387 = tpu.memref_slice %arg3[%add3A_380, %dma_start3A_385, %dma_start3A_386] : memref<2560x2x128xi32, #tpu.memory_space<hbm>> -> memref<1x2x128xi32, #tpu.memory_space<hbm>>
        %dma_start3A_388 = tpu.memref_squeeze %dma_start3A_387 : memref<1x2x128xi32, #tpu.memory_space<hbm>> -> memref<2x128xi32, #tpu.memory_space<hbm>>
        tpu.enqueue_dma source(%dma_start3A_388 : memref<2x128xi32, #tpu.memory_space<hbm>>) target(%arg11 : memref<2x128xi32, #tpu.memory_space<vmem>>) target_semaphore(%arg22 : memref<!tpu.dma_semaphore, #tpu.memory_space<semaphore_mem>>)
      } else {
      }
      %mul3A_162 = arith.constant 8 : i32
      %mul3A_163 = arith.muli %while3A_93, %mul3A_162 : i32
      %add3A_164 = arith.constant 2 : i32
      %add3A_165 = arith.addi %mul3A_163, %add3A_164 : i32
      %ge3A_166 = arith.constant 2 : i32
      %ge3A_167 = arith.cmpi sge, %add3A_165, %ge3A_166 : i32
      %convert_element_type3A_168 = arith.extui %ge3A_167 : i1 to i32
      %cond3A_169 = arith.constant 0 : i32
      %cond3A_170 = arith.cmpi ne, %convert_element_type3A_168, %cond3A_169 : i32
      scf.if %cond3A_170 {
        %dma_wait3A_378 = arith.constant 1 : i32
        %dma_wait3A_379 = arith.constant 0 : i32
        %dma_wait3A_380 = tpu.memref_slice %arg6[%dma_wait3A_378, %dma_wait3A_379] : memref<2x128xi32, #tpu.memory_space<vmem>> -> memref<1x128xi32, #tpu.memory_space<vmem>>
        %dma_wait3A_381 = tpu.memref_squeeze %dma_wait3A_380 : memref<1x128xi32, #tpu.memory_space<vmem>> -> memref<128xi32, #tpu.memory_space<vmem>>
        %dma_wait3A_382 = arith.constant 0 : i32
        %dma_wait3A_383 = arith.constant 0 : i32
        %dma_wait3A_384 = tpu.memref_slice %arg16[%dma_wait3A_382, %dma_wait3A_383] : memref<10240x128xf32, #tpu.memory_space<vmem_shared>> -> memref<10240x128xf32, #tpu.memory_space<vmem_shared>>
        tpu.wait_indirect_dma semaphore(%arg27 : memref<!tpu.dma_semaphore, #tpu.memory_space<semaphore_mem>>) src(%arg14 : memref<128x128xf32, #tpu.memory_space<vmem>>) dst(%dma_wait3A_384 : memref<10240x128xf32, #tpu.memory_space<vmem_shared>>)
      } else {
      }
      %add3A_171 = arith.addi %select_n3A, %add3A_165 : i32
      %dma_wait3A_172 = arith.constant 0 : i32
      %dma_wait3A_173 = arith.constant 0 : i32
      %dma_wait3A_174 = tpu.memref_slice %arg3[%add3A_171, %dma_wait3A_172, %dma_wait3A_173] : memref<2560x2x128xi32, #tpu.memory_space<hbm>> -> memref<1x2x128xi32, #tpu.memory_space<hbm>>
      %dma_wait3A_175 = tpu.memref_squeeze %dma_wait3A_174 : memref<1x2x128xi32, #tpu.memory_space<hbm>> -> memref<2x128xi32, #tpu.memory_space<hbm>>
      %dma_wait3A_176 = arith.constant 0 : i32
      %dma_wait3A_177 = arith.constant 0 : i32
      %dma_wait3A_178 = tpu.memref_slice %arg3[%add3A_171, %dma_wait3A_176, %dma_wait3A_177] : memref<2560x2x128xi32, #tpu.memory_space<hbm>> -> memref<1x2x128xi32, #tpu.memory_space<hbm>>
      %dma_wait3A_179 = tpu.memref_squeeze %dma_wait3A_178 : memref<1x2x128xi32, #tpu.memory_space<hbm>> -> memref<2x128xi32, #tpu.memory_space<hbm>>
      tpu.wait_dma2 semaphore(%arg19 : memref<!tpu.dma_semaphore, #tpu.memory_space<semaphore_mem>>) src(%dma_wait3A_179 : memref<2x128xi32, #tpu.memory_space<hbm>>) dst(%arg8 : memref<2x128xi32, #tpu.memory_space<vmem>>)
      %dma_start3A_180 = arith.constant 0 : i32
      %dma_start3A_181 = arith.constant 0 : i32
      %dma_start3A_182 = tpu.memref_slice %arg8[%dma_start3A_180, %dma_start3A_181] : memref<2x128xi32, #tpu.memory_space<vmem>> -> memref<1x128xi32, #tpu.memory_space<vmem>>
      %dma_start3A_183 = tpu.memref_squeeze %dma_start3A_182 : memref<1x128xi32, #tpu.memory_space<vmem>> -> memref<128xi32, #tpu.memory_space<vmem>>
      %dma_start3A_184 = arith.constant 0 : i32
      %dma_start3A_185 = arith.constant 0 : i32
      %dma_start3A_186 = tpu.memref_slice %arg2[%dma_start3A_184, %dma_start3A_185] : memref<10240x128xf32, #tpu.memory_space<hbm>> -> memref<10240x128xf32, #tpu.memory_space<hbm>>
      tpu.enqueue_indirect_dma source(%dma_start3A_186 : memref<10240x128xf32, #tpu.memory_space<hbm>>) target(%arg14 : memref<128x128xf32, #tpu.memory_space<vmem>>) offsets(%dma_start3A_183 : memref<128xi32, #tpu.memory_space<vmem>>) semaphore(%arg25 : memref<!tpu.dma_semaphore, #tpu.memory_space<semaphore_mem>>)
      %ge3A_187 = arith.constant 1 : i32
      %ge3A_188 = arith.cmpi sge, %add3A_165, %ge3A_187 : i32
      %convert_element_type3A_189 = arith.extui %ge3A_188 : i1 to i32
      %cond3A_190 = arith.constant 0 : i32
      %cond3A_191 = arith.cmpi ne, %convert_element_type3A_189, %cond3A_190 : i32
      scf.if %cond3A_191 {
        %dma_wait3A_378 = arith.constant 0 : i32
        %dma_wait3A_379 = arith.constant 0 : i32
        %dma_wait3A_380 = tpu.memref_slice %arg7[%dma_wait3A_378, %dma_wait3A_379] : memref<2x128xi32, #tpu.memory_space<vmem>> -> memref<1x128xi32, #tpu.memory_space<vmem>>
        %dma_wait3A_381 = tpu.memref_squeeze %dma_wait3A_380 : memref<1x128xi32, #tpu.memory_space<vmem>> -> memref<128xi32, #tpu.memory_space<vmem>>
        %dma_wait3A_382 = arith.constant 0 : i32
        %dma_wait3A_383 = arith.constant 0 : i32
        %dma_wait3A_384 = tpu.memref_slice %arg2[%dma_wait3A_382, %dma_wait3A_383] : memref<10240x128xf32, #tpu.memory_space<hbm>> -> memref<10240x128xf32, #tpu.memory_space<hbm>>
        tpu.wait_indirect_dma semaphore(%arg26 : memref<!tpu.dma_semaphore, #tpu.memory_space<semaphore_mem>>) src(%dma_wait3A_384 : memref<10240x128xf32, #tpu.memory_space<hbm>>) dst(%arg15 : memref<128x128xf32, #tpu.memory_space<vmem>>)
        %dma_start3A_385 = arith.constant 1 : i32
        %dma_start3A_386 = arith.constant 0 : i32
        %dma_start3A_387 = tpu.memref_slice %arg7[%dma_start3A_385, %dma_start3A_386] : memref<2x128xi32, #tpu.memory_space<vmem>> -> memref<1x128xi32, #tpu.memory_space<vmem>>
        %dma_start3A_388 = tpu.memref_squeeze %dma_start3A_387 : memref<1x128xi32, #tpu.memory_space<vmem>> -> memref<128xi32, #tpu.memory_space<vmem>>
        %dma_start3A_389 = arith.constant 0 : i32
        %dma_start3A_390 = arith.constant 0 : i32
        %dma_start3A_391 = tpu.memref_slice %arg16[%dma_start3A_389, %dma_start3A_390] : memref<10240x128xf32, #tpu.memory_space<vmem_shared>> -> memref<10240x128xf32, #tpu.memory_space<vmem_shared>>
        tpu.enqueue_indirect_dma source(%arg15 : memref<128x128xf32, #tpu.memory_space<vmem>>) target(%dma_start3A_391 : memref<10240x128xf32, #tpu.memory_space<vmem_shared>>) offsets(%dma_start3A_388 : memref<128xi32, #tpu.memory_space<vmem>>) semaphore(%arg28 : memref<!tpu.dma_semaphore, #tpu.memory_space<semaphore_mem>>) {add = true}
      } else {
      }
      %add3A_192 = arith.constant 4 : i32
      %add3A_193 = arith.addi %add3A_165, %add3A_192 : i32
      %lt3A_194 = arith.cmpi slt, %add3A_193, %select_n3A_11 : i32
      %convert_element_type3A_195 = arith.extui %lt3A_194 : i1 to i32
      %cond3A_196 = arith.constant 0 : i32
      %cond3A_197 = arith.cmpi ne, %convert_element_type3A_195, %cond3A_196 : i32
      scf.if %cond3A_197 {
        %add3A_378 = arith.constant 4 : i32
        %add3A_379 = arith.addi %add3A_165, %add3A_378 : i32
        %add3A_380 = arith.addi %select_n3A, %add3A_379 : i32
        %dma_start3A_381 = arith.constant 0 : i32
        %dma_start3A_382 = arith.constant 0 : i32
        %dma_start3A_383 = tpu.memref_slice %arg3[%add3A_380, %dma_start3A_381, %dma_start3A_382] : memref<2560x2x128xi32, #tpu.memory_space<hbm>> -> memref<1x2x128xi32, #tpu.memory_space<hbm>>
        %dma_start3A_384 = tpu.memref_squeeze %dma_start3A_383 : memref<1x2x128xi32, #tpu.memory_space<hbm>> -> memref<2x128xi32, #tpu.memory_space<hbm>>
        %dma_start3A_385 = arith.constant 0 : i32
        %dma_start3A_386 = arith.constant 0 : i32
        %dma_start3A_387 = tpu.memref_slice %arg3[%add3A_380, %dma_start3A_385, %dma_start3A_386] : memref<2560x2x128xi32, #tpu.memory_space<hbm>> -> memref<1x2x128xi32, #tpu.memory_space<hbm>>
        %dma_start3A_388 = tpu.memref_squeeze %dma_start3A_387 : memref<1x2x128xi32, #tpu.memory_space<hbm>> -> memref<2x128xi32, #tpu.memory_space<hbm>>
        tpu.enqueue_dma source(%dma_start3A_388 : memref<2x128xi32, #tpu.memory_space<hbm>>) target(%arg12 : memref<2x128xi32, #tpu.memory_space<vmem>>) target_semaphore(%arg23 : memref<!tpu.dma_semaphore, #tpu.memory_space<semaphore_mem>>)
      } else {
      }
      %mul3A_198 = arith.constant 8 : i32
      %mul3A_199 = arith.muli %while3A_93, %mul3A_198 : i32
      %add3A_200 = arith.constant 3 : i32
      %add3A_201 = arith.addi %mul3A_199, %add3A_200 : i32
      %ge3A_202 = arith.constant 2 : i32
      %ge3A_203 = arith.cmpi sge, %add3A_201, %ge3A_202 : i32
      %convert_element_type3A_204 = arith.extui %ge3A_203 : i1 to i32
      %cond3A_205 = arith.constant 0 : i32
      %cond3A_206 = arith.cmpi ne, %convert_element_type3A_204, %cond3A_205 : i32
      scf.if %cond3A_206 {
        %dma_wait3A_378 = arith.constant 1 : i32
        %dma_wait3A_379 = arith.constant 0 : i32
        %dma_wait3A_380 = tpu.memref_slice %arg7[%dma_wait3A_378, %dma_wait3A_379] : memref<2x128xi32, #tpu.memory_space<vmem>> -> memref<1x128xi32, #tpu.memory_space<vmem>>
        %dma_wait3A_381 = tpu.memref_squeeze %dma_wait3A_380 : memref<1x128xi32, #tpu.memory_space<vmem>> -> memref<128xi32, #tpu.memory_space<vmem>>
        %dma_wait3A_382 = arith.constant 0 : i32
        %dma_wait3A_383 = arith.constant 0 : i32
        %dma_wait3A_384 = tpu.memref_slice %arg16[%dma_wait3A_382, %dma_wait3A_383] : memref<10240x128xf32, #tpu.memory_space<vmem_shared>> -> memref<10240x128xf32, #tpu.memory_space<vmem_shared>>
        tpu.wait_indirect_dma semaphore(%arg28 : memref<!tpu.dma_semaphore, #tpu.memory_space<semaphore_mem>>) src(%arg15 : memref<128x128xf32, #tpu.memory_space<vmem>>) dst(%dma_wait3A_384 : memref<10240x128xf32, #tpu.memory_space<vmem_shared>>)
      } else {
      }
      %add3A_207 = arith.addi %select_n3A, %add3A_201 : i32
      %dma_wait3A_208 = arith.constant 0 : i32
      %dma_wait3A_209 = arith.constant 0 : i32
      %dma_wait3A_210 = tpu.memref_slice %arg3[%add3A_207, %dma_wait3A_208, %dma_wait3A_209] : memref<2560x2x128xi32, #tpu.memory_space<hbm>> -> memref<1x2x128xi32, #tpu.memory_space<hbm>>
      %dma_wait3A_211 = tpu.memref_squeeze %dma_wait3A_210 : memref<1x2x128xi32, #tpu.memory_space<hbm>> -> memref<2x128xi32, #tpu.memory_space<hbm>>
      %dma_wait3A_212 = arith.constant 0 : i32
      %dma_wait3A_213 = arith.constant 0 : i32
      %dma_wait3A_214 = tpu.memref_slice %arg3[%add3A_207, %dma_wait3A_212, %dma_wait3A_213] : memref<2560x2x128xi32, #tpu.memory_space<hbm>> -> memref<1x2x128xi32, #tpu.memory_space<hbm>>
      %dma_wait3A_215 = tpu.memref_squeeze %dma_wait3A_214 : memref<1x2x128xi32, #tpu.memory_space<hbm>> -> memref<2x128xi32, #tpu.memory_space<hbm>>
      tpu.wait_dma2 semaphore(%arg20 : memref<!tpu.dma_semaphore, #tpu.memory_space<semaphore_mem>>) src(%dma_wait3A_215 : memref<2x128xi32, #tpu.memory_space<hbm>>) dst(%arg9 : memref<2x128xi32, #tpu.memory_space<vmem>>)
      %dma_start3A_216 = arith.constant 0 : i32
      %dma_start3A_217 = arith.constant 0 : i32
      %dma_start3A_218 = tpu.memref_slice %arg9[%dma_start3A_216, %dma_start3A_217] : memref<2x128xi32, #tpu.memory_space<vmem>> -> memref<1x128xi32, #tpu.memory_space<vmem>>
      %dma_start3A_219 = tpu.memref_squeeze %dma_start3A_218 : memref<1x128xi32, #tpu.memory_space<vmem>> -> memref<128xi32, #tpu.memory_space<vmem>>
      %dma_start3A_220 = arith.constant 0 : i32
      %dma_start3A_221 = arith.constant 0 : i32
      %dma_start3A_222 = tpu.memref_slice %arg2[%dma_start3A_220, %dma_start3A_221] : memref<10240x128xf32, #tpu.memory_space<hbm>> -> memref<10240x128xf32, #tpu.memory_space<hbm>>
      tpu.enqueue_indirect_dma source(%dma_start3A_222 : memref<10240x128xf32, #tpu.memory_space<hbm>>) target(%arg15 : memref<128x128xf32, #tpu.memory_space<vmem>>) offsets(%dma_start3A_219 : memref<128xi32, #tpu.memory_space<vmem>>) semaphore(%arg26 : memref<!tpu.dma_semaphore, #tpu.memory_space<semaphore_mem>>)
      %ge3A_223 = arith.constant 1 : i32
      %ge3A_224 = arith.cmpi sge, %add3A_201, %ge3A_223 : i32
      %convert_element_type3A_225 = arith.extui %ge3A_224 : i1 to i32
      %cond3A_226 = arith.constant 0 : i32
      %cond3A_227 = arith.cmpi ne, %convert_element_type3A_225, %cond3A_226 : i32
      scf.if %cond3A_227 {
        %dma_wait3A_378 = arith.constant 0 : i32
        %dma_wait3A_379 = arith.constant 0 : i32
        %dma_wait3A_380 = tpu.memref_slice %arg8[%dma_wait3A_378, %dma_wait3A_379] : memref<2x128xi32, #tpu.memory_space<vmem>> -> memref<1x128xi32, #tpu.memory_space<vmem>>
        %dma_wait3A_381 = tpu.memref_squeeze %dma_wait3A_380 : memref<1x128xi32, #tpu.memory_space<vmem>> -> memref<128xi32, #tpu.memory_space<vmem>>
        %dma_wait3A_382 = arith.constant 0 : i32
        %dma_wait3A_383 = arith.constant 0 : i32
        %dma_wait3A_384 = tpu.memref_slice %arg2[%dma_wait3A_382, %dma_wait3A_383] : memref<10240x128xf32, #tpu.memory_space<hbm>> -> memref<10240x128xf32, #tpu.memory_space<hbm>>
        tpu.wait_indirect_dma semaphore(%arg25 : memref<!tpu.dma_semaphore, #tpu.memory_space<semaphore_mem>>) src(%dma_wait3A_384 : memref<10240x128xf32, #tpu.memory_space<hbm>>) dst(%arg14 : memref<128x128xf32, #tpu.memory_space<vmem>>)
        %dma_start3A_385 = arith.constant 1 : i32
        %dma_start3A_386 = arith.constant 0 : i32
        %dma_start3A_387 = tpu.memref_slice %arg8[%dma_start3A_385, %dma_start3A_386] : memref<2x128xi32, #tpu.memory_space<vmem>> -> memref<1x128xi32, #tpu.memory_space<vmem>>
        %dma_start3A_388 = tpu.memref_squeeze %dma_start3A_387 : memref<1x128xi32, #tpu.memory_space<vmem>> -> memref<128xi32, #tpu.memory_space<vmem>>
        %dma_start3A_389 = arith.constant 0 : i32
        %dma_start3A_390 = arith.constant 0 : i32
        %dma_start3A_391 = tpu.memref_slice %arg16[%dma_start3A_389, %dma_start3A_390] : memref<10240x128xf32, #tpu.memory_space<vmem_shared>> -> memref<10240x128xf32, #tpu.memory_space<vmem_shared>>
        tpu.enqueue_indirect_dma source(%arg14 : memref<128x128xf32, #tpu.memory_space<vmem>>) target(%dma_start3A_391 : memref<10240x128xf32, #tpu.memory_space<vmem_shared>>) offsets(%dma_start3A_388 : memref<128xi32, #tpu.memory_space<vmem>>) semaphore(%arg27 : memref<!tpu.dma_semaphore, #tpu.memory_space<semaphore_mem>>) {add = true}
      } else {
      }
      %add3A_228 = arith.constant 4 : i32
      %add3A_229 = arith.addi %add3A_201, %add3A_228 : i32
      %lt3A_230 = arith.cmpi slt, %add3A_229, %select_n3A_11 : i32
      %convert_element_type3A_231 = arith.extui %lt3A_230 : i1 to i32
      %cond3A_232 = arith.constant 0 : i32
      %cond3A_233 = arith.cmpi ne, %convert_element_type3A_231, %cond3A_232 : i32
      scf.if %cond3A_233 {
        %add3A_378 = arith.constant 4 : i32
        %add3A_379 = arith.addi %add3A_201, %add3A_378 : i32
        %add3A_380 = arith.addi %select_n3A, %add3A_379 : i32
        %dma_start3A_381 = arith.constant 0 : i32
        %dma_start3A_382 = arith.constant 0 : i32
        %dma_start3A_383 = tpu.memref_slice %arg3[%add3A_380, %dma_start3A_381, %dma_start3A_382] : memref<2560x2x128xi32, #tpu.memory_space<hbm>> -> memref<1x2x128xi32, #tpu.memory_space<hbm>>
        %dma_start3A_384 = tpu.memref_squeeze %dma_start3A_383 : memref<1x2x128xi32, #tpu.memory_space<hbm>> -> memref<2x128xi32, #tpu.memory_space<hbm>>
        %dma_start3A_385 = arith.constant 0 : i32
        %dma_start3A_386 = arith.constant 0 : i32
        %dma_start3A_387 = tpu.memref_slice %arg3[%add3A_380, %dma_start3A_385, %dma_start3A_386] : memref<2560x2x128xi32, #tpu.memory_space<hbm>> -> memref<1x2x128xi32, #tpu.memory_space<hbm>>
        %dma_start3A_388 = tpu.memref_squeeze %dma_start3A_387 : memref<1x2x128xi32, #tpu.memory_space<hbm>> -> memref<2x128xi32, #tpu.memory_space<hbm>>
        tpu.enqueue_dma source(%dma_start3A_388 : memref<2x128xi32, #tpu.memory_space<hbm>>) target(%arg13 : memref<2x128xi32, #tpu.memory_space<vmem>>) target_semaphore(%arg24 : memref<!tpu.dma_semaphore, #tpu.memory_space<semaphore_mem>>)
      } else {
      }
      %mul3A_234 = arith.constant 8 : i32
      %mul3A_235 = arith.muli %while3A_93, %mul3A_234 : i32
      %add3A_236 = arith.constant 4 : i32
      %add3A_237 = arith.addi %mul3A_235, %add3A_236 : i32
      %ge3A_238 = arith.constant 2 : i32
      %ge3A_239 = arith.cmpi sge, %add3A_237, %ge3A_238 : i32
      %convert_element_type3A_240 = arith.extui %ge3A_239 : i1 to i32
      %cond3A_241 = arith.constant 0 : i32
      %cond3A_242 = arith.cmpi ne, %convert_element_type3A_240, %cond3A_241 : i32
      scf.if %cond3A_242 {
        %dma_wait3A_378 = arith.constant 1 : i32
        %dma_wait3A_379 = arith.constant 0 : i32
        %dma_wait3A_380 = tpu.memref_slice %arg8[%dma_wait3A_378, %dma_wait3A_379] : memref<2x128xi32, #tpu.memory_space<vmem>> -> memref<1x128xi32, #tpu.memory_space<vmem>>
        %dma_wait3A_381 = tpu.memref_squeeze %dma_wait3A_380 : memref<1x128xi32, #tpu.memory_space<vmem>> -> memref<128xi32, #tpu.memory_space<vmem>>
        %dma_wait3A_382 = arith.constant 0 : i32
        %dma_wait3A_383 = arith.constant 0 : i32
        %dma_wait3A_384 = tpu.memref_slice %arg16[%dma_wait3A_382, %dma_wait3A_383] : memref<10240x128xf32, #tpu.memory_space<vmem_shared>> -> memref<10240x128xf32, #tpu.memory_space<vmem_shared>>
        tpu.wait_indirect_dma semaphore(%arg27 : memref<!tpu.dma_semaphore, #tpu.memory_space<semaphore_mem>>) src(%arg14 : memref<128x128xf32, #tpu.memory_space<vmem>>) dst(%dma_wait3A_384 : memref<10240x128xf32, #tpu.memory_space<vmem_shared>>)
      } else {
      }
      %add3A_243 = arith.addi %select_n3A, %add3A_237 : i32
      %dma_wait3A_244 = arith.constant 0 : i32
      %dma_wait3A_245 = arith.constant 0 : i32
      %dma_wait3A_246 = tpu.memref_slice %arg3[%add3A_243, %dma_wait3A_244, %dma_wait3A_245] : memref<2560x2x128xi32, #tpu.memory_space<hbm>> -> memref<1x2x128xi32, #tpu.memory_space<hbm>>
      %dma_wait3A_247 = tpu.memref_squeeze %dma_wait3A_246 : memref<1x2x128xi32, #tpu.memory_space<hbm>> -> memref<2x128xi32, #tpu.memory_space<hbm>>
      %dma_wait3A_248 = arith.constant 0 : i32
      %dma_wait3A_249 = arith.constant 0 : i32
      %dma_wait3A_250 = tpu.memref_slice %arg3[%add3A_243, %dma_wait3A_248, %dma_wait3A_249] : memref<2560x2x128xi32, #tpu.memory_space<hbm>> -> memref<1x2x128xi32, #tpu.memory_space<hbm>>
      %dma_wait3A_251 = tpu.memref_squeeze %dma_wait3A_250 : memref<1x2x128xi32, #tpu.memory_space<hbm>> -> memref<2x128xi32, #tpu.memory_space<hbm>>
      tpu.wait_dma2 semaphore(%arg21 : memref<!tpu.dma_semaphore, #tpu.memory_space<semaphore_mem>>) src(%dma_wait3A_251 : memref<2x128xi32, #tpu.memory_space<hbm>>) dst(%arg10 : memref<2x128xi32, #tpu.memory_space<vmem>>)
      %dma_start3A_252 = arith.constant 0 : i32
      %dma_start3A_253 = arith.constant 0 : i32
      %dma_start3A_254 = tpu.memref_slice %arg10[%dma_start3A_252, %dma_start3A_253] : memref<2x128xi32, #tpu.memory_space<vmem>> -> memref<1x128xi32, #tpu.memory_space<vmem>>
      %dma_start3A_255 = tpu.memref_squeeze %dma_start3A_254 : memref<1x128xi32, #tpu.memory_space<vmem>> -> memref<128xi32, #tpu.memory_space<vmem>>
      %dma_start3A_256 = arith.constant 0 : i32
      %dma_start3A_257 = arith.constant 0 : i32
      %dma_start3A_258 = tpu.memref_slice %arg2[%dma_start3A_256, %dma_start3A_257] : memref<10240x128xf32, #tpu.memory_space<hbm>> -> memref<10240x128xf32, #tpu.memory_space<hbm>>
      tpu.enqueue_indirect_dma source(%dma_start3A_258 : memref<10240x128xf32, #tpu.memory_space<hbm>>) target(%arg14 : memref<128x128xf32, #tpu.memory_space<vmem>>) offsets(%dma_start3A_255 : memref<128xi32, #tpu.memory_space<vmem>>) semaphore(%arg25 : memref<!tpu.dma_semaphore, #tpu.memory_space<semaphore_mem>>)
      %ge3A_259 = arith.constant 1 : i32
      %ge3A_260 = arith.cmpi sge, %add3A_237, %ge3A_259 : i32
      %convert_element_type3A_261 = arith.extui %ge3A_260 : i1 to i32
      %cond3A_262 = arith.constant 0 : i32
      %cond3A_263 = arith.cmpi ne, %convert_element_type3A_261, %cond3A_262 : i32
      scf.if %cond3A_263 {
        %dma_wait3A_378 = arith.constant 0 : i32
        %dma_wait3A_379 = arith.constant 0 : i32
        %dma_wait3A_380 = tpu.memref_slice %arg9[%dma_wait3A_378, %dma_wait3A_379] : memref<2x128xi32, #tpu.memory_space<vmem>> -> memref<1x128xi32, #tpu.memory_space<vmem>>
        %dma_wait3A_381 = tpu.memref_squeeze %dma_wait3A_380 : memref<1x128xi32, #tpu.memory_space<vmem>> -> memref<128xi32, #tpu.memory_space<vmem>>
        %dma_wait3A_382 = arith.constant 0 : i32
        %dma_wait3A_383 = arith.constant 0 : i32
        %dma_wait3A_384 = tpu.memref_slice %arg2[%dma_wait3A_382, %dma_wait3A_383] : memref<10240x128xf32, #tpu.memory_space<hbm>> -> memref<10240x128xf32, #tpu.memory_space<hbm>>
        tpu.wait_indirect_dma semaphore(%arg26 : memref<!tpu.dma_semaphore, #tpu.memory_space<semaphore_mem>>) src(%dma_wait3A_384 : memref<10240x128xf32, #tpu.memory_space<hbm>>) dst(%arg15 : memref<128x128xf32, #tpu.memory_space<vmem>>)
        %dma_start3A_385 = arith.constant 1 : i32
        %dma_start3A_386 = arith.constant 0 : i32
        %dma_start3A_387 = tpu.memref_slice %arg9[%dma_start3A_385, %dma_start3A_386] : memref<2x128xi32, #tpu.memory_space<vmem>> -> memref<1x128xi32, #tpu.memory_space<vmem>>
        %dma_start3A_388 = tpu.memref_squeeze %dma_start3A_387 : memref<1x128xi32, #tpu.memory_space<vmem>> -> memref<128xi32, #tpu.memory_space<vmem>>
        %dma_start3A_389 = arith.constant 0 : i32
        %dma_start3A_390 = arith.constant 0 : i32
        %dma_start3A_391 = tpu.memref_slice %arg16[%dma_start3A_389, %dma_start3A_390] : memref<10240x128xf32, #tpu.memory_space<vmem_shared>> -> memref<10240x128xf32, #tpu.memory_space<vmem_shared>>
        tpu.enqueue_indirect_dma source(%arg15 : memref<128x128xf32, #tpu.memory_space<vmem>>) target(%dma_start3A_391 : memref<10240x128xf32, #tpu.memory_space<vmem_shared>>) offsets(%dma_start3A_388 : memref<128xi32, #tpu.memory_space<vmem>>) semaphore(%arg28 : memref<!tpu.dma_semaphore, #tpu.memory_space<semaphore_mem>>) {add = true}
      } else {
      }
      %add3A_264 = arith.constant 4 : i32
      %add3A_265 = arith.addi %add3A_237, %add3A_264 : i32
      %lt3A_266 = arith.cmpi slt, %add3A_265, %select_n3A_11 : i32
      %convert_element_type3A_267 = arith.extui %lt3A_266 : i1 to i32
      %cond3A_268 = arith.constant 0 : i32
      %cond3A_269 = arith.cmpi ne, %convert_element_type3A_267, %cond3A_268 : i32
      scf.if %cond3A_269 {
        %add3A_378 = arith.constant 4 : i32
        %add3A_379 = arith.addi %add3A_237, %add3A_378 : i32
        %add3A_380 = arith.addi %select_n3A, %add3A_379 : i32
        %dma_start3A_381 = arith.constant 0 : i32
        %dma_start3A_382 = arith.constant 0 : i32
        %dma_start3A_383 = tpu.memref_slice %arg3[%add3A_380, %dma_start3A_381, %dma_start3A_382] : memref<2560x2x128xi32, #tpu.memory_space<hbm>> -> memref<1x2x128xi32, #tpu.memory_space<hbm>>
        %dma_start3A_384 = tpu.memref_squeeze %dma_start3A_383 : memref<1x2x128xi32, #tpu.memory_space<hbm>> -> memref<2x128xi32, #tpu.memory_space<hbm>>
        %dma_start3A_385 = arith.constant 0 : i32
        %dma_start3A_386 = arith.constant 0 : i32
        %dma_start3A_387 = tpu.memref_slice %arg3[%add3A_380, %dma_start3A_385, %dma_start3A_386] : memref<2560x2x128xi32, #tpu.memory_space<hbm>> -> memref<1x2x128xi32, #tpu.memory_space<hbm>>
        %dma_start3A_388 = tpu.memref_squeeze %dma_start3A_387 : memref<1x2x128xi32, #tpu.memory_space<hbm>> -> memref<2x128xi32, #tpu.memory_space<hbm>>
        tpu.enqueue_dma source(%dma_start3A_388 : memref<2x128xi32, #tpu.memory_space<hbm>>) target(%arg6 : memref<2x128xi32, #tpu.memory_space<vmem>>) target_semaphore(%arg17 : memref<!tpu.dma_semaphore, #tpu.memory_space<semaphore_mem>>)
      } else {
      }
      %mul3A_270 = arith.constant 8 : i32
      %mul3A_271 = arith.muli %while3A_93, %mul3A_270 : i32
      %add3A_272 = arith.constant 5 : i32
      %add3A_273 = arith.addi %mul3A_271, %add3A_272 : i32
      %ge3A_274 = arith.constant 2 : i32
      %ge3A_275 = arith.cmpi sge, %add3A_273, %ge3A_274 : i32
      %convert_element_type3A_276 = arith.extui %ge3A_275 : i1 to i32
      %cond3A_277 = arith.constant 0 : i32
      %cond3A_278 = arith.cmpi ne, %convert_element_type3A_276, %cond3A_277 : i32
      scf.if %cond3A_278 {
        %dma_wait3A_378 = arith.constant 1 : i32
        %dma_wait3A_379 = arith.constant 0 : i32
        %dma_wait3A_380 = tpu.memref_slice %arg9[%dma_wait3A_378, %dma_wait3A_379] : memref<2x128xi32, #tpu.memory_space<vmem>> -> memref<1x128xi32, #tpu.memory_space<vmem>>
        %dma_wait3A_381 = tpu.memref_squeeze %dma_wait3A_380 : memref<1x128xi32, #tpu.memory_space<vmem>> -> memref<128xi32, #tpu.memory_space<vmem>>
        %dma_wait3A_382 = arith.constant 0 : i32
        %dma_wait3A_383 = arith.constant 0 : i32
        %dma_wait3A_384 = tpu.memref_slice %arg16[%dma_wait3A_382, %dma_wait3A_383] : memref<10240x128xf32, #tpu.memory_space<vmem_shared>> -> memref<10240x128xf32, #tpu.memory_space<vmem_shared>>
        tpu.wait_indirect_dma semaphore(%arg28 : memref<!tpu.dma_semaphore, #tpu.memory_space<semaphore_mem>>) src(%arg15 : memref<128x128xf32, #tpu.memory_space<vmem>>) dst(%dma_wait3A_384 : memref<10240x128xf32, #tpu.memory_space<vmem_shared>>)
      } else {
      }
      %add3A_279 = arith.addi %select_n3A, %add3A_273 : i32
      %dma_wait3A_280 = arith.constant 0 : i32
      %dma_wait3A_281 = arith.constant 0 : i32
      %dma_wait3A_282 = tpu.memref_slice %arg3[%add3A_279, %dma_wait3A_280, %dma_wait3A_281] : memref<2560x2x128xi32, #tpu.memory_space<hbm>> -> memref<1x2x128xi32, #tpu.memory_space<hbm>>
      %dma_wait3A_283 = tpu.memref_squeeze %dma_wait3A_282 : memref<1x2x128xi32, #tpu.memory_space<hbm>> -> memref<2x128xi32, #tpu.memory_space<hbm>>
      %dma_wait3A_284 = arith.constant 0 : i32
      %dma_wait3A_285 = arith.constant 0 : i32
      %dma_wait3A_286 = tpu.memref_slice %arg3[%add3A_279, %dma_wait3A_284, %dma_wait3A_285] : memref<2560x2x128xi32, #tpu.memory_space<hbm>> -> memref<1x2x128xi32, #tpu.memory_space<hbm>>
      %dma_wait3A_287 = tpu.memref_squeeze %dma_wait3A_286 : memref<1x2x128xi32, #tpu.memory_space<hbm>> -> memref<2x128xi32, #tpu.memory_space<hbm>>
      tpu.wait_dma2 semaphore(%arg22 : memref<!tpu.dma_semaphore, #tpu.memory_space<semaphore_mem>>) src(%dma_wait3A_287 : memref<2x128xi32, #tpu.memory_space<hbm>>) dst(%arg11 : memref<2x128xi32, #tpu.memory_space<vmem>>)
      %dma_start3A_288 = arith.constant 0 : i32
      %dma_start3A_289 = arith.constant 0 : i32
      %dma_start3A_290 = tpu.memref_slice %arg11[%dma_start3A_288, %dma_start3A_289] : memref<2x128xi32, #tpu.memory_space<vmem>> -> memref<1x128xi32, #tpu.memory_space<vmem>>
      %dma_start3A_291 = tpu.memref_squeeze %dma_start3A_290 : memref<1x128xi32, #tpu.memory_space<vmem>> -> memref<128xi32, #tpu.memory_space<vmem>>
      %dma_start3A_292 = arith.constant 0 : i32
      %dma_start3A_293 = arith.constant 0 : i32
      %dma_start3A_294 = tpu.memref_slice %arg2[%dma_start3A_292, %dma_start3A_293] : memref<10240x128xf32, #tpu.memory_space<hbm>> -> memref<10240x128xf32, #tpu.memory_space<hbm>>
      tpu.enqueue_indirect_dma source(%dma_start3A_294 : memref<10240x128xf32, #tpu.memory_space<hbm>>) target(%arg15 : memref<128x128xf32, #tpu.memory_space<vmem>>) offsets(%dma_start3A_291 : memref<128xi32, #tpu.memory_space<vmem>>) semaphore(%arg26 : memref<!tpu.dma_semaphore, #tpu.memory_space<semaphore_mem>>)
      %ge3A_295 = arith.constant 1 : i32
      %ge3A_296 = arith.cmpi sge, %add3A_273, %ge3A_295 : i32
      %convert_element_type3A_297 = arith.extui %ge3A_296 : i1 to i32
      %cond3A_298 = arith.constant 0 : i32
      %cond3A_299 = arith.cmpi ne, %convert_element_type3A_297, %cond3A_298 : i32
      scf.if %cond3A_299 {
        %dma_wait3A_378 = arith.constant 0 : i32
        %dma_wait3A_379 = arith.constant 0 : i32
        %dma_wait3A_380 = tpu.memref_slice %arg10[%dma_wait3A_378, %dma_wait3A_379] : memref<2x128xi32, #tpu.memory_space<vmem>> -> memref<1x128xi32, #tpu.memory_space<vmem>>
        %dma_wait3A_381 = tpu.memref_squeeze %dma_wait3A_380 : memref<1x128xi32, #tpu.memory_space<vmem>> -> memref<128xi32, #tpu.memory_space<vmem>>
        %dma_wait3A_382 = arith.constant 0 : i32
        %dma_wait3A_383 = arith.constant 0 : i32
        %dma_wait3A_384 = tpu.memref_slice %arg2[%dma_wait3A_382, %dma_wait3A_383] : memref<10240x128xf32, #tpu.memory_space<hbm>> -> memref<10240x128xf32, #tpu.memory_space<hbm>>
        tpu.wait_indirect_dma semaphore(%arg25 : memref<!tpu.dma_semaphore, #tpu.memory_space<semaphore_mem>>) src(%dma_wait3A_384 : memref<10240x128xf32, #tpu.memory_space<hbm>>) dst(%arg14 : memref<128x128xf32, #tpu.memory_space<vmem>>)
        %dma_start3A_385 = arith.constant 1 : i32
        %dma_start3A_386 = arith.constant 0 : i32
        %dma_start3A_387 = tpu.memref_slice %arg10[%dma_start3A_385, %dma_start3A_386] : memref<2x128xi32, #tpu.memory_space<vmem>> -> memref<1x128xi32, #tpu.memory_space<vmem>>
        %dma_start3A_388 = tpu.memref_squeeze %dma_start3A_387 : memref<1x128xi32, #tpu.memory_space<vmem>> -> memref<128xi32, #tpu.memory_space<vmem>>
        %dma_start3A_389 = arith.constant 0 : i32
        %dma_start3A_390 = arith.constant 0 : i32
        %dma_start3A_391 = tpu.memref_slice %arg16[%dma_start3A_389, %dma_start3A_390] : memref<10240x128xf32, #tpu.memory_space<vmem_shared>> -> memref<10240x128xf32, #tpu.memory_space<vmem_shared>>
        tpu.enqueue_indirect_dma source(%arg14 : memref<128x128xf32, #tpu.memory_space<vmem>>) target(%dma_start3A_391 : memref<10240x128xf32, #tpu.memory_space<vmem_shared>>) offsets(%dma_start3A_388 : memref<128xi32, #tpu.memory_space<vmem>>) semaphore(%arg27 : memref<!tpu.dma_semaphore, #tpu.memory_space<semaphore_mem>>) {add = true}
      } else {
      }
      %add3A_300 = arith.constant 4 : i32
      %add3A_301 = arith.addi %add3A_273, %add3A_300 : i32
      %lt3A_302 = arith.cmpi slt, %add3A_301, %select_n3A_11 : i32
      %convert_element_type3A_303 = arith.extui %lt3A_302 : i1 to i32
      %cond3A_304 = arith.constant 0 : i32
      %cond3A_305 = arith.cmpi ne, %convert_element_type3A_303, %cond3A_304 : i32
      scf.if %cond3A_305 {
        %add3A_378 = arith.constant 4 : i32
        %add3A_379 = arith.addi %add3A_273, %add3A_378 : i32
        %add3A_380 = arith.addi %select_n3A, %add3A_379 : i32
        %dma_start3A_381 = arith.constant 0 : i32
        %dma_start3A_382 = arith.constant 0 : i32
        %dma_start3A_383 = tpu.memref_slice %arg3[%add3A_380, %dma_start3A_381, %dma_start3A_382] : memref<2560x2x128xi32, #tpu.memory_space<hbm>> -> memref<1x2x128xi32, #tpu.memory_space<hbm>>
        %dma_start3A_384 = tpu.memref_squeeze %dma_start3A_383 : memref<1x2x128xi32, #tpu.memory_space<hbm>> -> memref<2x128xi32, #tpu.memory_space<hbm>>
        %dma_start3A_385 = arith.constant 0 : i32
        %dma_start3A_386 = arith.constant 0 : i32
        %dma_start3A_387 = tpu.memref_slice %arg3[%add3A_380, %dma_start3A_385, %dma_start3A_386] : memref<2560x2x128xi32, #tpu.memory_space<hbm>> -> memref<1x2x128xi32, #tpu.memory_space<hbm>>
        %dma_start3A_388 = tpu.memref_squeeze %dma_start3A_387 : memref<1x2x128xi32, #tpu.memory_space<hbm>> -> memref<2x128xi32, #tpu.memory_space<hbm>>
        tpu.enqueue_dma source(%dma_start3A_388 : memref<2x128xi32, #tpu.memory_space<hbm>>) target(%arg7 : memref<2x128xi32, #tpu.memory_space<vmem>>) target_semaphore(%arg18 : memref<!tpu.dma_semaphore, #tpu.memory_space<semaphore_mem>>)
      } else {
      }
      %mul3A_306 = arith.constant 8 : i32
      %mul3A_307 = arith.muli %while3A_93, %mul3A_306 : i32
      %add3A_308 = arith.constant 6 : i32
      %add3A_309 = arith.addi %mul3A_307, %add3A_308 : i32
      %ge3A_310 = arith.constant 2 : i32
      %ge3A_311 = arith.cmpi sge, %add3A_309, %ge3A_310 : i32
      %convert_element_type3A_312 = arith.extui %ge3A_311 : i1 to i32
      %cond3A_313 = arith.constant 0 : i32
      %cond3A_314 = arith.cmpi ne, %convert_element_type3A_312, %cond3A_313 : i32
      scf.if %cond3A_314 {
        %dma_wait3A_378 = arith.constant 1 : i32
        %dma_wait3A_379 = arith.constant 0 : i32
        %dma_wait3A_380 = tpu.memref_slice %arg10[%dma_wait3A_378, %dma_wait3A_379] : memref<2x128xi32, #tpu.memory_space<vmem>> -> memref<1x128xi32, #tpu.memory_space<vmem>>
        %dma_wait3A_381 = tpu.memref_squeeze %dma_wait3A_380 : memref<1x128xi32, #tpu.memory_space<vmem>> -> memref<128xi32, #tpu.memory_space<vmem>>
        %dma_wait3A_382 = arith.constant 0 : i32
        %dma_wait3A_383 = arith.constant 0 : i32
        %dma_wait3A_384 = tpu.memref_slice %arg16[%dma_wait3A_382, %dma_wait3A_383] : memref<10240x128xf32, #tpu.memory_space<vmem_shared>> -> memref<10240x128xf32, #tpu.memory_space<vmem_shared>>
        tpu.wait_indirect_dma semaphore(%arg27 : memref<!tpu.dma_semaphore, #tpu.memory_space<semaphore_mem>>) src(%arg14 : memref<128x128xf32, #tpu.memory_space<vmem>>) dst(%dma_wait3A_384 : memref<10240x128xf32, #tpu.memory_space<vmem_shared>>)
      } else {
      }
      %add3A_315 = arith.addi %select_n3A, %add3A_309 : i32
      %dma_wait3A_316 = arith.constant 0 : i32
      %dma_wait3A_317 = arith.constant 0 : i32
      %dma_wait3A_318 = tpu.memref_slice %arg3[%add3A_315, %dma_wait3A_316, %dma_wait3A_317] : memref<2560x2x128xi32, #tpu.memory_space<hbm>> -> memref<1x2x128xi32, #tpu.memory_space<hbm>>
      %dma_wait3A_319 = tpu.memref_squeeze %dma_wait3A_318 : memref<1x2x128xi32, #tpu.memory_space<hbm>> -> memref<2x128xi32, #tpu.memory_space<hbm>>
      %dma_wait3A_320 = arith.constant 0 : i32
      %dma_wait3A_321 = arith.constant 0 : i32
      %dma_wait3A_322 = tpu.memref_slice %arg3[%add3A_315, %dma_wait3A_320, %dma_wait3A_321] : memref<2560x2x128xi32, #tpu.memory_space<hbm>> -> memref<1x2x128xi32, #tpu.memory_space<hbm>>
      %dma_wait3A_323 = tpu.memref_squeeze %dma_wait3A_322 : memref<1x2x128xi32, #tpu.memory_space<hbm>> -> memref<2x128xi32, #tpu.memory_space<hbm>>
      tpu.wait_dma2 semaphore(%arg23 : memref<!tpu.dma_semaphore, #tpu.memory_space<semaphore_mem>>) src(%dma_wait3A_323 : memref<2x128xi32, #tpu.memory_space<hbm>>) dst(%arg12 : memref<2x128xi32, #tpu.memory_space<vmem>>)
      %dma_start3A_324 = arith.constant 0 : i32
      %dma_start3A_325 = arith.constant 0 : i32
      %dma_start3A_326 = tpu.memref_slice %arg12[%dma_start3A_324, %dma_start3A_325] : memref<2x128xi32, #tpu.memory_space<vmem>> -> memref<1x128xi32, #tpu.memory_space<vmem>>
      %dma_start3A_327 = tpu.memref_squeeze %dma_start3A_326 : memref<1x128xi32, #tpu.memory_space<vmem>> -> memref<128xi32, #tpu.memory_space<vmem>>
      %dma_start3A_328 = arith.constant 0 : i32
      %dma_start3A_329 = arith.constant 0 : i32
      %dma_start3A_330 = tpu.memref_slice %arg2[%dma_start3A_328, %dma_start3A_329] : memref<10240x128xf32, #tpu.memory_space<hbm>> -> memref<10240x128xf32, #tpu.memory_space<hbm>>
      tpu.enqueue_indirect_dma source(%dma_start3A_330 : memref<10240x128xf32, #tpu.memory_space<hbm>>) target(%arg14 : memref<128x128xf32, #tpu.memory_space<vmem>>) offsets(%dma_start3A_327 : memref<128xi32, #tpu.memory_space<vmem>>) semaphore(%arg25 : memref<!tpu.dma_semaphore, #tpu.memory_space<semaphore_mem>>)
      %ge3A_331 = arith.constant 1 : i32
      %ge3A_332 = arith.cmpi sge, %add3A_309, %ge3A_331 : i32
      %convert_element_type3A_333 = arith.extui %ge3A_332 : i1 to i32
      %cond3A_334 = arith.constant 0 : i32
      %cond3A_335 = arith.cmpi ne, %convert_element_type3A_333, %cond3A_334 : i32
      scf.if %cond3A_335 {
        %dma_wait3A_378 = arith.constant 0 : i32
        %dma_wait3A_379 = arith.constant 0 : i32
        %dma_wait3A_380 = tpu.memref_slice %arg11[%dma_wait3A_378, %dma_wait3A_379] : memref<2x128xi32, #tpu.memory_space<vmem>> -> memref<1x128xi32, #tpu.memory_space<vmem>>
        %dma_wait3A_381 = tpu.memref_squeeze %dma_wait3A_380 : memref<1x128xi32, #tpu.memory_space<vmem>> -> memref<128xi32, #tpu.memory_space<vmem>>
        %dma_wait3A_382 = arith.constant 0 : i32
        %dma_wait3A_383 = arith.constant 0 : i32
        %dma_wait3A_384 = tpu.memref_slice %arg2[%dma_wait3A_382, %dma_wait3A_383] : memref<10240x128xf32, #tpu.memory_space<hbm>> -> memref<10240x128xf32, #tpu.memory_space<hbm>>
        tpu.wait_indirect_dma semaphore(%arg26 : memref<!tpu.dma_semaphore, #tpu.memory_space<semaphore_mem>>) src(%dma_wait3A_384 : memref<10240x128xf32, #tpu.memory_space<hbm>>) dst(%arg15 : memref<128x128xf32, #tpu.memory_space<vmem>>)
        %dma_start3A_385 = arith.constant 1 : i32
        %dma_start3A_386 = arith.constant 0 : i32
        %dma_start3A_387 = tpu.memref_slice %arg11[%dma_start3A_385, %dma_start3A_386] : memref<2x128xi32, #tpu.memory_space<vmem>> -> memref<1x128xi32, #tpu.memory_space<vmem>>
        %dma_start3A_388 = tpu.memref_squeeze %dma_start3A_387 : memref<1x128xi32, #tpu.memory_space<vmem>> -> memref<128xi32, #tpu.memory_space<vmem>>
        %dma_start3A_389 = arith.constant 0 : i32
        %dma_start3A_390 = arith.constant 0 : i32
        %dma_start3A_391 = tpu.memref_slice %arg16[%dma_start3A_389, %dma_start3A_390] : memref<10240x128xf32, #tpu.memory_space<vmem_shared>> -> memref<10240x128xf32, #tpu.memory_space<vmem_shared>>
        tpu.enqueue_indirect_dma source(%arg15 : memref<128x128xf32, #tpu.memory_space<vmem>>) target(%dma_start3A_391 : memref<10240x128xf32, #tpu.memory_space<vmem_shared>>) offsets(%dma_start3A_388 : memref<128xi32, #tpu.memory_space<vmem>>) semaphore(%arg28 : memref<!tpu.dma_semaphore, #tpu.memory_space<semaphore_mem>>) {add = true}
      } else {
      }
      %add3A_336 = arith.constant 4 : i32
      %add3A_337 = arith.addi %add3A_309, %add3A_336 : i32
      %lt3A_338 = arith.cmpi slt, %add3A_337, %select_n3A_11 : i32
      %convert_element_type3A_339 = arith.extui %lt3A_338 : i1 to i32
      %cond3A_340 = arith.constant 0 : i32
      %cond3A_341 = arith.cmpi ne, %convert_element_type3A_339, %cond3A_340 : i32
      scf.if %cond3A_341 {
        %add3A_378 = arith.constant 4 : i32
        %add3A_379 = arith.addi %add3A_309, %add3A_378 : i32
        %add3A_380 = arith.addi %select_n3A, %add3A_379 : i32
        %dma_start3A_381 = arith.constant 0 : i32
        %dma_start3A_382 = arith.constant 0 : i32
        %dma_start3A_383 = tpu.memref_slice %arg3[%add3A_380, %dma_start3A_381, %dma_start3A_382] : memref<2560x2x128xi32, #tpu.memory_space<hbm>> -> memref<1x2x128xi32, #tpu.memory_space<hbm>>
        %dma_start3A_384 = tpu.memref_squeeze %dma_start3A_383 : memref<1x2x128xi32, #tpu.memory_space<hbm>> -> memref<2x128xi32, #tpu.memory_space<hbm>>
        %dma_start3A_385 = arith.constant 0 : i32
        %dma_start3A_386 = arith.constant 0 : i32
        %dma_start3A_387 = tpu.memref_slice %arg3[%add3A_380, %dma_start3A_385, %dma_start3A_386] : memref<2560x2x128xi32, #tpu.memory_space<hbm>> -> memref<1x2x128xi32, #tpu.memory_space<hbm>>
        %dma_start3A_388 = tpu.memref_squeeze %dma_start3A_387 : memref<1x2x128xi32, #tpu.memory_space<hbm>> -> memref<2x128xi32, #tpu.memory_space<hbm>>
        tpu.enqueue_dma source(%dma_start3A_388 : memref<2x128xi32, #tpu.memory_space<hbm>>) target(%arg8 : memref<2x128xi32, #tpu.memory_space<vmem>>) target_semaphore(%arg19 : memref<!tpu.dma_semaphore, #tpu.memory_space<semaphore_mem>>)
      } else {
      }
      %mul3A_342 = arith.constant 8 : i32
      %mul3A_343 = arith.muli %while3A_93, %mul3A_342 : i32
      %add3A_344 = arith.constant 7 : i32
      %add3A_345 = arith.addi %mul3A_343, %add3A_344 : i32
      %ge3A_346 = arith.constant 2 : i32
      %ge3A_347 = arith.cmpi sge, %add3A_345, %ge3A_346 : i32
      %convert_element_type3A_348 = arith.extui %ge3A_347 : i1 to i32
      %cond3A_349 = arith.constant 0 : i32
      %cond3A_350 = arith.cmpi ne, %convert_element_type3A_348, %cond3A_349 : i32
      scf.if %cond3A_350 {
        %dma_wait3A_378 = arith.constant 1 : i32
        %dma_wait3A_379 = arith.constant 0 : i32
        %dma_wait3A_380 = tpu.memref_slice %arg11[%dma_wait3A_378, %dma_wait3A_379] : memref<2x128xi32, #tpu.memory_space<vmem>> -> memref<1x128xi32, #tpu.memory_space<vmem>>
        %dma_wait3A_381 = tpu.memref_squeeze %dma_wait3A_380 : memref<1x128xi32, #tpu.memory_space<vmem>> -> memref<128xi32, #tpu.memory_space<vmem>>
        %dma_wait3A_382 = arith.constant 0 : i32
        %dma_wait3A_383 = arith.constant 0 : i32
        %dma_wait3A_384 = tpu.memref_slice %arg16[%dma_wait3A_382, %dma_wait3A_383] : memref<10240x128xf32, #tpu.memory_space<vmem_shared>> -> memref<10240x128xf32, #tpu.memory_space<vmem_shared>>
        tpu.wait_indirect_dma semaphore(%arg28 : memref<!tpu.dma_semaphore, #tpu.memory_space<semaphore_mem>>) src(%arg15 : memref<128x128xf32, #tpu.memory_space<vmem>>) dst(%dma_wait3A_384 : memref<10240x128xf32, #tpu.memory_space<vmem_shared>>)
      } else {
      }
      %add3A_351 = arith.addi %select_n3A, %add3A_345 : i32
      %dma_wait3A_352 = arith.constant 0 : i32
      %dma_wait3A_353 = arith.constant 0 : i32
      %dma_wait3A_354 = tpu.memref_slice %arg3[%add3A_351, %dma_wait3A_352, %dma_wait3A_353] : memref<2560x2x128xi32, #tpu.memory_space<hbm>> -> memref<1x2x128xi32, #tpu.memory_space<hbm>>
      %dma_wait3A_355 = tpu.memref_squeeze %dma_wait3A_354 : memref<1x2x128xi32, #tpu.memory_space<hbm>> -> memref<2x128xi32, #tpu.memory_space<hbm>>
      %dma_wait3A_356 = arith.constant 0 : i32
      %dma_wait3A_357 = arith.constant 0 : i32
      %dma_wait3A_358 = tpu.memref_slice %arg3[%add3A_351, %dma_wait3A_356, %dma_wait3A_357] : memref<2560x2x128xi32, #tpu.memory_space<hbm>> -> memref<1x2x128xi32, #tpu.memory_space<hbm>>
      %dma_wait3A_359 = tpu.memref_squeeze %dma_wait3A_358 : memref<1x2x128xi32, #tpu.memory_space<hbm>> -> memref<2x128xi32, #tpu.memory_space<hbm>>
      tpu.wait_dma2 semaphore(%arg24 : memref<!tpu.dma_semaphore, #tpu.memory_space<semaphore_mem>>) src(%dma_wait3A_359 : memref<2x128xi32, #tpu.memory_space<hbm>>) dst(%arg13 : memref<2x128xi32, #tpu.memory_space<vmem>>)
      %dma_start3A_360 = arith.constant 0 : i32
      %dma_start3A_361 = arith.constant 0 : i32
      %dma_start3A_362 = tpu.memref_slice %arg13[%dma_start3A_360, %dma_start3A_361] : memref<2x128xi32, #tpu.memory_space<vmem>> -> memref<1x128xi32, #tpu.memory_space<vmem>>
      %dma_start3A_363 = tpu.memref_squeeze %dma_start3A_362 : memref<1x128xi32, #tpu.memory_space<vmem>> -> memref<128xi32, #tpu.memory_space<vmem>>
      %dma_start3A_364 = arith.constant 0 : i32
      %dma_start3A_365 = arith.constant 0 : i32
      %dma_start3A_366 = tpu.memref_slice %arg2[%dma_start3A_364, %dma_start3A_365] : memref<10240x128xf32, #tpu.memory_space<hbm>> -> memref<10240x128xf32, #tpu.memory_space<hbm>>
      tpu.enqueue_indirect_dma source(%dma_start3A_366 : memref<10240x128xf32, #tpu.memory_space<hbm>>) target(%arg15 : memref<128x128xf32, #tpu.memory_space<vmem>>) offsets(%dma_start3A_363 : memref<128xi32, #tpu.memory_space<vmem>>) semaphore(%arg26 : memref<!tpu.dma_semaphore, #tpu.memory_space<semaphore_mem>>)
      %ge3A_367 = arith.constant 1 : i32
      %ge3A_368 = arith.cmpi sge, %add3A_345, %ge3A_367 : i32
      %convert_element_type3A_369 = arith.extui %ge3A_368 : i1 to i32
      %cond3A_370 = arith.constant 0 : i32
      %cond3A_371 = arith.cmpi ne, %convert_element_type3A_369, %cond3A_370 : i32
      scf.if %cond3A_371 {
        %dma_wait3A_378 = arith.constant 0 : i32
        %dma_wait3A_379 = arith.constant 0 : i32
        %dma_wait3A_380 = tpu.memref_slice %arg12[%dma_wait3A_378, %dma_wait3A_379] : memref<2x128xi32, #tpu.memory_space<vmem>> -> memref<1x128xi32, #tpu.memory_space<vmem>>
        %dma_wait3A_381 = tpu.memref_squeeze %dma_wait3A_380 : memref<1x128xi32, #tpu.memory_space<vmem>> -> memref<128xi32, #tpu.memory_space<vmem>>
        %dma_wait3A_382 = arith.constant 0 : i32
        %dma_wait3A_383 = arith.constant 0 : i32
        %dma_wait3A_384 = tpu.memref_slice %arg2[%dma_wait3A_382, %dma_wait3A_383] : memref<10240x128xf32, #tpu.memory_space<hbm>> -> memref<10240x128xf32, #tpu.memory_space<hbm>>
        tpu.wait_indirect_dma semaphore(%arg25 : memref<!tpu.dma_semaphore, #tpu.memory_space<semaphore_mem>>) src(%dma_wait3A_384 : memref<10240x128xf32, #tpu.memory_space<hbm>>) dst(%arg14 : memref<128x128xf32, #tpu.memory_space<vmem>>)
        %dma_start3A_385 = arith.constant 1 : i32
        %dma_start3A_386 = arith.constant 0 : i32
        %dma_start3A_387 = tpu.memref_slice %arg12[%dma_start3A_385, %dma_start3A_386] : memref<2x128xi32, #tpu.memory_space<vmem>> -> memref<1x128xi32, #tpu.memory_space<vmem>>
        %dma_start3A_388 = tpu.memref_squeeze %dma_start3A_387 : memref<1x128xi32, #tpu.memory_space<vmem>> -> memref<128xi32, #tpu.memory_space<vmem>>
        %dma_start3A_389 = arith.constant 0 : i32
        %dma_start3A_390 = arith.constant 0 : i32
        %dma_start3A_391 = tpu.memref_slice %arg16[%dma_start3A_389, %dma_start3A_390] : memref<10240x128xf32, #tpu.memory_space<vmem_shared>> -> memref<10240x128xf32, #tpu.memory_space<vmem_shared>>
        tpu.enqueue_indirect_dma source(%arg14 : memref<128x128xf32, #tpu.memory_space<vmem>>) target(%dma_start3A_391 : memref<10240x128xf32, #tpu.memory_space<vmem_shared>>) offsets(%dma_start3A_388 : memref<128xi32, #tpu.memory_space<vmem>>) semaphore(%arg27 : memref<!tpu.dma_semaphore, #tpu.memory_space<semaphore_mem>>) {add = true}
      } else {
      }
      %add3A_372 = arith.constant 4 : i32
      %add3A_373 = arith.addi %add3A_345, %add3A_372 : i32
      %lt3A_374 = arith.cmpi slt, %add3A_373, %select_n3A_11 : i32
      %convert_element_type3A_375 = arith.extui %lt3A_374 : i1 to i32
      %cond3A_376 = arith.constant 0 : i32
      %cond3A_377 = arith.cmpi ne, %convert_element_type3A_375, %cond3A_376 : i32
      scf.if %cond3A_377 {
        %add3A_378 = arith.constant 4 : i32
        %add3A_379 = arith.addi %add3A_345, %add3A_378 : i32
        %add3A_380 = arith.addi %select_n3A, %add3A_379 : i32
        %dma_start3A_381 = arith.constant 0 : i32
        %dma_start3A_382 = arith.constant 0 : i32
        %dma_start3A_383 = tpu.memref_slice %arg3[%add3A_380, %dma_start3A_381, %dma_start3A_382] : memref<2560x2x128xi32, #tpu.memory_space<hbm>> -> memref<1x2x128xi32, #tpu.memory_space<hbm>>
        %dma_start3A_384 = tpu.memref_squeeze %dma_start3A_383 : memref<1x2x128xi32, #tpu.memory_space<hbm>> -> memref<2x128xi32, #tpu.memory_space<hbm>>
        %dma_start3A_385 = arith.constant 0 : i32
        %dma_start3A_386 = arith.constant 0 : i32
        %dma_start3A_387 = tpu.memref_slice %arg3[%add3A_380, %dma_start3A_385, %dma_start3A_386] : memref<2560x2x128xi32, #tpu.memory_space<hbm>> -> memref<1x2x128xi32, #tpu.memory_space<hbm>>
        %dma_start3A_388 = tpu.memref_squeeze %dma_start3A_387 : memref<1x2x128xi32, #tpu.memory_space<hbm>> -> memref<2x128xi32, #tpu.memory_space<hbm>>
        tpu.enqueue_dma source(%dma_start3A_388 : memref<2x128xi32, #tpu.memory_space<hbm>>) target(%arg9 : memref<2x128xi32, #tpu.memory_space<vmem>>) target_semaphore(%arg20 : memref<!tpu.dma_semaphore, #tpu.memory_space<semaphore_mem>>)
      } else {
      }
    }
    %dma_wait3A = arith.constant 0 : i32
    %dma_wait3A_65 = arith.constant 0 : i32
    %dma_wait3A_66 = tpu.memref_slice %arg13[%dma_wait3A, %dma_wait3A_65] : memref<2x128xi32, #tpu.memory_space<vmem>> -> memref<1x128xi32, #tpu.memory_space<vmem>>
    %dma_wait3A_67 = tpu.memref_squeeze %dma_wait3A_66 : memref<1x128xi32, #tpu.memory_space<vmem>> -> memref<128xi32, #tpu.memory_space<vmem>>
    %dma_wait3A_68 = arith.constant 0 : i32
    %dma_wait3A_69 = arith.constant 0 : i32
    %dma_wait3A_70 = tpu.memref_slice %arg2[%dma_wait3A_68, %dma_wait3A_69] : memref<10240x128xf32, #tpu.memory_space<hbm>> -> memref<10240x128xf32, #tpu.memory_space<hbm>>
    tpu.wait_indirect_dma semaphore(%arg26 : memref<!tpu.dma_semaphore, #tpu.memory_space<semaphore_mem>>) src(%dma_wait3A_70 : memref<10240x128xf32, #tpu.memory_space<hbm>>) dst(%arg15 : memref<128x128xf32, #tpu.memory_space<vmem>>)
    %dma_start3A_71 = arith.constant 1 : i32
    %dma_start3A_72 = arith.constant 0 : i32
    %dma_start3A_73 = tpu.memref_slice %arg13[%dma_start3A_71, %dma_start3A_72] : memref<2x128xi32, #tpu.memory_space<vmem>> -> memref<1x128xi32, #tpu.memory_space<vmem>>
    %dma_start3A_74 = tpu.memref_squeeze %dma_start3A_73 : memref<1x128xi32, #tpu.memory_space<vmem>> -> memref<128xi32, #tpu.memory_space<vmem>>
    %dma_start3A_75 = arith.constant 0 : i32
    %dma_start3A_76 = arith.constant 0 : i32
    %dma_start3A_77 = tpu.memref_slice %arg16[%dma_start3A_75, %dma_start3A_76] : memref<10240x128xf32, #tpu.memory_space<vmem_shared>> -> memref<10240x128xf32, #tpu.memory_space<vmem_shared>>
    tpu.enqueue_indirect_dma source(%arg15 : memref<128x128xf32, #tpu.memory_space<vmem>>) target(%dma_start3A_77 : memref<10240x128xf32, #tpu.memory_space<vmem_shared>>) offsets(%dma_start3A_74 : memref<128xi32, #tpu.memory_space<vmem>>) semaphore(%arg28 : memref<!tpu.dma_semaphore, #tpu.memory_space<semaphore_mem>>) {add = true}
    %dma_wait3A_78 = arith.constant 1 : i32
    %dma_wait3A_79 = arith.constant 0 : i32
    %dma_wait3A_80 = tpu.memref_slice %arg6[%dma_wait3A_78, %dma_wait3A_79] : memref<2x128xi32, #tpu.memory_space<vmem>> -> memref<1x128xi32, #tpu.memory_space<vmem>>
    %dma_wait3A_81 = tpu.memref_squeeze %dma_wait3A_80 : memref<1x128xi32, #tpu.memory_space<vmem>> -> memref<128xi32, #tpu.memory_space<vmem>>
    %dma_wait3A_82 = arith.constant 0 : i32
    %dma_wait3A_83 = arith.constant 0 : i32
    %dma_wait3A_84 = tpu.memref_slice %arg16[%dma_wait3A_82, %dma_wait3A_83] : memref<10240x128xf32, #tpu.memory_space<vmem_shared>> -> memref<10240x128xf32, #tpu.memory_space<vmem_shared>>
    tpu.wait_indirect_dma semaphore(%arg27 : memref<!tpu.dma_semaphore, #tpu.memory_space<semaphore_mem>>) src(%arg14 : memref<128x128xf32, #tpu.memory_space<vmem>>) dst(%dma_wait3A_84 : memref<10240x128xf32, #tpu.memory_space<vmem_shared>>)
    %dma_wait3A_85 = arith.constant 1 : i32
    %dma_wait3A_86 = arith.constant 0 : i32
    %dma_wait3A_87 = tpu.memref_slice %arg7[%dma_wait3A_85, %dma_wait3A_86] : memref<2x128xi32, #tpu.memory_space<vmem>> -> memref<1x128xi32, #tpu.memory_space<vmem>>
    %dma_wait3A_88 = tpu.memref_squeeze %dma_wait3A_87 : memref<1x128xi32, #tpu.memory_space<vmem>> -> memref<128xi32, #tpu.memory_space<vmem>>
    %dma_wait3A_89 = arith.constant 0 : i32
    %dma_wait3A_90 = arith.constant 0 : i32
    %dma_wait3A_91 = tpu.memref_slice %arg16[%dma_wait3A_89, %dma_wait3A_90] : memref<10240x128xf32, #tpu.memory_space<vmem_shared>> -> memref<10240x128xf32, #tpu.memory_space<vmem_shared>>
    tpu.wait_indirect_dma semaphore(%arg28 : memref<!tpu.dma_semaphore, #tpu.memory_space<semaphore_mem>>) src(%arg15 : memref<128x128xf32, #tpu.memory_space<vmem>>) dst(%dma_wait3A_91 : memref<10240x128xf32, #tpu.memory_space<vmem_shared>>)
    %barrier3A_92 = arith.constant 0 : index
    tpu.barrier barrier_id(%barrier3A_92)
    "tpu.region"() ({
      %run_scoped3A = tpu.sem_alloc : memref<!tpu.dma_semaphore, #tpu.memory_space<semaphore_mem>>
      %dma_start3A_93 = arith.constant 0 : i32
      %dma_start3A_94 = tpu.memref_slice %arg5[%arg0, %mul3A_0, %dma_start3A_93] : memref<2x10240x128xf32, #tpu.memory_space<hbm>> -> memref<1x640x128xf32, #tpu.memory_space<hbm>>
      %dma_start3A_95 = tpu.memref_squeeze %dma_start3A_94 : memref<1x640x128xf32, #tpu.memory_space<hbm>> -> memref<640x128xf32, #tpu.memory_space<hbm>>
      %dma_start3A_96 = arith.constant 0 : i32
      %dma_start3A_97 = tpu.memref_slice %arg16[%mul3A_0, %dma_start3A_96] : memref<10240x128xf32, #tpu.memory_space<vmem_shared>> -> memref<640x128xf32, #tpu.memory_space<vmem_shared>>
      tpu.enqueue_dma source(%dma_start3A_97 : memref<640x128xf32, #tpu.memory_space<vmem_shared>>) target(%dma_start3A_95 : memref<640x128xf32, #tpu.memory_space<hbm>>) target_semaphore(%run_scoped3A : memref<!tpu.dma_semaphore, #tpu.memory_space<semaphore_mem>>)
      %dma_wait3A_98 = arith.constant 0 : i32
      %dma_wait3A_99 = tpu.memref_slice %arg5[%arg0, %mul3A_0, %dma_wait3A_98] : memref<2x10240x128xf32, #tpu.memory_space<hbm>> -> memref<1x640x128xf32, #tpu.memory_space<hbm>>
      %dma_wait3A_100 = tpu.memref_squeeze %dma_wait3A_99 : memref<1x640x128xf32, #tpu.memory_space<hbm>> -> memref<640x128xf32, #tpu.memory_space<hbm>>
      %dma_wait3A_101 = arith.constant 0 : i32
      %dma_wait3A_102 = tpu.memref_slice %arg16[%mul3A_0, %dma_wait3A_101] : memref<10240x128xf32, #tpu.memory_space<vmem_shared>> -> memref<640x128xf32, #tpu.memory_space<vmem_shared>>
      tpu.wait_dma2 semaphore(%run_scoped3A : memref<!tpu.dma_semaphore, #tpu.memory_space<semaphore_mem>>) src(%dma_wait3A_102 : memref<640x128xf32, #tpu.memory_space<vmem_shared>>) dst(%dma_wait3A_100 : memref<640x128xf32, #tpu.memory_space<hbm>>)
      tpu.yield
    }) : () -> ()
    return
  }
}

#map = affine_map<(d0, d1) -> (0, 0, 0)>
#map1 = affine_map<(d0, d1) -> (0, 0)>
module attributes {stable_mosaic.version = 14 : i64} {
  func.func @_deg_body(%arg0: i32, %arg1: i32, %arg2: memref<2560x2x128xi32, #tpu.memory_space<hbm>>, %arg3: memref<128x128xf32, #tpu.memory_space<hbm>>, %arg4: memref<640x128xf32, #tpu.memory_space<hbm>>, %arg5: memref<2x10240x128xf32, #tpu.memory_space<hbm>>, %arg6: memref<2x128xi32, #tpu.memory_space<vmem>>, %arg7: memref<2x128xi32, #tpu.memory_space<vmem>>, %arg8: memref<2x128xi32, #tpu.memory_space<vmem>>, %arg9: memref<2x128xi32, #tpu.memory_space<vmem>>, %arg10: memref<2x128xi32, #tpu.memory_space<vmem>>, %arg11: memref<2x128xi32, #tpu.memory_space<vmem>>, %arg12: memref<2x128xi32, #tpu.memory_space<vmem>>, %arg13: memref<2x128xi32, #tpu.memory_space<vmem>>, %arg14: memref<128x128xf32, #tpu.memory_space<vmem>>, %arg15: memref<10240x128xf32, #tpu.memory_space<vmem_shared>>, %arg16: memref<!tpu.dma_semaphore, #tpu.memory_space<semaphore_mem>>, %arg17: memref<!tpu.dma_semaphore, #tpu.memory_space<semaphore_mem>>, %arg18: memref<!tpu.dma_semaphore, #tpu.memory_space<semaphore_mem>>, %arg19: memref<!tpu.dma_semaphore, #tpu.memory_space<semaphore_mem>>, %arg20: memref<!tpu.dma_semaphore, #tpu.memory_space<semaphore_mem>>, %arg21: memref<!tpu.dma_semaphore, #tpu.memory_space<semaphore_mem>>, %arg22: memref<!tpu.dma_semaphore, #tpu.memory_space<semaphore_mem>>, %arg23: memref<!tpu.dma_semaphore, #tpu.memory_space<semaphore_mem>>, %arg24: memref<!tpu.dma_semaphore, #tpu.memory_space<semaphore_mem>>, %arg25: memref<!tpu.dma_semaphore, #tpu.memory_space<semaphore_mem>>, %arg26: memref<!tpu.dma_semaphore, #tpu.memory_space<semaphore_mem>>, %arg27: memref<!tpu.dma_semaphore, #tpu.memory_space<semaphore_mem>>) attributes {dimension_semantics = [#tpu.dimension_semantics<core_parallel>, #tpu.dimension_semantics<subcore_parallel>], iteration_bounds = array<i64: 2, 16>, scalar_prefetch = 0 : i64, scratch_operands = 22 : i64, tpu.core_type = #tpu.core_type<sc_vector_subcore>, window_params = [{transform_indices = #map}, {transform_indices = #map1}, {transform_indices = #map1}, {transform_indices = #map}]} {
    %mul3A = arith.constant 640 : i32
    %mul3A_0 = arith.muli %arg1, %mul3A : i32
    "tpu.region"() ({
      %run_scoped3A = tpu.sem_alloc : memref<!tpu.dma_semaphore, #tpu.memory_space<semaphore_mem>>
      %dma_start3A_77 = arith.constant 0 : i32
      %dma_start3A_78 = tpu.memref_slice %arg15[%mul3A_0, %dma_start3A_77] : memref<10240x128xf32, #tpu.memory_space<vmem_shared>> -> memref<640x128xf32, #tpu.memory_space<vmem_shared>>
      tpu.enqueue_dma source(%arg4 : memref<640x128xf32, #tpu.memory_space<hbm>>) target(%dma_start3A_78 : memref<640x128xf32, #tpu.memory_space<vmem_shared>>) target_semaphore(%run_scoped3A : memref<!tpu.dma_semaphore, #tpu.memory_space<semaphore_mem>>)
      %dma_wait3A_79 = arith.constant 0 : i32
      %dma_wait3A_80 = tpu.memref_slice %arg15[%mul3A_0, %dma_wait3A_79] : memref<10240x128xf32, #tpu.memory_space<vmem_shared>> -> memref<640x128xf32, #tpu.memory_space<vmem_shared>>
      tpu.wait_dma2 semaphore(%run_scoped3A : memref<!tpu.dma_semaphore, #tpu.memory_space<semaphore_mem>>) src(%arg4 : memref<640x128xf32, #tpu.memory_space<hbm>>) dst(%dma_wait3A_80 : memref<640x128xf32, #tpu.memory_space<vmem_shared>>)
      tpu.yield
    }) : () -> ()
    "tpu.region"() ({
      %run_scoped3A = tpu.sem_alloc : memref<!tpu.dma_semaphore, #tpu.memory_space<semaphore_mem>>
      tpu.enqueue_dma source(%arg3 : memref<128x128xf32, #tpu.memory_space<hbm>>) target(%arg14 : memref<128x128xf32, #tpu.memory_space<vmem>>) target_semaphore(%run_scoped3A : memref<!tpu.dma_semaphore, #tpu.memory_space<semaphore_mem>>)
      tpu.wait_dma2 semaphore(%run_scoped3A : memref<!tpu.dma_semaphore, #tpu.memory_space<semaphore_mem>>) src(%arg3 : memref<128x128xf32, #tpu.memory_space<hbm>>) dst(%arg14 : memref<128x128xf32, #tpu.memory_space<vmem>>)
      tpu.yield
    }) : () -> ()
    %barrier3A = arith.constant 0 : index
    tpu.barrier barrier_id(%barrier3A)
    %mul3A_1 = arith.constant 16 : i32
    %mul3A_2 = arith.muli %arg0, %mul3A_1 : i32
    %add3A = arith.addi %mul3A_2, %arg1 : i32
    %mul3A_3 = arith.constant 80 : i32
    %mul3A_4 = arith.muli %add3A, %mul3A_3 : i32
    %add3A_5 = arith.constant 0 : i32
    %add3A_6 = arith.addi %mul3A_4, %add3A_5 : i32
    %dma_start3A = arith.constant 0 : i32
    %dma_start3A_7 = arith.constant 0 : i32
    %dma_start3A_8 = tpu.memref_slice %arg2[%add3A_6, %dma_start3A, %dma_start3A_7] : memref<2560x2x128xi32, #tpu.memory_space<hbm>> -> memref<1x2x128xi32, #tpu.memory_space<hbm>>
    %dma_start3A_9 = tpu.memref_squeeze %dma_start3A_8 : memref<1x2x128xi32, #tpu.memory_space<hbm>> -> memref<2x128xi32, #tpu.memory_space<hbm>>
    %dma_start3A_10 = arith.constant 0 : i32
    %dma_start3A_11 = arith.constant 0 : i32
    %dma_start3A_12 = tpu.memref_slice %arg2[%add3A_6, %dma_start3A_10, %dma_start3A_11] : memref<2560x2x128xi32, #tpu.memory_space<hbm>> -> memref<1x2x128xi32, #tpu.memory_space<hbm>>
    %dma_start3A_13 = tpu.memref_squeeze %dma_start3A_12 : memref<1x2x128xi32, #tpu.memory_space<hbm>> -> memref<2x128xi32, #tpu.memory_space<hbm>>
    tpu.enqueue_dma source(%dma_start3A_13 : memref<2x128xi32, #tpu.memory_space<hbm>>) target(%arg6 : memref<2x128xi32, #tpu.memory_space<vmem>>) target_semaphore(%arg16 : memref<!tpu.dma_semaphore, #tpu.memory_space<semaphore_mem>>)
    %add3A_14 = arith.constant 1 : i32
    %add3A_15 = arith.addi %mul3A_4, %add3A_14 : i32
    %dma_start3A_16 = arith.constant 0 : i32
    %dma_start3A_17 = arith.constant 0 : i32
    %dma_start3A_18 = tpu.memref_slice %arg2[%add3A_15, %dma_start3A_16, %dma_start3A_17] : memref<2560x2x128xi32, #tpu.memory_space<hbm>> -> memref<1x2x128xi32, #tpu.memory_space<hbm>>
    %dma_start3A_19 = tpu.memref_squeeze %dma_start3A_18 : memref<1x2x128xi32, #tpu.memory_space<hbm>> -> memref<2x128xi32, #tpu.memory_space<hbm>>
    %dma_start3A_20 = arith.constant 0 : i32
    %dma_start3A_21 = arith.constant 0 : i32
    %dma_start3A_22 = tpu.memref_slice %arg2[%add3A_15, %dma_start3A_20, %dma_start3A_21] : memref<2560x2x128xi32, #tpu.memory_space<hbm>> -> memref<1x2x128xi32, #tpu.memory_space<hbm>>
    %dma_start3A_23 = tpu.memref_squeeze %dma_start3A_22 : memref<1x2x128xi32, #tpu.memory_space<hbm>> -> memref<2x128xi32, #tpu.memory_space<hbm>>
    tpu.enqueue_dma source(%dma_start3A_23 : memref<2x128xi32, #tpu.memory_space<hbm>>) target(%arg7 : memref<2x128xi32, #tpu.memory_space<vmem>>) target_semaphore(%arg17 : memref<!tpu.dma_semaphore, #tpu.memory_space<semaphore_mem>>)
    %add3A_24 = arith.constant 2 : i32
    %add3A_25 = arith.addi %mul3A_4, %add3A_24 : i32
    %dma_start3A_26 = arith.constant 0 : i32
    %dma_start3A_27 = arith.constant 0 : i32
    %dma_start3A_28 = tpu.memref_slice %arg2[%add3A_25, %dma_start3A_26, %dma_start3A_27] : memref<2560x2x128xi32, #tpu.memory_space<hbm>> -> memref<1x2x128xi32, #tpu.memory_space<hbm>>
    %dma_start3A_29 = tpu.memref_squeeze %dma_start3A_28 : memref<1x2x128xi32, #tpu.memory_space<hbm>> -> memref<2x128xi32, #tpu.memory_space<hbm>>
    %dma_start3A_30 = arith.constant 0 : i32
    %dma_start3A_31 = arith.constant 0 : i32
    %dma_start3A_32 = tpu.memref_slice %arg2[%add3A_25, %dma_start3A_30, %dma_start3A_31] : memref<2560x2x128xi32, #tpu.memory_space<hbm>> -> memref<1x2x128xi32, #tpu.memory_space<hbm>>
    %dma_start3A_33 = tpu.memref_squeeze %dma_start3A_32 : memref<1x2x128xi32, #tpu.memory_space<hbm>> -> memref<2x128xi32, #tpu.memory_space<hbm>>
    tpu.enqueue_dma source(%dma_start3A_33 : memref<2x128xi32, #tpu.memory_space<hbm>>) target(%arg8 : memref<2x128xi32, #tpu.memory_space<vmem>>) target_semaphore(%arg18 : memref<!tpu.dma_semaphore, #tpu.memory_space<semaphore_mem>>)
    %add3A_34 = arith.constant 3 : i32
    %add3A_35 = arith.addi %mul3A_4, %add3A_34 : i32
    %dma_start3A_36 = arith.constant 0 : i32
    %dma_start3A_37 = arith.constant 0 : i32
    %dma_start3A_38 = tpu.memref_slice %arg2[%add3A_35, %dma_start3A_36, %dma_start3A_37] : memref<2560x2x128xi32, #tpu.memory_space<hbm>> -> memref<1x2x128xi32, #tpu.memory_space<hbm>>
    %dma_start3A_39 = tpu.memref_squeeze %dma_start3A_38 : memref<1x2x128xi32, #tpu.memory_space<hbm>> -> memref<2x128xi32, #tpu.memory_space<hbm>>
    %dma_start3A_40 = arith.constant 0 : i32
    %dma_start3A_41 = arith.constant 0 : i32
    %dma_start3A_42 = tpu.memref_slice %arg2[%add3A_35, %dma_start3A_40, %dma_start3A_41] : memref<2560x2x128xi32, #tpu.memory_space<hbm>> -> memref<1x2x128xi32, #tpu.memory_space<hbm>>
    %dma_start3A_43 = tpu.memref_squeeze %dma_start3A_42 : memref<1x2x128xi32, #tpu.memory_space<hbm>> -> memref<2x128xi32, #tpu.memory_space<hbm>>
    tpu.enqueue_dma source(%dma_start3A_43 : memref<2x128xi32, #tpu.memory_space<hbm>>) target(%arg9 : memref<2x128xi32, #tpu.memory_space<vmem>>) target_semaphore(%arg19 : memref<!tpu.dma_semaphore, #tpu.memory_space<semaphore_mem>>)
    %scan3A = arith.constant 0 : i32
    %scan3A_44 = arith.constant 0 : i32
    %scan3A_45 = arith.constant 10 : i32
    %scan3A_46 = arith.addi %scan3A_44, %scan3A_45 : i32
    %scan3A_47 = arith.constant 1 : i32
    scf.for %scan3A_77 = %scan3A_44 to %scan3A_46 step %scan3A_47  : i32 {
      %mul3A_78 = arith.constant 8 : i32
      %mul3A_79 = arith.muli %scan3A_77, %mul3A_78 : i32
      %add3A_80 = arith.constant 0 : i32
      %add3A_81 = arith.addi %mul3A_79, %add3A_80 : i32
      %ge3A = arith.constant 4 : i32
      %ge3A_82 = arith.cmpi sge, %add3A_81, %ge3A : i32
      %convert_element_type3A = arith.extui %ge3A_82 : i1 to i32
      %cond3A = arith.constant 0 : i32
      %cond3A_83 = arith.cmpi ne, %convert_element_type3A, %cond3A : i32
      scf.if %cond3A_83 {
        %dma_wait3A_330 = arith.constant 1 : i32
        %dma_wait3A_331 = arith.constant 0 : i32
        %dma_wait3A_332 = tpu.memref_slice %arg10[%dma_wait3A_330, %dma_wait3A_331] : memref<2x128xi32, #tpu.memory_space<vmem>> -> memref<1x128xi32, #tpu.memory_space<vmem>>
        %dma_wait3A_333 = tpu.memref_squeeze %dma_wait3A_332 : memref<1x128xi32, #tpu.memory_space<vmem>> -> memref<128xi32, #tpu.memory_space<vmem>>
        %dma_wait3A_334 = arith.constant 0 : i32
        %dma_wait3A_335 = arith.constant 0 : i32
        %dma_wait3A_336 = tpu.memref_slice %arg15[%dma_wait3A_334, %dma_wait3A_335] : memref<10240x128xf32, #tpu.memory_space<vmem_shared>> -> memref<10240x128xf32, #tpu.memory_space<vmem_shared>>
        tpu.wait_indirect_dma semaphore(%arg24 : memref<!tpu.dma_semaphore, #tpu.memory_space<semaphore_mem>>) src(%arg14 : memref<128x128xf32, #tpu.memory_space<vmem>>) dst(%dma_wait3A_336 : memref<10240x128xf32, #tpu.memory_space<vmem_shared>>)
      } else {
      }
      %add3A_84 = arith.addi %mul3A_4, %add3A_81 : i32
      %dma_wait3A_85 = arith.constant 0 : i32
      %dma_wait3A_86 = arith.constant 0 : i32
      %dma_wait3A_87 = tpu.memref_slice %arg2[%add3A_84, %dma_wait3A_85, %dma_wait3A_86] : memref<2560x2x128xi32, #tpu.memory_space<hbm>> -> memref<1x2x128xi32, #tpu.memory_space<hbm>>
      %dma_wait3A_88 = tpu.memref_squeeze %dma_wait3A_87 : memref<1x2x128xi32, #tpu.memory_space<hbm>> -> memref<2x128xi32, #tpu.memory_space<hbm>>
      %dma_wait3A_89 = arith.constant 0 : i32
      %dma_wait3A_90 = arith.constant 0 : i32
      %dma_wait3A_91 = tpu.memref_slice %arg2[%add3A_84, %dma_wait3A_89, %dma_wait3A_90] : memref<2560x2x128xi32, #tpu.memory_space<hbm>> -> memref<1x2x128xi32, #tpu.memory_space<hbm>>
      %dma_wait3A_92 = tpu.memref_squeeze %dma_wait3A_91 : memref<1x2x128xi32, #tpu.memory_space<hbm>> -> memref<2x128xi32, #tpu.memory_space<hbm>>
      tpu.wait_dma2 semaphore(%arg16 : memref<!tpu.dma_semaphore, #tpu.memory_space<semaphore_mem>>) src(%dma_wait3A_92 : memref<2x128xi32, #tpu.memory_space<hbm>>) dst(%arg6 : memref<2x128xi32, #tpu.memory_space<vmem>>)
      %dma_start3A_93 = arith.constant 1 : i32
      %dma_start3A_94 = arith.constant 0 : i32
      %dma_start3A_95 = tpu.memref_slice %arg6[%dma_start3A_93, %dma_start3A_94] : memref<2x128xi32, #tpu.memory_space<vmem>> -> memref<1x128xi32, #tpu.memory_space<vmem>>
      %dma_start3A_96 = tpu.memref_squeeze %dma_start3A_95 : memref<1x128xi32, #tpu.memory_space<vmem>> -> memref<128xi32, #tpu.memory_space<vmem>>
      %dma_start3A_97 = arith.constant 0 : i32
      %dma_start3A_98 = arith.constant 0 : i32
      %dma_start3A_99 = tpu.memref_slice %arg15[%dma_start3A_97, %dma_start3A_98] : memref<10240x128xf32, #tpu.memory_space<vmem_shared>> -> memref<10240x128xf32, #tpu.memory_space<vmem_shared>>
      tpu.enqueue_indirect_dma source(%arg14 : memref<128x128xf32, #tpu.memory_space<vmem>>) target(%dma_start3A_99 : memref<10240x128xf32, #tpu.memory_space<vmem_shared>>) offsets(%dma_start3A_96 : memref<128xi32, #tpu.memory_space<vmem>>) semaphore(%arg24 : memref<!tpu.dma_semaphore, #tpu.memory_space<semaphore_mem>>) {add = true}
      %add3A_100 = arith.constant 4 : i32
      %add3A_101 = arith.addi %add3A_81, %add3A_100 : i32
      %lt3A = arith.constant 80 : i32
      %lt3A_102 = arith.cmpi slt, %add3A_101, %lt3A : i32
      %convert_element_type3A_103 = arith.extui %lt3A_102 : i1 to i32
      %cond3A_104 = arith.constant 0 : i32
      %cond3A_105 = arith.cmpi ne, %convert_element_type3A_103, %cond3A_104 : i32
      scf.if %cond3A_105 {
        %add3A_330 = arith.constant 4 : i32
        %add3A_331 = arith.addi %add3A_81, %add3A_330 : i32
        %add3A_332 = arith.addi %mul3A_4, %add3A_331 : i32
        %dma_start3A_333 = arith.constant 0 : i32
        %dma_start3A_334 = arith.constant 0 : i32
        %dma_start3A_335 = tpu.memref_slice %arg2[%add3A_332, %dma_start3A_333, %dma_start3A_334] : memref<2560x2x128xi32, #tpu.memory_space<hbm>> -> memref<1x2x128xi32, #tpu.memory_space<hbm>>
        %dma_start3A_336 = tpu.memref_squeeze %dma_start3A_335 : memref<1x2x128xi32, #tpu.memory_space<hbm>> -> memref<2x128xi32, #tpu.memory_space<hbm>>
        %dma_start3A_337 = arith.constant 0 : i32
        %dma_start3A_338 = arith.constant 0 : i32
        %dma_start3A_339 = tpu.memref_slice %arg2[%add3A_332, %dma_start3A_337, %dma_start3A_338] : memref<2560x2x128xi32, #tpu.memory_space<hbm>> -> memref<1x2x128xi32, #tpu.memory_space<hbm>>
        %dma_start3A_340 = tpu.memref_squeeze %dma_start3A_339 : memref<1x2x128xi32, #tpu.memory_space<hbm>> -> memref<2x128xi32, #tpu.memory_space<hbm>>
        tpu.enqueue_dma source(%dma_start3A_340 : memref<2x128xi32, #tpu.memory_space<hbm>>) target(%arg10 : memref<2x128xi32, #tpu.memory_space<vmem>>) target_semaphore(%arg20 : memref<!tpu.dma_semaphore, #tpu.memory_space<semaphore_mem>>)
      } else {
      }
      %mul3A_106 = arith.constant 8 : i32
      %mul3A_107 = arith.muli %scan3A_77, %mul3A_106 : i32
      %add3A_108 = arith.constant 1 : i32
      %add3A_109 = arith.addi %mul3A_107, %add3A_108 : i32
      %ge3A_110 = arith.constant 4 : i32
      %ge3A_111 = arith.cmpi sge, %add3A_109, %ge3A_110 : i32
      %convert_element_type3A_112 = arith.extui %ge3A_111 : i1 to i32
      %cond3A_113 = arith.constant 0 : i32
      %cond3A_114 = arith.cmpi ne, %convert_element_type3A_112, %cond3A_113 : i32
      scf.if %cond3A_114 {
        %dma_wait3A_330 = arith.constant 1 : i32
        %dma_wait3A_331 = arith.constant 0 : i32
        %dma_wait3A_332 = tpu.memref_slice %arg11[%dma_wait3A_330, %dma_wait3A_331] : memref<2x128xi32, #tpu.memory_space<vmem>> -> memref<1x128xi32, #tpu.memory_space<vmem>>
        %dma_wait3A_333 = tpu.memref_squeeze %dma_wait3A_332 : memref<1x128xi32, #tpu.memory_space<vmem>> -> memref<128xi32, #tpu.memory_space<vmem>>
        %dma_wait3A_334 = arith.constant 0 : i32
        %dma_wait3A_335 = arith.constant 0 : i32
        %dma_wait3A_336 = tpu.memref_slice %arg15[%dma_wait3A_334, %dma_wait3A_335] : memref<10240x128xf32, #tpu.memory_space<vmem_shared>> -> memref<10240x128xf32, #tpu.memory_space<vmem_shared>>
        tpu.wait_indirect_dma semaphore(%arg25 : memref<!tpu.dma_semaphore, #tpu.memory_space<semaphore_mem>>) src(%arg14 : memref<128x128xf32, #tpu.memory_space<vmem>>) dst(%dma_wait3A_336 : memref<10240x128xf32, #tpu.memory_space<vmem_shared>>)
      } else {
      }
      %add3A_115 = arith.addi %mul3A_4, %add3A_109 : i32
      %dma_wait3A_116 = arith.constant 0 : i32
      %dma_wait3A_117 = arith.constant 0 : i32
      %dma_wait3A_118 = tpu.memref_slice %arg2[%add3A_115, %dma_wait3A_116, %dma_wait3A_117] : memref<2560x2x128xi32, #tpu.memory_space<hbm>> -> memref<1x2x128xi32, #tpu.memory_space<hbm>>
      %dma_wait3A_119 = tpu.memref_squeeze %dma_wait3A_118 : memref<1x2x128xi32, #tpu.memory_space<hbm>> -> memref<2x128xi32, #tpu.memory_space<hbm>>
      %dma_wait3A_120 = arith.constant 0 : i32
      %dma_wait3A_121 = arith.constant 0 : i32
      %dma_wait3A_122 = tpu.memref_slice %arg2[%add3A_115, %dma_wait3A_120, %dma_wait3A_121] : memref<2560x2x128xi32, #tpu.memory_space<hbm>> -> memref<1x2x128xi32, #tpu.memory_space<hbm>>
      %dma_wait3A_123 = tpu.memref_squeeze %dma_wait3A_122 : memref<1x2x128xi32, #tpu.memory_space<hbm>> -> memref<2x128xi32, #tpu.memory_space<hbm>>
      tpu.wait_dma2 semaphore(%arg17 : memref<!tpu.dma_semaphore, #tpu.memory_space<semaphore_mem>>) src(%dma_wait3A_123 : memref<2x128xi32, #tpu.memory_space<hbm>>) dst(%arg7 : memref<2x128xi32, #tpu.memory_space<vmem>>)
      %dma_start3A_124 = arith.constant 1 : i32
      %dma_start3A_125 = arith.constant 0 : i32
      %dma_start3A_126 = tpu.memref_slice %arg7[%dma_start3A_124, %dma_start3A_125] : memref<2x128xi32, #tpu.memory_space<vmem>> -> memref<1x128xi32, #tpu.memory_space<vmem>>
      %dma_start3A_127 = tpu.memref_squeeze %dma_start3A_126 : memref<1x128xi32, #tpu.memory_space<vmem>> -> memref<128xi32, #tpu.memory_space<vmem>>
      %dma_start3A_128 = arith.constant 0 : i32
      %dma_start3A_129 = arith.constant 0 : i32
      %dma_start3A_130 = tpu.memref_slice %arg15[%dma_start3A_128, %dma_start3A_129] : memref<10240x128xf32, #tpu.memory_space<vmem_shared>> -> memref<10240x128xf32, #tpu.memory_space<vmem_shared>>
      tpu.enqueue_indirect_dma source(%arg14 : memref<128x128xf32, #tpu.memory_space<vmem>>) target(%dma_start3A_130 : memref<10240x128xf32, #tpu.memory_space<vmem_shared>>) offsets(%dma_start3A_127 : memref<128xi32, #tpu.memory_space<vmem>>) semaphore(%arg25 : memref<!tpu.dma_semaphore, #tpu.memory_space<semaphore_mem>>) {add = true}
      %add3A_131 = arith.constant 4 : i32
      %add3A_132 = arith.addi %add3A_109, %add3A_131 : i32
      %lt3A_133 = arith.constant 80 : i32
      %lt3A_134 = arith.cmpi slt, %add3A_132, %lt3A_133 : i32
      %convert_element_type3A_135 = arith.extui %lt3A_134 : i1 to i32
      %cond3A_136 = arith.constant 0 : i32
      %cond3A_137 = arith.cmpi ne, %convert_element_type3A_135, %cond3A_136 : i32
      scf.if %cond3A_137 {
        %add3A_330 = arith.constant 4 : i32
        %add3A_331 = arith.addi %add3A_109, %add3A_330 : i32
        %add3A_332 = arith.addi %mul3A_4, %add3A_331 : i32
        %dma_start3A_333 = arith.constant 0 : i32
        %dma_start3A_334 = arith.constant 0 : i32
        %dma_start3A_335 = tpu.memref_slice %arg2[%add3A_332, %dma_start3A_333, %dma_start3A_334] : memref<2560x2x128xi32, #tpu.memory_space<hbm>> -> memref<1x2x128xi32, #tpu.memory_space<hbm>>
        %dma_start3A_336 = tpu.memref_squeeze %dma_start3A_335 : memref<1x2x128xi32, #tpu.memory_space<hbm>> -> memref<2x128xi32, #tpu.memory_space<hbm>>
        %dma_start3A_337 = arith.constant 0 : i32
        %dma_start3A_338 = arith.constant 0 : i32
        %dma_start3A_339 = tpu.memref_slice %arg2[%add3A_332, %dma_start3A_337, %dma_start3A_338] : memref<2560x2x128xi32, #tpu.memory_space<hbm>> -> memref<1x2x128xi32, #tpu.memory_space<hbm>>
        %dma_start3A_340 = tpu.memref_squeeze %dma_start3A_339 : memref<1x2x128xi32, #tpu.memory_space<hbm>> -> memref<2x128xi32, #tpu.memory_space<hbm>>
        tpu.enqueue_dma source(%dma_start3A_340 : memref<2x128xi32, #tpu.memory_space<hbm>>) target(%arg11 : memref<2x128xi32, #tpu.memory_space<vmem>>) target_semaphore(%arg21 : memref<!tpu.dma_semaphore, #tpu.memory_space<semaphore_mem>>)
      } else {
      }
      %mul3A_138 = arith.constant 8 : i32
      %mul3A_139 = arith.muli %scan3A_77, %mul3A_138 : i32
      %add3A_140 = arith.constant 2 : i32
      %add3A_141 = arith.addi %mul3A_139, %add3A_140 : i32
      %ge3A_142 = arith.constant 4 : i32
      %ge3A_143 = arith.cmpi sge, %add3A_141, %ge3A_142 : i32
      %convert_element_type3A_144 = arith.extui %ge3A_143 : i1 to i32
      %cond3A_145 = arith.constant 0 : i32
      %cond3A_146 = arith.cmpi ne, %convert_element_type3A_144, %cond3A_145 : i32
      scf.if %cond3A_146 {
        %dma_wait3A_330 = arith.constant 1 : i32
        %dma_wait3A_331 = arith.constant 0 : i32
        %dma_wait3A_332 = tpu.memref_slice %arg12[%dma_wait3A_330, %dma_wait3A_331] : memref<2x128xi32, #tpu.memory_space<vmem>> -> memref<1x128xi32, #tpu.memory_space<vmem>>
        %dma_wait3A_333 = tpu.memref_squeeze %dma_wait3A_332 : memref<1x128xi32, #tpu.memory_space<vmem>> -> memref<128xi32, #tpu.memory_space<vmem>>
        %dma_wait3A_334 = arith.constant 0 : i32
        %dma_wait3A_335 = arith.constant 0 : i32
        %dma_wait3A_336 = tpu.memref_slice %arg15[%dma_wait3A_334, %dma_wait3A_335] : memref<10240x128xf32, #tpu.memory_space<vmem_shared>> -> memref<10240x128xf32, #tpu.memory_space<vmem_shared>>
        tpu.wait_indirect_dma semaphore(%arg26 : memref<!tpu.dma_semaphore, #tpu.memory_space<semaphore_mem>>) src(%arg14 : memref<128x128xf32, #tpu.memory_space<vmem>>) dst(%dma_wait3A_336 : memref<10240x128xf32, #tpu.memory_space<vmem_shared>>)
      } else {
      }
      %add3A_147 = arith.addi %mul3A_4, %add3A_141 : i32
      %dma_wait3A_148 = arith.constant 0 : i32
      %dma_wait3A_149 = arith.constant 0 : i32
      %dma_wait3A_150 = tpu.memref_slice %arg2[%add3A_147, %dma_wait3A_148, %dma_wait3A_149] : memref<2560x2x128xi32, #tpu.memory_space<hbm>> -> memref<1x2x128xi32, #tpu.memory_space<hbm>>
      %dma_wait3A_151 = tpu.memref_squeeze %dma_wait3A_150 : memref<1x2x128xi32, #tpu.memory_space<hbm>> -> memref<2x128xi32, #tpu.memory_space<hbm>>
      %dma_wait3A_152 = arith.constant 0 : i32
      %dma_wait3A_153 = arith.constant 0 : i32
      %dma_wait3A_154 = tpu.memref_slice %arg2[%add3A_147, %dma_wait3A_152, %dma_wait3A_153] : memref<2560x2x128xi32, #tpu.memory_space<hbm>> -> memref<1x2x128xi32, #tpu.memory_space<hbm>>
      %dma_wait3A_155 = tpu.memref_squeeze %dma_wait3A_154 : memref<1x2x128xi32, #tpu.memory_space<hbm>> -> memref<2x128xi32, #tpu.memory_space<hbm>>
      tpu.wait_dma2 semaphore(%arg18 : memref<!tpu.dma_semaphore, #tpu.memory_space<semaphore_mem>>) src(%dma_wait3A_155 : memref<2x128xi32, #tpu.memory_space<hbm>>) dst(%arg8 : memref<2x128xi32, #tpu.memory_space<vmem>>)
      %dma_start3A_156 = arith.constant 1 : i32
      %dma_start3A_157 = arith.constant 0 : i32
      %dma_start3A_158 = tpu.memref_slice %arg8[%dma_start3A_156, %dma_start3A_157] : memref<2x128xi32, #tpu.memory_space<vmem>> -> memref<1x128xi32, #tpu.memory_space<vmem>>
      %dma_start3A_159 = tpu.memref_squeeze %dma_start3A_158 : memref<1x128xi32, #tpu.memory_space<vmem>> -> memref<128xi32, #tpu.memory_space<vmem>>
      %dma_start3A_160 = arith.constant 0 : i32
      %dma_start3A_161 = arith.constant 0 : i32
      %dma_start3A_162 = tpu.memref_slice %arg15[%dma_start3A_160, %dma_start3A_161] : memref<10240x128xf32, #tpu.memory_space<vmem_shared>> -> memref<10240x128xf32, #tpu.memory_space<vmem_shared>>
      tpu.enqueue_indirect_dma source(%arg14 : memref<128x128xf32, #tpu.memory_space<vmem>>) target(%dma_start3A_162 : memref<10240x128xf32, #tpu.memory_space<vmem_shared>>) offsets(%dma_start3A_159 : memref<128xi32, #tpu.memory_space<vmem>>) semaphore(%arg26 : memref<!tpu.dma_semaphore, #tpu.memory_space<semaphore_mem>>) {add = true}
      %add3A_163 = arith.constant 4 : i32
      %add3A_164 = arith.addi %add3A_141, %add3A_163 : i32
      %lt3A_165 = arith.constant 80 : i32
      %lt3A_166 = arith.cmpi slt, %add3A_164, %lt3A_165 : i32
      %convert_element_type3A_167 = arith.extui %lt3A_166 : i1 to i32
      %cond3A_168 = arith.constant 0 : i32
      %cond3A_169 = arith.cmpi ne, %convert_element_type3A_167, %cond3A_168 : i32
      scf.if %cond3A_169 {
        %add3A_330 = arith.constant 4 : i32
        %add3A_331 = arith.addi %add3A_141, %add3A_330 : i32
        %add3A_332 = arith.addi %mul3A_4, %add3A_331 : i32
        %dma_start3A_333 = arith.constant 0 : i32
        %dma_start3A_334 = arith.constant 0 : i32
        %dma_start3A_335 = tpu.memref_slice %arg2[%add3A_332, %dma_start3A_333, %dma_start3A_334] : memref<2560x2x128xi32, #tpu.memory_space<hbm>> -> memref<1x2x128xi32, #tpu.memory_space<hbm>>
        %dma_start3A_336 = tpu.memref_squeeze %dma_start3A_335 : memref<1x2x128xi32, #tpu.memory_space<hbm>> -> memref<2x128xi32, #tpu.memory_space<hbm>>
        %dma_start3A_337 = arith.constant 0 : i32
        %dma_start3A_338 = arith.constant 0 : i32
        %dma_start3A_339 = tpu.memref_slice %arg2[%add3A_332, %dma_start3A_337, %dma_start3A_338] : memref<2560x2x128xi32, #tpu.memory_space<hbm>> -> memref<1x2x128xi32, #tpu.memory_space<hbm>>
        %dma_start3A_340 = tpu.memref_squeeze %dma_start3A_339 : memref<1x2x128xi32, #tpu.memory_space<hbm>> -> memref<2x128xi32, #tpu.memory_space<hbm>>
        tpu.enqueue_dma source(%dma_start3A_340 : memref<2x128xi32, #tpu.memory_space<hbm>>) target(%arg12 : memref<2x128xi32, #tpu.memory_space<vmem>>) target_semaphore(%arg22 : memref<!tpu.dma_semaphore, #tpu.memory_space<semaphore_mem>>)
      } else {
      }
      %mul3A_170 = arith.constant 8 : i32
      %mul3A_171 = arith.muli %scan3A_77, %mul3A_170 : i32
      %add3A_172 = arith.constant 3 : i32
      %add3A_173 = arith.addi %mul3A_171, %add3A_172 : i32
      %ge3A_174 = arith.constant 4 : i32
      %ge3A_175 = arith.cmpi sge, %add3A_173, %ge3A_174 : i32
      %convert_element_type3A_176 = arith.extui %ge3A_175 : i1 to i32
      %cond3A_177 = arith.constant 0 : i32
      %cond3A_178 = arith.cmpi ne, %convert_element_type3A_176, %cond3A_177 : i32
      scf.if %cond3A_178 {
        %dma_wait3A_330 = arith.constant 1 : i32
        %dma_wait3A_331 = arith.constant 0 : i32
        %dma_wait3A_332 = tpu.memref_slice %arg13[%dma_wait3A_330, %dma_wait3A_331] : memref<2x128xi32, #tpu.memory_space<vmem>> -> memref<1x128xi32, #tpu.memory_space<vmem>>
        %dma_wait3A_333 = tpu.memref_squeeze %dma_wait3A_332 : memref<1x128xi32, #tpu.memory_space<vmem>> -> memref<128xi32, #tpu.memory_space<vmem>>
        %dma_wait3A_334 = arith.constant 0 : i32
        %dma_wait3A_335 = arith.constant 0 : i32
        %dma_wait3A_336 = tpu.memref_slice %arg15[%dma_wait3A_334, %dma_wait3A_335] : memref<10240x128xf32, #tpu.memory_space<vmem_shared>> -> memref<10240x128xf32, #tpu.memory_space<vmem_shared>>
        tpu.wait_indirect_dma semaphore(%arg27 : memref<!tpu.dma_semaphore, #tpu.memory_space<semaphore_mem>>) src(%arg14 : memref<128x128xf32, #tpu.memory_space<vmem>>) dst(%dma_wait3A_336 : memref<10240x128xf32, #tpu.memory_space<vmem_shared>>)
      } else {
      }
      %add3A_179 = arith.addi %mul3A_4, %add3A_173 : i32
      %dma_wait3A_180 = arith.constant 0 : i32
      %dma_wait3A_181 = arith.constant 0 : i32
      %dma_wait3A_182 = tpu.memref_slice %arg2[%add3A_179, %dma_wait3A_180, %dma_wait3A_181] : memref<2560x2x128xi32, #tpu.memory_space<hbm>> -> memref<1x2x128xi32, #tpu.memory_space<hbm>>
      %dma_wait3A_183 = tpu.memref_squeeze %dma_wait3A_182 : memref<1x2x128xi32, #tpu.memory_space<hbm>> -> memref<2x128xi32, #tpu.memory_space<hbm>>
      %dma_wait3A_184 = arith.constant 0 : i32
      %dma_wait3A_185 = arith.constant 0 : i32
      %dma_wait3A_186 = tpu.memref_slice %arg2[%add3A_179, %dma_wait3A_184, %dma_wait3A_185] : memref<2560x2x128xi32, #tpu.memory_space<hbm>> -> memref<1x2x128xi32, #tpu.memory_space<hbm>>
      %dma_wait3A_187 = tpu.memref_squeeze %dma_wait3A_186 : memref<1x2x128xi32, #tpu.memory_space<hbm>> -> memref<2x128xi32, #tpu.memory_space<hbm>>
      tpu.wait_dma2 semaphore(%arg19 : memref<!tpu.dma_semaphore, #tpu.memory_space<semaphore_mem>>) src(%dma_wait3A_187 : memref<2x128xi32, #tpu.memory_space<hbm>>) dst(%arg9 : memref<2x128xi32, #tpu.memory_space<vmem>>)
      %dma_start3A_188 = arith.constant 1 : i32
      %dma_start3A_189 = arith.constant 0 : i32
      %dma_start3A_190 = tpu.memref_slice %arg9[%dma_start3A_188, %dma_start3A_189] : memref<2x128xi32, #tpu.memory_space<vmem>> -> memref<1x128xi32, #tpu.memory_space<vmem>>
      %dma_start3A_191 = tpu.memref_squeeze %dma_start3A_190 : memref<1x128xi32, #tpu.memory_space<vmem>> -> memref<128xi32, #tpu.memory_space<vmem>>
      %dma_start3A_192 = arith.constant 0 : i32
      %dma_start3A_193 = arith.constant 0 : i32
      %dma_start3A_194 = tpu.memref_slice %arg15[%dma_start3A_192, %dma_start3A_193] : memref<10240x128xf32, #tpu.memory_space<vmem_shared>> -> memref<10240x128xf32, #tpu.memory_space<vmem_shared>>
      tpu.enqueue_indirect_dma source(%arg14 : memref<128x128xf32, #tpu.memory_space<vmem>>) target(%dma_start3A_194 : memref<10240x128xf32, #tpu.memory_space<vmem_shared>>) offsets(%dma_start3A_191 : memref<128xi32, #tpu.memory_space<vmem>>) semaphore(%arg27 : memref<!tpu.dma_semaphore, #tpu.memory_space<semaphore_mem>>) {add = true}
      %add3A_195 = arith.constant 4 : i32
      %add3A_196 = arith.addi %add3A_173, %add3A_195 : i32
      %lt3A_197 = arith.constant 80 : i32
      %lt3A_198 = arith.cmpi slt, %add3A_196, %lt3A_197 : i32
      %convert_element_type3A_199 = arith.extui %lt3A_198 : i1 to i32
      %cond3A_200 = arith.constant 0 : i32
      %cond3A_201 = arith.cmpi ne, %convert_element_type3A_199, %cond3A_200 : i32
      scf.if %cond3A_201 {
        %add3A_330 = arith.constant 4 : i32
        %add3A_331 = arith.addi %add3A_173, %add3A_330 : i32
        %add3A_332 = arith.addi %mul3A_4, %add3A_331 : i32
        %dma_start3A_333 = arith.constant 0 : i32
        %dma_start3A_334 = arith.constant 0 : i32
        %dma_start3A_335 = tpu.memref_slice %arg2[%add3A_332, %dma_start3A_333, %dma_start3A_334] : memref<2560x2x128xi32, #tpu.memory_space<hbm>> -> memref<1x2x128xi32, #tpu.memory_space<hbm>>
        %dma_start3A_336 = tpu.memref_squeeze %dma_start3A_335 : memref<1x2x128xi32, #tpu.memory_space<hbm>> -> memref<2x128xi32, #tpu.memory_space<hbm>>
        %dma_start3A_337 = arith.constant 0 : i32
        %dma_start3A_338 = arith.constant 0 : i32
        %dma_start3A_339 = tpu.memref_slice %arg2[%add3A_332, %dma_start3A_337, %dma_start3A_338] : memref<2560x2x128xi32, #tpu.memory_space<hbm>> -> memref<1x2x128xi32, #tpu.memory_space<hbm>>
        %dma_start3A_340 = tpu.memref_squeeze %dma_start3A_339 : memref<1x2x128xi32, #tpu.memory_space<hbm>> -> memref<2x128xi32, #tpu.memory_space<hbm>>
        tpu.enqueue_dma source(%dma_start3A_340 : memref<2x128xi32, #tpu.memory_space<hbm>>) target(%arg13 : memref<2x128xi32, #tpu.memory_space<vmem>>) target_semaphore(%arg23 : memref<!tpu.dma_semaphore, #tpu.memory_space<semaphore_mem>>)
      } else {
      }
      %mul3A_202 = arith.constant 8 : i32
      %mul3A_203 = arith.muli %scan3A_77, %mul3A_202 : i32
      %add3A_204 = arith.constant 4 : i32
      %add3A_205 = arith.addi %mul3A_203, %add3A_204 : i32
      %ge3A_206 = arith.constant 4 : i32
      %ge3A_207 = arith.cmpi sge, %add3A_205, %ge3A_206 : i32
      %convert_element_type3A_208 = arith.extui %ge3A_207 : i1 to i32
      %cond3A_209 = arith.constant 0 : i32
      %cond3A_210 = arith.cmpi ne, %convert_element_type3A_208, %cond3A_209 : i32
      scf.if %cond3A_210 {
        %dma_wait3A_330 = arith.constant 1 : i32
        %dma_wait3A_331 = arith.constant 0 : i32
        %dma_wait3A_332 = tpu.memref_slice %arg6[%dma_wait3A_330, %dma_wait3A_331] : memref<2x128xi32, #tpu.memory_space<vmem>> -> memref<1x128xi32, #tpu.memory_space<vmem>>
        %dma_wait3A_333 = tpu.memref_squeeze %dma_wait3A_332 : memref<1x128xi32, #tpu.memory_space<vmem>> -> memref<128xi32, #tpu.memory_space<vmem>>
        %dma_wait3A_334 = arith.constant 0 : i32
        %dma_wait3A_335 = arith.constant 0 : i32
        %dma_wait3A_336 = tpu.memref_slice %arg15[%dma_wait3A_334, %dma_wait3A_335] : memref<10240x128xf32, #tpu.memory_space<vmem_shared>> -> memref<10240x128xf32, #tpu.memory_space<vmem_shared>>
        tpu.wait_indirect_dma semaphore(%arg24 : memref<!tpu.dma_semaphore, #tpu.memory_space<semaphore_mem>>) src(%arg14 : memref<128x128xf32, #tpu.memory_space<vmem>>) dst(%dma_wait3A_336 : memref<10240x128xf32, #tpu.memory_space<vmem_shared>>)
      } else {
      }
      %add3A_211 = arith.addi %mul3A_4, %add3A_205 : i32
      %dma_wait3A_212 = arith.constant 0 : i32
      %dma_wait3A_213 = arith.constant 0 : i32
      %dma_wait3A_214 = tpu.memref_slice %arg2[%add3A_211, %dma_wait3A_212, %dma_wait3A_213] : memref<2560x2x128xi32, #tpu.memory_space<hbm>> -> memref<1x2x128xi32, #tpu.memory_space<hbm>>
      %dma_wait3A_215 = tpu.memref_squeeze %dma_wait3A_214 : memref<1x2x128xi32, #tpu.memory_space<hbm>> -> memref<2x128xi32, #tpu.memory_space<hbm>>
      %dma_wait3A_216 = arith.constant 0 : i32
      %dma_wait3A_217 = arith.constant 0 : i32
      %dma_wait3A_218 = tpu.memref_slice %arg2[%add3A_211, %dma_wait3A_216, %dma_wait3A_217] : memref<2560x2x128xi32, #tpu.memory_space<hbm>> -> memref<1x2x128xi32, #tpu.memory_space<hbm>>
      %dma_wait3A_219 = tpu.memref_squeeze %dma_wait3A_218 : memref<1x2x128xi32, #tpu.memory_space<hbm>> -> memref<2x128xi32, #tpu.memory_space<hbm>>
      tpu.wait_dma2 semaphore(%arg20 : memref<!tpu.dma_semaphore, #tpu.memory_space<semaphore_mem>>) src(%dma_wait3A_219 : memref<2x128xi32, #tpu.memory_space<hbm>>) dst(%arg10 : memref<2x128xi32, #tpu.memory_space<vmem>>)
      %dma_start3A_220 = arith.constant 1 : i32
      %dma_start3A_221 = arith.constant 0 : i32
      %dma_start3A_222 = tpu.memref_slice %arg10[%dma_start3A_220, %dma_start3A_221] : memref<2x128xi32, #tpu.memory_space<vmem>> -> memref<1x128xi32, #tpu.memory_space<vmem>>
      %dma_start3A_223 = tpu.memref_squeeze %dma_start3A_222 : memref<1x128xi32, #tpu.memory_space<vmem>> -> memref<128xi32, #tpu.memory_space<vmem>>
      %dma_start3A_224 = arith.constant 0 : i32
      %dma_start3A_225 = arith.constant 0 : i32
      %dma_start3A_226 = tpu.memref_slice %arg15[%dma_start3A_224, %dma_start3A_225] : memref<10240x128xf32, #tpu.memory_space<vmem_shared>> -> memref<10240x128xf32, #tpu.memory_space<vmem_shared>>
      tpu.enqueue_indirect_dma source(%arg14 : memref<128x128xf32, #tpu.memory_space<vmem>>) target(%dma_start3A_226 : memref<10240x128xf32, #tpu.memory_space<vmem_shared>>) offsets(%dma_start3A_223 : memref<128xi32, #tpu.memory_space<vmem>>) semaphore(%arg24 : memref<!tpu.dma_semaphore, #tpu.memory_space<semaphore_mem>>) {add = true}
      %add3A_227 = arith.constant 4 : i32
      %add3A_228 = arith.addi %add3A_205, %add3A_227 : i32
      %lt3A_229 = arith.constant 80 : i32
      %lt3A_230 = arith.cmpi slt, %add3A_228, %lt3A_229 : i32
      %convert_element_type3A_231 = arith.extui %lt3A_230 : i1 to i32
      %cond3A_232 = arith.constant 0 : i32
      %cond3A_233 = arith.cmpi ne, %convert_element_type3A_231, %cond3A_232 : i32
      scf.if %cond3A_233 {
        %add3A_330 = arith.constant 4 : i32
        %add3A_331 = arith.addi %add3A_205, %add3A_330 : i32
        %add3A_332 = arith.addi %mul3A_4, %add3A_331 : i32
        %dma_start3A_333 = arith.constant 0 : i32
        %dma_start3A_334 = arith.constant 0 : i32
        %dma_start3A_335 = tpu.memref_slice %arg2[%add3A_332, %dma_start3A_333, %dma_start3A_334] : memref<2560x2x128xi32, #tpu.memory_space<hbm>> -> memref<1x2x128xi32, #tpu.memory_space<hbm>>
        %dma_start3A_336 = tpu.memref_squeeze %dma_start3A_335 : memref<1x2x128xi32, #tpu.memory_space<hbm>> -> memref<2x128xi32, #tpu.memory_space<hbm>>
        %dma_start3A_337 = arith.constant 0 : i32
        %dma_start3A_338 = arith.constant 0 : i32
        %dma_start3A_339 = tpu.memref_slice %arg2[%add3A_332, %dma_start3A_337, %dma_start3A_338] : memref<2560x2x128xi32, #tpu.memory_space<hbm>> -> memref<1x2x128xi32, #tpu.memory_space<hbm>>
        %dma_start3A_340 = tpu.memref_squeeze %dma_start3A_339 : memref<1x2x128xi32, #tpu.memory_space<hbm>> -> memref<2x128xi32, #tpu.memory_space<hbm>>
        tpu.enqueue_dma source(%dma_start3A_340 : memref<2x128xi32, #tpu.memory_space<hbm>>) target(%arg6 : memref<2x128xi32, #tpu.memory_space<vmem>>) target_semaphore(%arg16 : memref<!tpu.dma_semaphore, #tpu.memory_space<semaphore_mem>>)
      } else {
      }
      %mul3A_234 = arith.constant 8 : i32
      %mul3A_235 = arith.muli %scan3A_77, %mul3A_234 : i32
      %add3A_236 = arith.constant 5 : i32
      %add3A_237 = arith.addi %mul3A_235, %add3A_236 : i32
      %ge3A_238 = arith.constant 4 : i32
      %ge3A_239 = arith.cmpi sge, %add3A_237, %ge3A_238 : i32
      %convert_element_type3A_240 = arith.extui %ge3A_239 : i1 to i32
      %cond3A_241 = arith.constant 0 : i32
      %cond3A_242 = arith.cmpi ne, %convert_element_type3A_240, %cond3A_241 : i32
      scf.if %cond3A_242 {
        %dma_wait3A_330 = arith.constant 1 : i32
        %dma_wait3A_331 = arith.constant 0 : i32
        %dma_wait3A_332 = tpu.memref_slice %arg7[%dma_wait3A_330, %dma_wait3A_331] : memref<2x128xi32, #tpu.memory_space<vmem>> -> memref<1x128xi32, #tpu.memory_space<vmem>>
        %dma_wait3A_333 = tpu.memref_squeeze %dma_wait3A_332 : memref<1x128xi32, #tpu.memory_space<vmem>> -> memref<128xi32, #tpu.memory_space<vmem>>
        %dma_wait3A_334 = arith.constant 0 : i32
        %dma_wait3A_335 = arith.constant 0 : i32
        %dma_wait3A_336 = tpu.memref_slice %arg15[%dma_wait3A_334, %dma_wait3A_335] : memref<10240x128xf32, #tpu.memory_space<vmem_shared>> -> memref<10240x128xf32, #tpu.memory_space<vmem_shared>>
        tpu.wait_indirect_dma semaphore(%arg25 : memref<!tpu.dma_semaphore, #tpu.memory_space<semaphore_mem>>) src(%arg14 : memref<128x128xf32, #tpu.memory_space<vmem>>) dst(%dma_wait3A_336 : memref<10240x128xf32, #tpu.memory_space<vmem_shared>>)
      } else {
      }
      %add3A_243 = arith.addi %mul3A_4, %add3A_237 : i32
      %dma_wait3A_244 = arith.constant 0 : i32
      %dma_wait3A_245 = arith.constant 0 : i32
      %dma_wait3A_246 = tpu.memref_slice %arg2[%add3A_243, %dma_wait3A_244, %dma_wait3A_245] : memref<2560x2x128xi32, #tpu.memory_space<hbm>> -> memref<1x2x128xi32, #tpu.memory_space<hbm>>
      %dma_wait3A_247 = tpu.memref_squeeze %dma_wait3A_246 : memref<1x2x128xi32, #tpu.memory_space<hbm>> -> memref<2x128xi32, #tpu.memory_space<hbm>>
      %dma_wait3A_248 = arith.constant 0 : i32
      %dma_wait3A_249 = arith.constant 0 : i32
      %dma_wait3A_250 = tpu.memref_slice %arg2[%add3A_243, %dma_wait3A_248, %dma_wait3A_249] : memref<2560x2x128xi32, #tpu.memory_space<hbm>> -> memref<1x2x128xi32, #tpu.memory_space<hbm>>
      %dma_wait3A_251 = tpu.memref_squeeze %dma_wait3A_250 : memref<1x2x128xi32, #tpu.memory_space<hbm>> -> memref<2x128xi32, #tpu.memory_space<hbm>>
      tpu.wait_dma2 semaphore(%arg21 : memref<!tpu.dma_semaphore, #tpu.memory_space<semaphore_mem>>) src(%dma_wait3A_251 : memref<2x128xi32, #tpu.memory_space<hbm>>) dst(%arg11 : memref<2x128xi32, #tpu.memory_space<vmem>>)
      %dma_start3A_252 = arith.constant 1 : i32
      %dma_start3A_253 = arith.constant 0 : i32
      %dma_start3A_254 = tpu.memref_slice %arg11[%dma_start3A_252, %dma_start3A_253] : memref<2x128xi32, #tpu.memory_space<vmem>> -> memref<1x128xi32, #tpu.memory_space<vmem>>
      %dma_start3A_255 = tpu.memref_squeeze %dma_start3A_254 : memref<1x128xi32, #tpu.memory_space<vmem>> -> memref<128xi32, #tpu.memory_space<vmem>>
      %dma_start3A_256 = arith.constant 0 : i32
      %dma_start3A_257 = arith.constant 0 : i32
      %dma_start3A_258 = tpu.memref_slice %arg15[%dma_start3A_256, %dma_start3A_257] : memref<10240x128xf32, #tpu.memory_space<vmem_shared>> -> memref<10240x128xf32, #tpu.memory_space<vmem_shared>>
      tpu.enqueue_indirect_dma source(%arg14 : memref<128x128xf32, #tpu.memory_space<vmem>>) target(%dma_start3A_258 : memref<10240x128xf32, #tpu.memory_space<vmem_shared>>) offsets(%dma_start3A_255 : memref<128xi32, #tpu.memory_space<vmem>>) semaphore(%arg25 : memref<!tpu.dma_semaphore, #tpu.memory_space<semaphore_mem>>) {add = true}
      %add3A_259 = arith.constant 4 : i32
      %add3A_260 = arith.addi %add3A_237, %add3A_259 : i32
      %lt3A_261 = arith.constant 80 : i32
      %lt3A_262 = arith.cmpi slt, %add3A_260, %lt3A_261 : i32
      %convert_element_type3A_263 = arith.extui %lt3A_262 : i1 to i32
      %cond3A_264 = arith.constant 0 : i32
      %cond3A_265 = arith.cmpi ne, %convert_element_type3A_263, %cond3A_264 : i32
      scf.if %cond3A_265 {
        %add3A_330 = arith.constant 4 : i32
        %add3A_331 = arith.addi %add3A_237, %add3A_330 : i32
        %add3A_332 = arith.addi %mul3A_4, %add3A_331 : i32
        %dma_start3A_333 = arith.constant 0 : i32
        %dma_start3A_334 = arith.constant 0 : i32
        %dma_start3A_335 = tpu.memref_slice %arg2[%add3A_332, %dma_start3A_333, %dma_start3A_334] : memref<2560x2x128xi32, #tpu.memory_space<hbm>> -> memref<1x2x128xi32, #tpu.memory_space<hbm>>
        %dma_start3A_336 = tpu.memref_squeeze %dma_start3A_335 : memref<1x2x128xi32, #tpu.memory_space<hbm>> -> memref<2x128xi32, #tpu.memory_space<hbm>>
        %dma_start3A_337 = arith.constant 0 : i32
        %dma_start3A_338 = arith.constant 0 : i32
        %dma_start3A_339 = tpu.memref_slice %arg2[%add3A_332, %dma_start3A_337, %dma_start3A_338] : memref<2560x2x128xi32, #tpu.memory_space<hbm>> -> memref<1x2x128xi32, #tpu.memory_space<hbm>>
        %dma_start3A_340 = tpu.memref_squeeze %dma_start3A_339 : memref<1x2x128xi32, #tpu.memory_space<hbm>> -> memref<2x128xi32, #tpu.memory_space<hbm>>
        tpu.enqueue_dma source(%dma_start3A_340 : memref<2x128xi32, #tpu.memory_space<hbm>>) target(%arg7 : memref<2x128xi32, #tpu.memory_space<vmem>>) target_semaphore(%arg17 : memref<!tpu.dma_semaphore, #tpu.memory_space<semaphore_mem>>)
      } else {
      }
      %mul3A_266 = arith.constant 8 : i32
      %mul3A_267 = arith.muli %scan3A_77, %mul3A_266 : i32
      %add3A_268 = arith.constant 6 : i32
      %add3A_269 = arith.addi %mul3A_267, %add3A_268 : i32
      %ge3A_270 = arith.constant 4 : i32
      %ge3A_271 = arith.cmpi sge, %add3A_269, %ge3A_270 : i32
      %convert_element_type3A_272 = arith.extui %ge3A_271 : i1 to i32
      %cond3A_273 = arith.constant 0 : i32
      %cond3A_274 = arith.cmpi ne, %convert_element_type3A_272, %cond3A_273 : i32
      scf.if %cond3A_274 {
        %dma_wait3A_330 = arith.constant 1 : i32
        %dma_wait3A_331 = arith.constant 0 : i32
        %dma_wait3A_332 = tpu.memref_slice %arg8[%dma_wait3A_330, %dma_wait3A_331] : memref<2x128xi32, #tpu.memory_space<vmem>> -> memref<1x128xi32, #tpu.memory_space<vmem>>
        %dma_wait3A_333 = tpu.memref_squeeze %dma_wait3A_332 : memref<1x128xi32, #tpu.memory_space<vmem>> -> memref<128xi32, #tpu.memory_space<vmem>>
        %dma_wait3A_334 = arith.constant 0 : i32
        %dma_wait3A_335 = arith.constant 0 : i32
        %dma_wait3A_336 = tpu.memref_slice %arg15[%dma_wait3A_334, %dma_wait3A_335] : memref<10240x128xf32, #tpu.memory_space<vmem_shared>> -> memref<10240x128xf32, #tpu.memory_space<vmem_shared>>
        tpu.wait_indirect_dma semaphore(%arg26 : memref<!tpu.dma_semaphore, #tpu.memory_space<semaphore_mem>>) src(%arg14 : memref<128x128xf32, #tpu.memory_space<vmem>>) dst(%dma_wait3A_336 : memref<10240x128xf32, #tpu.memory_space<vmem_shared>>)
      } else {
      }
      %add3A_275 = arith.addi %mul3A_4, %add3A_269 : i32
      %dma_wait3A_276 = arith.constant 0 : i32
      %dma_wait3A_277 = arith.constant 0 : i32
      %dma_wait3A_278 = tpu.memref_slice %arg2[%add3A_275, %dma_wait3A_276, %dma_wait3A_277] : memref<2560x2x128xi32, #tpu.memory_space<hbm>> -> memref<1x2x128xi32, #tpu.memory_space<hbm>>
      %dma_wait3A_279 = tpu.memref_squeeze %dma_wait3A_278 : memref<1x2x128xi32, #tpu.memory_space<hbm>> -> memref<2x128xi32, #tpu.memory_space<hbm>>
      %dma_wait3A_280 = arith.constant 0 : i32
      %dma_wait3A_281 = arith.constant 0 : i32
      %dma_wait3A_282 = tpu.memref_slice %arg2[%add3A_275, %dma_wait3A_280, %dma_wait3A_281] : memref<2560x2x128xi32, #tpu.memory_space<hbm>> -> memref<1x2x128xi32, #tpu.memory_space<hbm>>
      %dma_wait3A_283 = tpu.memref_squeeze %dma_wait3A_282 : memref<1x2x128xi32, #tpu.memory_space<hbm>> -> memref<2x128xi32, #tpu.memory_space<hbm>>
      tpu.wait_dma2 semaphore(%arg22 : memref<!tpu.dma_semaphore, #tpu.memory_space<semaphore_mem>>) src(%dma_wait3A_283 : memref<2x128xi32, #tpu.memory_space<hbm>>) dst(%arg12 : memref<2x128xi32, #tpu.memory_space<vmem>>)
      %dma_start3A_284 = arith.constant 1 : i32
      %dma_start3A_285 = arith.constant 0 : i32
      %dma_start3A_286 = tpu.memref_slice %arg12[%dma_start3A_284, %dma_start3A_285] : memref<2x128xi32, #tpu.memory_space<vmem>> -> memref<1x128xi32, #tpu.memory_space<vmem>>
      %dma_start3A_287 = tpu.memref_squeeze %dma_start3A_286 : memref<1x128xi32, #tpu.memory_space<vmem>> -> memref<128xi32, #tpu.memory_space<vmem>>
      %dma_start3A_288 = arith.constant 0 : i32
      %dma_start3A_289 = arith.constant 0 : i32
      %dma_start3A_290 = tpu.memref_slice %arg15[%dma_start3A_288, %dma_start3A_289] : memref<10240x128xf32, #tpu.memory_space<vmem_shared>> -> memref<10240x128xf32, #tpu.memory_space<vmem_shared>>
      tpu.enqueue_indirect_dma source(%arg14 : memref<128x128xf32, #tpu.memory_space<vmem>>) target(%dma_start3A_290 : memref<10240x128xf32, #tpu.memory_space<vmem_shared>>) offsets(%dma_start3A_287 : memref<128xi32, #tpu.memory_space<vmem>>) semaphore(%arg26 : memref<!tpu.dma_semaphore, #tpu.memory_space<semaphore_mem>>) {add = true}
      %add3A_291 = arith.constant 4 : i32
      %add3A_292 = arith.addi %add3A_269, %add3A_291 : i32
      %lt3A_293 = arith.constant 80 : i32
      %lt3A_294 = arith.cmpi slt, %add3A_292, %lt3A_293 : i32
      %convert_element_type3A_295 = arith.extui %lt3A_294 : i1 to i32
      %cond3A_296 = arith.constant 0 : i32
      %cond3A_297 = arith.cmpi ne, %convert_element_type3A_295, %cond3A_296 : i32
      scf.if %cond3A_297 {
        %add3A_330 = arith.constant 4 : i32
        %add3A_331 = arith.addi %add3A_269, %add3A_330 : i32
        %add3A_332 = arith.addi %mul3A_4, %add3A_331 : i32
        %dma_start3A_333 = arith.constant 0 : i32
        %dma_start3A_334 = arith.constant 0 : i32
        %dma_start3A_335 = tpu.memref_slice %arg2[%add3A_332, %dma_start3A_333, %dma_start3A_334] : memref<2560x2x128xi32, #tpu.memory_space<hbm>> -> memref<1x2x128xi32, #tpu.memory_space<hbm>>
        %dma_start3A_336 = tpu.memref_squeeze %dma_start3A_335 : memref<1x2x128xi32, #tpu.memory_space<hbm>> -> memref<2x128xi32, #tpu.memory_space<hbm>>
        %dma_start3A_337 = arith.constant 0 : i32
        %dma_start3A_338 = arith.constant 0 : i32
        %dma_start3A_339 = tpu.memref_slice %arg2[%add3A_332, %dma_start3A_337, %dma_start3A_338] : memref<2560x2x128xi32, #tpu.memory_space<hbm>> -> memref<1x2x128xi32, #tpu.memory_space<hbm>>
        %dma_start3A_340 = tpu.memref_squeeze %dma_start3A_339 : memref<1x2x128xi32, #tpu.memory_space<hbm>> -> memref<2x128xi32, #tpu.memory_space<hbm>>
        tpu.enqueue_dma source(%dma_start3A_340 : memref<2x128xi32, #tpu.memory_space<hbm>>) target(%arg8 : memref<2x128xi32, #tpu.memory_space<vmem>>) target_semaphore(%arg18 : memref<!tpu.dma_semaphore, #tpu.memory_space<semaphore_mem>>)
      } else {
      }
      %mul3A_298 = arith.constant 8 : i32
      %mul3A_299 = arith.muli %scan3A_77, %mul3A_298 : i32
      %add3A_300 = arith.constant 7 : i32
      %add3A_301 = arith.addi %mul3A_299, %add3A_300 : i32
      %ge3A_302 = arith.constant 4 : i32
      %ge3A_303 = arith.cmpi sge, %add3A_301, %ge3A_302 : i32
      %convert_element_type3A_304 = arith.extui %ge3A_303 : i1 to i32
      %cond3A_305 = arith.constant 0 : i32
      %cond3A_306 = arith.cmpi ne, %convert_element_type3A_304, %cond3A_305 : i32
      scf.if %cond3A_306 {
        %dma_wait3A_330 = arith.constant 1 : i32
        %dma_wait3A_331 = arith.constant 0 : i32
        %dma_wait3A_332 = tpu.memref_slice %arg9[%dma_wait3A_330, %dma_wait3A_331] : memref<2x128xi32, #tpu.memory_space<vmem>> -> memref<1x128xi32, #tpu.memory_space<vmem>>
        %dma_wait3A_333 = tpu.memref_squeeze %dma_wait3A_332 : memref<1x128xi32, #tpu.memory_space<vmem>> -> memref<128xi32, #tpu.memory_space<vmem>>
        %dma_wait3A_334 = arith.constant 0 : i32
        %dma_wait3A_335 = arith.constant 0 : i32
        %dma_wait3A_336 = tpu.memref_slice %arg15[%dma_wait3A_334, %dma_wait3A_335] : memref<10240x128xf32, #tpu.memory_space<vmem_shared>> -> memref<10240x128xf32, #tpu.memory_space<vmem_shared>>
        tpu.wait_indirect_dma semaphore(%arg27 : memref<!tpu.dma_semaphore, #tpu.memory_space<semaphore_mem>>) src(%arg14 : memref<128x128xf32, #tpu.memory_space<vmem>>) dst(%dma_wait3A_336 : memref<10240x128xf32, #tpu.memory_space<vmem_shared>>)
      } else {
      }
      %add3A_307 = arith.addi %mul3A_4, %add3A_301 : i32
      %dma_wait3A_308 = arith.constant 0 : i32
      %dma_wait3A_309 = arith.constant 0 : i32
      %dma_wait3A_310 = tpu.memref_slice %arg2[%add3A_307, %dma_wait3A_308, %dma_wait3A_309] : memref<2560x2x128xi32, #tpu.memory_space<hbm>> -> memref<1x2x128xi32, #tpu.memory_space<hbm>>
      %dma_wait3A_311 = tpu.memref_squeeze %dma_wait3A_310 : memref<1x2x128xi32, #tpu.memory_space<hbm>> -> memref<2x128xi32, #tpu.memory_space<hbm>>
      %dma_wait3A_312 = arith.constant 0 : i32
      %dma_wait3A_313 = arith.constant 0 : i32
      %dma_wait3A_314 = tpu.memref_slice %arg2[%add3A_307, %dma_wait3A_312, %dma_wait3A_313] : memref<2560x2x128xi32, #tpu.memory_space<hbm>> -> memref<1x2x128xi32, #tpu.memory_space<hbm>>
      %dma_wait3A_315 = tpu.memref_squeeze %dma_wait3A_314 : memref<1x2x128xi32, #tpu.memory_space<hbm>> -> memref<2x128xi32, #tpu.memory_space<hbm>>
      tpu.wait_dma2 semaphore(%arg23 : memref<!tpu.dma_semaphore, #tpu.memory_space<semaphore_mem>>) src(%dma_wait3A_315 : memref<2x128xi32, #tpu.memory_space<hbm>>) dst(%arg13 : memref<2x128xi32, #tpu.memory_space<vmem>>)
      %dma_start3A_316 = arith.constant 1 : i32
      %dma_start3A_317 = arith.constant 0 : i32
      %dma_start3A_318 = tpu.memref_slice %arg13[%dma_start3A_316, %dma_start3A_317] : memref<2x128xi32, #tpu.memory_space<vmem>> -> memref<1x128xi32, #tpu.memory_space<vmem>>
      %dma_start3A_319 = tpu.memref_squeeze %dma_start3A_318 : memref<1x128xi32, #tpu.memory_space<vmem>> -> memref<128xi32, #tpu.memory_space<vmem>>
      %dma_start3A_320 = arith.constant 0 : i32
      %dma_start3A_321 = arith.constant 0 : i32
      %dma_start3A_322 = tpu.memref_slice %arg15[%dma_start3A_320, %dma_start3A_321] : memref<10240x128xf32, #tpu.memory_space<vmem_shared>> -> memref<10240x128xf32, #tpu.memory_space<vmem_shared>>
      tpu.enqueue_indirect_dma source(%arg14 : memref<128x128xf32, #tpu.memory_space<vmem>>) target(%dma_start3A_322 : memref<10240x128xf32, #tpu.memory_space<vmem_shared>>) offsets(%dma_start3A_319 : memref<128xi32, #tpu.memory_space<vmem>>) semaphore(%arg27 : memref<!tpu.dma_semaphore, #tpu.memory_space<semaphore_mem>>) {add = true}
      %add3A_323 = arith.constant 4 : i32
      %add3A_324 = arith.addi %add3A_301, %add3A_323 : i32
      %lt3A_325 = arith.constant 80 : i32
      %lt3A_326 = arith.cmpi slt, %add3A_324, %lt3A_325 : i32
      %convert_element_type3A_327 = arith.extui %lt3A_326 : i1 to i32
      %cond3A_328 = arith.constant 0 : i32
      %cond3A_329 = arith.cmpi ne, %convert_element_type3A_327, %cond3A_328 : i32
      scf.if %cond3A_329 {
        %add3A_330 = arith.constant 4 : i32
        %add3A_331 = arith.addi %add3A_301, %add3A_330 : i32
        %add3A_332 = arith.addi %mul3A_4, %add3A_331 : i32
        %dma_start3A_333 = arith.constant 0 : i32
        %dma_start3A_334 = arith.constant 0 : i32
        %dma_start3A_335 = tpu.memref_slice %arg2[%add3A_332, %dma_start3A_333, %dma_start3A_334] : memref<2560x2x128xi32, #tpu.memory_space<hbm>> -> memref<1x2x128xi32, #tpu.memory_space<hbm>>
        %dma_start3A_336 = tpu.memref_squeeze %dma_start3A_335 : memref<1x2x128xi32, #tpu.memory_space<hbm>> -> memref<2x128xi32, #tpu.memory_space<hbm>>
        %dma_start3A_337 = arith.constant 0 : i32
        %dma_start3A_338 = arith.constant 0 : i32
        %dma_start3A_339 = tpu.memref_slice %arg2[%add3A_332, %dma_start3A_337, %dma_start3A_338] : memref<2560x2x128xi32, #tpu.memory_space<hbm>> -> memref<1x2x128xi32, #tpu.memory_space<hbm>>
        %dma_start3A_340 = tpu.memref_squeeze %dma_start3A_339 : memref<1x2x128xi32, #tpu.memory_space<hbm>> -> memref<2x128xi32, #tpu.memory_space<hbm>>
        tpu.enqueue_dma source(%dma_start3A_340 : memref<2x128xi32, #tpu.memory_space<hbm>>) target(%arg9 : memref<2x128xi32, #tpu.memory_space<vmem>>) target_semaphore(%arg19 : memref<!tpu.dma_semaphore, #tpu.memory_space<semaphore_mem>>)
      } else {
      }
    }
    %scan3A_48 = arith.constant 10 : i32
    %dma_wait3A = arith.constant 1 : i32
    %dma_wait3A_49 = arith.constant 0 : i32
    %dma_wait3A_50 = tpu.memref_slice %arg6[%dma_wait3A, %dma_wait3A_49] : memref<2x128xi32, #tpu.memory_space<vmem>> -> memref<1x128xi32, #tpu.memory_space<vmem>>
    %dma_wait3A_51 = tpu.memref_squeeze %dma_wait3A_50 : memref<1x128xi32, #tpu.memory_space<vmem>> -> memref<128xi32, #tpu.memory_space<vmem>>
    %dma_wait3A_52 = arith.constant 0 : i32
    %dma_wait3A_53 = arith.constant 0 : i32
    %dma_wait3A_54 = tpu.memref_slice %arg15[%dma_wait3A_52, %dma_wait3A_53] : memref<10240x128xf32, #tpu.memory_space<vmem_shared>> -> memref<10240x128xf32, #tpu.memory_space<vmem_shared>>
    tpu.wait_indirect_dma semaphore(%arg24 : memref<!tpu.dma_semaphore, #tpu.memory_space<semaphore_mem>>) src(%arg14 : memref<128x128xf32, #tpu.memory_space<vmem>>) dst(%dma_wait3A_54 : memref<10240x128xf32, #tpu.memory_space<vmem_shared>>)
    %dma_wait3A_55 = arith.constant 1 : i32
    %dma_wait3A_56 = arith.constant 0 : i32
    %dma_wait3A_57 = tpu.memref_slice %arg7[%dma_wait3A_55, %dma_wait3A_56] : memref<2x128xi32, #tpu.memory_space<vmem>> -> memref<1x128xi32, #tpu.memory_space<vmem>>
    %dma_wait3A_58 = tpu.memref_squeeze %dma_wait3A_57 : memref<1x128xi32, #tpu.memory_space<vmem>> -> memref<128xi32, #tpu.memory_space<vmem>>
    %dma_wait3A_59 = arith.constant 0 : i32
    %dma_wait3A_60 = arith.constant 0 : i32
    %dma_wait3A_61 = tpu.memref_slice %arg15[%dma_wait3A_59, %dma_wait3A_60] : memref<10240x128xf32, #tpu.memory_space<vmem_shared>> -> memref<10240x128xf32, #tpu.memory_space<vmem_shared>>
    tpu.wait_indirect_dma semaphore(%arg25 : memref<!tpu.dma_semaphore, #tpu.memory_space<semaphore_mem>>) src(%arg14 : memref<128x128xf32, #tpu.memory_space<vmem>>) dst(%dma_wait3A_61 : memref<10240x128xf32, #tpu.memory_space<vmem_shared>>)
    %dma_wait3A_62 = arith.constant 1 : i32
    %dma_wait3A_63 = arith.constant 0 : i32
    %dma_wait3A_64 = tpu.memref_slice %arg8[%dma_wait3A_62, %dma_wait3A_63] : memref<2x128xi32, #tpu.memory_space<vmem>> -> memref<1x128xi32, #tpu.memory_space<vmem>>
    %dma_wait3A_65 = tpu.memref_squeeze %dma_wait3A_64 : memref<1x128xi32, #tpu.memory_space<vmem>> -> memref<128xi32, #tpu.memory_space<vmem>>
    %dma_wait3A_66 = arith.constant 0 : i32
    %dma_wait3A_67 = arith.constant 0 : i32
    %dma_wait3A_68 = tpu.memref_slice %arg15[%dma_wait3A_66, %dma_wait3A_67] : memref<10240x128xf32, #tpu.memory_space<vmem_shared>> -> memref<10240x128xf32, #tpu.memory_space<vmem_shared>>
    tpu.wait_indirect_dma semaphore(%arg26 : memref<!tpu.dma_semaphore, #tpu.memory_space<semaphore_mem>>) src(%arg14 : memref<128x128xf32, #tpu.memory_space<vmem>>) dst(%dma_wait3A_68 : memref<10240x128xf32, #tpu.memory_space<vmem_shared>>)
    %dma_wait3A_69 = arith.constant 1 : i32
    %dma_wait3A_70 = arith.constant 0 : i32
    %dma_wait3A_71 = tpu.memref_slice %arg9[%dma_wait3A_69, %dma_wait3A_70] : memref<2x128xi32, #tpu.memory_space<vmem>> -> memref<1x128xi32, #tpu.memory_space<vmem>>
    %dma_wait3A_72 = tpu.memref_squeeze %dma_wait3A_71 : memref<1x128xi32, #tpu.memory_space<vmem>> -> memref<128xi32, #tpu.memory_space<vmem>>
    %dma_wait3A_73 = arith.constant 0 : i32
    %dma_wait3A_74 = arith.constant 0 : i32
    %dma_wait3A_75 = tpu.memref_slice %arg15[%dma_wait3A_73, %dma_wait3A_74] : memref<10240x128xf32, #tpu.memory_space<vmem_shared>> -> memref<10240x128xf32, #tpu.memory_space<vmem_shared>>
    tpu.wait_indirect_dma semaphore(%arg27 : memref<!tpu.dma_semaphore, #tpu.memory_space<semaphore_mem>>) src(%arg14 : memref<128x128xf32, #tpu.memory_space<vmem>>) dst(%dma_wait3A_75 : memref<10240x128xf32, #tpu.memory_space<vmem_shared>>)
    %barrier3A_76 = arith.constant 0 : index
    tpu.barrier barrier_id(%barrier3A_76)
    "tpu.region"() ({
      %run_scoped3A = tpu.sem_alloc : memref<!tpu.dma_semaphore, #tpu.memory_space<semaphore_mem>>
      %dma_start3A_77 = arith.constant 0 : i32
      %dma_start3A_78 = tpu.memref_slice %arg5[%arg0, %mul3A_0, %dma_start3A_77] : memref<2x10240x128xf32, #tpu.memory_space<hbm>> -> memref<1x640x128xf32, #tpu.memory_space<hbm>>
      %dma_start3A_79 = tpu.memref_squeeze %dma_start3A_78 : memref<1x640x128xf32, #tpu.memory_space<hbm>> -> memref<640x128xf32, #tpu.memory_space<hbm>>
      %dma_start3A_80 = arith.constant 0 : i32
      %dma_start3A_81 = tpu.memref_slice %arg15[%mul3A_0, %dma_start3A_80] : memref<10240x128xf32, #tpu.memory_space<vmem_shared>> -> memref<640x128xf32, #tpu.memory_space<vmem_shared>>
      tpu.enqueue_dma source(%dma_start3A_81 : memref<640x128xf32, #tpu.memory_space<vmem_shared>>) target(%dma_start3A_79 : memref<640x128xf32, #tpu.memory_space<hbm>>) target_semaphore(%run_scoped3A : memref<!tpu.dma_semaphore, #tpu.memory_space<semaphore_mem>>)
      %dma_wait3A_82 = arith.constant 0 : i32
      %dma_wait3A_83 = tpu.memref_slice %arg5[%arg0, %mul3A_0, %dma_wait3A_82] : memref<2x10240x128xf32, #tpu.memory_space<hbm>> -> memref<1x640x128xf32, #tpu.memory_space<hbm>>
      %dma_wait3A_84 = tpu.memref_squeeze %dma_wait3A_83 : memref<1x640x128xf32, #tpu.memory_space<hbm>> -> memref<640x128xf32, #tpu.memory_space<hbm>>
      %dma_wait3A_85 = arith.constant 0 : i32
      %dma_wait3A_86 = tpu.memref_slice %arg15[%mul3A_0, %dma_wait3A_85] : memref<10240x128xf32, #tpu.memory_space<vmem_shared>> -> memref<640x128xf32, #tpu.memory_space<vmem_shared>>
      tpu.wait_dma2 semaphore(%run_scoped3A : memref<!tpu.dma_semaphore, #tpu.memory_space<semaphore_mem>>) src(%dma_wait3A_86 : memref<640x128xf32, #tpu.memory_space<vmem_shared>>) dst(%dma_wait3A_84 : memref<640x128xf32, #tpu.memory_space<hbm>>)
      tpu.yield
    }) : () -> ()
    return
  }
}

module attributes {stable_mosaic.version = 14 : i64} {
  func.func @_zscale_body(%arg0: i32, %arg1: memref<1024x128xf32, #tpu.memory_space<vmem>>, %arg2: memref<128x128xf32, #tpu.memory_space<vmem>>, %arg3: memref<2x1024x128xf32, #tpu.memory_space<vmem>>, %arg4: memref<1024x128xf32, #tpu.memory_space<vmem>>) attributes {dimension_semantics = [#tpu.dimension_semantics<arbitrary>], iteration_bounds = array<i64: 10>, scalar_prefetch = 0 : i64, scratch_operands = 0 : i64, tpu.core_type = #tpu.core_type<tc>, window_params = [{transform_indices = @transform_0, window_bounds = array<i64: 1024, 128>}, {pipeline_mode = #tpu.pipeline_mode<synchronous>, transform_indices = @transform_1, window_bounds = array<i64: 128, 128>}, {transform_indices = @transform_2, window_bounds = array<i64: 2, 1024, 128>}, {transform_indices = @transform_3, window_bounds = array<i64: 1024, 128>}]} {
    %get3A = arith.constant 0 : index
    %get3A_0 = arith.constant 0 : index
    %get3A_1 = arith.constant 0 : index
    %get3A_2 = vector.load %arg3[%get3A, %get3A_0, %get3A_1] : memref<2x1024x128xf32, #tpu.memory_space<vmem>>, vector<2x1024x128xf32>
    %reduce_sum3A = arith.constant dense<0.000000e+00> : vector<1024xf32>
    %reduce_sum3A_3 = vector.multi_reduction <add>, %get3A_2, %reduce_sum3A [0, 2] : vector<2x1024x128xf32> to vector<1024xf32>
    %add3A = arith.constant 1.000000e+00 : f32
    %add3A_4 = vector.broadcast %add3A : f32 to vector<1024xf32>
    %add3A_5 = arith.addf %reduce_sum3A_3, %add3A_4 : vector<1024xf32>
    %rsqrt3A = math.rsqrt %add3A_5 : vector<1024xf32>
    %broadcast_in_dim3A = vector.shape_cast %rsqrt3A : vector<1024xf32> to vector<1024x1xf32>
    %get3A_6 = arith.constant 0 : index
    %get3A_7 = arith.constant 0 : index
    %get3A_8 = vector.load %arg1[%get3A_6, %get3A_7] : memref<1024x128xf32, #tpu.memory_space<vmem>>, vector<1024x128xf32>
    %get3A_9 = arith.constant 0 : index
    %get3A_10 = arith.constant 0 : index
    %get3A_11 = vector.load %arg2[%get3A_9, %get3A_10] : memref<128x128xf32, #tpu.memory_space<vmem>>, vector<128x128xf32>
    %dot_general3A = arith.constant dense<0.000000e+00> : vector<1024x128xf32>
    %dot_general3A_12 = tpu.matmul %get3A_8, %get3A_11, %dot_general3A {dimension_numbers = #tpu.dot_dimension_numbers<[1], [0], [0], [1], [0, 0, 1, 1], [], []>, transpose_lhs_hint = false} : vector<1024x128xf32>, vector<128x128xf32>, vector<1024x128xf32> -> vector<1024x128xf32>
    %mul3A = vector.broadcast %broadcast_in_dim3A : vector<1024x1xf32> to vector<1024x128xf32>
    %mul3A_13 = arith.mulf %dot_general3A_12, %mul3A : vector<1024x128xf32>
    %swap3A = arith.constant 0 : index
    %swap3A_14 = arith.constant 0 : index
    %swap3A_15 = vector.load %arg4[%swap3A, %swap3A_14] : memref<1024x128xf32, #tpu.memory_space<vmem>>, vector<1024x128xf32>
    tpu.vector_store %arg4[%swap3A, %swap3A_14], %mul3A_13 {strides = array<i32>} : memref<1024x128xf32, #tpu.memory_space<vmem>>, vector<1024x128xf32>,
    return
  }
  func.func @transform_0(%arg0: i32) -> (i32, i32) {
    %c0_i32 = arith.constant 0 : i32
    %c0_i32_0 = arith.constant 0 : i32
    return %arg0, %c0_i32 : i32, i32
  }
  func.func @transform_1(%arg0: i32) -> (i32, i32) {
    %c0_i32 = arith.constant 0 : i32
    %c0_i32_0 = arith.constant 0 : i32
    %c0_i32_1 = arith.constant 0 : i32
    return %c0_i32, %c0_i32_0 : i32, i32
  }
  func.func @transform_2(%arg0: i32) -> (i32, i32, i32) {
    %c0_i32 = arith.constant 0 : i32
    %c0_i32_0 = arith.constant 0 : i32
    %c0_i32_1 = arith.constant 0 : i32
    return %c0_i32, %arg0, %c0_i32_0 : i32, i32, i32
  }
  func.func @transform_3(%arg0: i32) -> (i32, i32) {
    %c0_i32 = arith.constant 0 : i32
    %c0_i32_0 = arith.constant 0 : i32
    return %arg0, %c0_i32 : i32, i32
  }
}

module attributes {stable_mosaic.version = 14 : i64} {
  func.func @_layer2_body(%arg0: i32, %arg1: memref<2x1024x128xf32, #tpu.memory_space<vmem>>, %arg2: memref<1024x128xf32, #tpu.memory_space<vmem>>, %arg3: memref<2x1024x128xf32, #tpu.memory_space<vmem>>, %arg4: memref<1x128xf32, #tpu.memory_space<vmem>>, %arg5: memref<128x128xf32, #tpu.memory_space<vmem>>, %arg6: memref<1024x128xf32, #tpu.memory_space<vmem>>) attributes {dimension_semantics = [#tpu.dimension_semantics<arbitrary>], iteration_bounds = array<i64: 10>, scalar_prefetch = 0 : i64, scratch_operands = 0 : i64, tpu.core_type = #tpu.core_type<tc>, window_params = [{transform_indices = @transform_0, window_bounds = array<i64: 2, 1024, 128>}, {transform_indices = @transform_1, window_bounds = array<i64: 1024, 128>}, {transform_indices = @transform_2, window_bounds = array<i64: 2, 1024, 128>}, {pipeline_mode = #tpu.pipeline_mode<synchronous>, transform_indices = @transform_3, window_bounds = array<i64: 1, 128>}, {pipeline_mode = #tpu.pipeline_mode<synchronous>, transform_indices = @transform_4, window_bounds = array<i64: 128, 128>}, {transform_indices = @transform_5, window_bounds = array<i64: 1024, 128>}]} {
    %get3A = arith.constant 0 : index
    %get3A_0 = arith.constant 0 : index
    %get3A_1 = arith.constant 0 : index
    %get3A_2 = vector.load %arg3[%get3A, %get3A_0, %get3A_1] : memref<2x1024x128xf32, #tpu.memory_space<vmem>>, vector<2x1024x128xf32>
    %reduce_sum3A = arith.constant dense<0.000000e+00> : vector<1024xf32>
    %reduce_sum3A_3 = vector.multi_reduction <add>, %get3A_2, %reduce_sum3A [0, 2] : vector<2x1024x128xf32> to vector<1024xf32>
    %add3A = arith.constant 1.000000e+00 : f32
    %add3A_4 = vector.broadcast %add3A : f32 to vector<1024xf32>
    %add3A_5 = arith.addf %reduce_sum3A_3, %add3A_4 : vector<1024xf32>
    %rsqrt3A = math.rsqrt %add3A_5 : vector<1024xf32>
    %broadcast_in_dim3A = vector.shape_cast %rsqrt3A : vector<1024xf32> to vector<1024x1xf32>
    %get3A_6 = arith.constant 0 : index
    %get3A_7 = arith.constant 0 : index
    %get3A_8 = arith.constant 0 : index
    %get3A_9 = vector.load %arg1[%get3A_6, %get3A_7, %get3A_8] : memref<2x1024x128xf32, #tpu.memory_space<vmem>>, vector<2x1024x128xf32>
    %slice3A = vector.extract_strided_slice %get3A_9 {offsets = [0, 0, 0], sizes = [1, 1024, 128], strides = [1, 1, 1]} : vector<2x1024x128xf32> to vector<1x1024x128xf32>
    %squeeze3A = vector.shape_cast %slice3A : vector<1x1024x128xf32> to vector<1024x128xf32>
    %slice3A_10 = vector.extract_strided_slice %get3A_9 {offsets = [1, 0, 0], sizes = [1, 1024, 128], strides = [1, 1, 1]} : vector<2x1024x128xf32> to vector<1x1024x128xf32>
    %squeeze3A_11 = vector.shape_cast %slice3A_10 : vector<1x1024x128xf32> to vector<1024x128xf32>
    %add3A_12 = arith.addf %squeeze3A, %squeeze3A_11 : vector<1024x128xf32>
    %get3A_13 = arith.constant 0 : index
    %get3A_14 = arith.constant 0 : index
    %get3A_15 = vector.load %arg2[%get3A_13, %get3A_14] : memref<1024x128xf32, #tpu.memory_space<vmem>>, vector<1024x128xf32>
    %add3A_16 = arith.addf %add3A_12, %get3A_15 : vector<1024x128xf32>
    %mul3A = vector.broadcast %broadcast_in_dim3A : vector<1024x1xf32> to vector<1024x128xf32>
    %mul3A_17 = arith.mulf %add3A_16, %mul3A : vector<1024x128xf32>
    %get3A_18 = arith.constant 0 : index
    %get3A_19 = arith.constant 0 : index
    %get3A_20 = vector.load %arg4[%get3A_18, %get3A_19] : memref<1x128xf32, #tpu.memory_space<vmem>>, vector<1x128xf32>
    %add3A_21 = vector.broadcast %get3A_20 : vector<1x128xf32> to vector<1024x128xf32>
    %add3A_22 = arith.addf %mul3A_17, %add3A_21 : vector<1024x128xf32>
    %max3A = arith.constant 0.000000e+00 : f32
    %max3A_23 = vector.broadcast %max3A : f32 to vector<1024x128xf32>
    %max3A_24 = arith.maximumf %add3A_22, %max3A_23 : vector<1024x128xf32>
    %get3A_25 = arith.constant 0 : index
    %get3A_26 = arith.constant 0 : index
    %get3A_27 = vector.load %arg5[%get3A_25, %get3A_26] : memref<128x128xf32, #tpu.memory_space<vmem>>, vector<128x128xf32>
    %dot_general3A = arith.constant dense<0.000000e+00> : vector<1024x128xf32>
    %dot_general3A_28 = tpu.matmul %max3A_24, %get3A_27, %dot_general3A {dimension_numbers = #tpu.dot_dimension_numbers<[1], [0], [0], [1], [0, 0, 1, 1], [], []>, transpose_lhs_hint = false} : vector<1024x128xf32>, vector<128x128xf32>, vector<1024x128xf32> -> vector<1024x128xf32>
    %mul3A_29 = vector.broadcast %broadcast_in_dim3A : vector<1024x1xf32> to vector<1024x128xf32>
    %mul3A_30 = arith.mulf %dot_general3A_28, %mul3A_29 : vector<1024x128xf32>
    %swap3A = arith.constant 0 : index
    %swap3A_31 = arith.constant 0 : index
    %swap3A_32 = vector.load %arg6[%swap3A, %swap3A_31] : memref<1024x128xf32, #tpu.memory_space<vmem>>, vector<1024x128xf32>
    tpu.vector_store %arg6[%swap3A, %swap3A_31], %mul3A_30 {strides = array<i32>} : memref<1024x128xf32, #tpu.memory_space<vmem>>, vector<1024x128xf32>,
    return
  }
  func.func @transform_0(%arg0: i32) -> (i32, i32, i32) {
    %c0_i32 = arith.constant 0 : i32
    %c0_i32_0 = arith.constant 0 : i32
    %c0_i32_1 = arith.constant 0 : i32
    return %c0_i32, %arg0, %c0_i32_0 : i32, i32, i32
  }
  func.func @transform_1(%arg0: i32) -> (i32, i32) {
    %c0_i32 = arith.constant 0 : i32
    %c0_i32_0 = arith.constant 0 : i32
    return %arg0, %c0_i32 : i32, i32
  }
  func.func @transform_2(%arg0: i32) -> (i32, i32, i32) {
    %c0_i32 = arith.constant 0 : i32
    %c0_i32_0 = arith.constant 0 : i32
    %c0_i32_1 = arith.constant 0 : i32
    return %c0_i32, %arg0, %c0_i32_0 : i32, i32, i32
  }
  func.func @transform_3(%arg0: i32) -> (i32, i32) {
    %c0_i32 = arith.constant 0 : i32
    %c0_i32_0 = arith.constant 0 : i32
    %c0_i32_1 = arith.constant 0 : i32
    return %c0_i32, %c0_i32_0 : i32, i32
  }
  func.func @transform_4(%arg0: i32) -> (i32, i32) {
    %c0_i32 = arith.constant 0 : i32
    %c0_i32_0 = arith.constant 0 : i32
    %c0_i32_1 = arith.constant 0 : i32
    return %c0_i32, %c0_i32_0 : i32, i32
  }
  func.func @transform_5(%arg0: i32) -> (i32, i32) {
    %c0_i32 = arith.constant 0 : i32
    %c0_i32_0 = arith.constant 0 : i32
    return %arg0, %c0_i32 : i32, i32
  }
}

module attributes {stable_mosaic.version = 14 : i64} {
  func.func @_head_body(%arg0: i32, %arg1: memref<2x1024x128xf32, #tpu.memory_space<vmem>>, %arg2: memref<1024x128xf32, #tpu.memory_space<vmem>>, %arg3: memref<2x1024x128xf32, #tpu.memory_space<vmem>>, %arg4: memref<1x128xf32, #tpu.memory_space<vmem>>, %arg5: memref<128x128xf32, #tpu.memory_space<vmem>>, %arg6: memref<1x128xf32, #tpu.memory_space<vmem>>, %arg7: memref<1024x128xf32, #tpu.memory_space<vmem>>, %arg8: memref<1024x128xf32, #tpu.memory_space<vmem>>) attributes {dimension_semantics = [#tpu.dimension_semantics<arbitrary>], iteration_bounds = array<i64: 10>, scalar_prefetch = 0 : i64, scratch_operands = 0 : i64, tpu.core_type = #tpu.core_type<tc>, window_params = [{transform_indices = @transform_0, window_bounds = array<i64: 2, 1024, 128>}, {transform_indices = @transform_1, window_bounds = array<i64: 1024, 128>}, {transform_indices = @transform_2, window_bounds = array<i64: 2, 1024, 128>}, {pipeline_mode = #tpu.pipeline_mode<synchronous>, transform_indices = @transform_3, window_bounds = array<i64: 1, 128>}, {pipeline_mode = #tpu.pipeline_mode<synchronous>, transform_indices = @transform_4, window_bounds = array<i64: 128, 128>}, {pipeline_mode = #tpu.pipeline_mode<synchronous>, transform_indices = @transform_5, window_bounds = array<i64: 1, 128>}, {transform_indices = @transform_6, window_bounds = array<i64: 1024, 128>}, {transform_indices = @transform_7, window_bounds = array<i64: 1024, 128>}]} {
    %get3A = arith.constant 0 : index
    %get3A_0 = arith.constant 0 : index
    %get3A_1 = arith.constant 0 : index
    %get3A_2 = vector.load %arg3[%get3A, %get3A_0, %get3A_1] : memref<2x1024x128xf32, #tpu.memory_space<vmem>>, vector<2x1024x128xf32>
    %reduce_sum3A = arith.constant dense<0.000000e+00> : vector<1024xf32>
    %reduce_sum3A_3 = vector.multi_reduction <add>, %get3A_2, %reduce_sum3A [0, 2] : vector<2x1024x128xf32> to vector<1024xf32>
    %add3A = arith.constant 1.000000e+00 : f32
    %add3A_4 = vector.broadcast %add3A : f32 to vector<1024xf32>
    %add3A_5 = arith.addf %reduce_sum3A_3, %add3A_4 : vector<1024xf32>
    %rsqrt3A = math.rsqrt %add3A_5 : vector<1024xf32>
    %broadcast_in_dim3A = vector.shape_cast %rsqrt3A : vector<1024xf32> to vector<1024x1xf32>
    %get3A_6 = arith.constant 0 : index
    %get3A_7 = arith.constant 0 : index
    %get3A_8 = arith.constant 0 : index
    %get3A_9 = vector.load %arg1[%get3A_6, %get3A_7, %get3A_8] : memref<2x1024x128xf32, #tpu.memory_space<vmem>>, vector<2x1024x128xf32>
    %slice3A = vector.extract_strided_slice %get3A_9 {offsets = [0, 0, 0], sizes = [1, 1024, 128], strides = [1, 1, 1]} : vector<2x1024x128xf32> to vector<1x1024x128xf32>
    %squeeze3A = vector.shape_cast %slice3A : vector<1x1024x128xf32> to vector<1024x128xf32>
    %slice3A_10 = vector.extract_strided_slice %get3A_9 {offsets = [1, 0, 0], sizes = [1, 1024, 128], strides = [1, 1, 1]} : vector<2x1024x128xf32> to vector<1x1024x128xf32>
    %squeeze3A_11 = vector.shape_cast %slice3A_10 : vector<1x1024x128xf32> to vector<1024x128xf32>
    %add3A_12 = arith.addf %squeeze3A, %squeeze3A_11 : vector<1024x128xf32>
    %get3A_13 = arith.constant 0 : index
    %get3A_14 = arith.constant 0 : index
    %get3A_15 = vector.load %arg2[%get3A_13, %get3A_14] : memref<1024x128xf32, #tpu.memory_space<vmem>>, vector<1024x128xf32>
    %add3A_16 = arith.addf %add3A_12, %get3A_15 : vector<1024x128xf32>
    %mul3A = vector.broadcast %broadcast_in_dim3A : vector<1024x1xf32> to vector<1024x128xf32>
    %mul3A_17 = arith.mulf %add3A_16, %mul3A : vector<1024x128xf32>
    %get3A_18 = arith.constant 0 : index
    %get3A_19 = arith.constant 0 : index
    %get3A_20 = vector.load %arg4[%get3A_18, %get3A_19] : memref<1x128xf32, #tpu.memory_space<vmem>>, vector<1x128xf32>
    %add3A_21 = vector.broadcast %get3A_20 : vector<1x128xf32> to vector<1024x128xf32>
    %add3A_22 = arith.addf %mul3A_17, %add3A_21 : vector<1024x128xf32>
    %swap3A = arith.constant 0 : index
    %swap3A_23 = arith.constant 0 : index
    %swap3A_24 = vector.load %arg7[%swap3A, %swap3A_23] : memref<1024x128xf32, #tpu.memory_space<vmem>>, vector<1024x128xf32>
    tpu.vector_store %arg7[%swap3A, %swap3A_23], %add3A_22 {strides = array<i32>} : memref<1024x128xf32, #tpu.memory_space<vmem>>, vector<1024x128xf32>,
    %get3A_25 = arith.constant 0 : index
    %get3A_26 = arith.constant 0 : index
    %get3A_27 = vector.load %arg5[%get3A_25, %get3A_26] : memref<128x128xf32, #tpu.memory_space<vmem>>, vector<128x128xf32>
    %dot_general3A = arith.constant dense<0.000000e+00> : vector<1024x128xf32>
    %dot_general3A_28 = tpu.matmul %add3A_22, %get3A_27, %dot_general3A {dimension_numbers = #tpu.dot_dimension_numbers<[1], [0], [0], [1], [0, 0, 1, 1], [], []>, transpose_lhs_hint = false} : vector<1024x128xf32>, vector<128x128xf32>, vector<1024x128xf32> -> vector<1024x128xf32>
    %get3A_29 = arith.constant 0 : index
    %get3A_30 = arith.constant 0 : index
    %get3A_31 = vector.load %arg6[%get3A_29, %get3A_30] : memref<1x128xf32, #tpu.memory_space<vmem>>, vector<1x128xf32>
    %add3A_32 = vector.broadcast %get3A_31 : vector<1x128xf32> to vector<1024x128xf32>
    %add3A_33 = arith.addf %dot_general3A_28, %add3A_32 : vector<1024x128xf32>
    %iota3A = tpu.iota {dimensions = array<i32: 1>} : vector<1024x128xi32>
    %lt3A = arith.constant 40 : i32
    %lt3A_34 = vector.broadcast %lt3A : i32 to vector<1024x128xi32>
    %lt3A_35 = arith.cmpi slt, %iota3A, %lt3A_34 : vector<1024x128xi32>
    %jit3A = arith.constant -1.000000e+30 : f32
    %broadcast_in_dim3A_36 = vector.broadcast %jit3A : f32 to vector<1024x128xf32>
    %select_n3A = arith.select %lt3A_35, %add3A_33, %broadcast_in_dim3A_36 : vector<1024x128xi1>, vector<1024x128xf32>
    %reduce_max3A = arith.constant dense<0xFF800000> : vector<1024xf32>
    %reduce_max3A_37 = vector.multi_reduction <maximumf>, %select_n3A, %reduce_max3A [1] : vector<1024x128xf32> to vector<1024xf32>
    %broadcast_in_dim3A_38 = vector.shape_cast %reduce_max3A_37 : vector<1024xf32> to vector<1024x1xf32>
    %sub3A = vector.broadcast %broadcast_in_dim3A_38 : vector<1024x1xf32> to vector<1024x128xf32>
    %sub3A_39 = arith.subf %add3A_33, %sub3A : vector<1024x128xf32>
    %exp3A = math.exp %sub3A_39 : vector<1024x128xf32>
    %jit3A_40 = arith.constant 0.000000e+00 : f32
    %broadcast_in_dim3A_41 = vector.broadcast %jit3A_40 : f32 to vector<1024x128xf32>
    %select_n3A_42 = arith.select %lt3A_35, %exp3A, %broadcast_in_dim3A_41 : vector<1024x128xi1>, vector<1024x128xf32>
    %reduce_sum3A_43 = arith.constant dense<0.000000e+00> : vector<1024xf32>
    %reduce_sum3A_44 = vector.multi_reduction <add>, %select_n3A_42, %reduce_sum3A_43 [1] : vector<1024x128xf32> to vector<1024xf32>
    %broadcast_in_dim3A_45 = vector.shape_cast %reduce_sum3A_44 : vector<1024xf32> to vector<1024x1xf32>
    %log3A = math.log %broadcast_in_dim3A_45 : vector<1024x1xf32>
    %sub3A_46 = vector.broadcast %broadcast_in_dim3A_38 : vector<1024x1xf32> to vector<1024x128xf32>
    %sub3A_47 = arith.subf %add3A_33, %sub3A_46 : vector<1024x128xf32>
    %sub3A_48 = vector.broadcast %log3A : vector<1024x1xf32> to vector<1024x128xf32>
    %sub3A_49 = arith.subf %sub3A_47, %sub3A_48 : vector<1024x128xf32>
    %swap3A_50 = arith.constant 0 : index
    %swap3A_51 = arith.constant 0 : index
    %swap3A_52 = vector.load %arg8[%swap3A_50, %swap3A_51] : memref<1024x128xf32, #tpu.memory_space<vmem>>, vector<1024x128xf32>
    tpu.vector_store %arg8[%swap3A_50, %swap3A_51], %sub3A_49 {strides = array<i32>} : memref<1024x128xf32, #tpu.memory_space<vmem>>, vector<1024x128xf32>,
    return
  }
  func.func @transform_0(%arg0: i32) -> (i32, i32, i32) {
    %c0_i32 = arith.constant 0 : i32
    %c0_i32_0 = arith.constant 0 : i32
    %c0_i32_1 = arith.constant 0 : i32
    return %c0_i32, %arg0, %c0_i32_0 : i32, i32, i32
  }
  func.func @transform_1(%arg0: i32) -> (i32, i32) {
    %c0_i32 = arith.constant 0 : i32
    %c0_i32_0 = arith.constant 0 : i32
    return %arg0, %c0_i32 : i32, i32
  }
  func.func @transform_2(%arg0: i32) -> (i32, i32, i32) {
    %c0_i32 = arith.constant 0 : i32
    %c0_i32_0 = arith.constant 0 : i32
    %c0_i32_1 = arith.constant 0 : i32
    return %c0_i32, %arg0, %c0_i32_0 : i32, i32, i32
  }
  func.func @transform_3(%arg0: i32) -> (i32, i32) {
    %c0_i32 = arith.constant 0 : i32
    %c0_i32_0 = arith.constant 0 : i32
    %c0_i32_1 = arith.constant 0 : i32
    return %c0_i32, %c0_i32_0 : i32, i32
  }
  func.func @transform_4(%arg0: i32) -> (i32, i32) {
    %c0_i32 = arith.constant 0 : i32
    %c0_i32_0 = arith.constant 0 : i32
    %c0_i32_1 = arith.constant 0 : i32
    return %c0_i32, %c0_i32_0 : i32, i32
  }
  func.func @transform_5(%arg0: i32) -> (i32, i32) {
    %c0_i32 = arith.constant 0 : i32
    %c0_i32_0 = arith.constant 0 : i32
    %c0_i32_1 = arith.constant 0 : i32
    return %c0_i32, %c0_i32_0 : i32, i32
  }
  func.func @transform_6(%arg0: i32) -> (i32, i32) {
    %c0_i32 = arith.constant 0 : i32
    %c0_i32_0 = arith.constant 0 : i32
    return %arg0, %c0_i32 : i32, i32
  }
  func.func @transform_7(%arg0: i32) -> (i32, i32) {
    %c0_i32 = arith.constant 0 : i32
    %c0_i32_0 = arith.constant 0 : i32
    return %arg0, %c0_i32 : i32, i32
  }
}

</mosaic_0001>

<sc_bundles>
// kernel: kernel.11.cloned.1.call-start
scs
__scs_entry_jumppad:
0x0: {  	(pc) =	sbr.rel $0x88, $3  }
0x1: {  	(tag) =	ssettag $0x0;
	lr =	simm.s32 $0x1  }
0x2: {  	[smem:$0x3F99] =	sst lr;
	_ =	strace $0xD0000000  }
0x3: {  	_ = 	snop  }
0x4: {  	_ = 	snop  }
0x5: {  	_ = 	snop  }
0x6: {  	_ = 	snop  }
0x7: {  	_ = 	snop  }
__scs_overlays_trampoline_lowered:
0x8: {  	[smem:$0x3FA8] =	sst s0  }
0x9: {  	[smem:$0x3FA9] =	sst s1  }
0xa: {  	[smem:$0x3FAA] =	sst s2  }
0xb: {  	[smem:$0x3FAB] =	sst s3  }
0xc: {  	[smem:$0x3FAC] =	sst s4  }
0xd: {  	[smem:$0x3FAD] =	sst s5  }
0xe: {  	[smem:$0x3FAE] =	sst s6  }
0xf: {  	[smem:$0x3FAF] =	sst s7  }
0x10: {  	[smem:$0x3FB0] =	sst s8  }
0x11: {  	[smem:$0x3FB1] =	sst s9;
	s0 =	simm.s32 @!p0 $0x0  }
0x12: {  	s1 =	sld [smem:$0x3F97];
	s0 =	simm.s32 @p0 $0x1  }
0x13: {  	[smem:$0x3FB2] =	sst s0;
	s0 =	simm.s32 @!p1 $0x0  }
0x14: {  	s2 =	sld [smem:$0x3F96];
	s0 =	simm.s32 @p1 $0x1  }
0x15: {  	[smem:$0x3FB3] =	sst s0;
	s0 =	simm.s32 @!p2 $0x0  }
0x16: {  	s3 =	sld [smem:$0x3FDB];
	s0 =	simm.s32 @p2 $0x1  }
0x17: {  	s4 =	simm.s32 $0x1BF5;
	[smem:$0x3FB5] =	sst s0  }
0x18: {  	s0 =	sld [smem:$0x3F98];
	_ =	swait.ge [sflag:s4], $0x0  }
0x19: {  	s7 =	sld [smem:$0x3F99]  }
0x1a: {  	s8 =	sadd.s32 $0xFFFFE003, lr  }
0x1b: {  	s9 =	sadd.s32 $0xFFFFFEF7, lr;
	s5 =	simm.s32 $0xFFFFFFFF;
	p2 =	slt.u32 s8, $0xFFFFF086  }
0x1c: {  	p1 =	slt.u32 s9, $0xF7A;
	s5 =	simm.s32 @!p2 $0x0  }
0x1d: {  	s5 =	simm.s32 @p1 $0x1;
	p0 =	seq.s32 s7, s2  }
0x1e: {  	s7 =	smul.u32 @!p0 $0xF7A, s2;
	p2 =	seq.s32 @!p0 s5, $0x0  }
0x1f: {  	s9 =	smul.u32 $0xF7A, s1;
	s8 =	simm.s32 @!p0 $0x1BF5;
	p2 =	por !p2, p0  }
0x20: {  	[sflag:s8] =	ssyncset.s32 @!p0 $0xFFFFF086;
	s6 =	sadd.s32 @!p0 s3, s7;
	s7 =	simm.s32 @!p0 $0x108  }
0x21: {  	s3 =	sadd.s32 s3, s9;
	s6 =	sadd.s32 @!p0 $0x88, s6;
	s7 =	simm.s32 @p2 $0x1082  }
0x22: {  	[simem:s7], [sflag:s8] =	dma.local @!p0 [hbm:s6], $0xF7A  }
0x23: {  	s9 =	sor.u32 $0xD0000000, s2;
	s6 =	simm.s32 $0x108;
	_ =	swait.ge @!p0 [sflag:s8], $0x0  }
0x24: {  	s3 =	sadd.s32 $0x88, s3;
	s6 =	simm.s32 @!p1 $0x1082;
	[sflag:s4] =	ssyncset.s32 $0xFFFFF086  }
0x25: {  	[simem:s6], [sflag:s4] =	dma.local [hbm:s3], $0xF7A  }
0x26: {  	[smem:$0x3F99] =	sst s1;
	(tag) =	ssettag s2;
	_ =	strace s9  }
0x27: {  	s1 =	sld [smem:$0x3FA9]  }
0x28: {  	s2 =	sld [smem:$0x3FAA]  }
0x29: {  	s4 =	sld [smem:$0x3FAC]  }
0x2a: {  	p0 =	seq.s32 s5, $0x0;
	s5 =	sld [smem:$0x3FAD]  }
0x2b: {  	s6 =	sld [smem:$0x3FAE]  }
0x2c: {  	s7 =	sld [smem:$0x3FAF]  }
0x2d: {  	s3 =	simm.s32 $0x108;
	s8 =	sld [smem:$0x3FB0]  }
0x2e: {  	s3 =	simm.s32 @!p0 $0x1082;
	s9 =	sld [smem:$0x3FB1]  }
0x2f: {  	lr =	sadd.s32 s0, s3;
	s0 =	sld [smem:$0x3FA8]  }
0x30: {  	s3 =	sld [smem:$0x3FAB]  }
0x31: {  	[smem:$0x3FB4] =	sst s10  }
0x32: {  	s10 =	sld [smem:$0x3FB2];
	_ =	sdelay $0x3  }
0x33: {  	p0 =	seq.s32 s10, $0x1;
	s10 =	sld [smem:$0x3FB4];
	_ =	sdelay $0x3  }
0x34: {  	[smem:$0x3FB4] =	sst s10  }
0x35: {  	s10 =	sld [smem:$0x3FB3];
	_ =	sdelay $0x3  }
0x36: {  	p1 =	seq.s32 s10, $0x1;
	s10 =	sld [smem:$0x3FB4];
	_ =	sdelay $0x3  }
0x37: {  	[smem:$0x3FB4] =	sst s10  }
0x38: {  	s10 =	sld [smem:$0x3FB5]  }
0x39: {  	_ = 	snop;
	(pc) =	sbr.ind lr, $3  }
0x3a: {  	_ = 	snop  }
0x3b: {  	_ = 	snop  }
0x3c: {  	p2 =	seq.s32 s10, $0x1;
	s10 =	sld [smem:$0x3FB4]  }
0x3d: {  	_ =	shalt  }
0x3e: {  	_ =	shalt  }
0x3f: {  	_ =	shalt  }
0x40: {  	_ =	shalt  }
0x41: {  	_ =	shalt  }
0x42: {  	_ =	shalt  }
0x43: {  	_ =	shalt  }
0x44: {  	_ =	shalt  }
0x45: {  	_ =	shalt  }
0x46: {  	_ =	shalt  }
0x47: {  	_ =	shalt  }
0x48: {  	_ =	shalt  }
0x49: {  	_ =	shalt  }
0x4a: {  	_ =	shalt  }
0x4b: {  	_ =	shalt  }
0x4c: {  	_ =	shalt  }
0x4d: {  	_ =	shalt  }
0x4e: {  	_ =	shalt  }
0x4f: {  	_ =	shalt  }
0x50: {  	_ =	shalt  }
0x51: {  	_ =	shalt  }
0x52: {  	_ =	shalt  }
0x53: {  	_ =	shalt  }
0x54: {  	_ =	shalt  }
0x55: {  	_ =	shalt  }
0x56: {  	_ =	shalt  }
0x57: {  	_ =	shalt  }
0x58: {  	_ =	shalt  }
0x59: {  	_ =	shalt  }
0x5a: {  	_ =	shalt  }
0x5b: {  	_ =	shalt  }
0x5c: {  	_ =	shalt  }
0x5d: {  	_ =	shalt  }
0x5e: {  	_ =	shalt  }
0x5f: {  	_ =	shalt  }
0x60: {  	_ =	shalt  }
0x61: {  	_ =	shalt  }
0x62: {  	_ =	shalt  }
0x63: {  	_ =	shalt  }
0x64: {  	_ =	shalt  }
0x65: {  	_ =	shalt  }
0x66: {  	_ =	shalt  }
0x67: {  	_ =	shalt  }
0x68: {  	_ =	shalt  }
0x69: {  	_ =	shalt  }
0x6a: {  	_ =	shalt  }
0x6b: {  	_ =	shalt  }
0x6c: {  	_ =	shalt  }
0x6d: {  	_ =	shalt  }
0x6e: {  	_ =	shalt  }
0x6f: {  	_ =	shalt  }
0x70: {  	_ =	shalt  }
0x71: {  	_ =	shalt  }
0x72: {  	_ =	shalt  }
0x73: {  	_ =	shalt  }
0x74: {  	_ =	shalt  }
0x75: {  	_ =	shalt  }
0x76: {  	_ =	shalt  }
0x77: {  	_ =	shalt  }
0x78: {  	_ =	shalt  }
0x79: {  	_ =	shalt  }
0x7a: {  	_ =	shalt  }
0x7b: {  	_ =	shalt  }
0x7c: {  	_ =	shalt  }
0x7d: {  	_ =	shalt  }
0x7e: {  	_ =	shalt  }
0x7f: {  	_ =	shalt  }
0x80: {  	_ =	shalt  }
0x81: {  	_ =	shalt  }
0x82: {  	_ =	shalt  }
0x83: {  	_ =	shalt  }
0x84: {  	_ =	shalt  }
0x85: {  	_ =	shalt  }
0x86: {  	_ =	shalt  }
0x87: {  	_ =	shalt  }
.Lfunc_end0:
.L_simem_size_0:
called_computation.1_lowered:
.L_overlay_start_0:
0x88: {  	s2 =	sld [smem:$0x3FD9]  }
0x89: {  	s3 =	sld [smem:$0x3FFE];
	_ =	sdelay $0x1  }
0x8a: {  	s1 =	srdreg.scid  }
0x8b: {  	s0 =	sand.u32 $0x1, s1  }
0x8c: {  	s14 =	sshll.u32 s0, $0xA;
	s2 =	sadd.s32 s3, s2  }
0x8d: {  	s2 =	sadd.s32 s2, s14  }
0x8e: {  	[smem:$0x3FC0] =	sst s2  }
0x8f: {  	_ = 	snop  }
0x90: {  	s2 =	sld [smem:$0x3FD0];
	_ =	sdelay $0x2  }
0x91: {  	s15 =	simm.s32 $0xA;
	s4 =	simm.s32 $0x10  }
0x92: {  	[smem:s4], [sflag:s15] =	dma.local [hbm:s2], $0x1  }
0x93: {  	_ =	swait.eq [sflag:s15], $0x1  }
0x94: {  	[sflag:s15] =	ssyncset.done $0x0  }
0x95: {  	s16 =	sld [smem:$0x10];
	[sflag:s15] =	ssyncadd.s32 $0xFFFFFFFF  }
0x96: {  	s17 =	sld [smem:$0x11];
	(tm) =	ssettm $0x1  }
0x97: {  	s18 =	sld [smem:$0x3FFB];
	_ =	sdelay $0x3  }
0x98: {  	_ =	strace s18  }
0x99: {  	s4 =	sld [smem:$0x3FFC];
	_ =	sdelay $0x3  }
0x9a: {  	_ =	strace s4  }
0x9b: {  	s4 =	sld [smem:$0x3FFD];
	_ =	sdelay $0x3  }
0x9c: {  	_ =	strace s4  }
0x9d: {  	_ =	strace $0x8FFFFFFF  }
0x9e: {  	s19 =	sld [smem:$0x3FDB];
	_ =	sdelay $0x1  }
0x9f: {  	s5 =	simm.s32 $_scs_section_size  }
0xa0: {  	s6 =	simm.s32 $_size__tile_overlayer_lowered;
	s7 =	simm.s32 $_tile_overlayer_lowered  }
0xa1: {  	s22 =	simm.s32 $0x1BFF;
	s21 =	sshll.u32 s7, $0x1;
	s4 =	sadd.s32 s5, s19  }
0xa2: {  	s8 =	simm.s32 $0x0;
	s20 =	sshll.u32 s6, $0x1;
	s6 =	sadd.s32 s21, s4  }
0xa3: {  	[timem:s8], [sflag:s22] =	dma.local [hbm:s6], s20  }
0xa4: {  	_ =	swait.ge [sflag:s22], s20  }
0xa5: {  	s5 =	ssub.s32 $0x0, s20;
	[sflag:s22] =	ssyncset.done $0x0  }
0xa6: {  	[sflag:s22] =	ssyncadd.s32 s5;
	_ =	sdelay $0x1  }
0xa7: {  	s23 =	simm.s32 $0x1B8B  }
0xa8: {  	_ =	swait.ge [sflag:s23], $0x1  }
0xa9: {  	[sflag:s23] =	ssyncset.done $0x0  }
0xaa: {  	s25 =	simm.s32 $0x1B8E;
	s24 =	sld [smem:$0x3FFE];
	[sflag:s23] =	ssyncadd.s32 $0xFFFFFFFF  }
0xab: {  	s26 =	simm.s32 $execute0_lowered;
	[smem:$0x3FD2] =	sst s25  }
0xac: {  	s6 =	sshll.u32 s26, $0x1;
	_ =	strace $0x80000049;
	[dreg:$0x1] =	wrdreg $0xFFFFFFFF  }
0xad: {  	s28 =	simm.s32 $_size_execute0_lowered;
	s4 =	sadd.s32 s4, s6;
	[dreg:$0x0] =	wrdreg $0x0  }
0xae: {  	s6 =	sshll.u32 s28, $0x1;
	[dreg:$0x2] =	wrdreg s4  }
0xaf: {  	[dreg:$0x3] =	wrdreg s6  }
0xb0: {  	[dreg:$0x4] =	wrdreg $0xC0  }
0xb1: {  	_ =	task [dreg:s8], $0x5FFFF  }
0xb2: {  	[dreg:$0x1] =	wrdreg $0xFFFFFFFF  }
0xb3: {  	[dreg:$0x0] =	wrdreg $0x60  }
0xb4: {  	[dreg:$0x2] =	wrdreg s24  }
0xb5: {  	[dreg:$0x3] =	wrdreg s17  }
0xb6: {  	[dreg:$0x4] =	wrdreg s16  }
0xb7: {  	[dreg:$0x5] =	wrdreg $0x88000  }
0xb8: {  	[dreg:$0x6] =	wrdreg $0x9  }
0xb9: {  	_ =	task.clear_ibuf [dreg:s8], $0x7FFFF;
	_ =	strace $0x90000049  }
0xba: {  	s29 =	simm.s32 $0x9;
	_ =	strace $0x8000004B  }
0xbb: {  	_ =	swait.ge [sflag:s29], $0x1  }
0xbc: {  	[sflag:s29] =	ssyncadd.s32 $0xFFFFFFFF  }
0xbd: {  	_ =	strace $0x9000004B  }
0xbe: {  	_ =	sfence  }
0xbf: {  	s30 =	sld [smem:$0x0];
	_ =	sdelay $0x2  }
0xc0: {  	s31 =	sshll.u32 s1, $0xD;
	s1 =	sshrl.u32 s1, $0x2  }
0xc1: {  	s3 =	sand.u32 $0x4000, s31;
	s1 =	sadd.s32 s1, s30  }
0xc2: {  	s0 =	sor.u32 s3, s0;
	s1 =	sshll.u32 s1, $0x11  }
0xc3: {  	s0 =	sor.u32 s1, s0  }
0xc4: {  	s0 =	sadd.s32 $0x8F2B, s0  }
0xc5: {  	[sflag:s0] =	ssyncadd.remote.s32 $0x1  }
0xc6: {  	_ =	sfence.sel $0xFFFF  }
0xc7: {  	[dreg:$0x0] =	wrdreg $0xFFFFFFFF;
	(pc) =	sbr.abs _section_cstart, $3  }
0xc8: {  	[dreg:$0x1] =	wrdreg $0xFFFFFFFF  }
0xc9: {  	_ =	task.clear_ibuf [dreg:s8], $0x2FFFF;
	_ =	strace $0x9FFFFFFF  }
0xca: {  	(tm) =	ssettm $0x7FFFFFFF  }
0xcb: {  	_ =	shalt  }
tec
execute0_lowered:
.L_overlay_start_1:
0x0: {  	(tag) =	ssettag $0x1  }
0x1: {  	s0 =	rddreg [dreg:$0x0]  }
0x2: {  	s1 =	rddreg [dreg:$0x1];
	s2 =	srdreg.scid  }
0x3: {  	s3 =	rddreg [dreg:$0x3];
	s4 =	stileid.u32;
	s10 =	simm.s32 $0x0  }
0x4: {  	s14 =	simm.s32 $0x180;
	s17 =	simm.s32 $0x280;
	s19 =	simm.s32 $0x400  }
0x5: {  	s20 =	simm.s32 $0x380;
	s21 =	simm.s32 $0x500;
	s22 =	simm.s32 $0x480  }
0x6: {  	s23 =	simm.s32 $0x600;
	s28 =	simm.s32 $0xB;
	s29 =	simm.s32 $0x3  }
0x7: {  	s30 =	simm.s32 $0xA;
	s31 =	simm.s32 $0xC;
	[smem:$0x7FF] =	sst s10  }
0x8: {  	s6 =	smul.u32 $0x14000, s4;
	_ =	strace $0x8000004A;
	[dreg:$0x5] =	wrdreg s14  }
0x9: {  	s2 =	sand.u32 $0x1, s2;
	s9 =	smul.u32 $0x50000, s4;
	[dreg:$0x6] =	wrdreg s17  }
0xa: {  	s26 =	sshll.u32 s4, $0x6;
	s11 =	sshll.u32 s4, $0x5;
	[dreg:$0x7] =	wrdreg s19  }
0xb: {  	s5 =	smul.u32 $0x140000, s2;
	s24 =	ssub.s32 $0x2, s2;
	[dreg:$0x8] =	wrdreg s20  }
0xc: {  	p0 =	seq.s32 s2, $0x0;
	s2 =	sshll.u32 s4, $0x7;
	[dreg:$0x9] =	wrdreg s21  }
0xd: {  	s16 =	sor.u32 $0x1C0D, s26;
	s4 =	simm.s32 $0x10;
	[dreg:$0xa] =	wrdreg s22  }
0xe: {  	s14 =	simm.s32 $0x200;
	[dreg:$0xb] =	wrdreg s23;
	s22 =	simm.s32 $0x1  }
0xf: {  	s23 =	simm.s32 $0x800;
	s26 =	simm.s32 $0x680;
	s20 =	simm.s32 $0x100  }
0x10: {  	s21 =	simm.s32 $0x200;
	s8 =	sshrl.u32 s24, $0x1;
	s25 =	sshrl.u32 s9, $0x2  }
0x11: {  	s9 =	sor.u32 $0x800, s11;
	s4 =	simm.s32 @!p0 $0x4;
	[dreg:$0xe] =	wrdreg s26  }
0x12: {  	s26 =	simm.s32 $0x9;
	[dreg:$0xf] =	wrdreg s16;
	s5 =	sadd.s32 s6, s5  }
0x13: {  	s6 =	ssub.s32 s24, s8;
	s11 =	sadd.s32 s25, s3;
	s9 =	smov.u32 @p0 s2  }
0x14: {  	s8 =	simm.s32 $0x80;
	[dreg:$0x10] =	wrdreg s4;
	s24 =	simm.s32 $0x580  }
0x15: {  	s25 =	simm.s32 $0x700;
	s7 =	sshrl.u32 s5, $0x3;
	s5 =	sadd.s32 $0x52800, s0  }
0x16: {  	s2 =	sshll.u32 s9, $0x5;
	s8 =	simm.s32 @!p0 $0x20;
	s15 =	smax.u32 s6, $0x1  }
0x17: {  	s17 =	sshrl.u32 s11, $0x3;
	s6 =	simm.s32 $0xD;
	[dreg:$0xc] =	wrdreg s24  }
0x18: {  	s9 =	simm.s32 $0x100;
	[dreg:$0xd] =	wrdreg s25;
	s24 =	simm.s32 $0x2  }
0x19: {  	s25 =	simm.s32 $0x4800;
	s11 =	simm.s32 $0x7;
	[dreg:$0x16] =	wrdreg s15  }
0x1a: {  	s0 =	sadd.s32 s7, s0;
	s1 =	sadd.s32 s1, s2;
	[dreg:$0x18] =	wrdreg s17  }
0x1b: {  	s7 =	simm.s32 $0x80;
	s2 =	sadd.s32 $0x20, s1;
	[dreg:$0x11] =	wrdreg s1  }
0x1c: {  	s15 =	simm.s32 $0x300;
	s12 =	sadd.s32 $0x40, s1;
	[dreg:$0x12] =	wrdreg s2  }
0x1d: {  	s13 =	sadd.s32 $0x60, s1;
	s0 =	sadd.s32 $0x7A800, s0;
	[dreg:$0x13] =	wrdreg s12  }
0x1e: {  	s18 =	sadd.s32 $0xC0, s1;
	s1 =	simm.s32 $0x5;
	[dreg:$0x14] =	wrdreg s13  }
0x1f: {  	[dreg:$0x15] =	wrdreg s0;
	s0 =	simm.s32 $0x4;
	s2 =	simm.s32 $0x6  }
0x20: {  	s12 =	simm.s32 $0x8;
	s13 =	simm.s32 $0x0;
	[dreg:$0x17] =	wrdreg s18  }
.LBB2_1:
0x21: {  	s4 =	rddreg [dreg:$0x2]  }
0x22: {  	[spmem:s17], [sflag:s16] =	dma.local [hbm:s4], $0x2800  }
0x23: {  	_ =	swait.ge [sflag:s6], $0x2800  }
0x24: {  	[sflag:s6] =	ssyncset.done $0x0  }
0x25: {  	[sflag:s6] =	ssyncadd.s32 $0xFFFFD800  }
0x26: {  	[bflag:$0x0] =	sbarrier.arrive $0xFFFF  }
0x27: {  	s19 =	smov.u32 s17;
	s17 =	rddreg [dreg:$0x11]  }
0x28: {  	s6 =	rddreg [dreg:$0x12]  }
0x29: {  	[tilespmem:s10], [sflag:$0x1] =	stream.linear.gather [hbm4b:s17+s10], $0x100, $0x38;
	[tilespmem:$0x1C800] =	vst v63  }
0x2a: {  	s17 =	rddreg [dreg:$0x10]  }
0x2b: {  	[tilespmem:s9], [sflag:$0x2] =	stream.linear.gather [hbm4b:s6+s10], $0x100, $0x38;
	[tilespmem:$0x1C800] =	vst v63  }
0x2c: {  	s6 =	sadd.s32 $0xFFFFFFFF, s17  }
0x2d: {  	p1 =	sne.s32 s6, $0x0  }
.Ltmp0:
0x2e: {  	s9 =	rddreg [dreg:$0x13];
	(pc) =	sbr.rel @!p1 .LBB2_6-.Ltmp0, $4  }
0x2f: {  	[tilespmem:s14], [sflag:$0x3] =	stream.linear.gather [hbm4b:s9+s10], $0x100, $0x38;
	[tilespmem:$0x1C800] =	vst v63  }
0x30: {  	s16 =	rddreg [dreg:$0x14]  }
0x31: {  	[tilespmem:s15], [sflag:$0x4] =	stream.linear.gather [hbm4b:s16+s10], $0x100, $0x38;
	[tilespmem:$0x1C800] =	vst v63  }
0x32: {  	p0 =	por $0x0, $0x0;
	s14 =	simm.s32 $0x5;
	s16 =	smov.u32 s18  }
0x33: {  	p0 =	por $0x1, $0x1  }
0x34: {  	[dreg:$0x19] =	wrdreg s13;
	s9 =	simm.s32 @!p0 $0xB  }
0x35: {  	_ =	swait.ge @!p0 [sflag:s9], $0x4000  }
0x36: {  	[sflag:s9] =	ssyncset.done @!p0 $0x0  }
0x37: {  	[sflag:s9] =	ssyncadd.s32 @!p0 $0xFFFFC000  }
0x38: {  	_ =	swait.ge [sflag:s22], $0x100  }
0x39: {  	[sflag:s22] =	ssyncset.done $0x0  }
0x3a: {  	s9 =	simm.s32 @!p0 $0xA;
	[sflag:s22] =	ssyncadd.s32 $0xFFFFFF00  }
0x3b: {  	[tilespmem:s23], [sflag:$0x9] =	stream.indirect.gather [hbm4b:s5+s7], $0x80, s10, s7, $0xb8;
	[tilespmem:$0x1C800] =	vst v63  }
0x3c: {  	p1 =	sle.u32 s8, $0x4;
	_ =	swait.ge @!p0 [sflag:s9], $0x4000  }
0x3d: {  	s14 =	simm.s32 @!p0 $0xC;
	s15 =	simm.s32 @!p0 $0x780;
	[sflag:s9] =	ssyncset.done @!p0 $0x0  }
0x3e: {  	s16 =	simm.s32 @!p0 $0x4800;
	[sflag:s9] =	ssyncadd.s32 @!p0 $0xFFFFC000;
	s9 =	simm.s32 @!p0 $0x80  }
0x3f: {  	[spmem:s3] =	stream.indirect.scatter.add.f32 @!p0 [tilespmem:s16], [sflag:$0xC], $0x80, s15, s9, $0xb8;
	[tilespmem:$0x1C800] =	vst v63  }
0x40: {  	s9 =	sadd.s32 @!p1 $0xFFFFFFC0, s18;
	s15 =	simm.s32 @!p1 $0x0;
	s16 =	simm.s32 @!p1 $0x400  }
0x41: {  	[tilespmem:s16], [sflag:$0x5] =	stream.linear.gather @!p1 [hbm4b:s9+s15], $0x100, $0x38;
	[tilespmem:$0x1C800] =	vst v63  }
0x42: {  	_ =	swait.ge @!p0 [sflag:s14], $0x4000  }
0x43: {  	[sflag:s14] =	ssyncset.done @!p0 $0x0  }
0x44: {  	[sflag:s14] =	ssyncadd.s32 @!p0 $0xFFFFC000  }
0x45: {  	_ =	swait.ge [sflag:s24], $0x100  }
0x46: {  	[sflag:s24] =	ssyncset.done $0x0  }
0x47: {  	[sflag:s24] =	ssyncadd.s32 $0xFFFFFF00  }
0x48: {  	[tilespmem:s25], [sflag:$0xA] =	stream.indirect.gather [hbm4b:s5+s7], $0x80, s20, s7, $0xb8;
	[tilespmem:$0x1C800] =	vst v63  }
0x49: {  	_ =	swait.ge [sflag:s26], $0x4000  }
0x4a: {  	[sflag:s26] =	ssyncset.done $0x0  }
0x4b: {  	p0 =	sle.u32 s8, $0x5;
	[sflag:s26] =	ssyncadd.s32 $0xFFFFC000  }
0x4c: {  	[spmem:s3] =	stream.indirect.scatter.add.f32 [tilespmem:s23], [sflag:$0xB], $0x80, s7, s7, $0xb8;
	[tilespmem:$0x1C800] =	vst v63  }
0x4d: {  	s9 =	sadd.s32 @!p0 $0xFFFFFFE0, s18;
	s14 =	simm.s32 @!p0 $0x0;
	s15 =	simm.s32 @!p0 $0x500  }
0x4e: {  	[tilespmem:s15], [sflag:$0x6] =	stream.linear.gather @!p0 [hbm4b:s9+s14], $0x100, $0x38;
	[tilespmem:$0x1C800] =	vst v63  }
0x4f: {  	_ =	swait.ge [sflag:s28], $0x4000  }
0x50: {  	[sflag:s28] =	ssyncset.done $0x0  }
0x51: {  	[sflag:s28] =	ssyncadd.s32 $0xFFFFC000  }
0x52: {  	_ =	swait.ge [sflag:s29], $0x100  }
0x53: {  	[sflag:s29] =	ssyncset.done $0x0  }
0x54: {  	[sflag:s29] =	ssyncadd.s32 $0xFFFFFF00  }
0x55: {  	[tilespmem:s23], [sflag:$0x9] =	stream.indirect.gather [hbm4b:s5+s7], $0x80, s21, s7, $0xb8;
	[tilespmem:$0x1C800] =	vst v63  }
0x56: {  	_ =	swait.ge [sflag:s30], $0x4000  }
0x57: {  	[sflag:s30] =	ssyncset.done $0x0  }
0x58: {  	p0 =	sle.u32 s8, $0x6;
	s19 =	rddreg [dreg:$0x5];
	[sflag:s30] =	ssyncadd.s32 $0xFFFFC000  }
0x59: {  	[spmem:s3] =	stream.indirect.scatter.add.f32 [tilespmem:s25], [sflag:$0xC], $0x80, s19, s7, $0xb8;
	[tilespmem:$0x1C800] =	vst v63  }
0x5a: {  	s9 =	simm.s32 @!p0 $0x0;
	s14 =	simm.s32 @!p0 $0x600  }
0x5b: {  	[tilespmem:s14], [sflag:$0x7] =	stream.linear.gather @!p0 [hbm4b:s18+s9], $0x100, $0x38;
	[tilespmem:$0x1C800] =	vst v63  }
0x5c: {  	_ =	swait.ge [sflag:s31], $0x4000  }
0x5d: {  	[sflag:s31] =	ssyncset.done $0x0  }
0x5e: {  	[sflag:s31] =	ssyncadd.s32 $0xFFFFC000  }
0x5f: {  	_ =	swait.ge [sflag:s0], $0x100  }
0x60: {  	[sflag:s0] =	ssyncset.done $0x0  }
0x61: {  	s4 =	simm.s32 $0x300;
	[sflag:s0] =	ssyncadd.s32 $0xFFFFFF00  }
0x62: {  	[tilespmem:s25], [sflag:$0xA] =	stream.indirect.gather [hbm4b:s5+s7], $0x80, s4, s7, $0xb8;
	[tilespmem:$0x1C800] =	vst v63  }
0x63: {  	_ =	swait.ge [sflag:s26], $0x4000  }
0x64: {  	[sflag:s26] =	ssyncset.done $0x0  }
0x65: {  	p0 =	sle.u32 s8, $0x7;
	s4 =	rddreg [dreg:$0x6];
	[sflag:s26] =	ssyncadd.s32 $0xFFFFC000  }
0x66: {  	[spmem:s3] =	stream.indirect.scatter.add.f32 [tilespmem:s23], [sflag:$0xB], $0x80, s4, s7, $0xb8;
	[tilespmem:$0x1C800] =	vst v63  }
0x67: {  	s9 =	sadd.s32 @!p0 $0x20, s18;
	s14 =	simm.s32 @!p0 $0x0;
	s15 =	simm.s32 @!p0 $0x700  }
0x68: {  	[tilespmem:s15], [sflag:$0x8] =	stream.linear.gather @!p0 [hbm4b:s9+s14], $0x100, $0x38;
	[tilespmem:$0x1C800] =	vst v63  }
0x69: {  	_ =	swait.ge [sflag:s28], $0x4000  }
0x6a: {  	[sflag:s28] =	ssyncset.done $0x0  }
0x6b: {  	[sflag:s28] =	ssyncadd.s32 $0xFFFFC000  }
0x6c: {  	_ =	swait.ge [sflag:s1], $0x100  }
0x6d: {  	[sflag:s1] =	ssyncset.done $0x0  }
0x6e: {  	s10 =	rddreg [dreg:$0x7];
	[sflag:s1] =	ssyncadd.s32 $0xFFFFFF00  }
0x6f: {  	[tilespmem:s23], [sflag:$0x9] =	stream.indirect.gather [hbm4b:s5+s7], $0x80, s10, s7, $0xb8;
	[tilespmem:$0x1C800] =	vst v63  }
0x70: {  	_ =	swait.ge [sflag:s30], $0x4000  }
0x71: {  	[sflag:s30] =	ssyncset.done $0x0  }
0x72: {  	p0 =	sle.u32 s8, $0x8;
	s13 =	rddreg [dreg:$0x8];
	[sflag:s30] =	ssyncadd.s32 $0xFFFFC000  }
0x73: {  	[spmem:s3] =	stream.indirect.scatter.add.f32 [tilespmem:s25], [sflag:$0xC], $0x80, s13, s7, $0xb8;
	[tilespmem:$0x1C800] =	vst v63  }
0x74: {  	s9 =	simm.s32 @!p0 $0x0;
	s14 =	sadd.s32 @!p0 $0x40, s18  }
0x75: {  	[tilespmem:s9], [sflag:$0x1] =	stream.linear.gather @!p0 [hbm4b:s14+s9], $0x100, $0x38;
	[tilespmem:$0x1C800] =	vst v63  }
0x76: {  	_ =	swait.ge [sflag:s31], $0x4000  }
0x77: {  	[sflag:s31] =	ssyncset.done $0x0  }
0x78: {  	[sflag:s31] =	ssyncadd.s32 $0xFFFFC000  }
0x79: {  	_ =	swait.ge [sflag:s2], $0x100  }
0x7a: {  	[sflag:s2] =	ssyncset.done $0x0  }
0x7b: {  	s14 =	rddreg [dreg:$0x9];
	[sflag:s2] =	ssyncadd.s32 $0xFFFFFF00  }
0x7c: {  	[tilespmem:s25], [sflag:$0xA] =	stream.indirect.gather [hbm4b:s5+s7], $0x80, s14, s7, $0xb8;
	[tilespmem:$0x1C800] =	vst v63  }
0x7d: {  	_ =	swait.ge [sflag:s26], $0x4000  }
0x7e: {  	[sflag:s26] =	ssyncset.done $0x0  }
0x7f: {  	p0 =	sle.u32 s8, $0x9;
	s15 =	rddreg [dreg:$0xa];
	[sflag:s26] =	ssyncadd.s32 $0xFFFFC000  }
0x80: {  	[spmem:s3] =	stream.indirect.scatter.add.f32 [tilespmem:s23], [sflag:$0xB], $0x80, s15, s7, $0xb8;
	[tilespmem:$0x1C800] =	vst v63  }
0x81: {  	s9 =	sadd.s32 @!p0 $0x60, s18;
	s14 =	simm.s32 @!p0 $0x0;
	s15 =	simm.s32 @!p0 $0x100  }
0x82: {  	[tilespmem:s15], [sflag:$0x2] =	stream.linear.gather @!p0 [hbm4b:s9+s14], $0x100, $0x38;
	[tilespmem:$0x1C800] =	vst v63  }
0x83: {  	_ =	swait.ge [sflag:s28], $0x4000  }
0x84: {  	[sflag:s28] =	ssyncset.done $0x0  }
0x85: {  	[sflag:s28] =	ssyncadd.s32 $0xFFFFC000  }
0x86: {  	_ =	swait.ge [sflag:s11], $0x100  }
0x87: {  	[sflag:s11] =	ssyncset.done $0x0  }
0x88: {  	s16 =	rddreg [dreg:$0xb];
	[sflag:s11] =	ssyncadd.s32 $0xFFFFFF00  }
0x89: {  	[tilespmem:s23], [sflag:$0x9] =	stream.indirect.gather [hbm4b:s5+s7], $0x80, s16, s7, $0xb8;
	[tilespmem:$0x1C800] =	vst v63  }
0x8a: {  	_ =	swait.ge [sflag:s30], $0x4000  }
0x8b: {  	[sflag:s30] =	ssyncset.done $0x0  }
0x8c: {  	p0 =	sle.u32 s8, $0xA;
	s17 =	rddreg [dreg:$0xc];
	[sflag:s30] =	ssyncadd.s32 $0xFFFFC000  }
0x8d: {  	[spmem:s3] =	stream.indirect.scatter.add.f32 [tilespmem:s25], [sflag:$0xC], $0x80, s17, s7, $0xb8;
	[tilespmem:$0x1C800] =	vst v63  }
0x8e: {  	s9 =	sadd.s32 @!p0 $0x80, s18;
	s14 =	simm.s32 @!p0 $0x0;
	s15 =	simm.s32 @!p0 $0x200  }
0x8f: {  	[tilespmem:s15], [sflag:$0x3] =	stream.linear.gather @!p0 [hbm4b:s9+s14], $0x100, $0x38;
	[tilespmem:$0x1C800] =	vst v63  }
0x90: {  	_ =	swait.ge [sflag:s31], $0x4000  }
0x91: {  	[sflag:s31] =	ssyncset.done $0x0  }
0x92: {  	p3 =	sle.u32 s8, $0xB;
	s9 =	sadd.s32 $0xFFFFFFFF, s6;
	[sflag:s31] =	ssyncadd.s32 $0xFFFFC000  }
0x93: {  	s16 =	sadd.s32 $0x100, s18;
	p1 =	sne.s32 s9, $0x0;
	_ =	swait.ge [sflag:s12], $0x100  }
.Ltmp1:
0x94: {  	s14 =	simm.s32 $0xD;
	[sflag:s12] =	ssyncset.done $0x0;
	(pc) =	sbr.rel @!p1 .LBB2_3-.Ltmp1, $4  }
0x95: {  	p0 =	por $0x1, $0x1;
	s19 =	rddreg [dreg:$0xd];
	[sflag:s12] =	ssyncadd.s32 $0xFFFFFF00  }
0x96: {  	[tilespmem:s25], [sflag:$0xA] =	stream.indirect.gather [hbm4b:s5+s7], $0x80, s19, s7, $0xb8;
	[tilespmem:$0x1C800] =	vst v63  }
0x97: {  	s6 =	simm.s32 $0xD;
	s15 =	smov.u32 s18;
	_ =	swait.ge [sflag:s26], $0x4000  }
0x98: {  	s19 =	simm.s32 $0x0;
	s17 =	rddreg [dreg:$0xe];
	[sflag:s26] =	ssyncset.done $0x0  }
.LBB2_4:
0x99: {  	p2 =	seq.s32 s14, $0x5;
	[sflag:s26] =	ssyncadd.s32 $0xFFFFC000;
	s18 =	sadd.s32 @!p3 $0xA0, s15  }
0x9a: {  	[spmem:s3] =	stream.indirect.scatter.add.f32 [tilespmem:s23], [sflag:$0xB], $0x80, s17, s7, $0xb8;
	[tilespmem:$0x1C800] =	vst v63  }
0x9b: {  	s13 =	simm.s32 @!p3 $0x0;
	s10 =	simm.s32 @!p3 $0x300;
	s17 =	simm.s32 @!p2 $0xB  }
0x9c: {  	[tilespmem:s10], [sflag:$0x4] =	stream.linear.gather @!p3 [hbm4b:s18+s13], $0x100, $0x38;
	[tilespmem:$0x1C800] =	vst v63  }
0x9d: {  	_ =	swait.ge @!p2 [sflag:s17], $0x4000  }
0x9e: {  	[sflag:s17] =	ssyncset.done @!p2 $0x0  }
0x9f: {  	[sflag:s17] =	ssyncadd.s32 @!p2 $0xFFFFC000  }
0xa0: {  	_ =	swait.ge [sflag:s22], $0x100  }
0xa1: {  	[sflag:s22] =	ssyncset.done $0x0  }
0xa2: {  	s10 =	simm.s32 @!p2 $0xA;
	[sflag:s22] =	ssyncadd.s32 $0xFFFFFF00  }
0xa3: {  	[tilespmem:s23], [sflag:$0x9] =	stream.indirect.gather [hbm4b:s5+s7], $0x80, s19, s7, $0xb8;
	[tilespmem:$0x1C800] =	vst v63  }
0xa4: {  	s4 =	simm.s32 @!p2 $0x4800;
	s13 =	sadd.s32 $0xFFFFFFFF, s14;
	_ =	swait.ge @!p2 [sflag:s10], $0x4000  }
0xa5: {  	s18 =	simm.s32 @!p2 $0x780;
	p3 =	sge.u32 s13, s8;
	[sflag:s10] =	ssyncset.done @!p2 $0x0  }
0xa6: {  	s13 =	simm.s32 @!p3 $0x400;
	[sflag:s10] =	ssyncadd.s32 @!p2 $0xFFFFC000;
	s10 =	simm.s32 @!p2 $0x80  }
0xa7: {  	[spmem:s3] =	stream.indirect.scatter.add.f32 @!p2 [tilespmem:s4], [sflag:$0xC], $0x80, s18, s10, $0xb8;
	[tilespmem:$0x1C800] =	vst v63  }
0xa8: {  	s17 =	simm.s32 @!p2 $0xC;
	s4 =	sadd.s32 @!p3 $0xFFFFFFC0, s16;
	s10 =	simm.s32 @!p3 $0x0  }
0xa9: {  	[tilespmem:s13], [sflag:$0x5] =	stream.linear.gather @!p3 [hbm4b:s4+s10], $0x100, $0x38;
	[tilespmem:$0x1C800] =	vst v63  }
0xaa: {  	_ =	swait.ge @!p2 [sflag:s17], $0x4000  }
0xab: {  	[sflag:s17] =	ssyncset.done @!p2 $0x0  }
0xac: {  	[sflag:s17] =	ssyncadd.s32 @!p2 $0xFFFFC000  }
0xad: {  	_ =	swait.ge [sflag:s24], $0x100  }
0xae: {  	[sflag:s24] =	ssyncset.done $0x0  }
0xaf: {  	[sflag:s24] =	ssyncadd.s32 $0xFFFFFF00  }
0xb0: {  	[tilespmem:s25], [sflag:$0xA] =	stream.indirect.gather [hbm4b:s5+s7], $0x80, s20, s7, $0xb8;
	[tilespmem:$0x1C800] =	vst v63  }
0xb1: {  	_ =	swait.ge [sflag:s26], $0x4000  }
0xb2: {  	[sflag:s26] =	ssyncset.done $0x0  }
0xb3: {  	p2 =	sge.u32 s14, s8;
	[sflag:s26] =	ssyncadd.s32 $0xFFFFC000  }
0xb4: {  	[spmem:s3] =	stream.indirect.scatter.add.f32 [tilespmem:s23], [sflag:$0xB], $0x80, s7, s7, $0xb8;
	[tilespmem:$0x1C800] =	vst v63  }
0xb5: {  	s4 =	sadd.s32 @!p2 $0xFFFFFFE0, s16;
	s10 =	simm.s32 @!p2 $0x0;
	s13 =	simm.s32 @!p2 $0x500  }
0xb6: {  	[tilespmem:s13], [sflag:$0x6] =	stream.linear.gather @!p2 [hbm4b:s4+s10], $0x100, $0x38;
	[tilespmem:$0x1C800] =	vst v63  }
0xb7: {  	_ =	swait.ge [sflag:s28], $0x4000  }
0xb8: {  	[sflag:s28] =	ssyncset.done $0x0  }
0xb9: {  	[sflag:s28] =	ssyncadd.s32 $0xFFFFC000  }
0xba: {  	_ =	swait.ge [sflag:s29], $0x100  }
0xbb: {  	[sflag:s29] =	ssyncset.done $0x0  }
0xbc: {  	[sflag:s29] =	ssyncadd.s32 $0xFFFFFF00  }
0xbd: {  	[tilespmem:s23], [sflag:$0x9] =	stream.indirect.gather [hbm4b:s5+s7], $0x80, s21, s7, $0xb8;
	[tilespmem:$0x1C800] =	vst v63  }
0xbe: {  	_ =	swait.ge [sflag:s30], $0x4000  }
0xbf: {  	s17 =	sadd.s32 $0x1, s14;
	[sflag:s30] =	ssyncset.done $0x0  }
0xc0: {  	p2 =	sge.u32 s17, s8;
	s18 =	rddreg [dreg:$0x5];
	[sflag:s30] =	ssyncadd.s32 $0xFFFFC000  }
0xc1: {  	[spmem:s3] =	stream.indirect.scatter.add.f32 [tilespmem:s25], [sflag:$0xC], $0x80, s18, s7, $0xb8;
	[tilespmem:$0x1C800] =	vst v63  }
0xc2: {  	s4 =	simm.s32 @!p2 $0x0;
	s10 =	simm.s32 @!p2 $0x600  }
0xc3: {  	[tilespmem:s10], [sflag:$0x7] =	stream.linear.gather @!p2 [hbm4b:s16+s4], $0x100, $0x38;
	[tilespmem:$0x1C800] =	vst v63  }
0xc4: {  	_ =	swait.ge [sflag:s31], $0x4000  }
0xc5: {  	[sflag:s31] =	ssyncset.done $0x0  }
0xc6: {  	[sflag:s31] =	ssyncadd.s32 $0xFFFFC000  }
0xc7: {  	_ =	swait.ge [sflag:s0], $0x100  }
0xc8: {  	[sflag:s0] =	ssyncset.done $0x0  }
0xc9: {  	s13 =	simm.s32 $0x300;
	[sflag:s0] =	ssyncadd.s32 $0xFFFFFF00  }
0xca: {  	[tilespmem:s25], [sflag:$0xA] =	stream.indirect.gather [hbm4b:s5+s7], $0x80, s13, s7, $0xb8;
	[tilespmem:$0x1C800] =	vst v63  }
0xcb: {  	_ =	swait.ge [sflag:s26], $0x4000  }
0xcc: {  	s17 =	sadd.s32 $0x2, s14;
	[sflag:s26] =	ssyncset.done $0x0  }
0xcd: {  	p2 =	sge.u32 s17, s8;
	s18 =	rddreg [dreg:$0x6];
	[sflag:s26] =	ssyncadd.s32 $0xFFFFC000  }
0xce: {  	[spmem:s3] =	stream.indirect.scatter.add.f32 [tilespmem:s23], [sflag:$0xB], $0x80, s18, s7, $0xb8;
	[tilespmem:$0x1C800] =	vst v63  }
0xcf: {  	s4 =	sadd.s32 @!p2 $0x20, s16;
	s10 =	simm.s32 @!p2 $0x700;
	s13 =	simm.s32 @!p2 $0x0  }
0xd0: {  	[tilespmem:s10], [sflag:$0x8] =	stream.linear.gather @!p2 [hbm4b:s4+s13], $0x100, $0x38;
	[tilespmem:$0x1C800] =	vst v63  }
0xd1: {  	_ =	swait.ge [sflag:s28], $0x4000  }
0xd2: {  	[sflag:s28] =	ssyncset.done $0x0  }
0xd3: {  	[sflag:s28] =	ssyncadd.s32 $0xFFFFC000  }
0xd4: {  	_ =	swait.ge [sflag:s1], $0x100  }
0xd5: {  	[sflag:s1] =	ssyncset.done $0x0  }
0xd6: {  	s17 =	rddreg [dreg:$0x7];
	[sflag:s1] =	ssyncadd.s32 $0xFFFFFF00  }
0xd7: {  	[tilespmem:s23], [sflag:$0x9] =	stream.indirect.gather [hbm4b:s5+s7], $0x80, s17, s7, $0xb8;
	[tilespmem:$0x1C800] =	vst v63  }
0xd8: {  	_ =	swait.ge [sflag:s30], $0x4000  }
0xd9: {  	s13 =	sadd.s32 $0x3, s14;
	[sflag:s30] =	ssyncset.done $0x0  }
0xda: {  	p2 =	sge.u32 s13, s8;
	s18 =	rddreg [dreg:$0x8];
	[sflag:s30] =	ssyncadd.s32 $0xFFFFC000  }
0xdb: {  	[spmem:s3] =	stream.indirect.scatter.add.f32 [tilespmem:s25], [sflag:$0xC], $0x80, s18, s7, $0xb8;
	[tilespmem:$0x1C800] =	vst v63  }
0xdc: {  	s10 =	simm.s32 @!p2 $0x0;
	s4 =	sadd.s32 @!p2 $0x40, s16  }
0xdd: {  	[tilespmem:s10], [sflag:$0x1] =	stream.linear.gather @!p2 [hbm4b:s4+s10], $0x100, $0x38;
	[tilespmem:$0x1C800] =	vst v63  }
0xde: {  	_ =	swait.ge [sflag:s31], $0x4000  }
0xdf: {  	[sflag:s31] =	ssyncset.done $0x0  }
0xe0: {  	[sflag:s31] =	ssyncadd.s32 $0xFFFFC000  }
0xe1: {  	_ =	swait.ge [sflag:s2], $0x100  }
0xe2: {  	[sflag:s2] =	ssyncset.done $0x0  }
0xe3: {  	s17 =	rddreg [dreg:$0x9];
	[sflag:s2] =	ssyncadd.s32 $0xFFFFFF00  }
0xe4: {  	[tilespmem:s25], [sflag:$0xA] =	stream.indirect.gather [hbm4b:s5+s7], $0x80, s17, s7, $0xb8;
	[tilespmem:$0x1C800] =	vst v63  }
0xe5: {  	_ =	swait.ge [sflag:s26], $0x4000  }
0xe6: {  	s13 =	sadd.s32 $0x4, s14;
	[sflag:s26] =	ssyncset.done $0x0  }
0xe7: {  	p2 =	sge.u32 s13, s8;
	s18 =	rddreg [dreg:$0xa];
	[sflag:s26] =	ssyncadd.s32 $0xFFFFC000  }
0xe8: {  	[spmem:s3] =	stream.indirect.scatter.add.f32 [tilespmem:s23], [sflag:$0xB], $0x80, s18, s7, $0xb8;
	[tilespmem:$0x1C800] =	vst v63  }
0xe9: {  	s4 =	sadd.s32 @!p2 $0x60, s16;
	s10 =	simm.s32 @!p2 $0x0;
	s13 =	simm.s32 @!p2 $0x100  }
0xea: {  	[tilespmem:s13], [sflag:$0x2] =	stream.linear.gather @!p2 [hbm4b:s4+s10], $0x100, $0x38;
	[tilespmem:$0x1C800] =	vst v63  }
0xeb: {  	_ =	swait.ge [sflag:s28], $0x4000  }
0xec: {  	[sflag:s28] =	ssyncset.done $0x0  }
0xed: {  	[sflag:s28] =	ssyncadd.s32 $0xFFFFC000  }
0xee: {  	_ =	swait.ge [sflag:s11], $0x100  }
0xef: {  	[sflag:s11] =	ssyncset.done $0x0  }
0xf0: {  	s17 =	rddreg [dreg:$0xb];
	[sflag:s11] =	ssyncadd.s32 $0xFFFFFF00  }
0xf1: {  	[tilespmem:s23], [sflag:$0x9] =	stream.indirect.gather [hbm4b:s5+s7], $0x80, s17, s7, $0xb8;
	[tilespmem:$0x1C800] =	vst v63  }
0xf2: {  	_ =	swait.ge [sflag:s30], $0x4000  }
0xf3: {  	s13 =	sadd.s32 $0x5, s14;
	[sflag:s30] =	ssyncset.done $0x0  }
0xf4: {  	p2 =	sge.u32 s13, s8;
	s18 =	rddreg [dreg:$0xc];
	[sflag:s30] =	ssyncadd.s32 $0xFFFFC000  }
0xf5: {  	[spmem:s3] =	stream.indirect.scatter.add.f32 [tilespmem:s25], [sflag:$0xC], $0x80, s18, s7, $0xb8;
	[tilespmem:$0x1C800] =	vst v63  }
0xf6: {  	s4 =	sadd.s32 @!p2 $0x80, s16;
	s10 =	simm.s32 @!p2 $0x0;
	s13 =	simm.s32 @!p2 $0x200  }
0xf7: {  	[tilespmem:s13], [sflag:$0x3] =	stream.linear.gather @!p2 [hbm4b:s4+s10], $0x100, $0x38;
	[tilespmem:$0x1C800] =	vst v63  }
0xf8: {  	_ =	swait.ge [sflag:s31], $0x4000  }
0xf9: {  	[sflag:s31] =	ssyncset.done $0x0  }
0xfa: {  	s9 =	sadd.s32 $0xFFFFFFFF, s9;
	[sflag:s31] =	ssyncadd.s32 $0xFFFFC000  }
0xfb: {  	s6 =	sadd.s32 $0x8, s6;
	p1 =	sne.s32 s9, $0x0;
	_ =	swait.ge [sflag:s12], $0x100  }
.Ltmp2:
0xfc: {  	s15 =	smov.u32 s16;
	[sflag:s12] =	ssyncset.done $0x0;
	(pc) =	sbr.rel @p1 .LBB2_4-.Ltmp2, $4  }
0xfd: {  	s16 =	sadd.s32 $0x100, s16;
	s17 =	rddreg [dreg:$0xd];
	[sflag:s12] =	ssyncadd.s32 $0xFFFFFF00  }
0xfe: {  	[tilespmem:s25], [sflag:$0xA] =	stream.indirect.gather [hbm4b:s5+s7], $0x80, s17, s7, $0xb8;
	[tilespmem:$0x1C800] =	vst v63  }
0xff: {  	s18 =	sadd.s32 $0x6, s14;
	s14 =	smov.u32 s6;
	_ =	swait.ge [sflag:s26], $0x4000  }
0x100: {  	p3 =	sge.u32 s18, s8;
	s17 =	rddreg [dreg:$0xe];
	[sflag:s26] =	ssyncset.done $0x0  }
0x101: {  	s18 =	rddreg [dreg:$0x17]  }
0x102: {  	s19 =	rddreg [dreg:$0x18]  }
0x103: {  	s10 =	simm.s32 $0x0;
	s13 =	rddreg [dreg:$0x19]  }
.LBB2_6:
0x104: {  	p1 =	seq.s32 s14, $0x5;
	[sflag:s26] =	ssyncadd.s32 @p0 $0xFFFFC000;
	p2 =	por p3, !p0  }
0x105: {  	[spmem:s3] =	stream.indirect.scatter.add.f32 @p0 [tilespmem:s23], [sflag:$0xB], $0x80, s17, s7, $0xb8;
	[tilespmem:$0x1C800] =	vst v63  }
0x106: {  	s4 =	sadd.s32 @!p2 $0xA0, s15;
	s6 =	simm.s32 @!p2 $0x0;
	s9 =	simm.s32 @!p2 $0x300  }
0x107: {  	[tilespmem:s9], [sflag:$0x4] =	stream.linear.gather @!p2 [hbm4b:s4+s6], $0x100, $0x38;
	[tilespmem:$0x1C800] =	vst v63  }
0x108: {  	s4 =	simm.s32 @!p1 $0xB  }
0x109: {  	_ =	swait.ge @!p1 [sflag:s4], $0x4000  }
0x10a: {  	[sflag:s4] =	ssyncset.done @!p1 $0x0  }
0x10b: {  	[sflag:s4] =	ssyncadd.s32 @!p1 $0xFFFFC000  }
0x10c: {  	_ =	swait.ge [sflag:s22], $0x100  }
0x10d: {  	[sflag:s22] =	ssyncset.done $0x0  }
0x10e: {  	s4 =	simm.s32 @!p1 $0xA;
	[sflag:s22] =	ssyncadd.s32 $0xFFFFFF00  }
0x10f: {  	[tilespmem:s23], [sflag:$0x9] =	stream.indirect.gather [hbm4b:s5+s7], $0x80, s10, s7, $0xb8;
	[tilespmem:$0x1C800] =	vst v63  }
0x110: {  	s15 =	sadd.s32 $0xFFFFFFFF, s14;
	_ =	swait.ge @!p1 [sflag:s4], $0x4000  }
0x111: {  	p0 =	sge.u32 s15, s8;
	s9 =	simm.s32 @!p1 $0x780;
	[sflag:s4] =	ssyncset.done @!p1 $0x0  }
0x112: {  	s6 =	simm.s32 @!p1 $0x80;
	[sflag:s4] =	ssyncadd.s32 @!p1 $0xFFFFC000;
	s4 =	simm.s32 @!p1 $0x4800  }
0x113: {  	[spmem:s3] =	stream.indirect.scatter.add.f32 @!p1 [tilespmem:s4], [sflag:$0xC], $0x80, s9, s6, $0xb8;
	[tilespmem:$0x1C800] =	vst v63  }
0x114: {  	s4 =	sadd.s32 @!p0 $0xFFFFFFC0, s16;
	s6 =	simm.s32 @!p0 $0x0;
	s9 =	simm.s32 @!p0 $0x400  }
0x115: {  	[tilespmem:s9], [sflag:$0x5] =	stream.linear.gather @!p0 [hbm4b:s4+s6], $0x100, $0x38;
	[tilespmem:$0x1C800] =	vst v63  }
0x116: {  	s4 =	simm.s32 @!p1 $0xC  }
0x117: {  	_ =	swait.ge @!p1 [sflag:s4], $0x4000  }
0x118: {  	[sflag:s4] =	ssyncset.done @!p1 $0x0  }
0x119: {  	[sflag:s4] =	ssyncadd.s32 @!p1 $0xFFFFC000  }
0x11a: {  	_ =	swait.ge [sflag:s24], $0x100  }
0x11b: {  	[sflag:s24] =	ssyncset.done $0x0  }
0x11c: {  	[sflag:s24] =	ssyncadd.s32 $0xFFFFFF00  }
0x11d: {  	[tilespmem:s25], [sflag:$0xA] =	stream.indirect.gather [hbm4b:s5+s7], $0x80, s20, s7, $0xb8;
	[tilespmem:$0x1C800] =	vst v63  }
0x11e: {  	_ =	swait.ge [sflag:s26], $0x4000  }
0x11f: {  	[sflag:s26] =	ssyncset.done $0x0  }
0x120: {  	p0 =	sge.u32 s14, s8;
	[sflag:s26] =	ssyncadd.s32 $0xFFFFC000  }
0x121: {  	[spmem:s3] =	stream.indirect.scatter.add.f32 [tilespmem:s23], [sflag:$0xB], $0x80, s7, s7, $0xb8;
	[tilespmem:$0x1C800] =	vst v63  }
0x122: {  	s6 =	simm.s32 @!p0 $0x0;
	s9 =	simm.s32 @!p0 $0x500;
	s4 =	sadd.s32 @!p0 $0xFFFFFFE0, s16  }
0x123: {  	[tilespmem:s9], [sflag:$0x6] =	stream.linear.gather @!p0 [hbm4b:s4+s6], $0x100, $0x38;
	[tilespmem:$0x1C800] =	vst v63  }
0x124: {  	_ =	swait.ge [sflag:s28], $0x4000  }
0x125: {  	[sflag:s28] =	ssyncset.done $0x0  }
0x126: {  	[sflag:s28] =	ssyncadd.s32 $0xFFFFC000  }
0x127: {  	_ =	swait.ge [sflag:s29], $0x100  }
0x128: {  	[sflag:s29] =	ssyncset.done $0x0  }
0x129: {  	[sflag:s29] =	ssyncadd.s32 $0xFFFFFF00  }
0x12a: {  	[tilespmem:s23], [sflag:$0x9] =	stream.indirect.gather [hbm4b:s5+s7], $0x80, s21, s7, $0xb8;
	[tilespmem:$0x1C800] =	vst v63  }
0x12b: {  	_ =	swait.ge [sflag:s30], $0x4000  }
0x12c: {  	s9 =	sadd.s32 $0x1, s14;
	[sflag:s30] =	ssyncset.done $0x0  }
0x12d: {  	p0 =	sge.u32 s9, s8;
	s17 =	rddreg [dreg:$0x5];
	[sflag:s30] =	ssyncadd.s32 $0xFFFFC000  }
0x12e: {  	[spmem:s3] =	stream.indirect.scatter.add.f32 [tilespmem:s25], [sflag:$0xC], $0x80, s17, s7, $0xb8;
	[tilespmem:$0x1C800] =	vst v63  }
0x12f: {  	s4 =	simm.s32 @!p0 $0x0;
	s6 =	simm.s32 @!p0 $0x600  }
0x130: {  	[tilespmem:s6], [sflag:$0x7] =	stream.linear.gather @!p0 [hbm4b:s16+s4], $0x100, $0x38;
	[tilespmem:$0x1C800] =	vst v63  }
0x131: {  	_ =	swait.ge [sflag:s31], $0x4000  }
0x132: {  	[sflag:s31] =	ssyncset.done $0x0  }
0x133: {  	[sflag:s31] =	ssyncadd.s32 $0xFFFFC000  }
0x134: {  	_ =	swait.ge [sflag:s0], $0x100  }
0x135: {  	[sflag:s0] =	ssyncset.done $0x0  }
0x136: {  	s15 =	simm.s32 $0x300;
	[sflag:s0] =	ssyncadd.s32 $0xFFFFFF00  }
0x137: {  	[tilespmem:s25], [sflag:$0xA] =	stream.indirect.gather [hbm4b:s5+s7], $0x80, s15, s7, $0xb8;
	[tilespmem:$0x1C800] =	vst v63  }
0x138: {  	_ =	swait.ge [sflag:s26], $0x4000  }
0x139: {  	s9 =	sadd.s32 $0x2, s14;
	[sflag:s26] =	ssyncset.done $0x0  }
0x13a: {  	p0 =	sge.u32 s9, s8;
	s17 =	rddreg [dreg:$0x6];
	[sflag:s26] =	ssyncadd.s32 $0xFFFFC000  }
0x13b: {  	[spmem:s3] =	stream.indirect.scatter.add.f32 [tilespmem:s23], [sflag:$0xB], $0x80, s17, s7, $0xb8;
	[tilespmem:$0x1C800] =	vst v63  }
0x13c: {  	s4 =	sadd.s32 @!p0 $0x20, s16;
	s6 =	simm.s32 @!p0 $0x0;
	s9 =	simm.s32 @!p0 $0x700  }
0x13d: {  	[tilespmem:s9], [sflag:$0x8] =	stream.linear.gather @!p0 [hbm4b:s4+s6], $0x100, $0x38;
	[tilespmem:$0x1C800] =	vst v63  }
0x13e: {  	_ =	swait.ge [sflag:s28], $0x4000  }
0x13f: {  	[sflag:s28] =	ssyncset.done $0x0  }
0x140: {  	[sflag:s28] =	ssyncadd.s32 $0xFFFFC000  }
0x141: {  	_ =	swait.ge [sflag:s1], $0x100  }
0x142: {  	[sflag:s1] =	ssyncset.done $0x0  }
0x143: {  	s15 =	rddreg [dreg:$0x7];
	[sflag:s1] =	ssyncadd.s32 $0xFFFFFF00  }
0x144: {  	[tilespmem:s23], [sflag:$0x9] =	stream.indirect.gather [hbm4b:s5+s7], $0x80, s15, s7, $0xb8;
	[tilespmem:$0x1C800] =	vst v63  }
0x145: {  	_ =	swait.ge [sflag:s30], $0x4000  }
0x146: {  	s9 =	sadd.s32 $0x3, s14;
	[sflag:s30] =	ssyncset.done $0x0  }
0x147: {  	p0 =	sge.u32 s9, s8;
	s17 =	rddreg [dreg:$0x8];
	[sflag:s30] =	ssyncadd.s32 $0xFFFFC000  }
0x148: {  	[spmem:s3] =	stream.indirect.scatter.add.f32 [tilespmem:s25], [sflag:$0xC], $0x80, s17, s7, $0xb8;
	[tilespmem:$0x1C800] =	vst v63  }
0x149: {  	s4 =	simm.s32 @!p0 $0x0;
	s6 =	sadd.s32 @!p0 $0x40, s16  }
0x14a: {  	[tilespmem:s4], [sflag:$0x1] =	stream.linear.gather @!p0 [hbm4b:s6+s4], $0x100, $0x38;
	[tilespmem:$0x1C800] =	vst v63  }
0x14b: {  	_ =	swait.ge [sflag:s31], $0x4000  }
0x14c: {  	[sflag:s31] =	ssyncset.done $0x0  }
0x14d: {  	[sflag:s31] =	ssyncadd.s32 $0xFFFFC000  }
0x14e: {  	_ =	swait.ge [sflag:s2], $0x100  }
0x14f: {  	[sflag:s2] =	ssyncset.done $0x0  }
0x150: {  	s15 =	rddreg [dreg:$0x9];
	[sflag:s2] =	ssyncadd.s32 $0xFFFFFF00  }
0x151: {  	[tilespmem:s25], [sflag:$0xA] =	stream.indirect.gather [hbm4b:s5+s7], $0x80, s15, s7, $0xb8;
	[tilespmem:$0x1C800] =	vst v63  }
0x152: {  	_ =	swait.ge [sflag:s26], $0x4000  }
0x153: {  	s9 =	sadd.s32 $0x4, s14;
	[sflag:s26] =	ssyncset.done $0x0  }
0x154: {  	p0 =	sge.u32 s9, s8;
	s17 =	rddreg [dreg:$0xa];
	[sflag:s26] =	ssyncadd.s32 $0xFFFFC000  }
0x155: {  	[spmem:s3] =	stream.indirect.scatter.add.f32 [tilespmem:s23], [sflag:$0xB], $0x80, s17, s7, $0xb8;
	[tilespmem:$0x1C800] =	vst v63  }
0x156: {  	s4 =	sadd.s32 @!p0 $0x60, s16;
	s6 =	simm.s32 @!p0 $0x0;
	s9 =	simm.s32 @!p0 $0x100  }
0x157: {  	[tilespmem:s9], [sflag:$0x2] =	stream.linear.gather @!p0 [hbm4b:s4+s6], $0x100, $0x38;
	[tilespmem:$0x1C800] =	vst v63  }
0x158: {  	_ =	swait.ge [sflag:s28], $0x4000  }
0x159: {  	[sflag:s28] =	ssyncset.done $0x0  }
0x15a: {  	[sflag:s28] =	ssyncadd.s32 $0xFFFFC000  }
0x15b: {  	_ =	swait.ge [sflag:s11], $0x100  }
0x15c: {  	[sflag:s11] =	ssyncset.done $0x0  }
0x15d: {  	s15 =	rddreg [dreg:$0xb];
	[sflag:s11] =	ssyncadd.s32 $0xFFFFFF00  }
0x15e: {  	[tilespmem:s23], [sflag:$0x9] =	stream.indirect.gather [hbm4b:s5+s7], $0x80, s15, s7, $0xb8;
	[tilespmem:$0x1C800] =	vst v63  }
0x15f: {  	_ =	swait.ge [sflag:s30], $0x4000  }
0x160: {  	s9 =	sadd.s32 $0x5, s14;
	[sflag:s30] =	ssyncset.done $0x0  }
0x161: {  	p0 =	sge.u32 s9, s8;
	s17 =	rddreg [dreg:$0xc];
	[sflag:s30] =	ssyncadd.s32 $0xFFFFC000  }
0x162: {  	[spmem:s3] =	stream.indirect.scatter.add.f32 [tilespmem:s25], [sflag:$0xC], $0x80, s17, s7, $0xb8;
	[tilespmem:$0x1C800] =	vst v63  }
0x163: {  	s4 =	sadd.s32 @!p0 $0x80, s16;
	s6 =	simm.s32 @!p0 $0x0;
	s9 =	simm.s32 @!p0 $0x200  }
0x164: {  	[tilespmem:s9], [sflag:$0x3] =	stream.linear.gather @!p0 [hbm4b:s4+s6], $0x100, $0x38;
	[tilespmem:$0x1C800] =	vst v63  }
0x165: {  	_ =	swait.ge [sflag:s31], $0x4000  }
0x166: {  	[sflag:s31] =	ssyncset.done $0x0  }
0x167: {  	[sflag:s31] =	ssyncadd.s32 $0xFFFFC000  }
0x168: {  	_ =	swait.ge [sflag:s12], $0x100  }
0x169: {  	[sflag:s12] =	ssyncset.done $0x0  }
0x16a: {  	s15 =	rddreg [dreg:$0xd];
	[sflag:s12] =	ssyncadd.s32 $0xFFFFFF00  }
0x16b: {  	[tilespmem:s25], [sflag:$0xA] =	stream.indirect.gather [hbm4b:s5+s7], $0x80, s15, s7, $0xb8;
	[tilespmem:$0x1C800] =	vst v63  }
0x16c: {  	_ =	swait.ge [sflag:s26], $0x4000  }
0x16d: {  	s9 =	sadd.s32 $0x6, s14;
	[sflag:s26] =	ssyncset.done $0x0  }
0x16e: {  	p0 =	sge.u32 s9, s8;
	s17 =	rddreg [dreg:$0xe];
	[sflag:s26] =	ssyncadd.s32 $0xFFFFC000  }
0x16f: {  	[spmem:s3] =	stream.indirect.scatter.add.f32 [tilespmem:s23], [sflag:$0xB], $0x80, s17, s7, $0xb8;
	[tilespmem:$0x1C800] =	vst v63  }
0x170: {  	s4 =	sadd.s32 @!p0 $0xA0, s16;
	s6 =	simm.s32 @!p0 $0x0;
	s9 =	simm.s32 @!p0 $0x300  }
0x171: {  	[tilespmem:s9], [sflag:$0x4] =	stream.linear.gather @!p0 [hbm4b:s4+s6], $0x100, $0x38;
	[tilespmem:$0x1C800] =	vst v63  }
0x172: {  	_ =	swait.ge [sflag:s30], $0x4000  }
0x173: {  	[sflag:s30] =	ssyncset.done $0x0  }
0x174: {  	s14 =	simm.s32 $0x780;
	[sflag:s30] =	ssyncadd.s32 $0xFFFFC000  }
0x175: {  	[spmem:s3] =	stream.indirect.scatter.add.f32 [tilespmem:s25], [sflag:$0xC], $0x80, s14, s7, $0xb8;
	[tilespmem:$0x1C800] =	vst v63  }
0x176: {  	_ =	swait.ge [sflag:s28], $0x4000  }
0x177: {  	[sflag:s28] =	ssyncset.done $0x0  }
0x178: {  	[sflag:s28] =	ssyncadd.s32 $0xFFFFC000  }
0x179: {  	_ =	swait.ge [sflag:s31], $0x4000  }
0x17a: {  	[sflag:s31] =	ssyncset.done $0x0  }
0x17b: {  	[sflag:s31] =	ssyncadd.s32 $0xFFFFC000  }
0x17c: {  	[bflag:$0x0] =	sbarrier.arrive $0xFFFF  }
0x17d: {  	s15 =	rddreg [dreg:$0x15]  }
0x17e: {  	s6 =	simm.s32 $0xD;
	s16 =	rddreg [dreg:$0xf]  }
0x17f: {  	[hbm:s15], [sflag:s16] =	dma.local [spmem:s19], $0x2800  }
0x180: {  	_ =	swait.ge [sflag:s6], $0x2800  }
0x181: {  	s13 =	sadd.s32 $0x1, s13;
	s17 =	smov.u32 s19;
	s19 =	rddreg [dreg:$0x16]  }
0x182: {  	p0 =	sne.s32 s13, s19  }
.Ltmp3:
0x183: {  	_ = 	snop;
	(pc) =	sbr.rel @p0 .LBB2_1-.Ltmp3, $4  }
.Ltmp4:
0x184: {  	_ = 	snop;
	(pc) =	sbr.rel @!p0 .LBB2_7-.Ltmp4, $4  }
0x185: {  	_ = 	snop  }
0x186: {  	s9 =	simm.s32 $0x100;
	[sflag:s6] =	ssyncset.done $0x0  }
0x187: {  	s14 =	simm.s32 $0x200;
	s15 =	simm.s32 $0x300;
	[sflag:s6] =	ssyncadd.s32 $0xFFFFD800  }
0x188: {  	_ = 	snop  }
.LBB2_3:
.Ltmp5:
0x189: {  	(pc) =	sbr.rel .LBB2_6-.Ltmp5, $4  }
0x18a: {  	_ = 	snop  }
0x18b: {  	s18 =	rddreg [dreg:$0x17]  }
0x18c: {  	s19 =	rddreg [dreg:$0x18]  }
0x18d: {  	s10 =	simm.s32 $0x0;
	s13 =	rddreg [dreg:$0x19];
	s15 =	smov.u32 s18  }
.LBB2_7:
0x18e: {  	_ =	sfence.sel $0x180000  }
0x18f: {  	[bflag:$0x0] =	sbarrier.arrive $0xFFFF  }
0x190: {  	_ =	strace $0x9000004A  }
0x191: {  	s0 =	stileid.u32;
	[bflag:$0x2] =	sbarrier.arrive $0xFFFF  }
0x192: {  	p0 =	sne.s32 s0, $0x0;
	s0 =	rddreg [dreg:$0x4]  }
0x193: {  	s0 =	sadd.s32 @!p0 $0x100000, s0  }
0x194: {  	[sflag:s0] =	ssyncadd.tile.s32 @!p0 $0x1;
	_ =	shalt  }
.Lfunc_end2:
_tile_overlayer_lowered:
.L_overlay_start_2:
0x195: {  	(tag) =	ssettag $0x2  }
0x196: {  	s0 =	rddreg [dreg:$0x0];
	s2 =	stileid.u32  }
0x197: {  	s1 =	rddreg [dreg:$0x1];
	p0 =	sne.s32 s2, $0x0  }
0x198: {  	s3 =	rddreg [dreg:$0x2];
	[bflag:$0x3] =	sbarrier.arrive $0xFFFF;
	s2 =	simm.s32 @!p0 $0x1C0D  }
0x199: {  	[timem:s3], [sflag:s2] =	dma.local @!p0 [hbm:s0], s1  }
0x19a: {  	s0 =	simm.s32 @!p0 $0xD  }
0x19b: {  	_ =	swait.ge @!p0 [sflag:s0], s1  }
0x19c: {  	s1 =	ssub.s32 @!p0 $0x0, s1;
	[sflag:s0] =	ssyncset.done @!p0 $0x0  }
0x19d: {  	[sflag:s0] =	ssyncadd.s32 @!p0 s1  }
0x19e: {  	[bflag:$0x3] =	sbarrier.arrive $0xFFFF  }
0x19f: {  	_ =	shalt  }

// kernel: kernel.14.cloned.1.call-start
scs
__scs_entry_jumppad:
0x0: {  	(pc) =	sbr.rel $0x88, $3  }
0x1: {  	(tag) =	ssettag $0x0;
	lr =	simm.s32 $0x1  }
0x2: {  	[smem:$0x3F99] =	sst lr;
	_ =	strace $0xD0000000  }
0x3: {  	_ = 	snop  }
0x4: {  	_ = 	snop  }
0x5: {  	_ = 	snop  }
0x6: {  	_ = 	snop  }
0x7: {  	_ = 	snop  }
__scs_overlays_trampoline_lowered:
0x8: {  	[smem:$0x3FA8] =	sst s0  }
0x9: {  	[smem:$0x3FA9] =	sst s1  }
0xa: {  	[smem:$0x3FAA] =	sst s2  }
0xb: {  	[smem:$0x3FAB] =	sst s3  }
0xc: {  	[smem:$0x3FAC] =	sst s4  }
0xd: {  	[smem:$0x3FAD] =	sst s5  }
0xe: {  	[smem:$0x3FAE] =	sst s6  }
0xf: {  	[smem:$0x3FAF] =	sst s7  }
0x10: {  	[smem:$0x3FB0] =	sst s8  }
0x11: {  	[smem:$0x3FB1] =	sst s9;
	s0 =	simm.s32 @!p0 $0x0  }
0x12: {  	s1 =	sld [smem:$0x3F97];
	s0 =	simm.s32 @p0 $0x1  }
0x13: {  	[smem:$0x3FB2] =	sst s0;
	s0 =	simm.s32 @!p1 $0x0  }
0x14: {  	s2 =	sld [smem:$0x3F96];
	s0 =	simm.s32 @p1 $0x1  }
0x15: {  	[smem:$0x3FB3] =	sst s0;
	s0 =	simm.s32 @!p2 $0x0  }
0x16: {  	s3 =	sld [smem:$0x3FDB];
	s0 =	simm.s32 @p2 $0x1  }
0x17: {  	s4 =	simm.s32 $0x1BF5;
	[smem:$0x3FB5] =	sst s0  }
0x18: {  	s0 =	sld [smem:$0x3F98];
	_ =	swait.ge [sflag:s4], $0x0  }
0x19: {  	s7 =	sld [smem:$0x3F99]  }
0x1a: {  	s8 =	sadd.s32 $0xFFFFE003, lr  }
0x1b: {  	s9 =	sadd.s32 $0xFFFFFEF7, lr;
	s5 =	simm.s32 $0xFFFFFFFF;
	p2 =	slt.u32 s8, $0xFFFFF086  }
0x1c: {  	p1 =	slt.u32 s9, $0xF7A;
	s5 =	simm.s32 @!p2 $0x0  }
0x1d: {  	s5 =	simm.s32 @p1 $0x1;
	p0 =	seq.s32 s7, s2  }
0x1e: {  	s7 =	smul.u32 @!p0 $0xF7A, s2;
	p2 =	seq.s32 @!p0 s5, $0x0  }
0x1f: {  	s9 =	smul.u32 $0xF7A, s1;
	s8 =	simm.s32 @!p0 $0x1BF5;
	p2 =	por !p2, p0  }
0x20: {  	[sflag:s8] =	ssyncset.s32 @!p0 $0xFFFFF086;
	s6 =	sadd.s32 @!p0 s3, s7;
	s7 =	simm.s32 @!p0 $0x108  }
0x21: {  	s3 =	sadd.s32 s3, s9;
	s6 =	sadd.s32 @!p0 $0x88, s6;
	s7 =	simm.s32 @p2 $0x1082  }
0x22: {  	[simem:s7], [sflag:s8] =	dma.local @!p0 [hbm:s6], $0xF7A  }
0x23: {  	s9 =	sor.u32 $0xD0000000, s2;
	s6 =	simm.s32 $0x108;
	_ =	swait.ge @!p0 [sflag:s8], $0x0  }
0x24: {  	s3 =	sadd.s32 $0x88, s3;
	s6 =	simm.s32 @!p1 $0x1082;
	[sflag:s4] =	ssyncset.s32 $0xFFFFF086  }
0x25: {  	[simem:s6], [sflag:s4] =	dma.local [hbm:s3], $0xF7A  }
0x26: {  	[smem:$0x3F99] =	sst s1;
	(tag) =	ssettag s2;
	_ =	strace s9  }
0x27: {  	s1 =	sld [smem:$0x3FA9]  }
0x28: {  	s2 =	sld [smem:$0x3FAA]  }
0x29: {  	s4 =	sld [smem:$0x3FAC]  }
0x2a: {  	p0 =	seq.s32 s5, $0x0;
	s5 =	sld [smem:$0x3FAD]  }
0x2b: {  	s6 =	sld [smem:$0x3FAE]  }
0x2c: {  	s7 =	sld [smem:$0x3FAF]  }
0x2d: {  	s3 =	simm.s32 $0x108;
	s8 =	sld [smem:$0x3FB0]  }
0x2e: {  	s3 =	simm.s32 @!p0 $0x1082;
	s9 =	sld [smem:$0x3FB1]  }
0x2f: {  	lr =	sadd.s32 s0, s3;
	s0 =	sld [smem:$0x3FA8]  }
0x30: {  	s3 =	sld [smem:$0x3FAB]  }
0x31: {  	[smem:$0x3FB4] =	sst s10  }
0x32: {  	s10 =	sld [smem:$0x3FB2];
	_ =	sdelay $0x3  }
0x33: {  	p0 =	seq.s32 s10, $0x1;
	s10 =	sld [smem:$0x3FB4];
	_ =	sdelay $0x3  }
0x34: {  	[smem:$0x3FB4] =	sst s10  }
0x35: {  	s10 =	sld [smem:$0x3FB3];
	_ =	sdelay $0x3  }
0x36: {  	p1 =	seq.s32 s10, $0x1;
	s10 =	sld [smem:$0x3FB4];
	_ =	sdelay $0x3  }
0x37: {  	[smem:$0x3FB4] =	sst s10  }
0x38: {  	s10 =	sld [smem:$0x3FB5]  }
0x39: {  	_ = 	snop;
	(pc) =	sbr.ind lr, $3  }
0x3a: {  	_ = 	snop  }
0x3b: {  	_ = 	snop  }
0x3c: {  	p2 =	seq.s32 s10, $0x1;
	s10 =	sld [smem:$0x3FB4]  }
0x3d: {  	_ =	shalt  }
0x3e: {  	_ =	shalt  }
0x3f: {  	_ =	shalt  }
0x40: {  	_ =	shalt  }
0x41: {  	_ =	shalt  }
0x42: {  	_ =	shalt  }
0x43: {  	_ =	shalt  }
0x44: {  	_ =	shalt  }
0x45: {  	_ =	shalt  }
0x46: {  	_ =	shalt  }
0x47: {  	_ =	shalt  }
0x48: {  	_ =	shalt  }
0x49: {  	_ =	shalt  }
0x4a: {  	_ =	shalt  }
0x4b: {  	_ =	shalt  }
0x4c: {  	_ =	shalt  }
0x4d: {  	_ =	shalt  }
0x4e: {  	_ =	shalt  }
0x4f: {  	_ =	shalt  }
0x50: {  	_ =	shalt  }
0x51: {  	_ =	shalt  }
0x52: {  	_ =	shalt  }
0x53: {  	_ =	shalt  }
0x54: {  	_ =	shalt  }
0x55: {  	_ =	shalt  }
0x56: {  	_ =	shalt  }
0x57: {  	_ =	shalt  }
0x58: {  	_ =	shalt  }
0x59: {  	_ =	shalt  }
0x5a: {  	_ =	shalt  }
0x5b: {  	_ =	shalt  }
0x5c: {  	_ =	shalt  }
0x5d: {  	_ =	shalt  }
0x5e: {  	_ =	shalt  }
0x5f: {  	_ =	shalt  }
0x60: {  	_ =	shalt  }
0x61: {  	_ =	shalt  }
0x62: {  	_ =	shalt  }
0x63: {  	_ =	shalt  }
0x64: {  	_ =	shalt  }
0x65: {  	_ =	shalt  }
0x66: {  	_ =	shalt  }
0x67: {  	_ =	shalt  }
0x68: {  	_ =	shalt  }
0x69: {  	_ =	shalt  }
0x6a: {  	_ =	shalt  }
0x6b: {  	_ =	shalt  }
0x6c: {  	_ =	shalt  }
0x6d: {  	_ =	shalt  }
0x6e: {  	_ =	shalt  }
0x6f: {  	_ =	shalt  }
0x70: {  	_ =	shalt  }
0x71: {  	_ =	shalt  }
0x72: {  	_ =	shalt  }
0x73: {  	_ =	shalt  }
0x74: {  	_ =	shalt  }
0x75: {  	_ =	shalt  }
0x76: {  	_ =	shalt  }
0x77: {  	_ =	shalt  }
0x78: {  	_ =	shalt  }
0x79: {  	_ =	shalt  }
0x7a: {  	_ =	shalt  }
0x7b: {  	_ =	shalt  }
0x7c: {  	_ =	shalt  }
0x7d: {  	_ =	shalt  }
0x7e: {  	_ =	shalt  }
0x7f: {  	_ =	shalt  }
0x80: {  	_ =	shalt  }
0x81: {  	_ =	shalt  }
0x82: {  	_ =	shalt  }
0x83: {  	_ =	shalt  }
0x84: {  	_ =	shalt  }
0x85: {  	_ =	shalt  }
0x86: {  	_ =	shalt  }
0x87: {  	_ =	shalt  }
.Lfunc_end0:
.L_simem_size_0:
called_computation.2_lowered:
.L_overlay_start_0:
0x88: {  	s2 =	sld [smem:$0x3FD9]  }
0x89: {  	s3 =	sld [smem:$0x3FFE];
	_ =	sdelay $0x1  }
0x8a: {  	s1 =	srdreg.scid  }
0x8b: {  	s0 =	sand.u32 $0x1, s1  }
0x8c: {  	s14 =	sshll.u32 s0, $0xA;
	s2 =	sadd.s32 s3, s2  }
0x8d: {  	s2 =	sadd.s32 s2, s14  }
0x8e: {  	[smem:$0x3FC0] =	sst s2  }
0x8f: {  	_ = 	snop  }
0x90: {  	s2 =	sld [smem:$0x3FD0];
	_ =	sdelay $0x2  }
0x91: {  	s15 =	simm.s32 $0xA;
	s4 =	simm.s32 $0x10  }
0x92: {  	[smem:s4], [sflag:s15] =	dma.local [hbm:s2], $0x1  }
0x93: {  	_ =	swait.eq [sflag:s15], $0x1  }
0x94: {  	[sflag:s15] =	ssyncset.done $0x0  }
0x95: {  	s16 =	sld [smem:$0x10];
	[sflag:s15] =	ssyncadd.s32 $0xFFFFFFFF  }
0x96: {  	s17 =	sld [smem:$0x11];
	(tm) =	ssettm $0x1  }
0x97: {  	s18 =	sld [smem:$0x3FFB];
	_ =	sdelay $0x3  }
0x98: {  	_ =	strace s18  }
0x99: {  	s4 =	sld [smem:$0x3FFC];
	_ =	sdelay $0x3  }
0x9a: {  	_ =	strace s4  }
0x9b: {  	s4 =	sld [smem:$0x3FFD];
	_ =	sdelay $0x3  }
0x9c: {  	_ =	strace s4  }
0x9d: {  	_ =	strace $0x8FFFFFFF  }
0x9e: {  	s19 =	sld [smem:$0x3FDB];
	_ =	sdelay $0x1  }
0x9f: {  	s5 =	simm.s32 $_scs_section_size  }
0xa0: {  	s6 =	simm.s32 $_size__tile_overlayer_lowered;
	s7 =	simm.s32 $_tile_overlayer_lowered  }
0xa1: {  	s22 =	simm.s32 $0x1BFF;
	s21 =	sshll.u32 s7, $0x1;
	s4 =	sadd.s32 s5, s19  }
0xa2: {  	s8 =	simm.s32 $0x0;
	s20 =	sshll.u32 s6, $0x1;
	s6 =	sadd.s32 s21, s4  }
0xa3: {  	[timem:s8], [sflag:s22] =	dma.local [hbm:s6], s20  }
0xa4: {  	_ =	swait.ge [sflag:s22], s20  }
0xa5: {  	s5 =	ssub.s32 $0x0, s20;
	[sflag:s22] =	ssyncset.done $0x0  }
0xa6: {  	[sflag:s22] =	ssyncadd.s32 s5;
	_ =	sdelay $0x1  }
0xa7: {  	s23 =	simm.s32 $0x1B8B  }
0xa8: {  	_ =	swait.ge [sflag:s23], $0x1  }
0xa9: {  	[sflag:s23] =	ssyncset.done $0x0  }
0xaa: {  	s25 =	simm.s32 $0x1B8E;
	s24 =	sld [smem:$0x3FFE];
	[sflag:s23] =	ssyncadd.s32 $0xFFFFFFFF  }
0xab: {  	s26 =	simm.s32 $execute0_lowered;
	[smem:$0x3FD2] =	sst s25  }
0xac: {  	s6 =	sshll.u32 s26, $0x1;
	_ =	strace $0x8000004C;
	[dreg:$0x1] =	wrdreg $0xFFFFFFFF  }
0xad: {  	s28 =	simm.s32 $_size_execute0_lowered;
	s4 =	sadd.s32 s4, s6;
	[dreg:$0x0] =	wrdreg $0x0  }
0xae: {  	s6 =	sshll.u32 s28, $0x1;
	[dreg:$0x2] =	wrdreg s4  }
0xaf: {  	[dreg:$0x3] =	wrdreg s6  }
0xb0: {  	[dreg:$0x4] =	wrdreg $0xC0  }
0xb1: {  	_ =	task [dreg:s8], $0x5FFFF  }
0xb2: {  	[dreg:$0x1] =	wrdreg $0xFFFFFFFF  }
0xb3: {  	[dreg:$0x0] =	wrdreg $0x60  }
0xb4: {  	[dreg:$0x2] =	wrdreg s24  }
0xb5: {  	[dreg:$0x3] =	wrdreg s17  }
0xb6: {  	[dreg:$0x4] =	wrdreg s16  }
0xb7: {  	[dreg:$0x5] =	wrdreg $0x88000  }
0xb8: {  	[dreg:$0x6] =	wrdreg $0x9  }
0xb9: {  	_ =	task.clear_ibuf [dreg:s8], $0x7FFFF;
	_ =	strace $0x9000004C  }
0xba: {  	s29 =	simm.s32 $0x9;
	_ =	strace $0x8000004E  }
0xbb: {  	_ =	swait.ge [sflag:s29], $0x1  }
0xbc: {  	[sflag:s29] =	ssyncadd.s32 $0xFFFFFFFF  }
0xbd: {  	_ =	strace $0x9000004E  }
0xbe: {  	_ =	sfence  }
0xbf: {  	s30 =	sld [smem:$0x0];
	_ =	sdelay $0x2  }
0xc0: {  	s31 =	sshll.u32 s1, $0xD;
	s1 =	sshrl.u32 s1, $0x2  }
0xc1: {  	s3 =	sand.u32 $0x4000, s31;
	s1 =	sadd.s32 s1, s30  }
0xc2: {  	s0 =	sor.u32 s3, s0;
	s1 =	sshll.u32 s1, $0x11  }
0xc3: {  	s0 =	sor.u32 s1, s0  }
0xc4: {  	s0 =	sadd.s32 $0x8F2B, s0  }
0xc5: {  	[sflag:s0] =	ssyncadd.remote.s32 $0x1  }
0xc6: {  	_ =	sfence.sel $0xFFFF  }
0xc7: {  	[dreg:$0x0] =	wrdreg $0xFFFFFFFF;
	(pc) =	sbr.abs _section_cstart, $3  }
0xc8: {  	[dreg:$0x1] =	wrdreg $0xFFFFFFFF  }
0xc9: {  	_ =	task.clear_ibuf [dreg:s8], $0x2FFFF;
	_ =	strace $0x9FFFFFFF  }
0xca: {  	(tm) =	ssettm $0x7FFFFFFF  }
0xcb: {  	_ =	shalt  }
tec
execute0_lowered:
.L_overlay_start_1:
0x0: {  	(tag) =	ssettag $0x1  }
0x1: {  	s0 =	rddreg [dreg:$0x0]  }
0x2: {  	s1 =	rddreg [dreg:$0x1];
	s2 =	srdreg.scid  }
0x3: {  	s3 =	rddreg [dreg:$0x3];
	s4 =	stileid.u32;
	s10 =	simm.s32 $0x0  }
0x4: {  	s14 =	simm.s32 $0x180;
	s17 =	simm.s32 $0x280;
	s19 =	simm.s32 $0x400  }
0x5: {  	s20 =	simm.s32 $0x380;
	s21 =	simm.s32 $0x500;
	s22 =	simm.s32 $0x480  }
0x6: {  	s23 =	simm.s32 $0x600;
	s28 =	simm.s32 $0xB;
	s29 =	simm.s32 $0x3  }
0x7: {  	s30 =	simm.s32 $0xA;
	s31 =	simm.s32 $0xC;
	[smem:$0x7FF] =	sst s10  }
0x8: {  	s6 =	smul.u32 $0x14000, s4;
	_ =	strace $0x8000004D;
	[dreg:$0x5] =	wrdreg s14  }
0x9: {  	s2 =	sand.u32 $0x1, s2;
	s9 =	smul.u32 $0x50000, s4;
	[dreg:$0x6] =	wrdreg s17  }
0xa: {  	s26 =	sshll.u32 s4, $0x6;
	s11 =	sshll.u32 s4, $0x5;
	[dreg:$0x7] =	wrdreg s19  }
0xb: {  	s5 =	smul.u32 $0x140000, s2;
	s24 =	ssub.s32 $0x2, s2;
	[dreg:$0x8] =	wrdreg s20  }
0xc: {  	p0 =	seq.s32 s2, $0x0;
	s2 =	sshll.u32 s4, $0x7;
	[dreg:$0x9] =	wrdreg s21  }
0xd: {  	s16 =	sor.u32 $0x1C0D, s26;
	s4 =	simm.s32 $0x10;
	[dreg:$0xa] =	wrdreg s22  }
0xe: {  	s14 =	simm.s32 $0x200;
	[dreg:$0xb] =	wrdreg s23;
	s22 =	simm.s32 $0x1  }
0xf: {  	s23 =	simm.s32 $0x800;
	s26 =	simm.s32 $0x680;
	s20 =	simm.s32 $0x100  }
0x10: {  	s21 =	simm.s32 $0x200;
	s8 =	sshrl.u32 s24, $0x1;
	s25 =	sshrl.u32 s9, $0x2  }
0x11: {  	s9 =	sor.u32 $0x800, s11;
	s4 =	simm.s32 @!p0 $0x4;
	[dreg:$0xe] =	wrdreg s26  }
0x12: {  	s26 =	simm.s32 $0x9;
	[dreg:$0xf] =	wrdreg s16;
	s5 =	sadd.s32 s6, s5  }
0x13: {  	s6 =	ssub.s32 s24, s8;
	s11 =	sadd.s32 s25, s3;
	s9 =	smov.u32 @p0 s2  }
0x14: {  	s8 =	simm.s32 $0x80;
	[dreg:$0x10] =	wrdreg s4;
	s24 =	simm.s32 $0x580  }
0x15: {  	s25 =	simm.s32 $0x700;
	s7 =	sshrl.u32 s5, $0x3;
	s5 =	sadd.s32 $0x52800, s0  }
0x16: {  	s2 =	sshll.u32 s9, $0x5;
	s8 =	simm.s32 @!p0 $0x20;
	s15 =	smax.u32 s6, $0x1  }
0x17: {  	s17 =	sshrl.u32 s11, $0x3;
	s6 =	simm.s32 $0xD;
	[dreg:$0xc] =	wrdreg s24  }
0x18: {  	s9 =	simm.s32 $0x100;
	[dreg:$0xd] =	wrdreg s25;
	s24 =	simm.s32 $0x2  }
0x19: {  	s25 =	simm.s32 $0x4800;
	s11 =	simm.s32 $0x7;
	[dreg:$0x16] =	wrdreg s15  }
0x1a: {  	s0 =	sadd.s32 s7, s0;
	s1 =	sadd.s32 s1, s2;
	[dreg:$0x18] =	wrdreg s17  }
0x1b: {  	s7 =	simm.s32 $0x80;
	s2 =	sadd.s32 $0x20, s1;
	[dreg:$0x11] =	wrdreg s1  }
0x1c: {  	s15 =	simm.s32 $0x300;
	s12 =	sadd.s32 $0x40, s1;
	[dreg:$0x12] =	wrdreg s2  }
0x1d: {  	s13 =	sadd.s32 $0x60, s1;
	s0 =	sadd.s32 $0x7A800, s0;
	[dreg:$0x13] =	wrdreg s12  }
0x1e: {  	s18 =	sadd.s32 $0xC0, s1;
	s1 =	simm.s32 $0x5;
	[dreg:$0x14] =	wrdreg s13  }
0x1f: {  	[dreg:$0x15] =	wrdreg s0;
	s0 =	simm.s32 $0x4;
	s2 =	simm.s32 $0x6  }
0x20: {  	s12 =	simm.s32 $0x8;
	s13 =	simm.s32 $0x0;
	[dreg:$0x17] =	wrdreg s18  }
.LBB2_1:
0x21: {  	s4 =	rddreg [dreg:$0x2]  }
0x22: {  	[spmem:s17], [sflag:s16] =	dma.local [hbm:s4], $0x2800  }
0x23: {  	_ =	swait.ge [sflag:s6], $0x2800  }
0x24: {  	[sflag:s6] =	ssyncset.done $0x0  }
0x25: {  	[sflag:s6] =	ssyncadd.s32 $0xFFFFD800  }
0x26: {  	[bflag:$0x0] =	sbarrier.arrive $0xFFFF  }
0x27: {  	s19 =	smov.u32 s17;
	s17 =	rddreg [dreg:$0x11]  }
0x28: {  	s6 =	rddreg [dreg:$0x12]  }
0x29: {  	[tilespmem:s10], [sflag:$0x1] =	stream.linear.gather [hbm4b:s17+s10], $0x100, $0x38;
	[tilespmem:$0x1C800] =	vst v63  }
0x2a: {  	s17 =	rddreg [dreg:$0x10]  }
0x2b: {  	[tilespmem:s9], [sflag:$0x2] =	stream.linear.gather [hbm4b:s6+s10], $0x100, $0x38;
	[tilespmem:$0x1C800] =	vst v63  }
0x2c: {  	s6 =	sadd.s32 $0xFFFFFFFF, s17  }
0x2d: {  	p1 =	sne.s32 s6, $0x0  }
.Ltmp0:
0x2e: {  	s9 =	rddreg [dreg:$0x13];
	(pc) =	sbr.rel @!p1 .LBB2_6-.Ltmp0, $4  }
0x2f: {  	[tilespmem:s14], [sflag:$0x3] =	stream.linear.gather [hbm4b:s9+s10], $0x100, $0x38;
	[tilespmem:$0x1C800] =	vst v63  }
0x30: {  	s16 =	rddreg [dreg:$0x14]  }
0x31: {  	[tilespmem:s15], [sflag:$0x4] =	stream.linear.gather [hbm4b:s16+s10], $0x100, $0x38;
	[tilespmem:$0x1C800] =	vst v63  }
0x32: {  	p0 =	por $0x0, $0x0;
	s14 =	simm.s32 $0x5;
	s16 =	smov.u32 s18  }
0x33: {  	p0 =	por $0x1, $0x1  }
0x34: {  	[dreg:$0x19] =	wrdreg s13;
	s9 =	simm.s32 @!p0 $0xB  }
0x35: {  	_ =	swait.ge @!p0 [sflag:s9], $0x4000  }
0x36: {  	[sflag:s9] =	ssyncset.done @!p0 $0x0  }
0x37: {  	[sflag:s9] =	ssyncadd.s32 @!p0 $0xFFFFC000  }
0x38: {  	_ =	swait.ge [sflag:s22], $0x100  }
0x39: {  	[sflag:s22] =	ssyncset.done $0x0  }
0x3a: {  	s9 =	simm.s32 @!p0 $0xA;
	[sflag:s22] =	ssyncadd.s32 $0xFFFFFF00  }
0x3b: {  	[tilespmem:s23], [sflag:$0x9] =	stream.indirect.gather [hbm4b:s5+s7], $0x80, s10, s7, $0xb8;
	[tilespmem:$0x1C800] =	vst v63  }
0x3c: {  	p1 =	sle.u32 s8, $0x4;
	_ =	swait.ge @!p0 [sflag:s9], $0x4000  }
0x3d: {  	s14 =	simm.s32 @!p0 $0xC;
	s15 =	simm.s32 @!p0 $0x780;
	[sflag:s9] =	ssyncset.done @!p0 $0x0  }
0x3e: {  	s16 =	simm.s32 @!p0 $0x4800;
	[sflag:s9] =	ssyncadd.s32 @!p0 $0xFFFFC000;
	s9 =	simm.s32 @!p0 $0x80  }
0x3f: {  	[spmem:s3] =	stream.indirect.scatter.add.f32 @!p0 [tilespmem:s16], [sflag:$0xC], $0x80, s15, s9, $0xb8;
	[tilespmem:$0x1C800] =	vst v63  }
0x40: {  	s9 =	sadd.s32 @!p1 $0xFFFFFFC0, s18;
	s15 =	simm.s32 @!p1 $0x0;
	s16 =	simm.s32 @!p1 $0x400  }
0x41: {  	[tilespmem:s16], [sflag:$0x5] =	stream.linear.gather @!p1 [hbm4b:s9+s15], $0x100, $0x38;
	[tilespmem:$0x1C800] =	vst v63  }
0x42: {  	_ =	swait.ge @!p0 [sflag:s14], $0x4000  }
0x43: {  	[sflag:s14] =	ssyncset.done @!p0 $0x0  }
0x44: {  	[sflag:s14] =	ssyncadd.s32 @!p0 $0xFFFFC000  }
0x45: {  	_ =	swait.ge [sflag:s24], $0x100  }
0x46: {  	[sflag:s24] =	ssyncset.done $0x0  }
0x47: {  	[sflag:s24] =	ssyncadd.s32 $0xFFFFFF00  }
0x48: {  	[tilespmem:s25], [sflag:$0xA] =	stream.indirect.gather [hbm4b:s5+s7], $0x80, s20, s7, $0xb8;
	[tilespmem:$0x1C800] =	vst v63  }
0x49: {  	_ =	swait.ge [sflag:s26], $0x4000  }
0x4a: {  	[sflag:s26] =	ssyncset.done $0x0  }
0x4b: {  	p0 =	sle.u32 s8, $0x5;
	[sflag:s26] =	ssyncadd.s32 $0xFFFFC000  }
0x4c: {  	[spmem:s3] =	stream.indirect.scatter.add.f32 [tilespmem:s23], [sflag:$0xB], $0x80, s7, s7, $0xb8;
	[tilespmem:$0x1C800] =	vst v63  }
0x4d: {  	s9 =	sadd.s32 @!p0 $0xFFFFFFE0, s18;
	s14 =	simm.s32 @!p0 $0x0;
	s15 =	simm.s32 @!p0 $0x500  }
0x4e: {  	[tilespmem:s15], [sflag:$0x6] =	stream.linear.gather @!p0 [hbm4b:s9+s14], $0x100, $0x38;
	[tilespmem:$0x1C800] =	vst v63  }
0x4f: {  	_ =	swait.ge [sflag:s28], $0x4000  }
0x50: {  	[sflag:s28] =	ssyncset.done $0x0  }
0x51: {  	[sflag:s28] =	ssyncadd.s32 $0xFFFFC000  }
0x52: {  	_ =	swait.ge [sflag:s29], $0x100  }
0x53: {  	[sflag:s29] =	ssyncset.done $0x0  }
0x54: {  	[sflag:s29] =	ssyncadd.s32 $0xFFFFFF00  }
0x55: {  	[tilespmem:s23], [sflag:$0x9] =	stream.indirect.gather [hbm4b:s5+s7], $0x80, s21, s7, $0xb8;
	[tilespmem:$0x1C800] =	vst v63  }
0x56: {  	_ =	swait.ge [sflag:s30], $0x4000  }
0x57: {  	[sflag:s30] =	ssyncset.done $0x0  }
0x58: {  	p0 =	sle.u32 s8, $0x6;
	s19 =	rddreg [dreg:$0x5];
	[sflag:s30] =	ssyncadd.s32 $0xFFFFC000  }
0x59: {  	[spmem:s3] =	stream.indirect.scatter.add.f32 [tilespmem:s25], [sflag:$0xC], $0x80, s19, s7, $0xb8;
	[tilespmem:$0x1C800] =	vst v63  }
0x5a: {  	s9 =	simm.s32 @!p0 $0x0;
	s14 =	simm.s32 @!p0 $0x600  }
0x5b: {  	[tilespmem:s14], [sflag:$0x7] =	stream.linear.gather @!p0 [hbm4b:s18+s9], $0x100, $0x38;
	[tilespmem:$0x1C800] =	vst v63  }
0x5c: {  	_ =	swait.ge [sflag:s31], $0x4000  }
0x5d: {  	[sflag:s31] =	ssyncset.done $0x0  }
0x5e: {  	[sflag:s31] =	ssyncadd.s32 $0xFFFFC000  }
0x5f: {  	_ =	swait.ge [sflag:s0], $0x100  }
0x60: {  	[sflag:s0] =	ssyncset.done $0x0  }
0x61: {  	s4 =	simm.s32 $0x300;
	[sflag:s0] =	ssyncadd.s32 $0xFFFFFF00  }
0x62: {  	[tilespmem:s25], [sflag:$0xA] =	stream.indirect.gather [hbm4b:s5+s7], $0x80, s4, s7, $0xb8;
	[tilespmem:$0x1C800] =	vst v63  }
0x63: {  	_ =	swait.ge [sflag:s26], $0x4000  }
0x64: {  	[sflag:s26] =	ssyncset.done $0x0  }
0x65: {  	p0 =	sle.u32 s8, $0x7;
	s4 =	rddreg [dreg:$0x6];
	[sflag:s26] =	ssyncadd.s32 $0xFFFFC000  }
0x66: {  	[spmem:s3] =	stream.indirect.scatter.add.f32 [tilespmem:s23], [sflag:$0xB], $0x80, s4, s7, $0xb8;
	[tilespmem:$0x1C800] =	vst v63  }
0x67: {  	s9 =	sadd.s32 @!p0 $0x20, s18;
	s14 =	simm.s32 @!p0 $0x0;
	s15 =	simm.s32 @!p0 $0x700  }
0x68: {  	[tilespmem:s15], [sflag:$0x8] =	stream.linear.gather @!p0 [hbm4b:s9+s14], $0x100, $0x38;
	[tilespmem:$0x1C800] =	vst v63  }
0x69: {  	_ =	swait.ge [sflag:s28], $0x4000  }
0x6a: {  	[sflag:s28] =	ssyncset.done $0x0  }
0x6b: {  	[sflag:s28] =	ssyncadd.s32 $0xFFFFC000  }
0x6c: {  	_ =	swait.ge [sflag:s1], $0x100  }
0x6d: {  	[sflag:s1] =	ssyncset.done $0x0  }
0x6e: {  	s10 =	rddreg [dreg:$0x7];
	[sflag:s1] =	ssyncadd.s32 $0xFFFFFF00  }
0x6f: {  	[tilespmem:s23], [sflag:$0x9] =	stream.indirect.gather [hbm4b:s5+s7], $0x80, s10, s7, $0xb8;
	[tilespmem:$0x1C800] =	vst v63  }
0x70: {  	_ =	swait.ge [sflag:s30], $0x4000  }
0x71: {  	[sflag:s30] =	ssyncset.done $0x0  }
0x72: {  	p0 =	sle.u32 s8, $0x8;
	s13 =	rddreg [dreg:$0x8];
	[sflag:s30] =	ssyncadd.s32 $0xFFFFC000  }
0x73: {  	[spmem:s3] =	stream.indirect.scatter.add.f32 [tilespmem:s25], [sflag:$0xC], $0x80, s13, s7, $0xb8;
	[tilespmem:$0x1C800] =	vst v63  }
0x74: {  	s9 =	simm.s32 @!p0 $0x0;
	s14 =	sadd.s32 @!p0 $0x40, s18  }
0x75: {  	[tilespmem:s9], [sflag:$0x1] =	stream.linear.gather @!p0 [hbm4b:s14+s9], $0x100, $0x38;
	[tilespmem:$0x1C800] =	vst v63  }
0x76: {  	_ =	swait.ge [sflag:s31], $0x4000  }
0x77: {  	[sflag:s31] =	ssyncset.done $0x0  }
0x78: {  	[sflag:s31] =	ssyncadd.s32 $0xFFFFC000  }
0x79: {  	_ =	swait.ge [sflag:s2], $0x100  }
0x7a: {  	[sflag:s2] =	ssyncset.done $0x0  }
0x7b: {  	s14 =	rddreg [dreg:$0x9];
	[sflag:s2] =	ssyncadd.s32 $0xFFFFFF00  }
0x7c: {  	[tilespmem:s25], [sflag:$0xA] =	stream.indirect.gather [hbm4b:s5+s7], $0x80, s14, s7, $0xb8;
	[tilespmem:$0x1C800] =	vst v63  }
0x7d: {  	_ =	swait.ge [sflag:s26], $0x4000  }
0x7e: {  	[sflag:s26] =	ssyncset.done $0x0  }
0x7f: {  	p0 =	sle.u32 s8, $0x9;
	s15 =	rddreg [dreg:$0xa];
	[sflag:s26] =	ssyncadd.s32 $0xFFFFC000  }
0x80: {  	[spmem:s3] =	stream.indirect.scatter.add.f32 [tilespmem:s23], [sflag:$0xB], $0x80, s15, s7, $0xb8;
	[tilespmem:$0x1C800] =	vst v63  }
0x81: {  	s9 =	sadd.s32 @!p0 $0x60, s18;
	s14 =	simm.s32 @!p0 $0x0;
	s15 =	simm.s32 @!p0 $0x100  }
0x82: {  	[tilespmem:s15], [sflag:$0x2] =	stream.linear.gather @!p0 [hbm4b:s9+s14], $0x100, $0x38;
	[tilespmem:$0x1C800] =	vst v63  }
0x83: {  	_ =	swait.ge [sflag:s28], $0x4000  }
0x84: {  	[sflag:s28] =	ssyncset.done $0x0  }
0x85: {  	[sflag:s28] =	ssyncadd.s32 $0xFFFFC000  }
0x86: {  	_ =	swait.ge [sflag:s11], $0x100  }
0x87: {  	[sflag:s11] =	ssyncset.done $0x0  }
0x88: {  	s16 =	rddreg [dreg:$0xb];
	[sflag:s11] =	ssyncadd.s32 $0xFFFFFF00  }
0x89: {  	[tilespmem:s23], [sflag:$0x9] =	stream.indirect.gather [hbm4b:s5+s7], $0x80, s16, s7, $0xb8;
	[tilespmem:$0x1C800] =	vst v63  }
0x8a: {  	_ =	swait.ge [sflag:s30], $0x4000  }
0x8b: {  	[sflag:s30] =	ssyncset.done $0x0  }
0x8c: {  	p0 =	sle.u32 s8, $0xA;
	s17 =	rddreg [dreg:$0xc];
	[sflag:s30] =	ssyncadd.s32 $0xFFFFC000  }
0x8d: {  	[spmem:s3] =	stream.indirect.scatter.add.f32 [tilespmem:s25], [sflag:$0xC], $0x80, s17, s7, $0xb8;
	[tilespmem:$0x1C800] =	vst v63  }
0x8e: {  	s9 =	sadd.s32 @!p0 $0x80, s18;
	s14 =	simm.s32 @!p0 $0x0;
	s15 =	simm.s32 @!p0 $0x200  }
0x8f: {  	[tilespmem:s15], [sflag:$0x3] =	stream.linear.gather @!p0 [hbm4b:s9+s14], $0x100, $0x38;
	[tilespmem:$0x1C800] =	vst v63  }
0x90: {  	_ =	swait.ge [sflag:s31], $0x4000  }
0x91: {  	[sflag:s31] =	ssyncset.done $0x0  }
0x92: {  	p3 =	sle.u32 s8, $0xB;
	s9 =	sadd.s32 $0xFFFFFFFF, s6;
	[sflag:s31] =	ssyncadd.s32 $0xFFFFC000  }
0x93: {  	s16 =	sadd.s32 $0x100, s18;
	p1 =	sne.s32 s9, $0x0;
	_ =	swait.ge [sflag:s12], $0x100  }
.Ltmp1:
0x94: {  	s14 =	simm.s32 $0xD;
	[sflag:s12] =	ssyncset.done $0x0;
	(pc) =	sbr.rel @!p1 .LBB2_3-.Ltmp1, $4  }
0x95: {  	p0 =	por $0x1, $0x1;
	s19 =	rddreg [dreg:$0xd];
	[sflag:s12] =	ssyncadd.s32 $0xFFFFFF00  }
0x96: {  	[tilespmem:s25], [sflag:$0xA] =	stream.indirect.gather [hbm4b:s5+s7], $0x80, s19, s7, $0xb8;
	[tilespmem:$0x1C800] =	vst v63  }
0x97: {  	s6 =	simm.s32 $0xD;
	s15 =	smov.u32 s18;
	_ =	swait.ge [sflag:s26], $0x4000  }
0x98: {  	s19 =	simm.s32 $0x0;
	s17 =	rddreg [dreg:$0xe];
	[sflag:s26] =	ssyncset.done $0x0  }
.LBB2_4:
0x99: {  	p2 =	seq.s32 s14, $0x5;
	[sflag:s26] =	ssyncadd.s32 $0xFFFFC000;
	s18 =	sadd.s32 @!p3 $0xA0, s15  }
0x9a: {  	[spmem:s3] =	stream.indirect.scatter.add.f32 [tilespmem:s23], [sflag:$0xB], $0x80, s17, s7, $0xb8;
	[tilespmem:$0x1C800] =	vst v63  }
0x9b: {  	s13 =	simm.s32 @!p3 $0x0;
	s10 =	simm.s32 @!p3 $0x300;
	s17 =	simm.s32 @!p2 $0xB  }
0x9c: {  	[tilespmem:s10], [sflag:$0x4] =	stream.linear.gather @!p3 [hbm4b:s18+s13], $0x100, $0x38;
	[tilespmem:$0x1C800] =	vst v63  }
0x9d: {  	_ =	swait.ge @!p2 [sflag:s17], $0x4000  }
0x9e: {  	[sflag:s17] =	ssyncset.done @!p2 $0x0  }
0x9f: {  	[sflag:s17] =	ssyncadd.s32 @!p2 $0xFFFFC000  }
0xa0: {  	_ =	swait.ge [sflag:s22], $0x100  }
0xa1: {  	[sflag:s22] =	ssyncset.done $0x0  }
0xa2: {  	s10 =	simm.s32 @!p2 $0xA;
	[sflag:s22] =	ssyncadd.s32 $0xFFFFFF00  }
0xa3: {  	[tilespmem:s23], [sflag:$0x9] =	stream.indirect.gather [hbm4b:s5+s7], $0x80, s19, s7, $0xb8;
	[tilespmem:$0x1C800] =	vst v63  }
0xa4: {  	s4 =	simm.s32 @!p2 $0x4800;
	s13 =	sadd.s32 $0xFFFFFFFF, s14;
	_ =	swait.ge @!p2 [sflag:s10], $0x4000  }
0xa5: {  	s18 =	simm.s32 @!p2 $0x780;
	p3 =	sge.u32 s13, s8;
	[sflag:s10] =	ssyncset.done @!p2 $0x0  }
0xa6: {  	s13 =	simm.s32 @!p3 $0x400;
	[sflag:s10] =	ssyncadd.s32 @!p2 $0xFFFFC000;
	s10 =	simm.s32 @!p2 $0x80  }
0xa7: {  	[spmem:s3] =	stream.indirect.scatter.add.f32 @!p2 [tilespmem:s4], [sflag:$0xC], $0x80, s18, s10, $0xb8;
	[tilespmem:$0x1C800] =	vst v63  }
0xa8: {  	s17 =	simm.s32 @!p2 $0xC;
	s4 =	sadd.s32 @!p3 $0xFFFFFFC0, s16;
	s10 =	simm.s32 @!p3 $0x0  }
0xa9: {  	[tilespmem:s13], [sflag:$0x5] =	stream.linear.gather @!p3 [hbm4b:s4+s10], $0x100, $0x38;
	[tilespmem:$0x1C800] =	vst v63  }
0xaa: {  	_ =	swait.ge @!p2 [sflag:s17], $0x4000  }
0xab: {  	[sflag:s17] =	ssyncset.done @!p2 $0x0  }
0xac: {  	[sflag:s17] =	ssyncadd.s32 @!p2 $0xFFFFC000  }
0xad: {  	_ =	swait.ge [sflag:s24], $0x100  }
0xae: {  	[sflag:s24] =	ssyncset.done $0x0  }
0xaf: {  	[sflag:s24] =	ssyncadd.s32 $0xFFFFFF00  }
0xb0: {  	[tilespmem:s25], [sflag:$0xA] =	stream.indirect.gather [hbm4b:s5+s7], $0x80, s20, s7, $0xb8;
	[tilespmem:$0x1C800] =	vst v63  }
0xb1: {  	_ =	swait.ge [sflag:s26], $0x4000  }
0xb2: {  	[sflag:s26] =	ssyncset.done $0x0  }
0xb3: {  	p2 =	sge.u32 s14, s8;
	[sflag:s26] =	ssyncadd.s32 $0xFFFFC000  }
0xb4: {  	[spmem:s3] =	stream.indirect.scatter.add.f32 [tilespmem:s23], [sflag:$0xB], $0x80, s7, s7, $0xb8;
	[tilespmem:$0x1C800] =	vst v63  }
0xb5: {  	s4 =	sadd.s32 @!p2 $0xFFFFFFE0, s16;
	s10 =	simm.s32 @!p2 $0x0;
	s13 =	simm.s32 @!p2 $0x500  }
0xb6: {  	[tilespmem:s13], [sflag:$0x6] =	stream.linear.gather @!p2 [hbm4b:s4+s10], $0x100, $0x38;
	[tilespmem:$0x1C800] =	vst v63  }
0xb7: {  	_ =	swait.ge [sflag:s28], $0x4000  }
0xb8: {  	[sflag:s28] =	ssyncset.done $0x0  }
0xb9: {  	[sflag:s28] =	ssyncadd.s32 $0xFFFFC000  }
0xba: {  	_ =	swait.ge [sflag:s29], $0x100  }
0xbb: {  	[sflag:s29] =	ssyncset.done $0x0  }
0xbc: {  	[sflag:s29] =	ssyncadd.s32 $0xFFFFFF00  }
0xbd: {  	[tilespmem:s23], [sflag:$0x9] =	stream.indirect.gather [hbm4b:s5+s7], $0x80, s21, s7, $0xb8;
	[tilespmem:$0x1C800] =	vst v63  }
0xbe: {  	_ =	swait.ge [sflag:s30], $0x4000  }
0xbf: {  	s17 =	sadd.s32 $0x1, s14;
	[sflag:s30] =	ssyncset.done $0x0  }
0xc0: {  	p2 =	sge.u32 s17, s8;
	s18 =	rddreg [dreg:$0x5];
	[sflag:s30] =	ssyncadd.s32 $0xFFFFC000  }
0xc1: {  	[spmem:s3] =	stream.indirect.scatter.add.f32 [tilespmem:s25], [sflag:$0xC], $0x80, s18, s7, $0xb8;
	[tilespmem:$0x1C800] =	vst v63  }
0xc2: {  	s4 =	simm.s32 @!p2 $0x0;
	s10 =	simm.s32 @!p2 $0x600  }
0xc3: {  	[tilespmem:s10], [sflag:$0x7] =	stream.linear.gather @!p2 [hbm4b:s16+s4], $0x100, $0x38;
	[tilespmem:$0x1C800] =	vst v63  }
0xc4: {  	_ =	swait.ge [sflag:s31], $0x4000  }
0xc5: {  	[sflag:s31] =	ssyncset.done $0x0  }
0xc6: {  	[sflag:s31] =	ssyncadd.s32 $0xFFFFC000  }
0xc7: {  	_ =	swait.ge [sflag:s0], $0x100  }
0xc8: {  	[sflag:s0] =	ssyncset.done $0x0  }
0xc9: {  	s13 =	simm.s32 $0x300;
	[sflag:s0] =	ssyncadd.s32 $0xFFFFFF00  }
0xca: {  	[tilespmem:s25], [sflag:$0xA] =	stream.indirect.gather [hbm4b:s5+s7], $0x80, s13, s7, $0xb8;
	[tilespmem:$0x1C800] =	vst v63  }
0xcb: {  	_ =	swait.ge [sflag:s26], $0x4000  }
0xcc: {  	s17 =	sadd.s32 $0x2, s14;
	[sflag:s26] =	ssyncset.done $0x0  }
0xcd: {  	p2 =	sge.u32 s17, s8;
	s18 =	rddreg [dreg:$0x6];
	[sflag:s26] =	ssyncadd.s32 $0xFFFFC000  }
0xce: {  	[spmem:s3] =	stream.indirect.scatter.add.f32 [tilespmem:s23], [sflag:$0xB], $0x80, s18, s7, $0xb8;
	[tilespmem:$0x1C800] =	vst v63  }
0xcf: {  	s4 =	sadd.s32 @!p2 $0x20, s16;
	s10 =	simm.s32 @!p2 $0x700;
	s13 =	simm.s32 @!p2 $0x0  }
0xd0: {  	[tilespmem:s10], [sflag:$0x8] =	stream.linear.gather @!p2 [hbm4b:s4+s13], $0x100, $0x38;
	[tilespmem:$0x1C800] =	vst v63  }
0xd1: {  	_ =	swait.ge [sflag:s28], $0x4000  }
0xd2: {  	[sflag:s28] =	ssyncset.done $0x0  }
0xd3: {  	[sflag:s28] =	ssyncadd.s32 $0xFFFFC000  }
0xd4: {  	_ =	swait.ge [sflag:s1], $0x100  }
0xd5: {  	[sflag:s1] =	ssyncset.done $0x0  }
0xd6: {  	s17 =	rddreg [dreg:$0x7];
	[sflag:s1] =	ssyncadd.s32 $0xFFFFFF00  }
0xd7: {  	[tilespmem:s23], [sflag:$0x9] =	stream.indirect.gather [hbm4b:s5+s7], $0x80, s17, s7, $0xb8;
	[tilespmem:$0x1C800] =	vst v63  }
0xd8: {  	_ =	swait.ge [sflag:s30], $0x4000  }
0xd9: {  	s13 =	sadd.s32 $0x3, s14;
	[sflag:s30] =	ssyncset.done $0x0  }
0xda: {  	p2 =	sge.u32 s13, s8;
	s18 =	rddreg [dreg:$0x8];
	[sflag:s30] =	ssyncadd.s32 $0xFFFFC000  }
0xdb: {  	[spmem:s3] =	stream.indirect.scatter.add.f32 [tilespmem:s25], [sflag:$0xC], $0x80, s18, s7, $0xb8;
	[tilespmem:$0x1C800] =	vst v63  }
0xdc: {  	s10 =	simm.s32 @!p2 $0x0;
	s4 =	sadd.s32 @!p2 $0x40, s16  }
0xdd: {  	[tilespmem:s10], [sflag:$0x1] =	stream.linear.gather @!p2 [hbm4b:s4+s10], $0x100, $0x38;
	[tilespmem:$0x1C800] =	vst v63  }
0xde: {  	_ =	swait.ge [sflag:s31], $0x4000  }
0xdf: {  	[sflag:s31] =	ssyncset.done $0x0  }
0xe0: {  	[sflag:s31] =	ssyncadd.s32 $0xFFFFC000  }
0xe1: {  	_ =	swait.ge [sflag:s2], $0x100  }
0xe2: {  	[sflag:s2] =	ssyncset.done $0x0  }
0xe3: {  	s17 =	rddreg [dreg:$0x9];
	[sflag:s2] =	ssyncadd.s32 $0xFFFFFF00  }
0xe4: {  	[tilespmem:s25], [sflag:$0xA] =	stream.indirect.gather [hbm4b:s5+s7], $0x80, s17, s7, $0xb8;
	[tilespmem:$0x1C800] =	vst v63  }
0xe5: {  	_ =	swait.ge [sflag:s26], $0x4000  }
0xe6: {  	s13 =	sadd.s32 $0x4, s14;
	[sflag:s26] =	ssyncset.done $0x0  }
0xe7: {  	p2 =	sge.u32 s13, s8;
	s18 =	rddreg [dreg:$0xa];
	[sflag:s26] =	ssyncadd.s32 $0xFFFFC000  }
0xe8: {  	[spmem:s3] =	stream.indirect.scatter.add.f32 [tilespmem:s23], [sflag:$0xB], $0x80, s18, s7, $0xb8;
	[tilespmem:$0x1C800] =	vst v63  }
0xe9: {  	s4 =	sadd.s32 @!p2 $0x60, s16;
	s10 =	simm.s32 @!p2 $0x0;
	s13 =	simm.s32 @!p2 $0x100  }
0xea: {  	[tilespmem:s13], [sflag:$0x2] =	stream.linear.gather @!p2 [hbm4b:s4+s10], $0x100, $0x38;
	[tilespmem:$0x1C800] =	vst v63  }
0xeb: {  	_ =	swait.ge [sflag:s28], $0x4000  }
0xec: {  	[sflag:s28] =	ssyncset.done $0x0  }
0xed: {  	[sflag:s28] =	ssyncadd.s32 $0xFFFFC000  }
0xee: {  	_ =	swait.ge [sflag:s11], $0x100  }
0xef: {  	[sflag:s11] =	ssyncset.done $0x0  }
0xf0: {  	s17 =	rddreg [dreg:$0xb];
	[sflag:s11] =	ssyncadd.s32 $0xFFFFFF00  }
0xf1: {  	[tilespmem:s23], [sflag:$0x9] =	stream.indirect.gather [hbm4b:s5+s7], $0x80, s17, s7, $0xb8;
	[tilespmem:$0x1C800] =	vst v63  }
0xf2: {  	_ =	swait.ge [sflag:s30], $0x4000  }
0xf3: {  	s13 =	sadd.s32 $0x5, s14;
	[sflag:s30] =	ssyncset.done $0x0  }
0xf4: {  	p2 =	sge.u32 s13, s8;
	s18 =	rddreg [dreg:$0xc];
	[sflag:s30] =	ssyncadd.s32 $0xFFFFC000  }
0xf5: {  	[spmem:s3] =	stream.indirect.scatter.add.f32 [tilespmem:s25], [sflag:$0xC], $0x80, s18, s7, $0xb8;
	[tilespmem:$0x1C800] =	vst v63  }
0xf6: {  	s4 =	sadd.s32 @!p2 $0x80, s16;
	s10 =	simm.s32 @!p2 $0x0;
	s13 =	simm.s32 @!p2 $0x200  }
0xf7: {  	[tilespmem:s13], [sflag:$0x3] =	stream.linear.gather @!p2 [hbm4b:s4+s10], $0x100, $0x38;
	[tilespmem:$0x1C800] =	vst v63  }
0xf8: {  	_ =	swait.ge [sflag:s31], $0x4000  }
0xf9: {  	[sflag:s31] =	ssyncset.done $0x0  }
0xfa: {  	s9 =	sadd.s32 $0xFFFFFFFF, s9;
	[sflag:s31] =	ssyncadd.s32 $0xFFFFC000  }
0xfb: {  	s6 =	sadd.s32 $0x8, s6;
	p1 =	sne.s32 s9, $0x0;
	_ =	swait.ge [sflag:s12], $0x100  }
.Ltmp2:
0xfc: {  	s15 =	smov.u32 s16;
	[sflag:s12] =	ssyncset.done $0x0;
	(pc) =	sbr.rel @p1 .LBB2_4-.Ltmp2, $4  }
0xfd: {  	s16 =	sadd.s32 $0x100, s16;
	s17 =	rddreg [dreg:$0xd];
	[sflag:s12] =	ssyncadd.s32 $0xFFFFFF00  }
0xfe: {  	[tilespmem:s25], [sflag:$0xA] =	stream.indirect.gather [hbm4b:s5+s7], $0x80, s17, s7, $0xb8;
	[tilespmem:$0x1C800] =	vst v63  }
0xff: {  	s18 =	sadd.s32 $0x6, s14;
	s14 =	smov.u32 s6;
	_ =	swait.ge [sflag:s26], $0x4000  }
0x100: {  	p3 =	sge.u32 s18, s8;
	s17 =	rddreg [dreg:$0xe];
	[sflag:s26] =	ssyncset.done $0x0  }
0x101: {  	s18 =	rddreg [dreg:$0x17]  }
0x102: {  	s19 =	rddreg [dreg:$0x18]  }
0x103: {  	s10 =	simm.s32 $0x0;
	s13 =	rddreg [dreg:$0x19]  }
.LBB2_6:
0x104: {  	p1 =	seq.s32 s14, $0x5;
	[sflag:s26] =	ssyncadd.s32 @p0 $0xFFFFC000;
	p2 =	por p3, !p0  }
0x105: {  	[spmem:s3] =	stream.indirect.scatter.add.f32 @p0 [tilespmem:s23], [sflag:$0xB], $0x80, s17, s7, $0xb8;
	[tilespmem:$0x1C800] =	vst v63  }
0x106: {  	s4 =	sadd.s32 @!p2 $0xA0, s15;
	s6 =	simm.s32 @!p2 $0x0;
	s9 =	simm.s32 @!p2 $0x300  }
0x107: {  	[tilespmem:s9], [sflag:$0x4] =	stream.linear.gather @!p2 [hbm4b:s4+s6], $0x100, $0x38;
	[tilespmem:$0x1C800] =	vst v63  }
0x108: {  	s4 =	simm.s32 @!p1 $0xB  }
0x109: {  	_ =	swait.ge @!p1 [sflag:s4], $0x4000  }
0x10a: {  	[sflag:s4] =	ssyncset.done @!p1 $0x0  }
0x10b: {  	[sflag:s4] =	ssyncadd.s32 @!p1 $0xFFFFC000  }
0x10c: {  	_ =	swait.ge [sflag:s22], $0x100  }
0x10d: {  	[sflag:s22] =	ssyncset.done $0x0  }
0x10e: {  	s4 =	simm.s32 @!p1 $0xA;
	[sflag:s22] =	ssyncadd.s32 $0xFFFFFF00  }
0x10f: {  	[tilespmem:s23], [sflag:$0x9] =	stream.indirect.gather [hbm4b:s5+s7], $0x80, s10, s7, $0xb8;
	[tilespmem:$0x1C800] =	vst v63  }
0x110: {  	s15 =	sadd.s32 $0xFFFFFFFF, s14;
	_ =	swait.ge @!p1 [sflag:s4], $0x4000  }
0x111: {  	p0 =	sge.u32 s15, s8;
	s9 =	simm.s32 @!p1 $0x780;
	[sflag:s4] =	ssyncset.done @!p1 $0x0  }
0x112: {  	s6 =	simm.s32 @!p1 $0x80;
	[sflag:s4] =	ssyncadd.s32 @!p1 $0xFFFFC000;
	s4 =	simm.s32 @!p1 $0x4800  }
0x113: {  	[spmem:s3] =	stream.indirect.scatter.add.f32 @!p1 [tilespmem:s4], [sflag:$0xC], $0x80, s9, s6, $0xb8;
	[tilespmem:$0x1C800] =	vst v63  }
0x114: {  	s4 =	sadd.s32 @!p0 $0xFFFFFFC0, s16;
	s6 =	simm.s32 @!p0 $0x0;
	s9 =	simm.s32 @!p0 $0x400  }
0x115: {  	[tilespmem:s9], [sflag:$0x5] =	stream.linear.gather @!p0 [hbm4b:s4+s6], $0x100, $0x38;
	[tilespmem:$0x1C800] =	vst v63  }
0x116: {  	s4 =	simm.s32 @!p1 $0xC  }
0x117: {  	_ =	swait.ge @!p1 [sflag:s4], $0x4000  }
0x118: {  	[sflag:s4] =	ssyncset.done @!p1 $0x0  }
0x119: {  	[sflag:s4] =	ssyncadd.s32 @!p1 $0xFFFFC000  }
0x11a: {  	_ =	swait.ge [sflag:s24], $0x100  }
0x11b: {  	[sflag:s24] =	ssyncset.done $0x0  }
0x11c: {  	[sflag:s24] =	ssyncadd.s32 $0xFFFFFF00  }
0x11d: {  	[tilespmem:s25], [sflag:$0xA] =	stream.indirect.gather [hbm4b:s5+s7], $0x80, s20, s7, $0xb8;
	[tilespmem:$0x1C800] =	vst v63  }
0x11e: {  	_ =	swait.ge [sflag:s26], $0x4000  }
0x11f: {  	[sflag:s26] =	ssyncset.done $0x0  }
0x120: {  	p0 =	sge.u32 s14, s8;
	[sflag:s26] =	ssyncadd.s32 $0xFFFFC000  }
0x121: {  	[spmem:s3] =	stream.indirect.scatter.add.f32 [tilespmem:s23], [sflag:$0xB], $0x80, s7, s7, $0xb8;
	[tilespmem:$0x1C800] =	vst v63  }
0x122: {  	s6 =	simm.s32 @!p0 $0x0;
	s9 =	simm.s32 @!p0 $0x500;
	s4 =	sadd.s32 @!p0 $0xFFFFFFE0, s16  }
0x123: {  	[tilespmem:s9], [sflag:$0x6] =	stream.linear.gather @!p0 [hbm4b:s4+s6], $0x100, $0x38;
	[tilespmem:$0x1C800] =	vst v63  }
0x124: {  	_ =	swait.ge [sflag:s28], $0x4000  }
0x125: {  	[sflag:s28] =	ssyncset.done $0x0  }
0x126: {  	[sflag:s28] =	ssyncadd.s32 $0xFFFFC000  }
0x127: {  	_ =	swait.ge [sflag:s29], $0x100  }
0x128: {  	[sflag:s29] =	ssyncset.done $0x0  }
0x129: {  	[sflag:s29] =	ssyncadd.s32 $0xFFFFFF00  }
0x12a: {  	[tilespmem:s23], [sflag:$0x9] =	stream.indirect.gather [hbm4b:s5+s7], $0x80, s21, s7, $0xb8;
	[tilespmem:$0x1C800] =	vst v63  }
0x12b: {  	_ =	swait.ge [sflag:s30], $0x4000  }
0x12c: {  	s9 =	sadd.s32 $0x1, s14;
	[sflag:s30] =	ssyncset.done $0x0  }
0x12d: {  	p0 =	sge.u32 s9, s8;
	s17 =	rddreg [dreg:$0x5];
	[sflag:s30] =	ssyncadd.s32 $0xFFFFC000  }
0x12e: {  	[spmem:s3] =	stream.indirect.scatter.add.f32 [tilespmem:s25], [sflag:$0xC], $0x80, s17, s7, $0xb8;
	[tilespmem:$0x1C800] =	vst v63  }
0x12f: {  	s4 =	simm.s32 @!p0 $0x0;
	s6 =	simm.s32 @!p0 $0x600  }
0x130: {  	[tilespmem:s6], [sflag:$0x7] =	stream.linear.gather @!p0 [hbm4b:s16+s4], $0x100, $0x38;
	[tilespmem:$0x1C800] =	vst v63  }
0x131: {  	_ =	swait.ge [sflag:s31], $0x4000  }
0x132: {  	[sflag:s31] =	ssyncset.done $0x0  }
0x133: {  	[sflag:s31] =	ssyncadd.s32 $0xFFFFC000  }
0x134: {  	_ =	swait.ge [sflag:s0], $0x100  }
0x135: {  	[sflag:s0] =	ssyncset.done $0x0  }
0x136: {  	s15 =	simm.s32 $0x300;
	[sflag:s0] =	ssyncadd.s32 $0xFFFFFF00  }
0x137: {  	[tilespmem:s25], [sflag:$0xA] =	stream.indirect.gather [hbm4b:s5+s7], $0x80, s15, s7, $0xb8;
	[tilespmem:$0x1C800] =	vst v63  }
0x138: {  	_ =	swait.ge [sflag:s26], $0x4000  }
0x139: {  	s9 =	sadd.s32 $0x2, s14;
	[sflag:s26] =	ssyncset.done $0x0  }
0x13a: {  	p0 =	sge.u32 s9, s8;
	s17 =	rddreg [dreg:$0x6];
	[sflag:s26] =	ssyncadd.s32 $0xFFFFC000  }
0x13b: {  	[spmem:s3] =	stream.indirect.scatter.add.f32 [tilespmem:s23], [sflag:$0xB], $0x80, s17, s7, $0xb8;
	[tilespmem:$0x1C800] =	vst v63  }
0x13c: {  	s4 =	sadd.s32 @!p0 $0x20, s16;
	s6 =	simm.s32 @!p0 $0x0;
	s9 =	simm.s32 @!p0 $0x700  }
0x13d: {  	[tilespmem:s9], [sflag:$0x8] =	stream.linear.gather @!p0 [hbm4b:s4+s6], $0x100, $0x38;
	[tilespmem:$0x1C800] =	vst v63  }
0x13e: {  	_ =	swait.ge [sflag:s28], $0x4000  }
0x13f: {  	[sflag:s28] =	ssyncset.done $0x0  }
0x140: {  	[sflag:s28] =	ssyncadd.s32 $0xFFFFC000  }
0x141: {  	_ =	swait.ge [sflag:s1], $0x100  }
0x142: {  	[sflag:s1] =	ssyncset.done $0x0  }
0x143: {  	s15 =	rddreg [dreg:$0x7];
	[sflag:s1] =	ssyncadd.s32 $0xFFFFFF00  }
0x144: {  	[tilespmem:s23], [sflag:$0x9] =	stream.indirect.gather [hbm4b:s5+s7], $0x80, s15, s7, $0xb8;
	[tilespmem:$0x1C800] =	vst v63  }
0x145: {  	_ =	swait.ge [sflag:s30], $0x4000  }
0x146: {  	s9 =	sadd.s32 $0x3, s14;
	[sflag:s30] =	ssyncset.done $0x0  }
0x147: {  	p0 =	sge.u32 s9, s8;
	s17 =	rddreg [dreg:$0x8];
	[sflag:s30] =	ssyncadd.s32 $0xFFFFC000  }
0x148: {  	[spmem:s3] =	stream.indirect.scatter.add.f32 [tilespmem:s25], [sflag:$0xC], $0x80, s17, s7, $0xb8;
	[tilespmem:$0x1C800] =	vst v63  }
0x149: {  	s4 =	simm.s32 @!p0 $0x0;
	s6 =	sadd.s32 @!p0 $0x40, s16  }
0x14a: {  	[tilespmem:s4], [sflag:$0x1] =	stream.linear.gather @!p0 [hbm4b:s6+s4], $0x100, $0x38;
	[tilespmem:$0x1C800] =	vst v63  }
0x14b: {  	_ =	swait.ge [sflag:s31], $0x4000  }
0x14c: {  	[sflag:s31] =	ssyncset.done $0x0  }
0x14d: {  	[sflag:s31] =	ssyncadd.s32 $0xFFFFC000  }
0x14e: {  	_ =	swait.ge [sflag:s2], $0x100  }
0x14f: {  	[sflag:s2] =	ssyncset.done $0x0  }
0x150: {  	s15 =	rddreg [dreg:$0x9];
	[sflag:s2] =	ssyncadd.s32 $0xFFFFFF00  }
0x151: {  	[tilespmem:s25], [sflag:$0xA] =	stream.indirect.gather [hbm4b:s5+s7], $0x80, s15, s7, $0xb8;
	[tilespmem:$0x1C800] =	vst v63  }
0x152: {  	_ =	swait.ge [sflag:s26], $0x4000  }
0x153: {  	s9 =	sadd.s32 $0x4, s14;
	[sflag:s26] =	ssyncset.done $0x0  }
0x154: {  	p0 =	sge.u32 s9, s8;
	s17 =	rddreg [dreg:$0xa];
	[sflag:s26] =	ssyncadd.s32 $0xFFFFC000  }
0x155: {  	[spmem:s3] =	stream.indirect.scatter.add.f32 [tilespmem:s23], [sflag:$0xB], $0x80, s17, s7, $0xb8;
	[tilespmem:$0x1C800] =	vst v63  }
0x156: {  	s4 =	sadd.s32 @!p0 $0x60, s16;
	s6 =	simm.s32 @!p0 $0x0;
	s9 =	simm.s32 @!p0 $0x100  }
0x157: {  	[tilespmem:s9], [sflag:$0x2] =	stream.linear.gather @!p0 [hbm4b:s4+s6], $0x100, $0x38;
	[tilespmem:$0x1C800] =	vst v63  }
0x158: {  	_ =	swait.ge [sflag:s28], $0x4000  }
0x159: {  	[sflag:s28] =	ssyncset.done $0x0  }
0x15a: {  	[sflag:s28] =	ssyncadd.s32 $0xFFFFC000  }
0x15b: {  	_ =	swait.ge [sflag:s11], $0x100  }
0x15c: {  	[sflag:s11] =	ssyncset.done $0x0  }
0x15d: {  	s15 =	rddreg [dreg:$0xb];
	[sflag:s11] =	ssyncadd.s32 $0xFFFFFF00  }
0x15e: {  	[tilespmem:s23], [sflag:$0x9] =	stream.indirect.gather [hbm4b:s5+s7], $0x80, s15, s7, $0xb8;
	[tilespmem:$0x1C800] =	vst v63  }
0x15f: {  	_ =	swait.ge [sflag:s30], $0x4000  }
0x160: {  	s9 =	sadd.s32 $0x5, s14;
	[sflag:s30] =	ssyncset.done $0x0  }
0x161: {  	p0 =	sge.u32 s9, s8;
	s17 =	rddreg [dreg:$0xc];
	[sflag:s30] =	ssyncadd.s32 $0xFFFFC000  }
0x162: {  	[spmem:s3] =	stream.indirect.scatter.add.f32 [tilespmem:s25], [sflag:$0xC], $0x80, s17, s7, $0xb8;
	[tilespmem:$0x1C800] =	vst v63  }
0x163: {  	s4 =	sadd.s32 @!p0 $0x80, s16;
	s6 =	simm.s32 @!p0 $0x0;
	s9 =	simm.s32 @!p0 $0x200  }
0x164: {  	[tilespmem:s9], [sflag:$0x3] =	stream.linear.gather @!p0 [hbm4b:s4+s6], $0x100, $0x38;
	[tilespmem:$0x1C800] =	vst v63  }
0x165: {  	_ =	swait.ge [sflag:s31], $0x4000  }
0x166: {  	[sflag:s31] =	ssyncset.done $0x0  }
0x167: {  	[sflag:s31] =	ssyncadd.s32 $0xFFFFC000  }
0x168: {  	_ =	swait.ge [sflag:s12], $0x100  }
0x169: {  	[sflag:s12] =	ssyncset.done $0x0  }
0x16a: {  	s15 =	rddreg [dreg:$0xd];
	[sflag:s12] =	ssyncadd.s32 $0xFFFFFF00  }
0x16b: {  	[tilespmem:s25], [sflag:$0xA] =	stream.indirect.gather [hbm4b:s5+s7], $0x80, s15, s7, $0xb8;
	[tilespmem:$0x1C800] =	vst v63  }
0x16c: {  	_ =	swait.ge [sflag:s26], $0x4000  }
0x16d: {  	s9 =	sadd.s32 $0x6, s14;
	[sflag:s26] =	ssyncset.done $0x0  }
0x16e: {  	p0 =	sge.u32 s9, s8;
	s17 =	rddreg [dreg:$0xe];
	[sflag:s26] =	ssyncadd.s32 $0xFFFFC000  }
0x16f: {  	[spmem:s3] =	stream.indirect.scatter.add.f32 [tilespmem:s23], [sflag:$0xB], $0x80, s17, s7, $0xb8;
	[tilespmem:$0x1C800] =	vst v63  }
0x170: {  	s4 =	sadd.s32 @!p0 $0xA0, s16;
	s6 =	simm.s32 @!p0 $0x0;
	s9 =	simm.s32 @!p0 $0x300  }
0x171: {  	[tilespmem:s9], [sflag:$0x4] =	stream.linear.gather @!p0 [hbm4b:s4+s6], $0x100, $0x38;
	[tilespmem:$0x1C800] =	vst v63  }
0x172: {  	_ =	swait.ge [sflag:s30], $0x4000  }
0x173: {  	[sflag:s30] =	ssyncset.done $0x0  }
0x174: {  	s14 =	simm.s32 $0x780;
	[sflag:s30] =	ssyncadd.s32 $0xFFFFC000  }
0x175: {  	[spmem:s3] =	stream.indirect.scatter.add.f32 [tilespmem:s25], [sflag:$0xC], $0x80, s14, s7, $0xb8;
	[tilespmem:$0x1C800] =	vst v63  }
0x176: {  	_ =	swait.ge [sflag:s28], $0x4000  }
0x177: {  	[sflag:s28] =	ssyncset.done $0x0  }
0x178: {  	[sflag:s28] =	ssyncadd.s32 $0xFFFFC000  }
0x179: {  	_ =	swait.ge [sflag:s31], $0x4000  }
0x17a: {  	[sflag:s31] =	ssyncset.done $0x0  }
0x17b: {  	[sflag:s31] =	ssyncadd.s32 $0xFFFFC000  }
0x17c: {  	[bflag:$0x0] =	sbarrier.arrive $0xFFFF  }
0x17d: {  	s15 =	rddreg [dreg:$0x15]  }
0x17e: {  	s6 =	simm.s32 $0xD;
	s16 =	rddreg [dreg:$0xf]  }
0x17f: {  	[hbm:s15], [sflag:s16] =	dma.local [spmem:s19], $0x2800  }
0x180: {  	_ =	swait.ge [sflag:s6], $0x2800  }
0x181: {  	s13 =	sadd.s32 $0x1, s13;
	s17 =	smov.u32 s19;
	s19 =	rddreg [dreg:$0x16]  }
0x182: {  	p0 =	sne.s32 s13, s19  }
.Ltmp3:
0x183: {  	_ = 	snop;
	(pc) =	sbr.rel @p0 .LBB2_1-.Ltmp3, $4  }
.Ltmp4:
0x184: {  	_ = 	snop;
	(pc) =	sbr.rel @!p0 .LBB2_7-.Ltmp4, $4  }
0x185: {  	_ = 	snop  }
0x186: {  	s9 =	simm.s32 $0x100;
	[sflag:s6] =	ssyncset.done $0x0  }
0x187: {  	s14 =	simm.s32 $0x200;
	s15 =	simm.s32 $0x300;
	[sflag:s6] =	ssyncadd.s32 $0xFFFFD800  }
0x188: {  	_ = 	snop  }
.LBB2_3:
.Ltmp5:
0x189: {  	(pc) =	sbr.rel .LBB2_6-.Ltmp5, $4  }
0x18a: {  	_ = 	snop  }
0x18b: {  	s18 =	rddreg [dreg:$0x17]  }
0x18c: {  	s19 =	rddreg [dreg:$0x18]  }
0x18d: {  	s10 =	simm.s32 $0x0;
	s13 =	rddreg [dreg:$0x19];
	s15 =	smov.u32 s18  }
.LBB2_7:
0x18e: {  	_ =	sfence.sel $0x180000  }
0x18f: {  	[bflag:$0x0] =	sbarrier.arrive $0xFFFF  }
0x190: {  	_ =	strace $0x9000004D  }
0x191: {  	s0 =	stileid.u32;
	[bflag:$0x2] =	sbarrier.arrive $0xFFFF  }
0x192: {  	p0 =	sne.s32 s0, $0x0;
	s0 =	rddreg [dreg:$0x4]  }
0x193: {  	s0 =	sadd.s32 @!p0 $0x100000, s0  }
0x194: {  	[sflag:s0] =	ssyncadd.tile.s32 @!p0 $0x1;
	_ =	shalt  }
.Lfunc_end2:
_tile_overlayer_lowered:
.L_overlay_start_2:
0x195: {  	(tag) =	ssettag $0x2  }
0x196: {  	s0 =	rddreg [dreg:$0x0];
	s2 =	stileid.u32  }
0x197: {  	s1 =	rddreg [dreg:$0x1];
	p0 =	sne.s32 s2, $0x0  }
0x198: {  	s3 =	rddreg [dreg:$0x2];
	[bflag:$0x3] =	sbarrier.arrive $0xFFFF;
	s2 =	simm.s32 @!p0 $0x1C0D  }
0x199: {  	[timem:s3], [sflag:s2] =	dma.local @!p0 [hbm:s0], s1  }
0x19a: {  	s0 =	simm.s32 @!p0 $0xD  }
0x19b: {  	_ =	swait.ge @!p0 [sflag:s0], s1  }
0x19c: {  	s1 =	ssub.s32 @!p0 $0x0, s1;
	[sflag:s0] =	ssyncset.done @!p0 $0x0  }
0x19d: {  	[sflag:s0] =	ssyncadd.s32 @!p0 s1  }
0x19e: {  	[bflag:$0x3] =	sbarrier.arrive $0xFFFF  }
0x19f: {  	_ =	shalt  }

// kernel: kernel.8.cloned.1.call-start
scs
__scs_entry_jumppad:
0x0: {  	(pc) =	sbr.rel $0x88, $3  }
0x1: {  	(tag) =	ssettag $0x0;
	lr =	simm.s32 $0x1  }
0x2: {  	[smem:$0x3F99] =	sst lr;
	_ =	strace $0xD0000000  }
0x3: {  	_ = 	snop  }
0x4: {  	_ = 	snop  }
0x5: {  	_ = 	snop  }
0x6: {  	_ = 	snop  }
0x7: {  	_ = 	snop  }
__scs_overlays_trampoline_lowered:
0x8: {  	[smem:$0x3FA8] =	sst s0  }
0x9: {  	[smem:$0x3FA9] =	sst s1  }
0xa: {  	[smem:$0x3FAA] =	sst s2  }
0xb: {  	[smem:$0x3FAB] =	sst s3  }
0xc: {  	[smem:$0x3FAC] =	sst s4  }
0xd: {  	[smem:$0x3FAD] =	sst s5  }
0xe: {  	[smem:$0x3FAE] =	sst s6  }
0xf: {  	[smem:$0x3FAF] =	sst s7  }
0x10: {  	[smem:$0x3FB0] =	sst s8  }
0x11: {  	[smem:$0x3FB1] =	sst s9;
	s0 =	simm.s32 @!p0 $0x0  }
0x12: {  	s1 =	sld [smem:$0x3F97];
	s0 =	simm.s32 @p0 $0x1  }
0x13: {  	[smem:$0x3FB2] =	sst s0;
	s0 =	simm.s32 @!p1 $0x0  }
0x14: {  	s2 =	sld [smem:$0x3F96];
	s0 =	simm.s32 @p1 $0x1  }
0x15: {  	[smem:$0x3FB3] =	sst s0;
	s0 =	simm.s32 @!p2 $0x0  }
0x16: {  	s3 =	sld [smem:$0x3FDB];
	s0 =	simm.s32 @p2 $0x1  }
0x17: {  	s4 =	simm.s32 $0x1BF5;
	[smem:$0x3FB5] =	sst s0  }
0x18: {  	s0 =	sld [smem:$0x3F98];
	_ =	swait.ge [sflag:s4], $0x0  }
0x19: {  	s7 =	sld [smem:$0x3F99]  }
0x1a: {  	s8 =	sadd.s32 $0xFFFFE003, lr  }
0x1b: {  	s9 =	sadd.s32 $0xFFFFFEF7, lr;
	s5 =	simm.s32 $0xFFFFFFFF;
	p2 =	slt.u32 s8, $0xFFFFF086  }
0x1c: {  	p1 =	slt.u32 s9, $0xF7A;
	s5 =	simm.s32 @!p2 $0x0  }
0x1d: {  	s5 =	simm.s32 @p1 $0x1;
	p0 =	seq.s32 s7, s2  }
0x1e: {  	s7 =	smul.u32 @!p0 $0xF7A, s2;
	p2 =	seq.s32 @!p0 s5, $0x0  }
0x1f: {  	s9 =	smul.u32 $0xF7A, s1;
	s8 =	simm.s32 @!p0 $0x1BF5;
	p2 =	por !p2, p0  }
0x20: {  	[sflag:s8] =	ssyncset.s32 @!p0 $0xFFFFF086;
	s6 =	sadd.s32 @!p0 s3, s7;
	s7 =	simm.s32 @!p0 $0x108  }
0x21: {  	s3 =	sadd.s32 s3, s9;
	s6 =	sadd.s32 @!p0 $0x88, s6;
	s7 =	simm.s32 @p2 $0x1082  }
0x22: {  	[simem:s7], [sflag:s8] =	dma.local @!p0 [hbm:s6], $0xF7A  }
0x23: {  	s9 =	sor.u32 $0xD0000000, s2;
	s6 =	simm.s32 $0x108;
	_ =	swait.ge @!p0 [sflag:s8], $0x0  }
0x24: {  	s3 =	sadd.s32 $0x88, s3;
	s6 =	simm.s32 @!p1 $0x1082;
	[sflag:s4] =	ssyncset.s32 $0xFFFFF086  }
0x25: {  	[simem:s6], [sflag:s4] =	dma.local [hbm:s3], $0xF7A  }
0x26: {  	[smem:$0x3F99] =	sst s1;
	(tag) =	ssettag s2;
	_ =	strace s9  }
0x27: {  	s1 =	sld [smem:$0x3FA9]  }
0x28: {  	s2 =	sld [smem:$0x3FAA]  }
0x29: {  	s4 =	sld [smem:$0x3FAC]  }
0x2a: {  	p0 =	seq.s32 s5, $0x0;
	s5 =	sld [smem:$0x3FAD]  }
0x2b: {  	s6 =	sld [smem:$0x3FAE]  }
0x2c: {  	s7 =	sld [smem:$0x3FAF]  }
0x2d: {  	s3 =	simm.s32 $0x108;
	s8 =	sld [smem:$0x3FB0]  }
0x2e: {  	s3 =	simm.s32 @!p0 $0x1082;
	s9 =	sld [smem:$0x3FB1]  }
0x2f: {  	lr =	sadd.s32 s0, s3;
	s0 =	sld [smem:$0x3FA8]  }
0x30: {  	s3 =	sld [smem:$0x3FAB]  }
0x31: {  	[smem:$0x3FB4] =	sst s10  }
0x32: {  	s10 =	sld [smem:$0x3FB2];
	_ =	sdelay $0x3  }
0x33: {  	p0 =	seq.s32 s10, $0x1;
	s10 =	sld [smem:$0x3FB4];
	_ =	sdelay $0x3  }
0x34: {  	[smem:$0x3FB4] =	sst s10  }
0x35: {  	s10 =	sld [smem:$0x3FB3];
	_ =	sdelay $0x3  }
0x36: {  	p1 =	seq.s32 s10, $0x1;
	s10 =	sld [smem:$0x3FB4];
	_ =	sdelay $0x3  }
0x37: {  	[smem:$0x3FB4] =	sst s10  }
0x38: {  	s10 =	sld [smem:$0x3FB5]  }
0x39: {  	_ = 	snop;
	(pc) =	sbr.ind lr, $3  }
0x3a: {  	_ = 	snop  }
0x3b: {  	_ = 	snop  }
0x3c: {  	p2 =	seq.s32 s10, $0x1;
	s10 =	sld [smem:$0x3FB4]  }
0x3d: {  	_ =	shalt  }
0x3e: {  	_ =	shalt  }
0x3f: {  	_ =	shalt  }
0x40: {  	_ =	shalt  }
0x41: {  	_ =	shalt  }
0x42: {  	_ =	shalt  }
0x43: {  	_ =	shalt  }
0x44: {  	_ =	shalt  }
0x45: {  	_ =	shalt  }
0x46: {  	_ =	shalt  }
0x47: {  	_ =	shalt  }
0x48: {  	_ =	shalt  }
0x49: {  	_ =	shalt  }
0x4a: {  	_ =	shalt  }
0x4b: {  	_ =	shalt  }
0x4c: {  	_ =	shalt  }
0x4d: {  	_ =	shalt  }
0x4e: {  	_ =	shalt  }
0x4f: {  	_ =	shalt  }
0x50: {  	_ =	shalt  }
0x51: {  	_ =	shalt  }
0x52: {  	_ =	shalt  }
0x53: {  	_ =	shalt  }
0x54: {  	_ =	shalt  }
0x55: {  	_ =	shalt  }
0x56: {  	_ =	shalt  }
0x57: {  	_ =	shalt  }
0x58: {  	_ =	shalt  }
0x59: {  	_ =	shalt  }
0x5a: {  	_ =	shalt  }
0x5b: {  	_ =	shalt  }
0x5c: {  	_ =	shalt  }
0x5d: {  	_ =	shalt  }
0x5e: {  	_ =	shalt  }
0x5f: {  	_ =	shalt  }
0x60: {  	_ =	shalt  }
0x61: {  	_ =	shalt  }
0x62: {  	_ =	shalt  }
0x63: {  	_ =	shalt  }
0x64: {  	_ =	shalt  }
0x65: {  	_ =	shalt  }
0x66: {  	_ =	shalt  }
0x67: {  	_ =	shalt  }
0x68: {  	_ =	shalt  }
0x69: {  	_ =	shalt  }
0x6a: {  	_ =	shalt  }
0x6b: {  	_ =	shalt  }
0x6c: {  	_ =	shalt  }
0x6d: {  	_ =	shalt  }
0x6e: {  	_ =	shalt  }
0x6f: {  	_ =	shalt  }
0x70: {  	_ =	shalt  }
0x71: {  	_ =	shalt  }
0x72: {  	_ =	shalt  }
0x73: {  	_ =	shalt  }
0x74: {  	_ =	shalt  }
0x75: {  	_ =	shalt  }
0x76: {  	_ =	shalt  }
0x77: {  	_ =	shalt  }
0x78: {  	_ =	shalt  }
0x79: {  	_ =	shalt  }
0x7a: {  	_ =	shalt  }
0x7b: {  	_ =	shalt  }
0x7c: {  	_ =	shalt  }
0x7d: {  	_ =	shalt  }
0x7e: {  	_ =	shalt  }
0x7f: {  	_ =	shalt  }
0x80: {  	_ =	shalt  }
0x81: {  	_ =	shalt  }
0x82: {  	_ =	shalt  }
0x83: {  	_ =	shalt  }
0x84: {  	_ =	shalt  }
0x85: {  	_ =	shalt  }
0x86: {  	_ =	shalt  }
0x87: {  	_ =	shalt  }
.Lfunc_end0:
.L_simem_size_0:
called_computation_lowered:
.L_overlay_start_0:
0x88: {  	s2 =	sld [smem:$0x3FD9]  }
0x89: {  	s3 =	sld [smem:$0x3FFE];
	_ =	sdelay $0x1  }
0x8a: {  	s1 =	srdreg.scid  }
0x8b: {  	s0 =	sand.u32 $0x1, s1  }
0x8c: {  	s14 =	sshll.u32 s0, $0xA;
	s2 =	sadd.s32 s3, s2  }
0x8d: {  	s2 =	sadd.s32 s2, s14  }
0x8e: {  	[smem:$0x3FC0] =	sst s2  }
0x8f: {  	_ = 	snop  }
0x90: {  	s2 =	sld [smem:$0x3FD0];
	_ =	sdelay $0x2  }
0x91: {  	s15 =	simm.s32 $0xA;
	s4 =	simm.s32 $0x10  }
0x92: {  	[smem:s4], [sflag:s15] =	dma.local [hbm:s2], $0x1  }
0x93: {  	_ =	swait.eq [sflag:s15], $0x1  }
0x94: {  	[sflag:s15] =	ssyncset.done $0x0  }
0x95: {  	s16 =	sld [smem:$0x10];
	[sflag:s15] =	ssyncadd.s32 $0xFFFFFFFF  }
0x96: {  	s17 =	sld [smem:$0x11];
	(tm) =	ssettm $0x1  }
0x97: {  	s18 =	sld [smem:$0x3FFB];
	_ =	sdelay $0x3  }
0x98: {  	_ =	strace s18  }
0x99: {  	s4 =	sld [smem:$0x3FFC];
	_ =	sdelay $0x3  }
0x9a: {  	_ =	strace s4  }
0x9b: {  	s4 =	sld [smem:$0x3FFD];
	_ =	sdelay $0x3  }
0x9c: {  	_ =	strace s4  }
0x9d: {  	_ =	strace $0x8FFFFFFF  }
0x9e: {  	s19 =	sld [smem:$0x3FDB];
	_ =	sdelay $0x1  }
0x9f: {  	s5 =	simm.s32 $_scs_section_size  }
0xa0: {  	s6 =	simm.s32 $_size__tile_overlayer_lowered;
	s7 =	simm.s32 $_tile_overlayer_lowered  }
0xa1: {  	s22 =	simm.s32 $0x1BFF;
	s21 =	sshll.u32 s7, $0x1;
	s4 =	sadd.s32 s5, s19  }
0xa2: {  	s8 =	simm.s32 $0x0;
	s20 =	sshll.u32 s6, $0x1;
	s6 =	sadd.s32 s21, s4  }
0xa3: {  	[timem:s8], [sflag:s22] =	dma.local [hbm:s6], s20  }
0xa4: {  	_ =	swait.ge [sflag:s22], s20  }
0xa5: {  	s5 =	ssub.s32 $0x0, s20;
	[sflag:s22] =	ssyncset.done $0x0  }
0xa6: {  	[sflag:s22] =	ssyncadd.s32 s5;
	_ =	sdelay $0x1  }
0xa7: {  	s23 =	simm.s32 $0x1B8B  }
0xa8: {  	_ =	swait.ge [sflag:s23], $0x1  }
0xa9: {  	[sflag:s23] =	ssyncset.done $0x0  }
0xaa: {  	s25 =	simm.s32 $0x1B8E;
	s24 =	sld [smem:$0x3FFE];
	[sflag:s23] =	ssyncadd.s32 $0xFFFFFFFF  }
0xab: {  	s26 =	simm.s32 $execute0_lowered;
	[smem:$0x3FD2] =	sst s25  }
0xac: {  	s6 =	sshll.u32 s26, $0x1;
	_ =	strace $0x80000046;
	[dreg:$0x1] =	wrdreg $0xFFFFFFFF  }
0xad: {  	s28 =	simm.s32 $_size_execute0_lowered;
	s4 =	sadd.s32 s4, s6;
	[dreg:$0x0] =	wrdreg $0x0  }
0xae: {  	s6 =	sshll.u32 s28, $0x1;
	[dreg:$0x2] =	wrdreg s4  }
0xaf: {  	[dreg:$0x3] =	wrdreg s6  }
0xb0: {  	[dreg:$0x4] =	wrdreg $0xC0  }
0xb1: {  	_ =	task [dreg:s8], $0x5FFFF  }
0xb2: {  	[dreg:$0x1] =	wrdreg $0xFFFFFFFF  }
0xb3: {  	[dreg:$0x0] =	wrdreg $0x60  }
0xb4: {  	[dreg:$0x2] =	wrdreg s17  }
0xb5: {  	[dreg:$0x3] =	wrdreg s24  }
0xb6: {  	[dreg:$0x4] =	wrdreg s16  }
0xb7: {  	[dreg:$0x5] =	wrdreg $0x48000  }
0xb8: {  	[dreg:$0x6] =	wrdreg $0x9  }
0xb9: {  	_ =	task.clear_ibuf [dreg:s8], $0x7FFFF;
	_ =	strace $0x90000046  }
0xba: {  	s29 =	simm.s32 $0x9;
	_ =	strace $0x80000048  }
0xbb: {  	_ =	swait.ge [sflag:s29], $0x1  }
0xbc: {  	[sflag:s29] =	ssyncadd.s32 $0xFFFFFFFF  }
0xbd: {  	_ =	strace $0x90000048  }
0xbe: {  	_ =	sfence  }
0xbf: {  	s30 =	sld [smem:$0x0];
	_ =	sdelay $0x2  }
0xc0: {  	s31 =	sshll.u32 s1, $0xD;
	s1 =	sshrl.u32 s1, $0x2  }
0xc1: {  	s3 =	sand.u32 $0x4000, s31;
	s1 =	sadd.s32 s1, s30  }
0xc2: {  	s0 =	sor.u32 s3, s0;
	s1 =	sshll.u32 s1, $0x11  }
0xc3: {  	s0 =	sor.u32 s1, s0  }
0xc4: {  	s0 =	sadd.s32 $0x8F2B, s0  }
0xc5: {  	[sflag:s0] =	ssyncadd.remote.s32 $0x1  }
0xc6: {  	_ =	sfence.sel $0xFFFF  }
0xc7: {  	[dreg:$0x0] =	wrdreg $0xFFFFFFFF;
	(pc) =	sbr.abs _section_cstart, $3  }
0xc8: {  	[dreg:$0x1] =	wrdreg $0xFFFFFFFF  }
0xc9: {  	_ =	task.clear_ibuf [dreg:s8], $0x2FFFF;
	_ =	strace $0x9FFFFFFF  }
0xca: {  	(tm) =	ssettm $0x7FFFFFFF  }
0xcb: {  	_ =	shalt  }
tec
execute0_lowered:
.L_overlay_start_1:
0x0: {  	(tag) =	ssettag $0x1  }
0x1: {  	s0 =	rddreg [dreg:$0x0]  }
0x2: {  	s1 =	rddreg [dreg:$0x1]  }
0x3: {  	s2 =	rddreg [dreg:$0x3]  }
0x4: {  	s3 =	srdreg.scid;
	s4 =	simm.s32 $0x0;
	s9 =	stileid.u32  }
0x5: {  	s20 =	simm.s32 $0x800;
	s28 =	simm.s32 $0x2;
	s31 =	simm.s32 $0x3  }
0x6: {  	s10 =	simm.s32 $0x480;
	s11 =	simm.s32 $0xB;
	s12 =	simm.s32 $0x7  }
0x7: {  	s18 =	simm.s32 $0x8;
	s19 =	simm.s32 $0x780;
	s6 =	smul.u32 $0x14000, s9  }
0x8: {  	s29 =	simm.s32 $0x0;
	s3 =	sand.u32 $0x1, s3;
	s22 =	smul.u32 $0x50000, s9  }
0x9: {  	[smem:$0x7FF] =	sst s4;
	s7 =	sadd.s32 $0x2000, s1;
	s24 =	smul.u32 $0x50, s9  }
0xa: {  	s5 =	smul.u32 $0x140000, s3;
	_ =	strace $0x80000047;
	[dreg:$0x5] =	wrdreg s7  }
0xb: {  	s21 =	sshll.u32 s3, $0x4;
	s8 =	ssub.s32 $0x2, s3;
	s3 =	smul.u32 $0x500, s3  }
0xc: {  	s7 =	sor.u32 s9, s21;
	s23 =	sshrl.u32 s8, $0x1;
	s9 =	sshll.u32 s9, $0x6  }
0xd: {  	s21 =	simm.s32 $0x380;
	s5 =	sadd.s32 s6, s5;
	s7 =	smul.u32 $0xA00, s7  }
0xe: {  	s6 =	sshrl.u32 s22, $0x2;
	s22 =	sor.u32 $0x1C0D, s9;
	s3 =	sadd.s32 s24, s3  }
0xf: {  	s24 =	simm.s32 $0x1;
	s9 =	simm.s32 $0x5;
	s5 =	sshrl.u32 s5, $0x3  }
0x10: {  	s6 =	sadd.s32 s6, s2;
	s3 =	sshll.u32 s3, $0x5;
	[dreg:$0x7] =	wrdreg s22  }
0x11: {  	s1 =	sadd.s32 s5, s1;
	s5 =	ssub.s32 s8, s23;
	s7 =	sadd.s32 s0, s7  }
0x12: {  	s13 =	sadd.s32 s3, s0;
	s23 =	sshrl.u32 s6, $0x3;
	s3 =	simm.s32 $0x600  }
0x13: {  	s8 =	simm.s32 $0x9;
	s6 =	simm.s32 $0x680;
	[dreg:$0x6] =	wrdreg s7  }
0x14: {  	s25 =	sadd.s32 $0x20, s7;
	s26 =	sadd.s32 $0x40, s7;
	[dreg:$0xd] =	wrdreg s23  }
0x15: {  	s7 =	sadd.s32 $0x60, s7;
	s1 =	sadd.s32 $0x2800, s1;
	[dreg:$0x8] =	wrdreg s25  }
.Ltmp0:
0x16: {  	s30 =	smax.u32 s5, $0x1;
	[dreg:$0x9] =	wrdreg s26;
	(pc) =	sbr.rel .LBB2_1-.Ltmp0, $4  }
0x17: {  	s14 =	sadd.s32 $0x140, s13;
	s15 =	sadd.s32 $0x100, s13;
	[dreg:$0xa] =	wrdreg s7  }
0x18: {  	s16 =	sadd.s32 $0xC0, s13;
	s17 =	sadd.s32 $0x80, s13;
	[dreg:$0xb] =	wrdreg s1  }
0x19: {  	s5 =	simm.s32 $0x700;
	[dreg:$0xc] =	wrdreg s30;
	s26 =	simm.s32 $0xD  }
0x1a: {  	s25 =	simm.s32 $0x80;
	s1 =	simm.s32 $0x4;
	s7 =	simm.s32 $0xC  }
.LBB2_4:
0x1b: {  	_ =	swait.ge [sflag:s7], $0x4000  }
0x1c: {  	[sflag:s7] =	ssyncset.done $0x0  }
0x1d: {  	[sflag:s7] =	ssyncadd.s32 $0xFFFFC000  }
0x1e: {  	_ =	swait.ge [sflag:s18], $0x100  }
0x1f: {  	[sflag:s18] =	ssyncset.done $0x0  }
0x20: {  	[sflag:s18] =	ssyncadd.s32 $0xFFFFFF00  }
0x21: {  	[spmem:s2] =	stream.indirect.scatter.add.f32 [tilespmem:s20], [sflag:$0xC], $0x80, s19, s25, $0xb8;
	[tilespmem:$0x18800] =	vst v63  }
0x22: {  	_ =	swait.ge [sflag:s8], $0x4000  }
0x23: {  	[sflag:s8] =	ssyncset.done $0x0  }
0x24: {  	s0 =	simm.s32 $0xA;
	[sflag:s8] =	ssyncadd.s32 $0xFFFFC000  }
0x25: {  	_ =	swait.ge [sflag:s0], $0x4000  }
0x26: {  	[sflag:s0] =	ssyncset.done $0x0  }
0x27: {  	[sflag:s0] =	ssyncadd.s32 $0xFFFFC000  }
0x28: {  	_ =	swait.ge [sflag:s11], $0x4000  }
0x29: {  	[sflag:s11] =	ssyncset.done $0x0  }
0x2a: {  	[sflag:s11] =	ssyncadd.s32 $0xFFFFC000  }
0x2b: {  	_ =	swait.ge [sflag:s7], $0x4000  }
0x2c: {  	[sflag:s7] =	ssyncset.done $0x0  }
0x2d: {  	[sflag:s7] =	ssyncadd.s32 $0xFFFFC000  }
0x2e: {  	[bflag:$0x0] =	sbarrier.arrive $0xFFFF  }
0x2f: {  	s22 =	rddreg [dreg:$0x7]  }
0x30: {  	s26 =	rddreg [dreg:$0xb]  }
0x31: {  	s23 =	rddreg [dreg:$0xd]  }
0x32: {  	[hbm:s26], [sflag:s22] =	dma.local [spmem:s23], $0x2800  }
0x33: {  	s26 =	simm.s32 $0xD  }
0x34: {  	_ =	swait.ge [sflag:s26], $0x2800  }
0x35: {  	s29 =	rddreg [dreg:$0xe]  }
0x36: {  	s30 =	rddreg [dreg:$0xc];
	s29 =	sadd.s32 $0x1, s29  }
0x37: {  	p0 =	sne.s32 s29, s30  }
.Ltmp1:
0x38: {  	_ = 	snop;
	(pc) =	sbr.rel @!p0 .LBB2_5-.Ltmp1, $3  }
0x39: {  	_ =	sdelay $0x1  }
0x3a: {  	[sflag:s26] =	ssyncset.done $0x0  }
0x3b: {  	[sflag:s26] =	ssyncadd.s32 $0xFFFFD800  }
.LBB2_1:
0x3c: {  	[dreg:$0xe] =	wrdreg s29  }
0x3d: {  	s0 =	rddreg [dreg:$0x2]  }
0x3e: {  	[spmem:s23], [sflag:s22] =	dma.local [hbm:s0], $0x2800  }
0x3f: {  	_ =	swait.ge [sflag:s26], $0x2800  }
0x40: {  	[sflag:s26] =	ssyncset.done $0x0  }
0x41: {  	s23 =	rddreg [dreg:$0x5];
	[sflag:s26] =	ssyncadd.s32 $0xFFFFD800  }
0x42: {  	[tilespmem:s20], [sflag:$0xD] =	stream.linear.gather [hbm4b:s23+s4], $0x4000, $0x38;
	[tilespmem:$0x18800] =	vst v63  }
0x43: {  	_ =	swait.ge [sflag:s26], $0x4000  }
0x44: {  	[sflag:s26] =	ssyncset.done $0x0  }
0x45: {  	[sflag:s26] =	ssyncadd.s32 $0xFFFFC000  }
0x46: {  	[bflag:$0x0] =	sbarrier.arrive $0xFFFF  }
0x47: {  	s26 =	rddreg [dreg:$0x6]  }
0x48: {  	[tilespmem:s4], [sflag:$0x1] =	stream.linear.gather [hbm4b:s26+s4], $0x100, $0x38;
	[tilespmem:$0x18800] =	vst v63  }
0x49: {  	s30 =	simm.s32 $0x100;
	s29 =	rddreg [dreg:$0x8]  }
0x4a: {  	[tilespmem:s30], [sflag:$0x2] =	stream.linear.gather [hbm4b:s29+s4], $0x100, $0x38;
	[tilespmem:$0x18800] =	vst v63  }
0x4b: {  	s23 =	rddreg [dreg:$0x9];
	s26 =	simm.s32 $0x200  }
0x4c: {  	[tilespmem:s26], [sflag:$0x3] =	stream.linear.gather [hbm4b:s23+s4], $0x100, $0x38;
	[tilespmem:$0x18800] =	vst v63  }
0x4d: {  	s22 =	simm.s32 $0x0;
	s29 =	rddreg [dreg:$0xa];
	s30 =	simm.s32 $0x300  }
0x4e: {  	[tilespmem:s30], [sflag:$0x4] =	stream.linear.gather [hbm4b:s29+s4], $0x100, $0x38;
	[tilespmem:$0x18800] =	vst v63  }
.LBB2_2:
0x4f: {  	p0 =	seq.s32 s22, $0x0  }
0x50: {  	s23 =	simm.s32 @!p0 $0x9  }
0x51: {  	_ =	swait.ge @!p0 [sflag:s23], $0x4000  }
0x52: {  	[sflag:s23] =	ssyncset.done @!p0 $0x0  }
0x53: {  	[sflag:s23] =	ssyncadd.s32 @!p0 $0xFFFFC000  }
0x54: {  	_ =	swait.ge [sflag:s24], $0x100  }
0x55: {  	[sflag:s24] =	ssyncset.done $0x0  }
0x56: {  	[sflag:s24] =	ssyncadd.s32 $0xFFFFFF00  }
0x57: {  	[spmem:s2] =	stream.indirect.scatter.add.f32 [tilespmem:s20], [sflag:$0x9], $0x80, s25, s25, $0xb8;
	[tilespmem:$0x18800] =	vst v63  }
0x58: {  	s26 =	sadd.s32 s22, s17;
	s0 =	simm.s32 $0x400;
	s23 =	simm.s32 @!p0 $0xA  }
0x59: {  	[tilespmem:s0], [sflag:$0x5] =	stream.linear.gather [hbm4b:s26+s4], $0x100, $0x38;
	[tilespmem:$0x18800] =	vst v63  }
0x5a: {  	_ =	swait.ge @!p0 [sflag:s23], $0x4000  }
0x5b: {  	[sflag:s23] =	ssyncset.done @!p0 $0x0  }
0x5c: {  	[sflag:s23] =	ssyncadd.s32 @!p0 $0xFFFFC000  }
0x5d: {  	_ =	swait.ge [sflag:s28], $0x100  }
0x5e: {  	[sflag:s28] =	ssyncset.done $0x0  }
0x5f: {  	s29 =	simm.s32 $0x180;
	s23 =	sadd.s32 s22, s13;
	[sflag:s28] =	ssyncadd.s32 $0xFFFFFF00  }
0x60: {  	[spmem:s2] =	stream.indirect.scatter.add.f32 [tilespmem:s20], [sflag:$0xA], $0x80, s29, s25, $0xb8;
	[tilespmem:$0x18800] =	vst v63  }
0x61: {  	s30 =	simm.s32 $0x500;
	s26 =	sadd.s32 $0xA0, s23  }
0x62: {  	[tilespmem:s30], [sflag:$0x6] =	stream.linear.gather [hbm4b:s26+s4], $0x100, $0x38;
	[tilespmem:$0x18800] =	vst v63  }
0x63: {  	s26 =	simm.s32 @!p0 $0xB  }
0x64: {  	_ =	swait.ge @!p0 [sflag:s26], $0x4000  }
0x65: {  	[sflag:s26] =	ssyncset.done @!p0 $0x0  }
0x66: {  	[sflag:s26] =	ssyncadd.s32 @!p0 $0xFFFFC000  }
0x67: {  	_ =	swait.ge [sflag:s31], $0x100  }
0x68: {  	[sflag:s31] =	ssyncset.done $0x0  }
0x69: {  	s26 =	simm.s32 $0x280;
	[sflag:s31] =	ssyncadd.s32 $0xFFFFFF00  }
0x6a: {  	[spmem:s2] =	stream.indirect.scatter.add.f32 [tilespmem:s20], [sflag:$0xB], $0x80, s26, s25, $0xb8;
	[tilespmem:$0x18800] =	vst v63  }
0x6b: {  	s29 =	sadd.s32 s22, s16;
	s26 =	simm.s32 @!p0 $0xC  }
0x6c: {  	[tilespmem:s3], [sflag:$0x7] =	stream.linear.gather [hbm4b:s29+s4], $0x100, $0x38;
	[tilespmem:$0x18800] =	vst v63  }
0x6d: {  	_ =	swait.ge @!p0 [sflag:s26], $0x4000  }
0x6e: {  	[sflag:s26] =	ssyncset.done @!p0 $0x0  }
0x6f: {  	[sflag:s26] =	ssyncadd.s32 @!p0 $0xFFFFC000  }
0x70: {  	_ =	swait.ge [sflag:s1], $0x100  }
0x71: {  	[sflag:s1] =	ssyncset.done $0x0  }
0x72: {  	[sflag:s1] =	ssyncadd.s32 $0xFFFFFF00  }
0x73: {  	[spmem:s2] =	stream.indirect.scatter.add.f32 [tilespmem:s20], [sflag:$0xC], $0x80, s21, s25, $0xb8;
	[tilespmem:$0x18800] =	vst v63  }
0x74: {  	s30 =	sadd.s32 $0xE0, s23  }
0x75: {  	[tilespmem:s5], [sflag:$0x8] =	stream.linear.gather [hbm4b:s30+s4], $0x100, $0x38;
	[tilespmem:$0x18800] =	vst v63  }
0x76: {  	_ =	swait.ge [sflag:s8], $0x4000  }
0x77: {  	[sflag:s8] =	ssyncset.done $0x0  }
0x78: {  	[sflag:s8] =	ssyncadd.s32 $0xFFFFC000  }
0x79: {  	_ =	swait.ge [sflag:s9], $0x100  }
0x7a: {  	p0 =	seq.s32 s22, $0x900;
	[sflag:s9] =	ssyncset.done $0x0  }
0x7b: {  	s26 =	simm.s32 @p0 $0xA;
	[sflag:s9] =	ssyncadd.s32 $0xFFFFFF00  }
0x7c: {  	[spmem:s2] =	stream.indirect.scatter.add.f32 [tilespmem:s20], [sflag:$0x9], $0x80, s10, s25, $0xb8;
	[tilespmem:$0x18800] =	vst v63  }
0x7d: {  	_ =	swait.ge @p0 [sflag:s26], $0x4000  }
0x7e: {  	[sflag:s26] =	ssyncset.done @p0 $0x0  }
0x7f: {  	[sflag:s26] =	ssyncadd.s32 @p0 $0xFFFFC000;
	s26 =	simm.s32 @p0 $0x6  }
0x80: {  	_ =	swait.ge @p0 [sflag:s26], $0x100  }
0x81: {  	s29 =	simm.s32 @p0 $0x580;
	[sflag:s26] =	ssyncset.done @p0 $0x0  }
0x82: {  	s30 =	simm.s32 @p0 $0x800;
	[sflag:s26] =	ssyncadd.s32 @p0 $0xFFFFFF00;
	s26 =	simm.s32 @p0 $0x80  }
0x83: {  	[spmem:s2] =	stream.indirect.scatter.add.f32 @p0 [tilespmem:s30], [sflag:$0xA], $0x80, s29, s26, $0xb8;
	[tilespmem:$0x18800] =	vst v63  }
0x84: {  	s26 =	sadd.s32 @!p0 s22, s15;
	s29 =	simm.s32 @!p0 $0x0  }
0x85: {  	[tilespmem:s29], [sflag:$0x1] =	stream.linear.gather @!p0 [hbm4b:s26+s29], $0x100, $0x38;
	[tilespmem:$0x18800] =	vst v63  }
0x86: {  	s26 =	simm.s32 @!p0 $0xA  }
0x87: {  	_ =	swait.ge @!p0 [sflag:s26], $0x4000  }
0x88: {  	[sflag:s26] =	ssyncset.done @!p0 $0x0  }
0x89: {  	[sflag:s26] =	ssyncadd.s32 @!p0 $0xFFFFC000;
	s26 =	simm.s32 @!p0 $0x6  }
0x8a: {  	_ =	swait.ge @!p0 [sflag:s26], $0x100  }
0x8b: {  	s0 =	simm.s32 @!p0 $0x800;
	[sflag:s26] =	ssyncset.done @!p0 $0x0  }
0x8c: {  	s30 =	simm.s32 @!p0 $0x580;
	[sflag:s26] =	ssyncadd.s32 @!p0 $0xFFFFFF00;
	s26 =	simm.s32 @!p0 $0x80  }
0x8d: {  	[spmem:s2] =	stream.indirect.scatter.add.f32 @!p0 [tilespmem:s0], [sflag:$0xA], $0x80, s30, s26, $0xb8;
	[tilespmem:$0x18800] =	vst v63  }
0x8e: {  	s0 =	sadd.s32 @!p0 s22, s13  }
0x8f: {  	s26 =	simm.s32 @!p0 $0x100;
	s0 =	sadd.s32 @!p0 $0x120, s0  }
0x90: {  	[tilespmem:s26], [sflag:$0x2] =	stream.linear.gather @!p0 [hbm4b:s0+s29], $0x100, $0x38;
	[tilespmem:$0x18800] =	vst v63  }
0x91: {  	_ =	swait.ge [sflag:s11], $0x4000  }
0x92: {  	[sflag:s11] =	ssyncset.done $0x0  }
.Ltmp2:
0x93: {  	[sflag:s11] =	ssyncadd.s32 $0xFFFFC000;
	(pc) =	sbr.rel @p0 .LBB2_4-.Ltmp2, $4  }
0x94: {  	_ =	swait.ge [sflag:s12], $0x100  }
0x95: {  	[sflag:s12] =	ssyncset.done $0x0  }
0x96: {  	[sflag:s12] =	ssyncadd.s32 $0xFFFFFF00  }
0x97: {  	[spmem:s2] =	stream.indirect.scatter.add.f32 [tilespmem:s20], [sflag:$0xB], $0x80, s6, s25, $0xb8;
	[tilespmem:$0x18800] =	vst v63  }
0x98: {  	s0 =	sadd.s32 s22, s14;
	s26 =	simm.s32 $0x200  }
0x99: {  	[tilespmem:s26], [sflag:$0x3] =	stream.linear.gather [hbm4b:s0+s4], $0x100, $0x38;
	[tilespmem:$0x18800] =	vst v63  }
0x9a: {  	_ =	swait.ge [sflag:s7], $0x4000  }
0x9b: {  	[sflag:s7] =	ssyncset.done $0x0  }
0x9c: {  	[sflag:s7] =	ssyncadd.s32 $0xFFFFC000  }
0x9d: {  	_ =	swait.ge [sflag:s18], $0x100  }
.Ltmp3:
0x9e: {  	[sflag:s18] =	ssyncset.done $0x0;
	(pc) =	sbr.rel .LBB2_2-.Ltmp3, $4  }
0x9f: {  	[sflag:s18] =	ssyncadd.s32 $0xFFFFFF00  }
0xa0: {  	[spmem:s2] =	stream.indirect.scatter.add.f32 [tilespmem:s20], [sflag:$0xC], $0x80, s19, s25, $0xb8;
	[tilespmem:$0x18800] =	vst v63  }
0xa1: {  	s29 =	sadd.s32 $0x160, s23;
	s30 =	simm.s32 $0x300;
	s22 =	sadd.s32 $0x100, s22  }
0xa2: {  	[tilespmem:s30], [sflag:$0x4] =	stream.linear.gather [hbm4b:s29+s4], $0x100, $0x38;
	[tilespmem:$0x18800] =	vst v63  }
.LBB2_5:
0xa3: {  	_ =	sfence.sel $0x180000  }
0xa4: {  	[bflag:$0x0] =	sbarrier.arrive $0xFFFF  }
0xa5: {  	_ =	strace $0x90000047  }
0xa6: {  	s0 =	stileid.u32;
	[bflag:$0x2] =	sbarrier.arrive $0xFFFF  }
0xa7: {  	p0 =	sne.s32 s0, $0x0;
	s0 =	rddreg [dreg:$0x4]  }
0xa8: {  	s0 =	sadd.s32 @!p0 $0x100000, s0  }
0xa9: {  	[sflag:s0] =	ssyncadd.tile.s32 @!p0 $0x1;
	_ =	shalt  }
.Lfunc_end2:
_tile_overlayer_lowered:
.L_overlay_start_2:
0xaa: {  	(tag) =	ssettag $0x2  }
0xab: {  	s0 =	rddreg [dreg:$0x0];
	s2 =	stileid.u32  }
0xac: {  	s1 =	rddreg [dreg:$0x1];
	p0 =	sne.s32 s2, $0x0  }
0xad: {  	s3 =	rddreg [dreg:$0x2];
	[bflag:$0x3] =	sbarrier.arrive $0xFFFF;
	s2 =	simm.s32 @!p0 $0x1C0D  }
0xae: {  	[timem:s3], [sflag:s2] =	dma.local @!p0 [hbm:s0], s1  }
0xaf: {  	s0 =	simm.s32 @!p0 $0xD  }
0xb0: {  	_ =	swait.ge @!p0 [sflag:s0], s1  }
0xb1: {  	s1 =	ssub.s32 @!p0 $0x0, s1;
	[sflag:s0] =	ssyncset.done @!p0 $0x0  }
0xb2: {  	[sflag:s0] =	ssyncadd.s32 @!p0 s1  }
0xb3: {  	[bflag:$0x3] =	sbarrier.arrive $0xFFFF  }
0xb4: {  	_ =	shalt  }

</sc_bundles>
